<compile_context>
chip_gen: v7x
topology: tpu7x:2x2x1
jax: 0.10.2.dev20260603
libtpu: 0.0.44.dev20260713+nightly
codegen_flags: <defaults>
</compile_context>

<pallas_src>
import functools

import jax
import jax.numpy as jnp
from jax import lax
from jax.experimental import pallas as pl
from jax.experimental.pallas import tpu as pltpu
from jax.experimental.pallas import tpu_sc as plsc

NW = 32
BLK = 80


@functools.partial(jax.jit, static_argnums=(2, 3, 4))
def _edge_dot(x, ei, E, N, D):
    epw = E // NW
    nb = epw // BLK
    mesh = plsc.VectorSubcoreMesh(core_axis_name="c", subcore_axis_name="s")

    @functools.partial(
        pl.kernel,
        out_type=jax.ShapeDtypeStruct((NW, epw), jnp.float32),
        mesh=mesh,
        compiler_params=pltpu.CompilerParams(needs_layout_passes=False,
                                             use_tc_tiling_on_sc=False),
        scratch_types=[
            pltpu.VMEM((nb, BLK), jnp.int32),
            pltpu.VMEM((nb, BLK), jnp.int32),
            pltpu.VMEM((BLK, D // 2), jnp.int32),
            pltpu.VMEM((BLK, D // 2), jnp.int32),
            pltpu.VMEM((BLK, D // 2), jnp.int32),
            pltpu.VMEM((BLK, D // 2), jnp.int32),
            pltpu.VMEM((BLK, D // 2), jnp.int32),
            pltpu.VMEM((BLK, D // 2), jnp.int32),
            pltpu.VMEM((BLK, D // 2), jnp.int32),
            pltpu.VMEM((BLK, D // 2), jnp.int32),
            pltpu.VMEM((epw,), jnp.float32),
            pltpu.VMEM((BLK * 16,), jnp.float32),
        ] + [pltpu.SemaphoreType.DMA] * 8,
    )
    def k(x_hbm, ei_hbm, out_hbm, sidx, didx, sr0, tr0, sr1, tr1, sr2, tr2,
          sr3, tr3, outa, red,
          ss0, sd0, ss1, sd1, ss2, sd2, ss3, sd3):
        wid = lax.axis_index("s") * 2 + lax.axis_index("c")
        pltpu.sync_copy(ei_hbm.at[0, wid], sidx)
        pltpu.sync_copy(ei_hbm.at[1, wid], didx)
        rowbase = lax.iota(jnp.int32, 16) * 16

        def start(b, sr, tr, ss, sd):
            pltpu.async_copy(x_hbm.at[sidx.at[b]], sr, ss)
            pltpu.async_copy(x_hbm.at[didx.at[b]], tr, sd)

        def wait(b, sr, tr, ss, sd):
            pltpu.make_async_copy(x_hbm.at[sidx.at[b]], sr, ss).wait()
            pltpu.make_async_copy(x_hbm.at[didx.at[b]], tr, sd).wait()

        def compute(b, sr, tr):
            @plsc.parallel_loop(0, BLK, step=1, unroll=8)
            def edge_body(j):
                acc = None
                for c in range(D // 32):
                    sw = plsc.bitcast(sr[j, pl.ds(c * 16, 16)], jnp.bfloat16)
                    tw = plsc.bitcast(tr[j, pl.ds(c * 16, 16)], jnp.bfloat16)
                    sa, sb = plsc.unpack(sw, format=plsc.PackFormat.INTERLEAVED)
                    ta, tb = plsc.unpack(tw, format=plsc.PackFormat.INTERLEAVED)
                    p = sa * ta + sb * tb
                    acc = p if acc is None else acc + p
                red[pl.ds(pl.multiple_of(j * 16, 16), 16)] = acc

            @plsc.parallel_loop(0, BLK // 16, step=1, unroll=1)
            def grp_body(g):
                gbase = g * 256 + rowbase
                outv = plsc.load_gather(red, [gbase])
                for c in range(1, 16):
                    outv = outv + plsc.load_gather(red, [gbase + c])
                outa[pl.ds(pl.multiple_of(b * BLK + g * 16, 16), 16)] = outv

        bufs = ((sr0, tr0, ss0, sd0), (sr1, tr1, ss1, sd1),
                (sr2, tr2, ss2, sd2), (sr3, tr3, ss3, sd3))
        ndeep = len(bufs)
        for k_ in range(ndeep):
            start(k_, *bufs[k_])

        def body(i, carry):
            for k_ in range(ndeep):
                b = i * ndeep + k_
                sr, tr, ss, sd = bufs[k_]
                wait(b, sr, tr, ss, sd)
                compute(b, sr, tr)

                @pl.when(b + ndeep < nb)
                def _():
                    start(b + ndeep, sr, tr, ss, sd)
            return carry

        lax.fori_loop(0, (nb - 1) // ndeep, body, 0)
        b_tail = ((nb - 1) // ndeep) * ndeep
        for k_ in range(nb - b_tail):
            sr, tr, ss, sd = bufs[k_]
            wait(b_tail + k_, sr, tr, ss, sd)
            compute(b_tail + k_, sr, tr)
        pltpu.sync_copy(outa, out_hbm.at[wid])

    return k(x, ei)


def kernel(x, edge_index, W1_l, b1_l, W1_r, W2_l, b2_l, W2_r):
    del W1_l, b1_l, W1_r, W2_l, b2_l, W2_r
    N, D = x.shape
    E = edge_index.shape[1]
    ei = edge_index.astype(jnp.int32).reshape(2, NW, (E // NW) // BLK, BLK)
    xi = jax.lax.bitcast_convert_type(
        x.astype(jnp.bfloat16).reshape(N, D // 2, 2), jnp.int32)
    out = _edge_dot(xi, ei, E, N, D)
    return out.reshape(E)

# --- scband reference (transcript-rebuilt; emitter-appended) ---
"""Pipeline reference for scband-model-70437463654666 (READ-ONLY COPY).

The authoritative reference and input builder live on the scoring server;
editing this copy changes nothing except your own understanding.
"""

import jax, jax.numpy as jnp
import numpy as np

N_NODES = 10000
N_EDGES = 320000
HIDDEN = 128


def _sage_conv(x, edge_index, W_l, b_l, W_r):
    # PyG SAGEConv with mean aggregation:
    # out = lin_l(mean_{j in N(i)} x_j) + lin_r(x_i)
    src = edge_index[0]
    dst = edge_index[1]
    msgs = x[src]                                   # gather
    agg = jax.ops.segment_sum(msgs, dst, num_segments=x.shape[0])   # scatter-add
    cnt = jax.ops.segment_sum(jnp.ones((src.shape[0], 1), dtype=x.dtype), dst,
                              num_segments=x.shape[0])
    mean = agg / jnp.maximum(cnt, 1.0)
    return mean @ W_l.T + b_l + x @ W_r.T


def setup_inputs(seed: int = 0) -> dict:
    key = jax.random.key(seed)
    ks = jax.random.split(key, 8)
    x = jax.random.normal(ks[0], (N_NODES, HIDDEN), dtype=jnp.float32)
    edge_index = jax.random.randint(ks[1], (2, N_EDGES), 0, N_NODES, dtype=jnp.int64)
    s = 1.0 / np.sqrt(HIDDEN)
    W1_l = jax.random.uniform(ks[2], (HIDDEN, HIDDEN), jnp.float32, -s, s)
    b1_l = jax.random.uniform(ks[3], (HIDDEN,), jnp.float32, -s, s)
    W1_r = jax.random.uniform(ks[4], (HIDDEN, HIDDEN), jnp.float32, -s, s)
    W2_l = jax.random.uniform(ks[5], (HIDDEN, HIDDEN), jnp.float32, -s, s)
    b2_l = jax.random.uniform(ks[6], (HIDDEN,), jnp.float32, -s, s)
    W2_r = jax.random.uniform(ks[7], (HIDDEN, HIDDEN), jnp.float32, -s, s)
    return {"x": x, "edge_index": edge_index,
            "W1_l": W1_l, "b1_l": b1_l, "W1_r": W1_r,
            "W2_l": W2_l, "b2_l": b2_l, "W2_r": W2_r}


def reference(x, edge_index, W1_l, b1_l, W1_r, W2_l, b2_l, W2_r):
    # GNN branch (computed in the original forward, though its output is unused
    # by the classifier, which is fed the raw x -- kept for faithfulness)
    h = jax.nn.relu(_sage_conv(x, edge_index, W1_l, b1_l, W1_r))
    h = _sage_conv(h, edge_index, W2_l, b2_l, W2_r)
    _ = h
    # Classifier: dot product of head/tail node features on each edge
    edge_feat_head = x[edge_index[0]]
    edge_feat_tail = x[edge_index[1]]
    pred = (edge_feat_head * edge_feat_tail).sum(axis=-1)
    return pred

if __name__ == "__main__":
    import jax
    _d = setup_inputs()
    print(jax.jit(kernel)(*tuple(_d.values())))

</pallas_src>

<mosaic_0001>
#map = affine_map<(d0, d1) -> (0, 0)>
#map1 = affine_map<(d0, d1) -> (0, 0, 0, 0)>
module attributes {stable_mosaic.version = 14 : i64} {
  func.func @k(%arg0: i32, %arg1: i32, %arg2: memref<10000x64xi32, #tpu.memory_space<hbm>>, %arg3: memref<2x32x125x80xi32, #tpu.memory_space<hbm>>, %arg4: memref<32x10000xf32, #tpu.memory_space<hbm>>, %arg5: memref<125x80xi32, #tpu.memory_space<vmem>>, %arg6: memref<125x80xi32, #tpu.memory_space<vmem>>, %arg7: memref<80x64xi32, #tpu.memory_space<vmem>>, %arg8: memref<80x64xi32, #tpu.memory_space<vmem>>, %arg9: memref<80x64xi32, #tpu.memory_space<vmem>>, %arg10: memref<80x64xi32, #tpu.memory_space<vmem>>, %arg11: memref<80x64xi32, #tpu.memory_space<vmem>>, %arg12: memref<80x64xi32, #tpu.memory_space<vmem>>, %arg13: memref<80x64xi32, #tpu.memory_space<vmem>>, %arg14: memref<80x64xi32, #tpu.memory_space<vmem>>, %arg15: memref<10000xf32, #tpu.memory_space<vmem>>, %arg16: memref<1280xf32, #tpu.memory_space<vmem>>, %arg17: memref<!tpu.dma_semaphore, #tpu.memory_space<semaphore_mem>>, %arg18: memref<!tpu.dma_semaphore, #tpu.memory_space<semaphore_mem>>, %arg19: memref<!tpu.dma_semaphore, #tpu.memory_space<semaphore_mem>>, %arg20: memref<!tpu.dma_semaphore, #tpu.memory_space<semaphore_mem>>, %arg21: memref<!tpu.dma_semaphore, #tpu.memory_space<semaphore_mem>>, %arg22: memref<!tpu.dma_semaphore, #tpu.memory_space<semaphore_mem>>, %arg23: memref<!tpu.dma_semaphore, #tpu.memory_space<semaphore_mem>>, %arg24: memref<!tpu.dma_semaphore, #tpu.memory_space<semaphore_mem>>) attributes {dimension_semantics = [#tpu.dimension_semantics<core_parallel>, #tpu.dimension_semantics<subcore_parallel>], iteration_bounds = array<i64: 2, 16>, scalar_prefetch = 0 : i64, scratch_operands = 20 : i64, tpu.core_type = #tpu.core_type<sc_vector_subcore>, window_params = [{transform_indices = #map}, {transform_indices = #map1}, {transform_indices = #map}]} {
    %mul3A = arith.constant 2 : i32
    %mul3A_0 = arith.muli %arg1, %mul3A : i32
    %add3A = arith.addi %mul3A_0, %arg0 : i32
    %run_scoped3A = arith.constant 0 : i32
    "tpu.region"() ({
      %run_scoped3A_83 = tpu.sem_alloc : memref<!tpu.dma_semaphore, #tpu.memory_space<semaphore_mem>>
      %dma_start3A_84 = arith.constant 0 : i32
      %dma_start3A_85 = arith.constant 0 : i32
      %dma_start3A_86 = tpu.memref_slice %arg3[%run_scoped3A, %add3A, %dma_start3A_84, %dma_start3A_85] : memref<2x32x125x80xi32, #tpu.memory_space<hbm>> -> memref<1x1x125x80xi32, #tpu.memory_space<hbm>>
      %dma_start3A_87 = tpu.memref_squeeze %dma_start3A_86 : memref<1x1x125x80xi32, #tpu.memory_space<hbm>> -> memref<125x80xi32, #tpu.memory_space<hbm>>
      %dma_start3A_88 = arith.constant 0 : i32
      %dma_start3A_89 = arith.constant 0 : i32
      %dma_start3A_90 = tpu.memref_slice %arg3[%run_scoped3A, %add3A, %dma_start3A_88, %dma_start3A_89] : memref<2x32x125x80xi32, #tpu.memory_space<hbm>> -> memref<1x1x125x80xi32, #tpu.memory_space<hbm>>
      %dma_start3A_91 = tpu.memref_squeeze %dma_start3A_90 : memref<1x1x125x80xi32, #tpu.memory_space<hbm>> -> memref<125x80xi32, #tpu.memory_space<hbm>>
      tpu.enqueue_dma source(%dma_start3A_91 : memref<125x80xi32, #tpu.memory_space<hbm>>) target(%arg5 : memref<125x80xi32, #tpu.memory_space<vmem>>) target_semaphore(%run_scoped3A_83 : memref<!tpu.dma_semaphore, #tpu.memory_space<semaphore_mem>>)
      %dma_wait3A_92 = arith.constant 0 : i32
      %dma_wait3A_93 = arith.constant 0 : i32
      %dma_wait3A_94 = tpu.memref_slice %arg3[%run_scoped3A, %add3A, %dma_wait3A_92, %dma_wait3A_93] : memref<2x32x125x80xi32, #tpu.memory_space<hbm>> -> memref<1x1x125x80xi32, #tpu.memory_space<hbm>>
      %dma_wait3A_95 = tpu.memref_squeeze %dma_wait3A_94 : memref<1x1x125x80xi32, #tpu.memory_space<hbm>> -> memref<125x80xi32, #tpu.memory_space<hbm>>
      %dma_wait3A_96 = arith.constant 0 : i32
      %dma_wait3A_97 = arith.constant 0 : i32
      %dma_wait3A_98 = tpu.memref_slice %arg3[%run_scoped3A, %add3A, %dma_wait3A_96, %dma_wait3A_97] : memref<2x32x125x80xi32, #tpu.memory_space<hbm>> -> memref<1x1x125x80xi32, #tpu.memory_space<hbm>>
      %dma_wait3A_99 = tpu.memref_squeeze %dma_wait3A_98 : memref<1x1x125x80xi32, #tpu.memory_space<hbm>> -> memref<125x80xi32, #tpu.memory_space<hbm>>
      tpu.wait_dma2 semaphore(%run_scoped3A_83 : memref<!tpu.dma_semaphore, #tpu.memory_space<semaphore_mem>>) src(%dma_wait3A_99 : memref<125x80xi32, #tpu.memory_space<hbm>>) dst(%arg5 : memref<125x80xi32, #tpu.memory_space<vmem>>)
      tpu.yield
    }) : () -> ()
    %run_scoped3A_1 = arith.constant 1 : i32
    "tpu.region"() ({
      %run_scoped3A_83 = tpu.sem_alloc : memref<!tpu.dma_semaphore, #tpu.memory_space<semaphore_mem>>
      %dma_start3A_84 = arith.constant 0 : i32
      %dma_start3A_85 = arith.constant 0 : i32
      %dma_start3A_86 = tpu.memref_slice %arg3[%run_scoped3A_1, %add3A, %dma_start3A_84, %dma_start3A_85] : memref<2x32x125x80xi32, #tpu.memory_space<hbm>> -> memref<1x1x125x80xi32, #tpu.memory_space<hbm>>
      %dma_start3A_87 = tpu.memref_squeeze %dma_start3A_86 : memref<1x1x125x80xi32, #tpu.memory_space<hbm>> -> memref<125x80xi32, #tpu.memory_space<hbm>>
      %dma_start3A_88 = arith.constant 0 : i32
      %dma_start3A_89 = arith.constant 0 : i32
      %dma_start3A_90 = tpu.memref_slice %arg3[%run_scoped3A_1, %add3A, %dma_start3A_88, %dma_start3A_89] : memref<2x32x125x80xi32, #tpu.memory_space<hbm>> -> memref<1x1x125x80xi32, #tpu.memory_space<hbm>>
      %dma_start3A_91 = tpu.memref_squeeze %dma_start3A_90 : memref<1x1x125x80xi32, #tpu.memory_space<hbm>> -> memref<125x80xi32, #tpu.memory_space<hbm>>
      tpu.enqueue_dma source(%dma_start3A_91 : memref<125x80xi32, #tpu.memory_space<hbm>>) target(%arg6 : memref<125x80xi32, #tpu.memory_space<vmem>>) target_semaphore(%run_scoped3A_83 : memref<!tpu.dma_semaphore, #tpu.memory_space<semaphore_mem>>)
      %dma_wait3A_92 = arith.constant 0 : i32
      %dma_wait3A_93 = arith.constant 0 : i32
      %dma_wait3A_94 = tpu.memref_slice %arg3[%run_scoped3A_1, %add3A, %dma_wait3A_92, %dma_wait3A_93] : memref<2x32x125x80xi32, #tpu.memory_space<hbm>> -> memref<1x1x125x80xi32, #tpu.memory_space<hbm>>
      %dma_wait3A_95 = tpu.memref_squeeze %dma_wait3A_94 : memref<1x1x125x80xi32, #tpu.memory_space<hbm>> -> memref<125x80xi32, #tpu.memory_space<hbm>>
      %dma_wait3A_96 = arith.constant 0 : i32
      %dma_wait3A_97 = arith.constant 0 : i32
      %dma_wait3A_98 = tpu.memref_slice %arg3[%run_scoped3A_1, %add3A, %dma_wait3A_96, %dma_wait3A_97] : memref<2x32x125x80xi32, #tpu.memory_space<hbm>> -> memref<1x1x125x80xi32, #tpu.memory_space<hbm>>
      %dma_wait3A_99 = tpu.memref_squeeze %dma_wait3A_98 : memref<1x1x125x80xi32, #tpu.memory_space<hbm>> -> memref<125x80xi32, #tpu.memory_space<hbm>>
      tpu.wait_dma2 semaphore(%run_scoped3A_83 : memref<!tpu.dma_semaphore, #tpu.memory_space<semaphore_mem>>) src(%dma_wait3A_99 : memref<125x80xi32, #tpu.memory_space<hbm>>) dst(%arg6 : memref<125x80xi32, #tpu.memory_space<vmem>>)
      tpu.yield
    }) : () -> ()
    %iota3A = tpu.iota {dimensions = array<i32: 0>} : vector<16xi32>
    %mul3A_2 = arith.constant 16 : i32
    %mul3A_3 = vector.broadcast %mul3A_2 : i32 to vector<16xi32>
    %mul3A_4 = arith.muli %iota3A, %mul3A_3 : vector<16xi32>
    %dma_start3A = arith.constant 0 : i32
    %dma_start3A_5 = arith.constant 0 : i32
    %dma_start3A_6 = tpu.memref_slice %arg5[%dma_start3A, %dma_start3A_5] : memref<125x80xi32, #tpu.memory_space<vmem>> -> memref<1x80xi32, #tpu.memory_space<vmem>>
    %dma_start3A_7 = tpu.memref_squeeze %dma_start3A_6 : memref<1x80xi32, #tpu.memory_space<vmem>> -> memref<80xi32, #tpu.memory_space<vmem>>
    %dma_start3A_8 = arith.constant 0 : i32
    %dma_start3A_9 = arith.constant 0 : i32
    %dma_start3A_10 = tpu.memref_slice %arg2[%dma_start3A_8, %dma_start3A_9] : memref<10000x64xi32, #tpu.memory_space<hbm>> -> memref<10000x64xi32, #tpu.memory_space<hbm>>
    tpu.enqueue_indirect_dma source(%dma_start3A_10 : memref<10000x64xi32, #tpu.memory_space<hbm>>) target(%arg7 : memref<80x64xi32, #tpu.memory_space<vmem>>) offsets(%dma_start3A_7 : memref<80xi32, #tpu.memory_space<vmem>>) semaphore(%arg17 : memref<!tpu.dma_semaphore, #tpu.memory_space<semaphore_mem>>)
    %dma_start3A_11 = arith.constant 0 : i32
    %dma_start3A_12 = arith.constant 0 : i32
    %dma_start3A_13 = tpu.memref_slice %arg6[%dma_start3A_11, %dma_start3A_12] : memref<125x80xi32, #tpu.memory_space<vmem>> -> memref<1x80xi32, #tpu.memory_space<vmem>>
    %dma_start3A_14 = tpu.memref_squeeze %dma_start3A_13 : memref<1x80xi32, #tpu.memory_space<vmem>> -> memref<80xi32, #tpu.memory_space<vmem>>
    %dma_start3A_15 = arith.constant 0 : i32
    %dma_start3A_16 = arith.constant 0 : i32
    %dma_start3A_17 = tpu.memref_slice %arg2[%dma_start3A_15, %dma_start3A_16] : memref<10000x64xi32, #tpu.memory_space<hbm>> -> memref<10000x64xi32, #tpu.memory_space<hbm>>
    tpu.enqueue_indirect_dma source(%dma_start3A_17 : memref<10000x64xi32, #tpu.memory_space<hbm>>) target(%arg8 : memref<80x64xi32, #tpu.memory_space<vmem>>) offsets(%dma_start3A_14 : memref<80xi32, #tpu.memory_space<vmem>>) semaphore(%arg18 : memref<!tpu.dma_semaphore, #tpu.memory_space<semaphore_mem>>)
    %dma_start3A_18 = arith.constant 1 : i32
    %dma_start3A_19 = arith.constant 0 : i32
    %dma_start3A_20 = tpu.memref_slice %arg5[%dma_start3A_18, %dma_start3A_19] : memref<125x80xi32, #tpu.memory_space<vmem>> -> memref<1x80xi32, #tpu.memory_space<vmem>>
    %dma_start3A_21 = tpu.memref_squeeze %dma_start3A_20 : memref<1x80xi32, #tpu.memory_space<vmem>> -> memref<80xi32, #tpu.memory_space<vmem>>
    %dma_start3A_22 = arith.constant 0 : i32
    %dma_start3A_23 = arith.constant 0 : i32
    %dma_start3A_24 = tpu.memref_slice %arg2[%dma_start3A_22, %dma_start3A_23] : memref<10000x64xi32, #tpu.memory_space<hbm>> -> memref<10000x64xi32, #tpu.memory_space<hbm>>
    tpu.enqueue_indirect_dma source(%dma_start3A_24 : memref<10000x64xi32, #tpu.memory_space<hbm>>) target(%arg9 : memref<80x64xi32, #tpu.memory_space<vmem>>) offsets(%dma_start3A_21 : memref<80xi32, #tpu.memory_space<vmem>>) semaphore(%arg19 : memref<!tpu.dma_semaphore, #tpu.memory_space<semaphore_mem>>)
    %dma_start3A_25 = arith.constant 1 : i32
    %dma_start3A_26 = arith.constant 0 : i32
    %dma_start3A_27 = tpu.memref_slice %arg6[%dma_start3A_25, %dma_start3A_26] : memref<125x80xi32, #tpu.memory_space<vmem>> -> memref<1x80xi32, #tpu.memory_space<vmem>>
    %dma_start3A_28 = tpu.memref_squeeze %dma_start3A_27 : memref<1x80xi32, #tpu.memory_space<vmem>> -> memref<80xi32, #tpu.memory_space<vmem>>
    %dma_start3A_29 = arith.constant 0 : i32
    %dma_start3A_30 = arith.constant 0 : i32
    %dma_start3A_31 = tpu.memref_slice %arg2[%dma_start3A_29, %dma_start3A_30] : memref<10000x64xi32, #tpu.memory_space<hbm>> -> memref<10000x64xi32, #tpu.memory_space<hbm>>
    tpu.enqueue_indirect_dma source(%dma_start3A_31 : memref<10000x64xi32, #tpu.memory_space<hbm>>) target(%arg10 : memref<80x64xi32, #tpu.memory_space<vmem>>) offsets(%dma_start3A_28 : memref<80xi32, #tpu.memory_space<vmem>>) semaphore(%arg20 : memref<!tpu.dma_semaphore, #tpu.memory_space<semaphore_mem>>)
    %dma_start3A_32 = arith.constant 2 : i32
    %dma_start3A_33 = arith.constant 0 : i32
    %dma_start3A_34 = tpu.memref_slice %arg5[%dma_start3A_32, %dma_start3A_33] : memref<125x80xi32, #tpu.memory_space<vmem>> -> memref<1x80xi32, #tpu.memory_space<vmem>>
    %dma_start3A_35 = tpu.memref_squeeze %dma_start3A_34 : memref<1x80xi32, #tpu.memory_space<vmem>> -> memref<80xi32, #tpu.memory_space<vmem>>
    %dma_start3A_36 = arith.constant 0 : i32
    %dma_start3A_37 = arith.constant 0 : i32
    %dma_start3A_38 = tpu.memref_slice %arg2[%dma_start3A_36, %dma_start3A_37] : memref<10000x64xi32, #tpu.memory_space<hbm>> -> memref<10000x64xi32, #tpu.memory_space<hbm>>
    tpu.enqueue_indirect_dma source(%dma_start3A_38 : memref<10000x64xi32, #tpu.memory_space<hbm>>) target(%arg11 : memref<80x64xi32, #tpu.memory_space<vmem>>) offsets(%dma_start3A_35 : memref<80xi32, #tpu.memory_space<vmem>>) semaphore(%arg21 : memref<!tpu.dma_semaphore, #tpu.memory_space<semaphore_mem>>)
    %dma_start3A_39 = arith.constant 2 : i32
    %dma_start3A_40 = arith.constant 0 : i32
    %dma_start3A_41 = tpu.memref_slice %arg6[%dma_start3A_39, %dma_start3A_40] : memref<125x80xi32, #tpu.memory_space<vmem>> -> memref<1x80xi32, #tpu.memory_space<vmem>>
    %dma_start3A_42 = tpu.memref_squeeze %dma_start3A_41 : memref<1x80xi32, #tpu.memory_space<vmem>> -> memref<80xi32, #tpu.memory_space<vmem>>
    %dma_start3A_43 = arith.constant 0 : i32
    %dma_start3A_44 = arith.constant 0 : i32
    %dma_start3A_45 = tpu.memref_slice %arg2[%dma_start3A_43, %dma_start3A_44] : memref<10000x64xi32, #tpu.memory_space<hbm>> -> memref<10000x64xi32, #tpu.memory_space<hbm>>
    tpu.enqueue_indirect_dma source(%dma_start3A_45 : memref<10000x64xi32, #tpu.memory_space<hbm>>) target(%arg12 : memref<80x64xi32, #tpu.memory_space<vmem>>) offsets(%dma_start3A_42 : memref<80xi32, #tpu.memory_space<vmem>>) semaphore(%arg22 : memref<!tpu.dma_semaphore, #tpu.memory_space<semaphore_mem>>)
    %dma_start3A_46 = arith.constant 3 : i32
    %dma_start3A_47 = arith.constant 0 : i32
    %dma_start3A_48 = tpu.memref_slice %arg5[%dma_start3A_46, %dma_start3A_47] : memref<125x80xi32, #tpu.memory_space<vmem>> -> memref<1x80xi32, #tpu.memory_space<vmem>>
    %dma_start3A_49 = tpu.memref_squeeze %dma_start3A_48 : memref<1x80xi32, #tpu.memory_space<vmem>> -> memref<80xi32, #tpu.memory_space<vmem>>
    %dma_start3A_50 = arith.constant 0 : i32
    %dma_start3A_51 = arith.constant 0 : i32
    %dma_start3A_52 = tpu.memref_slice %arg2[%dma_start3A_50, %dma_start3A_51] : memref<10000x64xi32, #tpu.memory_space<hbm>> -> memref<10000x64xi32, #tpu.memory_space<hbm>>
    tpu.enqueue_indirect_dma source(%dma_start3A_52 : memref<10000x64xi32, #tpu.memory_space<hbm>>) target(%arg13 : memref<80x64xi32, #tpu.memory_space<vmem>>) offsets(%dma_start3A_49 : memref<80xi32, #tpu.memory_space<vmem>>) semaphore(%arg23 : memref<!tpu.dma_semaphore, #tpu.memory_space<semaphore_mem>>)
    %dma_start3A_53 = arith.constant 3 : i32
    %dma_start3A_54 = arith.constant 0 : i32
    %dma_start3A_55 = tpu.memref_slice %arg6[%dma_start3A_53, %dma_start3A_54] : memref<125x80xi32, #tpu.memory_space<vmem>> -> memref<1x80xi32, #tpu.memory_space<vmem>>
    %dma_start3A_56 = tpu.memref_squeeze %dma_start3A_55 : memref<1x80xi32, #tpu.memory_space<vmem>> -> memref<80xi32, #tpu.memory_space<vmem>>
    %dma_start3A_57 = arith.constant 0 : i32
    %dma_start3A_58 = arith.constant 0 : i32
    %dma_start3A_59 = tpu.memref_slice %arg2[%dma_start3A_57, %dma_start3A_58] : memref<10000x64xi32, #tpu.memory_space<hbm>> -> memref<10000x64xi32, #tpu.memory_space<hbm>>
    tpu.enqueue_indirect_dma source(%dma_start3A_59 : memref<10000x64xi32, #tpu.memory_space<hbm>>) target(%arg14 : memref<80x64xi32, #tpu.memory_space<vmem>>) offsets(%dma_start3A_56 : memref<80xi32, #tpu.memory_space<vmem>>) semaphore(%arg24 : memref<!tpu.dma_semaphore, #tpu.memory_space<semaphore_mem>>)
    %scan3A = arith.constant 0 : i32
    %scan3A_60 = arith.constant 0 : i32
    %scan3A_61 = arith.constant 31 : i32
    %scan3A_62 = arith.addi %scan3A_60, %scan3A_61 : i32
    %scan3A_63 = arith.constant 1 : i32
    scf.for %scan3A_83 = %scan3A_60 to %scan3A_62 step %scan3A_63  : i32 {
      %mul3A_84 = arith.constant 4 : i32
      %mul3A_85 = arith.muli %scan3A_83, %mul3A_84 : i32
      %add3A_86 = arith.constant 0 : i32
      %add3A_87 = arith.addi %mul3A_85, %add3A_86 : i32
      %dma_wait3A_88 = arith.constant 0 : i32
      %dma_wait3A_89 = tpu.memref_slice %arg5[%add3A_87, %dma_wait3A_88] : memref<125x80xi32, #tpu.memory_space<vmem>> -> memref<1x80xi32, #tpu.memory_space<vmem>>
      %dma_wait3A_90 = tpu.memref_squeeze %dma_wait3A_89 : memref<1x80xi32, #tpu.memory_space<vmem>> -> memref<80xi32, #tpu.memory_space<vmem>>
      %dma_wait3A_91 = arith.constant 0 : i32
      %dma_wait3A_92 = arith.constant 0 : i32
      %dma_wait3A_93 = tpu.memref_slice %arg2[%dma_wait3A_91, %dma_wait3A_92] : memref<10000x64xi32, #tpu.memory_space<hbm>> -> memref<10000x64xi32, #tpu.memory_space<hbm>>
      tpu.wait_indirect_dma semaphore(%arg17 : memref<!tpu.dma_semaphore, #tpu.memory_space<semaphore_mem>>) src(%dma_wait3A_93 : memref<10000x64xi32, #tpu.memory_space<hbm>>) dst(%arg7 : memref<80x64xi32, #tpu.memory_space<vmem>>)
      %dma_wait3A_94 = arith.constant 0 : i32
      %dma_wait3A_95 = tpu.memref_slice %arg6[%add3A_87, %dma_wait3A_94] : memref<125x80xi32, #tpu.memory_space<vmem>> -> memref<1x80xi32, #tpu.memory_space<vmem>>
      %dma_wait3A_96 = tpu.memref_squeeze %dma_wait3A_95 : memref<1x80xi32, #tpu.memory_space<vmem>> -> memref<80xi32, #tpu.memory_space<vmem>>
      %dma_wait3A_97 = arith.constant 0 : i32
      %dma_wait3A_98 = arith.constant 0 : i32
      %dma_wait3A_99 = tpu.memref_slice %arg2[%dma_wait3A_97, %dma_wait3A_98] : memref<10000x64xi32, #tpu.memory_space<hbm>> -> memref<10000x64xi32, #tpu.memory_space<hbm>>
      tpu.wait_indirect_dma semaphore(%arg18 : memref<!tpu.dma_semaphore, #tpu.memory_space<semaphore_mem>>) src(%dma_wait3A_99 : memref<10000x64xi32, #tpu.memory_space<hbm>>) dst(%arg8 : memref<80x64xi32, #tpu.memory_space<vmem>>)
      %parallel_loop3A_100 = arith.constant 0 : i32
      %parallel_loop3A_101 = arith.constant 80 : i32
      %parallel_loop3A_102 = arith.constant 1 : i32
      scf.for %parallel_loop3A_197 = %parallel_loop3A_100 to %parallel_loop3A_101 step %parallel_loop3A_102  : i32 {
        %parallel_loop3A_198 = arith.index_cast %parallel_loop3A_197 : i32 to index
        %parallel_loop3A_199 = arith.constant 0 : index
        %parallel_loop3A_200 = tpu.vector_load %arg7[%parallel_loop3A_198, %parallel_loop3A_199] {strides = array<i32>} : memref<80x64xi32, #tpu.memory_space<vmem>>, vector<16xi32>,
        %parallel_loop3A_201 = vector.bitcast %parallel_loop3A_200 : vector<16xi32> to vector<32xbf16>
        %parallel_loop3A_202 = arith.index_cast %parallel_loop3A_197 : i32 to index
        %parallel_loop3A_203 = arith.constant 0 : index
        %parallel_loop3A_204 = tpu.vector_load %arg8[%parallel_loop3A_202, %parallel_loop3A_203] {strides = array<i32>} : memref<80x64xi32, #tpu.memory_space<vmem>>, vector<16xi32>,
        %parallel_loop3A_205 = vector.bitcast %parallel_loop3A_204 : vector<16xi32> to vector<32xbf16>
        %parallel_loop3A_206 = tpu.unpack_subelements %parallel_loop3A_201, 0 {pack_format = #tpu.pack_format<interleaved>} : vector<32xbf16> -> vector<16xf32>
        %parallel_loop3A_207 = tpu.unpack_subelements %parallel_loop3A_201, 1 {pack_format = #tpu.pack_format<interleaved>} : vector<32xbf16> -> vector<16xf32>
        %parallel_loop3A_208 = tpu.unpack_subelements %parallel_loop3A_205, 0 {pack_format = #tpu.pack_format<interleaved>} : vector<32xbf16> -> vector<16xf32>
        %parallel_loop3A_209 = tpu.unpack_subelements %parallel_loop3A_205, 1 {pack_format = #tpu.pack_format<interleaved>} : vector<32xbf16> -> vector<16xf32>
        %parallel_loop3A_210 = arith.mulf %parallel_loop3A_206, %parallel_loop3A_208 : vector<16xf32>
        %parallel_loop3A_211 = arith.mulf %parallel_loop3A_207, %parallel_loop3A_209 : vector<16xf32>
        %parallel_loop3A_212 = arith.addf %parallel_loop3A_210, %parallel_loop3A_211 : vector<16xf32>
        %parallel_loop3A_213 = arith.index_cast %parallel_loop3A_197 : i32 to index
        %parallel_loop3A_214 = arith.constant 16 : index
        %parallel_loop3A_215 = tpu.vector_load %arg7[%parallel_loop3A_213, %parallel_loop3A_214] {strides = array<i32>} : memref<80x64xi32, #tpu.memory_space<vmem>>, vector<16xi32>,
        %parallel_loop3A_216 = vector.bitcast %parallel_loop3A_215 : vector<16xi32> to vector<32xbf16>
        %parallel_loop3A_217 = arith.index_cast %parallel_loop3A_197 : i32 to index
        %parallel_loop3A_218 = arith.constant 16 : index
        %parallel_loop3A_219 = tpu.vector_load %arg8[%parallel_loop3A_217, %parallel_loop3A_218] {strides = array<i32>} : memref<80x64xi32, #tpu.memory_space<vmem>>, vector<16xi32>,
        %parallel_loop3A_220 = vector.bitcast %parallel_loop3A_219 : vector<16xi32> to vector<32xbf16>
        %parallel_loop3A_221 = tpu.unpack_subelements %parallel_loop3A_216, 0 {pack_format = #tpu.pack_format<interleaved>} : vector<32xbf16> -> vector<16xf32>
        %parallel_loop3A_222 = tpu.unpack_subelements %parallel_loop3A_216, 1 {pack_format = #tpu.pack_format<interleaved>} : vector<32xbf16> -> vector<16xf32>
        %parallel_loop3A_223 = tpu.unpack_subelements %parallel_loop3A_220, 0 {pack_format = #tpu.pack_format<interleaved>} : vector<32xbf16> -> vector<16xf32>
        %parallel_loop3A_224 = tpu.unpack_subelements %parallel_loop3A_220, 1 {pack_format = #tpu.pack_format<interleaved>} : vector<32xbf16> -> vector<16xf32>
        %parallel_loop3A_225 = arith.mulf %parallel_loop3A_221, %parallel_loop3A_223 : vector<16xf32>
        %parallel_loop3A_226 = arith.mulf %parallel_loop3A_222, %parallel_loop3A_224 : vector<16xf32>
        %parallel_loop3A_227 = arith.addf %parallel_loop3A_225, %parallel_loop3A_226 : vector<16xf32>
        %parallel_loop3A_228 = arith.addf %parallel_loop3A_212, %parallel_loop3A_227 : vector<16xf32>
        %parallel_loop3A_229 = arith.index_cast %parallel_loop3A_197 : i32 to index
        %parallel_loop3A_230 = arith.constant 32 : index
        %parallel_loop3A_231 = tpu.vector_load %arg7[%parallel_loop3A_229, %parallel_loop3A_230] {strides = array<i32>} : memref<80x64xi32, #tpu.memory_space<vmem>>, vector<16xi32>,
        %parallel_loop3A_232 = vector.bitcast %parallel_loop3A_231 : vector<16xi32> to vector<32xbf16>
        %parallel_loop3A_233 = arith.index_cast %parallel_loop3A_197 : i32 to index
        %parallel_loop3A_234 = arith.constant 32 : index
        %parallel_loop3A_235 = tpu.vector_load %arg8[%parallel_loop3A_233, %parallel_loop3A_234] {strides = array<i32>} : memref<80x64xi32, #tpu.memory_space<vmem>>, vector<16xi32>,
        %parallel_loop3A_236 = vector.bitcast %parallel_loop3A_235 : vector<16xi32> to vector<32xbf16>
        %parallel_loop3A_237 = tpu.unpack_subelements %parallel_loop3A_232, 0 {pack_format = #tpu.pack_format<interleaved>} : vector<32xbf16> -> vector<16xf32>
        %parallel_loop3A_238 = tpu.unpack_subelements %parallel_loop3A_232, 1 {pack_format = #tpu.pack_format<interleaved>} : vector<32xbf16> -> vector<16xf32>
        %parallel_loop3A_239 = tpu.unpack_subelements %parallel_loop3A_236, 0 {pack_format = #tpu.pack_format<interleaved>} : vector<32xbf16> -> vector<16xf32>
        %parallel_loop3A_240 = tpu.unpack_subelements %parallel_loop3A_236, 1 {pack_format = #tpu.pack_format<interleaved>} : vector<32xbf16> -> vector<16xf32>
        %parallel_loop3A_241 = arith.mulf %parallel_loop3A_237, %parallel_loop3A_239 : vector<16xf32>
        %parallel_loop3A_242 = arith.mulf %parallel_loop3A_238, %parallel_loop3A_240 : vector<16xf32>
        %parallel_loop3A_243 = arith.addf %parallel_loop3A_241, %parallel_loop3A_242 : vector<16xf32>
        %parallel_loop3A_244 = arith.addf %parallel_loop3A_228, %parallel_loop3A_243 : vector<16xf32>
        %parallel_loop3A_245 = arith.index_cast %parallel_loop3A_197 : i32 to index
        %parallel_loop3A_246 = arith.constant 48 : index
        %parallel_loop3A_247 = tpu.vector_load %arg7[%parallel_loop3A_245, %parallel_loop3A_246] {strides = array<i32>} : memref<80x64xi32, #tpu.memory_space<vmem>>, vector<16xi32>,
        %parallel_loop3A_248 = vector.bitcast %parallel_loop3A_247 : vector<16xi32> to vector<32xbf16>
        %parallel_loop3A_249 = arith.index_cast %parallel_loop3A_197 : i32 to index
        %parallel_loop3A_250 = arith.constant 48 : index
        %parallel_loop3A_251 = tpu.vector_load %arg8[%parallel_loop3A_249, %parallel_loop3A_250] {strides = array<i32>} : memref<80x64xi32, #tpu.memory_space<vmem>>, vector<16xi32>,
        %parallel_loop3A_252 = vector.bitcast %parallel_loop3A_251 : vector<16xi32> to vector<32xbf16>
        %parallel_loop3A_253 = tpu.unpack_subelements %parallel_loop3A_248, 0 {pack_format = #tpu.pack_format<interleaved>} : vector<32xbf16> -> vector<16xf32>
        %parallel_loop3A_254 = tpu.unpack_subelements %parallel_loop3A_248, 1 {pack_format = #tpu.pack_format<interleaved>} : vector<32xbf16> -> vector<16xf32>
        %parallel_loop3A_255 = tpu.unpack_subelements %parallel_loop3A_252, 0 {pack_format = #tpu.pack_format<interleaved>} : vector<32xbf16> -> vector<16xf32>
        %parallel_loop3A_256 = tpu.unpack_subelements %parallel_loop3A_252, 1 {pack_format = #tpu.pack_format<interleaved>} : vector<32xbf16> -> vector<16xf32>
        %parallel_loop3A_257 = arith.mulf %parallel_loop3A_253, %parallel_loop3A_255 : vector<16xf32>
        %parallel_loop3A_258 = arith.mulf %parallel_loop3A_254, %parallel_loop3A_256 : vector<16xf32>
        %parallel_loop3A_259 = arith.addf %parallel_loop3A_257, %parallel_loop3A_258 : vector<16xf32>
        %parallel_loop3A_260 = arith.addf %parallel_loop3A_244, %parallel_loop3A_259 : vector<16xf32>
        %parallel_loop3A_261 = arith.constant 16 : i32
        %parallel_loop3A_262 = arith.muli %parallel_loop3A_197, %parallel_loop3A_261 : i32
        %parallel_loop3A_263 = tpu.assume_multiple %parallel_loop3A_262, 16 : i32
        %parallel_loop3A_264 = arith.index_cast %parallel_loop3A_263 : i32 to index
        %parallel_loop3A_265 = tpu.vector_load %arg16[%parallel_loop3A_264] {strides = array<i32>} : memref<1280xf32, #tpu.memory_space<vmem>>, vector<16xf32>,
        tpu.vector_store %arg16[%parallel_loop3A_264], %parallel_loop3A_260 {strides = array<i32>} : memref<1280xf32, #tpu.memory_space<vmem>>, vector<16xf32>,
      } {sc.loop_unroll_factor = 8 : i64, sc.parallel_access}
      %parallel_loop3A_103 = arith.constant 0 : i32
      %parallel_loop3A_104 = arith.constant 5 : i32
      %parallel_loop3A_105 = arith.constant 1 : i32
      scf.for %parallel_loop3A_197 = %parallel_loop3A_103 to %parallel_loop3A_104 step %parallel_loop3A_105  : i32 {
        %parallel_loop3A_198 = arith.constant 256 : i32
        %parallel_loop3A_199 = arith.muli %parallel_loop3A_197, %parallel_loop3A_198 : i32
        %parallel_loop3A_200 = vector.broadcast %parallel_loop3A_199 : i32 to vector<16xi32>
        %parallel_loop3A_201 = arith.addi %parallel_loop3A_200, %mul3A_4 : vector<16xi32>
        %parallel_loop3A_202 = tpu.vector_load_idx %arg16[%parallel_loop3A_201] : memref<1280xf32, #tpu.memory_space<vmem>>[vector<16xi32>], vector<16xf32>,
        %parallel_loop3A_203 = arith.constant 1 : i32
        %parallel_loop3A_204 = vector.broadcast %parallel_loop3A_203 : i32 to vector<16xi32>
        %parallel_loop3A_205 = arith.addi %parallel_loop3A_201, %parallel_loop3A_204 : vector<16xi32>
        %parallel_loop3A_206 = tpu.vector_load_idx %arg16[%parallel_loop3A_205] : memref<1280xf32, #tpu.memory_space<vmem>>[vector<16xi32>], vector<16xf32>,
        %parallel_loop3A_207 = arith.addf %parallel_loop3A_202, %parallel_loop3A_206 : vector<16xf32>
        %parallel_loop3A_208 = arith.constant 2 : i32
        %parallel_loop3A_209 = vector.broadcast %parallel_loop3A_208 : i32 to vector<16xi32>
        %parallel_loop3A_210 = arith.addi %parallel_loop3A_201, %parallel_loop3A_209 : vector<16xi32>
        %parallel_loop3A_211 = tpu.vector_load_idx %arg16[%parallel_loop3A_210] : memref<1280xf32, #tpu.memory_space<vmem>>[vector<16xi32>], vector<16xf32>,
        %parallel_loop3A_212 = arith.addf %parallel_loop3A_207, %parallel_loop3A_211 : vector<16xf32>
        %parallel_loop3A_213 = arith.constant 3 : i32
        %parallel_loop3A_214 = vector.broadcast %parallel_loop3A_213 : i32 to vector<16xi32>
        %parallel_loop3A_215 = arith.addi %parallel_loop3A_201, %parallel_loop3A_214 : vector<16xi32>
        %parallel_loop3A_216 = tpu.vector_load_idx %arg16[%parallel_loop3A_215] : memref<1280xf32, #tpu.memory_space<vmem>>[vector<16xi32>], vector<16xf32>,
        %parallel_loop3A_217 = arith.addf %parallel_loop3A_212, %parallel_loop3A_216 : vector<16xf32>
        %parallel_loop3A_218 = arith.constant 4 : i32
        %parallel_loop3A_219 = vector.broadcast %parallel_loop3A_218 : i32 to vector<16xi32>
        %parallel_loop3A_220 = arith.addi %parallel_loop3A_201, %parallel_loop3A_219 : vector<16xi32>
        %parallel_loop3A_221 = tpu.vector_load_idx %arg16[%parallel_loop3A_220] : memref<1280xf32, #tpu.memory_space<vmem>>[vector<16xi32>], vector<16xf32>,
        %parallel_loop3A_222 = arith.addf %parallel_loop3A_217, %parallel_loop3A_221 : vector<16xf32>
        %parallel_loop3A_223 = arith.constant 5 : i32
        %parallel_loop3A_224 = vector.broadcast %parallel_loop3A_223 : i32 to vector<16xi32>
        %parallel_loop3A_225 = arith.addi %parallel_loop3A_201, %parallel_loop3A_224 : vector<16xi32>
        %parallel_loop3A_226 = tpu.vector_load_idx %arg16[%parallel_loop3A_225] : memref<1280xf32, #tpu.memory_space<vmem>>[vector<16xi32>], vector<16xf32>,
        %parallel_loop3A_227 = arith.addf %parallel_loop3A_222, %parallel_loop3A_226 : vector<16xf32>
        %parallel_loop3A_228 = arith.constant 6 : i32
        %parallel_loop3A_229 = vector.broadcast %parallel_loop3A_228 : i32 to vector<16xi32>
        %parallel_loop3A_230 = arith.addi %parallel_loop3A_201, %parallel_loop3A_229 : vector<16xi32>
        %parallel_loop3A_231 = tpu.vector_load_idx %arg16[%parallel_loop3A_230] : memref<1280xf32, #tpu.memory_space<vmem>>[vector<16xi32>], vector<16xf32>,
        %parallel_loop3A_232 = arith.addf %parallel_loop3A_227, %parallel_loop3A_231 : vector<16xf32>
        %parallel_loop3A_233 = arith.constant 7 : i32
        %parallel_loop3A_234 = vector.broadcast %parallel_loop3A_233 : i32 to vector<16xi32>
        %parallel_loop3A_235 = arith.addi %parallel_loop3A_201, %parallel_loop3A_234 : vector<16xi32>
        %parallel_loop3A_236 = tpu.vector_load_idx %arg16[%parallel_loop3A_235] : memref<1280xf32, #tpu.memory_space<vmem>>[vector<16xi32>], vector<16xf32>,
        %parallel_loop3A_237 = arith.addf %parallel_loop3A_232, %parallel_loop3A_236 : vector<16xf32>
        %parallel_loop3A_238 = arith.constant 8 : i32
        %parallel_loop3A_239 = vector.broadcast %parallel_loop3A_238 : i32 to vector<16xi32>
        %parallel_loop3A_240 = arith.addi %parallel_loop3A_201, %parallel_loop3A_239 : vector<16xi32>
        %parallel_loop3A_241 = tpu.vector_load_idx %arg16[%parallel_loop3A_240] : memref<1280xf32, #tpu.memory_space<vmem>>[vector<16xi32>], vector<16xf32>,
        %parallel_loop3A_242 = arith.addf %parallel_loop3A_237, %parallel_loop3A_241 : vector<16xf32>
        %parallel_loop3A_243 = arith.constant 9 : i32
        %parallel_loop3A_244 = vector.broadcast %parallel_loop3A_243 : i32 to vector<16xi32>
        %parallel_loop3A_245 = arith.addi %parallel_loop3A_201, %parallel_loop3A_244 : vector<16xi32>
        %parallel_loop3A_246 = tpu.vector_load_idx %arg16[%parallel_loop3A_245] : memref<1280xf32, #tpu.memory_space<vmem>>[vector<16xi32>], vector<16xf32>,
        %parallel_loop3A_247 = arith.addf %parallel_loop3A_242, %parallel_loop3A_246 : vector<16xf32>
        %parallel_loop3A_248 = arith.constant 10 : i32
        %parallel_loop3A_249 = vector.broadcast %parallel_loop3A_248 : i32 to vector<16xi32>
        %parallel_loop3A_250 = arith.addi %parallel_loop3A_201, %parallel_loop3A_249 : vector<16xi32>
        %parallel_loop3A_251 = tpu.vector_load_idx %arg16[%parallel_loop3A_250] : memref<1280xf32, #tpu.memory_space<vmem>>[vector<16xi32>], vector<16xf32>,
        %parallel_loop3A_252 = arith.addf %parallel_loop3A_247, %parallel_loop3A_251 : vector<16xf32>
        %parallel_loop3A_253 = arith.constant 11 : i32
        %parallel_loop3A_254 = vector.broadcast %parallel_loop3A_253 : i32 to vector<16xi32>
        %parallel_loop3A_255 = arith.addi %parallel_loop3A_201, %parallel_loop3A_254 : vector<16xi32>
        %parallel_loop3A_256 = tpu.vector_load_idx %arg16[%parallel_loop3A_255] : memref<1280xf32, #tpu.memory_space<vmem>>[vector<16xi32>], vector<16xf32>,
        %parallel_loop3A_257 = arith.addf %parallel_loop3A_252, %parallel_loop3A_256 : vector<16xf32>
        %parallel_loop3A_258 = arith.constant 12 : i32
        %parallel_loop3A_259 = vector.broadcast %parallel_loop3A_258 : i32 to vector<16xi32>
        %parallel_loop3A_260 = arith.addi %parallel_loop3A_201, %parallel_loop3A_259 : vector<16xi32>
        %parallel_loop3A_261 = tpu.vector_load_idx %arg16[%parallel_loop3A_260] : memref<1280xf32, #tpu.memory_space<vmem>>[vector<16xi32>], vector<16xf32>,
        %parallel_loop3A_262 = arith.addf %parallel_loop3A_257, %parallel_loop3A_261 : vector<16xf32>
        %parallel_loop3A_263 = arith.constant 13 : i32
        %parallel_loop3A_264 = vector.broadcast %parallel_loop3A_263 : i32 to vector<16xi32>
        %parallel_loop3A_265 = arith.addi %parallel_loop3A_201, %parallel_loop3A_264 : vector<16xi32>
        %parallel_loop3A_266 = tpu.vector_load_idx %arg16[%parallel_loop3A_265] : memref<1280xf32, #tpu.memory_space<vmem>>[vector<16xi32>], vector<16xf32>,
        %parallel_loop3A_267 = arith.addf %parallel_loop3A_262, %parallel_loop3A_266 : vector<16xf32>
        %parallel_loop3A_268 = arith.constant 14 : i32
        %parallel_loop3A_269 = vector.broadcast %parallel_loop3A_268 : i32 to vector<16xi32>
        %parallel_loop3A_270 = arith.addi %parallel_loop3A_201, %parallel_loop3A_269 : vector<16xi32>
        %parallel_loop3A_271 = tpu.vector_load_idx %arg16[%parallel_loop3A_270] : memref<1280xf32, #tpu.memory_space<vmem>>[vector<16xi32>], vector<16xf32>,
        %parallel_loop3A_272 = arith.addf %parallel_loop3A_267, %parallel_loop3A_271 : vector<16xf32>
        %parallel_loop3A_273 = arith.constant 15 : i32
        %parallel_loop3A_274 = vector.broadcast %parallel_loop3A_273 : i32 to vector<16xi32>
        %parallel_loop3A_275 = arith.addi %parallel_loop3A_201, %parallel_loop3A_274 : vector<16xi32>
        %parallel_loop3A_276 = tpu.vector_load_idx %arg16[%parallel_loop3A_275] : memref<1280xf32, #tpu.memory_space<vmem>>[vector<16xi32>], vector<16xf32>,
        %parallel_loop3A_277 = arith.addf %parallel_loop3A_272, %parallel_loop3A_276 : vector<16xf32>
        %parallel_loop3A_278 = arith.constant 80 : i32
        %parallel_loop3A_279 = arith.muli %add3A_87, %parallel_loop3A_278 : i32
        %parallel_loop3A_280 = arith.constant 16 : i32
        %parallel_loop3A_281 = arith.muli %parallel_loop3A_197, %parallel_loop3A_280 : i32
        %parallel_loop3A_282 = arith.addi %parallel_loop3A_279, %parallel_loop3A_281 : i32
        %parallel_loop3A_283 = tpu.assume_multiple %parallel_loop3A_282, 16 : i32
        %parallel_loop3A_284 = arith.index_cast %parallel_loop3A_283 : i32 to index
        %parallel_loop3A_285 = tpu.vector_load %arg15[%parallel_loop3A_284] {strides = array<i32>} : memref<10000xf32, #tpu.memory_space<vmem>>, vector<16xf32>,
        tpu.vector_store %arg15[%parallel_loop3A_284], %parallel_loop3A_277 {strides = array<i32>} : memref<10000xf32, #tpu.memory_space<vmem>>, vector<16xf32>,
      } {sc.loop_unroll_factor = 1 : i64, sc.parallel_access}
      %add3A_106 = arith.constant 4 : i32
      %add3A_107 = arith.addi %add3A_87, %add3A_106 : i32
      %lt3A = arith.constant 125 : i32
      %lt3A_108 = arith.cmpi slt, %add3A_107, %lt3A : i32
      %convert_element_type3A = arith.extui %lt3A_108 : i1 to i32
      %cond3A = arith.constant 0 : i32
      %cond3A_109 = arith.cmpi ne, %convert_element_type3A, %cond3A : i32
      scf.if %cond3A_109 {
        %add3A_197 = arith.constant 4 : i32
        %add3A_198 = arith.addi %add3A_87, %add3A_197 : i32
        %dma_start3A_199 = arith.constant 0 : i32
        %dma_start3A_200 = tpu.memref_slice %arg5[%add3A_198, %dma_start3A_199] : memref<125x80xi32, #tpu.memory_space<vmem>> -> memref<1x80xi32, #tpu.memory_space<vmem>>
        %dma_start3A_201 = tpu.memref_squeeze %dma_start3A_200 : memref<1x80xi32, #tpu.memory_space<vmem>> -> memref<80xi32, #tpu.memory_space<vmem>>
        %dma_start3A_202 = arith.constant 0 : i32
        %dma_start3A_203 = arith.constant 0 : i32
        %dma_start3A_204 = tpu.memref_slice %arg2[%dma_start3A_202, %dma_start3A_203] : memref<10000x64xi32, #tpu.memory_space<hbm>> -> memref<10000x64xi32, #tpu.memory_space<hbm>>
        tpu.enqueue_indirect_dma source(%dma_start3A_204 : memref<10000x64xi32, #tpu.memory_space<hbm>>) target(%arg7 : memref<80x64xi32, #tpu.memory_space<vmem>>) offsets(%dma_start3A_201 : memref<80xi32, #tpu.memory_space<vmem>>) semaphore(%arg17 : memref<!tpu.dma_semaphore, #tpu.memory_space<semaphore_mem>>)
        %dma_start3A_205 = arith.constant 0 : i32
        %dma_start3A_206 = tpu.memref_slice %arg6[%add3A_198, %dma_start3A_205] : memref<125x80xi32, #tpu.memory_space<vmem>> -> memref<1x80xi32, #tpu.memory_space<vmem>>
        %dma_start3A_207 = tpu.memref_squeeze %dma_start3A_206 : memref<1x80xi32, #tpu.memory_space<vmem>> -> memref<80xi32, #tpu.memory_space<vmem>>
        %dma_start3A_208 = arith.constant 0 : i32
        %dma_start3A_209 = arith.constant 0 : i32
        %dma_start3A_210 = tpu.memref_slice %arg2[%dma_start3A_208, %dma_start3A_209] : memref<10000x64xi32, #tpu.memory_space<hbm>> -> memref<10000x64xi32, #tpu.memory_space<hbm>>
        tpu.enqueue_indirect_dma source(%dma_start3A_210 : memref<10000x64xi32, #tpu.memory_space<hbm>>) target(%arg8 : memref<80x64xi32, #tpu.memory_space<vmem>>) offsets(%dma_start3A_207 : memref<80xi32, #tpu.memory_space<vmem>>) semaphore(%arg18 : memref<!tpu.dma_semaphore, #tpu.memory_space<semaphore_mem>>)
      } else {
      }
      %mul3A_110 = arith.constant 4 : i32
      %mul3A_111 = arith.muli %scan3A_83, %mul3A_110 : i32
      %add3A_112 = arith.constant 1 : i32
      %add3A_113 = arith.addi %mul3A_111, %add3A_112 : i32
      %dma_wait3A_114 = arith.constant 0 : i32
      %dma_wait3A_115 = tpu.memref_slice %arg5[%add3A_113, %dma_wait3A_114] : memref<125x80xi32, #tpu.memory_space<vmem>> -> memref<1x80xi32, #tpu.memory_space<vmem>>
      %dma_wait3A_116 = tpu.memref_squeeze %dma_wait3A_115 : memref<1x80xi32, #tpu.memory_space<vmem>> -> memref<80xi32, #tpu.memory_space<vmem>>
      %dma_wait3A_117 = arith.constant 0 : i32
      %dma_wait3A_118 = arith.constant 0 : i32
      %dma_wait3A_119 = tpu.memref_slice %arg2[%dma_wait3A_117, %dma_wait3A_118] : memref<10000x64xi32, #tpu.memory_space<hbm>> -> memref<10000x64xi32, #tpu.memory_space<hbm>>
      tpu.wait_indirect_dma semaphore(%arg19 : memref<!tpu.dma_semaphore, #tpu.memory_space<semaphore_mem>>) src(%dma_wait3A_119 : memref<10000x64xi32, #tpu.memory_space<hbm>>) dst(%arg9 : memref<80x64xi32, #tpu.memory_space<vmem>>)
      %dma_wait3A_120 = arith.constant 0 : i32
      %dma_wait3A_121 = tpu.memref_slice %arg6[%add3A_113, %dma_wait3A_120] : memref<125x80xi32, #tpu.memory_space<vmem>> -> memref<1x80xi32, #tpu.memory_space<vmem>>
      %dma_wait3A_122 = tpu.memref_squeeze %dma_wait3A_121 : memref<1x80xi32, #tpu.memory_space<vmem>> -> memref<80xi32, #tpu.memory_space<vmem>>
      %dma_wait3A_123 = arith.constant 0 : i32
      %dma_wait3A_124 = arith.constant 0 : i32
      %dma_wait3A_125 = tpu.memref_slice %arg2[%dma_wait3A_123, %dma_wait3A_124] : memref<10000x64xi32, #tpu.memory_space<hbm>> -> memref<10000x64xi32, #tpu.memory_space<hbm>>
      tpu.wait_indirect_dma semaphore(%arg20 : memref<!tpu.dma_semaphore, #tpu.memory_space<semaphore_mem>>) src(%dma_wait3A_125 : memref<10000x64xi32, #tpu.memory_space<hbm>>) dst(%arg10 : memref<80x64xi32, #tpu.memory_space<vmem>>)
      %parallel_loop3A_126 = arith.constant 0 : i32
      %parallel_loop3A_127 = arith.constant 80 : i32
      %parallel_loop3A_128 = arith.constant 1 : i32
      scf.for %parallel_loop3A_197 = %parallel_loop3A_126 to %parallel_loop3A_127 step %parallel_loop3A_128  : i32 {
        %parallel_loop3A_198 = arith.index_cast %parallel_loop3A_197 : i32 to index
        %parallel_loop3A_199 = arith.constant 0 : index
        %parallel_loop3A_200 = tpu.vector_load %arg9[%parallel_loop3A_198, %parallel_loop3A_199] {strides = array<i32>} : memref<80x64xi32, #tpu.memory_space<vmem>>, vector<16xi32>,
        %parallel_loop3A_201 = vector.bitcast %parallel_loop3A_200 : vector<16xi32> to vector<32xbf16>
        %parallel_loop3A_202 = arith.index_cast %parallel_loop3A_197 : i32 to index
        %parallel_loop3A_203 = arith.constant 0 : index
        %parallel_loop3A_204 = tpu.vector_load %arg10[%parallel_loop3A_202, %parallel_loop3A_203] {strides = array<i32>} : memref<80x64xi32, #tpu.memory_space<vmem>>, vector<16xi32>,
        %parallel_loop3A_205 = vector.bitcast %parallel_loop3A_204 : vector<16xi32> to vector<32xbf16>
        %parallel_loop3A_206 = tpu.unpack_subelements %parallel_loop3A_201, 0 {pack_format = #tpu.pack_format<interleaved>} : vector<32xbf16> -> vector<16xf32>
        %parallel_loop3A_207 = tpu.unpack_subelements %parallel_loop3A_201, 1 {pack_format = #tpu.pack_format<interleaved>} : vector<32xbf16> -> vector<16xf32>
        %parallel_loop3A_208 = tpu.unpack_subelements %parallel_loop3A_205, 0 {pack_format = #tpu.pack_format<interleaved>} : vector<32xbf16> -> vector<16xf32>
        %parallel_loop3A_209 = tpu.unpack_subelements %parallel_loop3A_205, 1 {pack_format = #tpu.pack_format<interleaved>} : vector<32xbf16> -> vector<16xf32>
        %parallel_loop3A_210 = arith.mulf %parallel_loop3A_206, %parallel_loop3A_208 : vector<16xf32>
        %parallel_loop3A_211 = arith.mulf %parallel_loop3A_207, %parallel_loop3A_209 : vector<16xf32>
        %parallel_loop3A_212 = arith.addf %parallel_loop3A_210, %parallel_loop3A_211 : vector<16xf32>
        %parallel_loop3A_213 = arith.index_cast %parallel_loop3A_197 : i32 to index
        %parallel_loop3A_214 = arith.constant 16 : index
        %parallel_loop3A_215 = tpu.vector_load %arg9[%parallel_loop3A_213, %parallel_loop3A_214] {strides = array<i32>} : memref<80x64xi32, #tpu.memory_space<vmem>>, vector<16xi32>,
        %parallel_loop3A_216 = vector.bitcast %parallel_loop3A_215 : vector<16xi32> to vector<32xbf16>
        %parallel_loop3A_217 = arith.index_cast %parallel_loop3A_197 : i32 to index
        %parallel_loop3A_218 = arith.constant 16 : index
        %parallel_loop3A_219 = tpu.vector_load %arg10[%parallel_loop3A_217, %parallel_loop3A_218] {strides = array<i32>} : memref<80x64xi32, #tpu.memory_space<vmem>>, vector<16xi32>,
        %parallel_loop3A_220 = vector.bitcast %parallel_loop3A_219 : vector<16xi32> to vector<32xbf16>
        %parallel_loop3A_221 = tpu.unpack_subelements %parallel_loop3A_216, 0 {pack_format = #tpu.pack_format<interleaved>} : vector<32xbf16> -> vector<16xf32>
        %parallel_loop3A_222 = tpu.unpack_subelements %parallel_loop3A_216, 1 {pack_format = #tpu.pack_format<interleaved>} : vector<32xbf16> -> vector<16xf32>
        %parallel_loop3A_223 = tpu.unpack_subelements %parallel_loop3A_220, 0 {pack_format = #tpu.pack_format<interleaved>} : vector<32xbf16> -> vector<16xf32>
        %parallel_loop3A_224 = tpu.unpack_subelements %parallel_loop3A_220, 1 {pack_format = #tpu.pack_format<interleaved>} : vector<32xbf16> -> vector<16xf32>
        %parallel_loop3A_225 = arith.mulf %parallel_loop3A_221, %parallel_loop3A_223 : vector<16xf32>
        %parallel_loop3A_226 = arith.mulf %parallel_loop3A_222, %parallel_loop3A_224 : vector<16xf32>
        %parallel_loop3A_227 = arith.addf %parallel_loop3A_225, %parallel_loop3A_226 : vector<16xf32>
        %parallel_loop3A_228 = arith.addf %parallel_loop3A_212, %parallel_loop3A_227 : vector<16xf32>
        %parallel_loop3A_229 = arith.index_cast %parallel_loop3A_197 : i32 to index
        %parallel_loop3A_230 = arith.constant 32 : index
        %parallel_loop3A_231 = tpu.vector_load %arg9[%parallel_loop3A_229, %parallel_loop3A_230] {strides = array<i32>} : memref<80x64xi32, #tpu.memory_space<vmem>>, vector<16xi32>,
        %parallel_loop3A_232 = vector.bitcast %parallel_loop3A_231 : vector<16xi32> to vector<32xbf16>
        %parallel_loop3A_233 = arith.index_cast %parallel_loop3A_197 : i32 to index
        %parallel_loop3A_234 = arith.constant 32 : index
        %parallel_loop3A_235 = tpu.vector_load %arg10[%parallel_loop3A_233, %parallel_loop3A_234] {strides = array<i32>} : memref<80x64xi32, #tpu.memory_space<vmem>>, vector<16xi32>,
        %parallel_loop3A_236 = vector.bitcast %parallel_loop3A_235 : vector<16xi32> to vector<32xbf16>
        %parallel_loop3A_237 = tpu.unpack_subelements %parallel_loop3A_232, 0 {pack_format = #tpu.pack_format<interleaved>} : vector<32xbf16> -> vector<16xf32>
        %parallel_loop3A_238 = tpu.unpack_subelements %parallel_loop3A_232, 1 {pack_format = #tpu.pack_format<interleaved>} : vector<32xbf16> -> vector<16xf32>
        %parallel_loop3A_239 = tpu.unpack_subelements %parallel_loop3A_236, 0 {pack_format = #tpu.pack_format<interleaved>} : vector<32xbf16> -> vector<16xf32>
        %parallel_loop3A_240 = tpu.unpack_subelements %parallel_loop3A_236, 1 {pack_format = #tpu.pack_format<interleaved>} : vector<32xbf16> -> vector<16xf32>
        %parallel_loop3A_241 = arith.mulf %parallel_loop3A_237, %parallel_loop3A_239 : vector<16xf32>
        %parallel_loop3A_242 = arith.mulf %parallel_loop3A_238, %parallel_loop3A_240 : vector<16xf32>
        %parallel_loop3A_243 = arith.addf %parallel_loop3A_241, %parallel_loop3A_242 : vector<16xf32>
        %parallel_loop3A_244 = arith.addf %parallel_loop3A_228, %parallel_loop3A_243 : vector<16xf32>
        %parallel_loop3A_245 = arith.index_cast %parallel_loop3A_197 : i32 to index
        %parallel_loop3A_246 = arith.constant 48 : index
        %parallel_loop3A_247 = tpu.vector_load %arg9[%parallel_loop3A_245, %parallel_loop3A_246] {strides = array<i32>} : memref<80x64xi32, #tpu.memory_space<vmem>>, vector<16xi32>,
        %parallel_loop3A_248 = vector.bitcast %parallel_loop3A_247 : vector<16xi32> to vector<32xbf16>
        %parallel_loop3A_249 = arith.index_cast %parallel_loop3A_197 : i32 to index
        %parallel_loop3A_250 = arith.constant 48 : index
        %parallel_loop3A_251 = tpu.vector_load %arg10[%parallel_loop3A_249, %parallel_loop3A_250] {strides = array<i32>} : memref<80x64xi32, #tpu.memory_space<vmem>>, vector<16xi32>,
        %parallel_loop3A_252 = vector.bitcast %parallel_loop3A_251 : vector<16xi32> to vector<32xbf16>
        %parallel_loop3A_253 = tpu.unpack_subelements %parallel_loop3A_248, 0 {pack_format = #tpu.pack_format<interleaved>} : vector<32xbf16> -> vector<16xf32>
        %parallel_loop3A_254 = tpu.unpack_subelements %parallel_loop3A_248, 1 {pack_format = #tpu.pack_format<interleaved>} : vector<32xbf16> -> vector<16xf32>
        %parallel_loop3A_255 = tpu.unpack_subelements %parallel_loop3A_252, 0 {pack_format = #tpu.pack_format<interleaved>} : vector<32xbf16> -> vector<16xf32>
        %parallel_loop3A_256 = tpu.unpack_subelements %parallel_loop3A_252, 1 {pack_format = #tpu.pack_format<interleaved>} : vector<32xbf16> -> vector<16xf32>
        %parallel_loop3A_257 = arith.mulf %parallel_loop3A_253, %parallel_loop3A_255 : vector<16xf32>
        %parallel_loop3A_258 = arith.mulf %parallel_loop3A_254, %parallel_loop3A_256 : vector<16xf32>
        %parallel_loop3A_259 = arith.addf %parallel_loop3A_257, %parallel_loop3A_258 : vector<16xf32>
        %parallel_loop3A_260 = arith.addf %parallel_loop3A_244, %parallel_loop3A_259 : vector<16xf32>
        %parallel_loop3A_261 = arith.constant 16 : i32
        %parallel_loop3A_262 = arith.muli %parallel_loop3A_197, %parallel_loop3A_261 : i32
        %parallel_loop3A_263 = tpu.assume_multiple %parallel_loop3A_262, 16 : i32
        %parallel_loop3A_264 = arith.index_cast %parallel_loop3A_263 : i32 to index
        %parallel_loop3A_265 = tpu.vector_load %arg16[%parallel_loop3A_264] {strides = array<i32>} : memref<1280xf32, #tpu.memory_space<vmem>>, vector<16xf32>,
        tpu.vector_store %arg16[%parallel_loop3A_264], %parallel_loop3A_260 {strides = array<i32>} : memref<1280xf32, #tpu.memory_space<vmem>>, vector<16xf32>,
      } {sc.loop_unroll_factor = 8 : i64, sc.parallel_access}
      %parallel_loop3A_129 = arith.constant 0 : i32
      %parallel_loop3A_130 = arith.constant 5 : i32
      %parallel_loop3A_131 = arith.constant 1 : i32
      scf.for %parallel_loop3A_197 = %parallel_loop3A_129 to %parallel_loop3A_130 step %parallel_loop3A_131  : i32 {
        %parallel_loop3A_198 = arith.constant 256 : i32
        %parallel_loop3A_199 = arith.muli %parallel_loop3A_197, %parallel_loop3A_198 : i32
        %parallel_loop3A_200 = vector.broadcast %parallel_loop3A_199 : i32 to vector<16xi32>
        %parallel_loop3A_201 = arith.addi %parallel_loop3A_200, %mul3A_4 : vector<16xi32>
        %parallel_loop3A_202 = tpu.vector_load_idx %arg16[%parallel_loop3A_201] : memref<1280xf32, #tpu.memory_space<vmem>>[vector<16xi32>], vector<16xf32>,
        %parallel_loop3A_203 = arith.constant 1 : i32
        %parallel_loop3A_204 = vector.broadcast %parallel_loop3A_203 : i32 to vector<16xi32>
        %parallel_loop3A_205 = arith.addi %parallel_loop3A_201, %parallel_loop3A_204 : vector<16xi32>
        %parallel_loop3A_206 = tpu.vector_load_idx %arg16[%parallel_loop3A_205] : memref<1280xf32, #tpu.memory_space<vmem>>[vector<16xi32>], vector<16xf32>,
        %parallel_loop3A_207 = arith.addf %parallel_loop3A_202, %parallel_loop3A_206 : vector<16xf32>
        %parallel_loop3A_208 = arith.constant 2 : i32
        %parallel_loop3A_209 = vector.broadcast %parallel_loop3A_208 : i32 to vector<16xi32>
        %parallel_loop3A_210 = arith.addi %parallel_loop3A_201, %parallel_loop3A_209 : vector<16xi32>
        %parallel_loop3A_211 = tpu.vector_load_idx %arg16[%parallel_loop3A_210] : memref<1280xf32, #tpu.memory_space<vmem>>[vector<16xi32>], vector<16xf32>,
        %parallel_loop3A_212 = arith.addf %parallel_loop3A_207, %parallel_loop3A_211 : vector<16xf32>
        %parallel_loop3A_213 = arith.constant 3 : i32
        %parallel_loop3A_214 = vector.broadcast %parallel_loop3A_213 : i32 to vector<16xi32>
        %parallel_loop3A_215 = arith.addi %parallel_loop3A_201, %parallel_loop3A_214 : vector<16xi32>
        %parallel_loop3A_216 = tpu.vector_load_idx %arg16[%parallel_loop3A_215] : memref<1280xf32, #tpu.memory_space<vmem>>[vector<16xi32>], vector<16xf32>,
        %parallel_loop3A_217 = arith.addf %parallel_loop3A_212, %parallel_loop3A_216 : vector<16xf32>
        %parallel_loop3A_218 = arith.constant 4 : i32
        %parallel_loop3A_219 = vector.broadcast %parallel_loop3A_218 : i32 to vector<16xi32>
        %parallel_loop3A_220 = arith.addi %parallel_loop3A_201, %parallel_loop3A_219 : vector<16xi32>
        %parallel_loop3A_221 = tpu.vector_load_idx %arg16[%parallel_loop3A_220] : memref<1280xf32, #tpu.memory_space<vmem>>[vector<16xi32>], vector<16xf32>,
        %parallel_loop3A_222 = arith.addf %parallel_loop3A_217, %parallel_loop3A_221 : vector<16xf32>
        %parallel_loop3A_223 = arith.constant 5 : i32
        %parallel_loop3A_224 = vector.broadcast %parallel_loop3A_223 : i32 to vector<16xi32>
        %parallel_loop3A_225 = arith.addi %parallel_loop3A_201, %parallel_loop3A_224 : vector<16xi32>
        %parallel_loop3A_226 = tpu.vector_load_idx %arg16[%parallel_loop3A_225] : memref<1280xf32, #tpu.memory_space<vmem>>[vector<16xi32>], vector<16xf32>,
        %parallel_loop3A_227 = arith.addf %parallel_loop3A_222, %parallel_loop3A_226 : vector<16xf32>
        %parallel_loop3A_228 = arith.constant 6 : i32
        %parallel_loop3A_229 = vector.broadcast %parallel_loop3A_228 : i32 to vector<16xi32>
        %parallel_loop3A_230 = arith.addi %parallel_loop3A_201, %parallel_loop3A_229 : vector<16xi32>
        %parallel_loop3A_231 = tpu.vector_load_idx %arg16[%parallel_loop3A_230] : memref<1280xf32, #tpu.memory_space<vmem>>[vector<16xi32>], vector<16xf32>,
        %parallel_loop3A_232 = arith.addf %parallel_loop3A_227, %parallel_loop3A_231 : vector<16xf32>
        %parallel_loop3A_233 = arith.constant 7 : i32
        %parallel_loop3A_234 = vector.broadcast %parallel_loop3A_233 : i32 to vector<16xi32>
        %parallel_loop3A_235 = arith.addi %parallel_loop3A_201, %parallel_loop3A_234 : vector<16xi32>
        %parallel_loop3A_236 = tpu.vector_load_idx %arg16[%parallel_loop3A_235] : memref<1280xf32, #tpu.memory_space<vmem>>[vector<16xi32>], vector<16xf32>,
        %parallel_loop3A_237 = arith.addf %parallel_loop3A_232, %parallel_loop3A_236 : vector<16xf32>
        %parallel_loop3A_238 = arith.constant 8 : i32
        %parallel_loop3A_239 = vector.broadcast %parallel_loop3A_238 : i32 to vector<16xi32>
        %parallel_loop3A_240 = arith.addi %parallel_loop3A_201, %parallel_loop3A_239 : vector<16xi32>
        %parallel_loop3A_241 = tpu.vector_load_idx %arg16[%parallel_loop3A_240] : memref<1280xf32, #tpu.memory_space<vmem>>[vector<16xi32>], vector<16xf32>,
        %parallel_loop3A_242 = arith.addf %parallel_loop3A_237, %parallel_loop3A_241 : vector<16xf32>
        %parallel_loop3A_243 = arith.constant 9 : i32
        %parallel_loop3A_244 = vector.broadcast %parallel_loop3A_243 : i32 to vector<16xi32>
        %parallel_loop3A_245 = arith.addi %parallel_loop3A_201, %parallel_loop3A_244 : vector<16xi32>
        %parallel_loop3A_246 = tpu.vector_load_idx %arg16[%parallel_loop3A_245] : memref<1280xf32, #tpu.memory_space<vmem>>[vector<16xi32>], vector<16xf32>,
        %parallel_loop3A_247 = arith.addf %parallel_loop3A_242, %parallel_loop3A_246 : vector<16xf32>
        %parallel_loop3A_248 = arith.constant 10 : i32
        %parallel_loop3A_249 = vector.broadcast %parallel_loop3A_248 : i32 to vector<16xi32>
        %parallel_loop3A_250 = arith.addi %parallel_loop3A_201, %parallel_loop3A_249 : vector<16xi32>
        %parallel_loop3A_251 = tpu.vector_load_idx %arg16[%parallel_loop3A_250] : memref<1280xf32, #tpu.memory_space<vmem>>[vector<16xi32>], vector<16xf32>,
        %parallel_loop3A_252 = arith.addf %parallel_loop3A_247, %parallel_loop3A_251 : vector<16xf32>
        %parallel_loop3A_253 = arith.constant 11 : i32
        %parallel_loop3A_254 = vector.broadcast %parallel_loop3A_253 : i32 to vector<16xi32>
        %parallel_loop3A_255 = arith.addi %parallel_loop3A_201, %parallel_loop3A_254 : vector<16xi32>
        %parallel_loop3A_256 = tpu.vector_load_idx %arg16[%parallel_loop3A_255] : memref<1280xf32, #tpu.memory_space<vmem>>[vector<16xi32>], vector<16xf32>,
        %parallel_loop3A_257 = arith.addf %parallel_loop3A_252, %parallel_loop3A_256 : vector<16xf32>
        %parallel_loop3A_258 = arith.constant 12 : i32
        %parallel_loop3A_259 = vector.broadcast %parallel_loop3A_258 : i32 to vector<16xi32>
        %parallel_loop3A_260 = arith.addi %parallel_loop3A_201, %parallel_loop3A_259 : vector<16xi32>
        %parallel_loop3A_261 = tpu.vector_load_idx %arg16[%parallel_loop3A_260] : memref<1280xf32, #tpu.memory_space<vmem>>[vector<16xi32>], vector<16xf32>,
        %parallel_loop3A_262 = arith.addf %parallel_loop3A_257, %parallel_loop3A_261 : vector<16xf32>
        %parallel_loop3A_263 = arith.constant 13 : i32
        %parallel_loop3A_264 = vector.broadcast %parallel_loop3A_263 : i32 to vector<16xi32>
        %parallel_loop3A_265 = arith.addi %parallel_loop3A_201, %parallel_loop3A_264 : vector<16xi32>
        %parallel_loop3A_266 = tpu.vector_load_idx %arg16[%parallel_loop3A_265] : memref<1280xf32, #tpu.memory_space<vmem>>[vector<16xi32>], vector<16xf32>,
        %parallel_loop3A_267 = arith.addf %parallel_loop3A_262, %parallel_loop3A_266 : vector<16xf32>
        %parallel_loop3A_268 = arith.constant 14 : i32
        %parallel_loop3A_269 = vector.broadcast %parallel_loop3A_268 : i32 to vector<16xi32>
        %parallel_loop3A_270 = arith.addi %parallel_loop3A_201, %parallel_loop3A_269 : vector<16xi32>
        %parallel_loop3A_271 = tpu.vector_load_idx %arg16[%parallel_loop3A_270] : memref<1280xf32, #tpu.memory_space<vmem>>[vector<16xi32>], vector<16xf32>,
        %parallel_loop3A_272 = arith.addf %parallel_loop3A_267, %parallel_loop3A_271 : vector<16xf32>
        %parallel_loop3A_273 = arith.constant 15 : i32
        %parallel_loop3A_274 = vector.broadcast %parallel_loop3A_273 : i32 to vector<16xi32>
        %parallel_loop3A_275 = arith.addi %parallel_loop3A_201, %parallel_loop3A_274 : vector<16xi32>
        %parallel_loop3A_276 = tpu.vector_load_idx %arg16[%parallel_loop3A_275] : memref<1280xf32, #tpu.memory_space<vmem>>[vector<16xi32>], vector<16xf32>,
        %parallel_loop3A_277 = arith.addf %parallel_loop3A_272, %parallel_loop3A_276 : vector<16xf32>
        %parallel_loop3A_278 = arith.constant 80 : i32
        %parallel_loop3A_279 = arith.muli %add3A_113, %parallel_loop3A_278 : i32
        %parallel_loop3A_280 = arith.constant 16 : i32
        %parallel_loop3A_281 = arith.muli %parallel_loop3A_197, %parallel_loop3A_280 : i32
        %parallel_loop3A_282 = arith.addi %parallel_loop3A_279, %parallel_loop3A_281 : i32
        %parallel_loop3A_283 = tpu.assume_multiple %parallel_loop3A_282, 16 : i32
        %parallel_loop3A_284 = arith.index_cast %parallel_loop3A_283 : i32 to index
        %parallel_loop3A_285 = tpu.vector_load %arg15[%parallel_loop3A_284] {strides = array<i32>} : memref<10000xf32, #tpu.memory_space<vmem>>, vector<16xf32>,
        tpu.vector_store %arg15[%parallel_loop3A_284], %parallel_loop3A_277 {strides = array<i32>} : memref<10000xf32, #tpu.memory_space<vmem>>, vector<16xf32>,
      } {sc.loop_unroll_factor = 1 : i64, sc.parallel_access}
      %add3A_132 = arith.constant 4 : i32
      %add3A_133 = arith.addi %add3A_113, %add3A_132 : i32
      %lt3A_134 = arith.constant 125 : i32
      %lt3A_135 = arith.cmpi slt, %add3A_133, %lt3A_134 : i32
      %convert_element_type3A_136 = arith.extui %lt3A_135 : i1 to i32
      %cond3A_137 = arith.constant 0 : i32
      %cond3A_138 = arith.cmpi ne, %convert_element_type3A_136, %cond3A_137 : i32
      scf.if %cond3A_138 {
        %add3A_197 = arith.constant 4 : i32
        %add3A_198 = arith.addi %add3A_113, %add3A_197 : i32
        %dma_start3A_199 = arith.constant 0 : i32
        %dma_start3A_200 = tpu.memref_slice %arg5[%add3A_198, %dma_start3A_199] : memref<125x80xi32, #tpu.memory_space<vmem>> -> memref<1x80xi32, #tpu.memory_space<vmem>>
        %dma_start3A_201 = tpu.memref_squeeze %dma_start3A_200 : memref<1x80xi32, #tpu.memory_space<vmem>> -> memref<80xi32, #tpu.memory_space<vmem>>
        %dma_start3A_202 = arith.constant 0 : i32
        %dma_start3A_203 = arith.constant 0 : i32
        %dma_start3A_204 = tpu.memref_slice %arg2[%dma_start3A_202, %dma_start3A_203] : memref<10000x64xi32, #tpu.memory_space<hbm>> -> memref<10000x64xi32, #tpu.memory_space<hbm>>
        tpu.enqueue_indirect_dma source(%dma_start3A_204 : memref<10000x64xi32, #tpu.memory_space<hbm>>) target(%arg9 : memref<80x64xi32, #tpu.memory_space<vmem>>) offsets(%dma_start3A_201 : memref<80xi32, #tpu.memory_space<vmem>>) semaphore(%arg19 : memref<!tpu.dma_semaphore, #tpu.memory_space<semaphore_mem>>)
        %dma_start3A_205 = arith.constant 0 : i32
        %dma_start3A_206 = tpu.memref_slice %arg6[%add3A_198, %dma_start3A_205] : memref<125x80xi32, #tpu.memory_space<vmem>> -> memref<1x80xi32, #tpu.memory_space<vmem>>
        %dma_start3A_207 = tpu.memref_squeeze %dma_start3A_206 : memref<1x80xi32, #tpu.memory_space<vmem>> -> memref<80xi32, #tpu.memory_space<vmem>>
        %dma_start3A_208 = arith.constant 0 : i32
        %dma_start3A_209 = arith.constant 0 : i32
        %dma_start3A_210 = tpu.memref_slice %arg2[%dma_start3A_208, %dma_start3A_209] : memref<10000x64xi32, #tpu.memory_space<hbm>> -> memref<10000x64xi32, #tpu.memory_space<hbm>>
        tpu.enqueue_indirect_dma source(%dma_start3A_210 : memref<10000x64xi32, #tpu.memory_space<hbm>>) target(%arg10 : memref<80x64xi32, #tpu.memory_space<vmem>>) offsets(%dma_start3A_207 : memref<80xi32, #tpu.memory_space<vmem>>) semaphore(%arg20 : memref<!tpu.dma_semaphore, #tpu.memory_space<semaphore_mem>>)
      } else {
      }
      %mul3A_139 = arith.constant 4 : i32
      %mul3A_140 = arith.muli %scan3A_83, %mul3A_139 : i32
      %add3A_141 = arith.constant 2 : i32
      %add3A_142 = arith.addi %mul3A_140, %add3A_141 : i32
      %dma_wait3A_143 = arith.constant 0 : i32
      %dma_wait3A_144 = tpu.memref_slice %arg5[%add3A_142, %dma_wait3A_143] : memref<125x80xi32, #tpu.memory_space<vmem>> -> memref<1x80xi32, #tpu.memory_space<vmem>>
      %dma_wait3A_145 = tpu.memref_squeeze %dma_wait3A_144 : memref<1x80xi32, #tpu.memory_space<vmem>> -> memref<80xi32, #tpu.memory_space<vmem>>
      %dma_wait3A_146 = arith.constant 0 : i32
      %dma_wait3A_147 = arith.constant 0 : i32
      %dma_wait3A_148 = tpu.memref_slice %arg2[%dma_wait3A_146, %dma_wait3A_147] : memref<10000x64xi32, #tpu.memory_space<hbm>> -> memref<10000x64xi32, #tpu.memory_space<hbm>>
      tpu.wait_indirect_dma semaphore(%arg21 : memref<!tpu.dma_semaphore, #tpu.memory_space<semaphore_mem>>) src(%dma_wait3A_148 : memref<10000x64xi32, #tpu.memory_space<hbm>>) dst(%arg11 : memref<80x64xi32, #tpu.memory_space<vmem>>)
      %dma_wait3A_149 = arith.constant 0 : i32
      %dma_wait3A_150 = tpu.memref_slice %arg6[%add3A_142, %dma_wait3A_149] : memref<125x80xi32, #tpu.memory_space<vmem>> -> memref<1x80xi32, #tpu.memory_space<vmem>>
      %dma_wait3A_151 = tpu.memref_squeeze %dma_wait3A_150 : memref<1x80xi32, #tpu.memory_space<vmem>> -> memref<80xi32, #tpu.memory_space<vmem>>
      %dma_wait3A_152 = arith.constant 0 : i32
      %dma_wait3A_153 = arith.constant 0 : i32
      %dma_wait3A_154 = tpu.memref_slice %arg2[%dma_wait3A_152, %dma_wait3A_153] : memref<10000x64xi32, #tpu.memory_space<hbm>> -> memref<10000x64xi32, #tpu.memory_space<hbm>>
      tpu.wait_indirect_dma semaphore(%arg22 : memref<!tpu.dma_semaphore, #tpu.memory_space<semaphore_mem>>) src(%dma_wait3A_154 : memref<10000x64xi32, #tpu.memory_space<hbm>>) dst(%arg12 : memref<80x64xi32, #tpu.memory_space<vmem>>)
      %parallel_loop3A_155 = arith.constant 0 : i32
      %parallel_loop3A_156 = arith.constant 80 : i32
      %parallel_loop3A_157 = arith.constant 1 : i32
      scf.for %parallel_loop3A_197 = %parallel_loop3A_155 to %parallel_loop3A_156 step %parallel_loop3A_157  : i32 {
        %parallel_loop3A_198 = arith.index_cast %parallel_loop3A_197 : i32 to index
        %parallel_loop3A_199 = arith.constant 0 : index
        %parallel_loop3A_200 = tpu.vector_load %arg11[%parallel_loop3A_198, %parallel_loop3A_199] {strides = array<i32>} : memref<80x64xi32, #tpu.memory_space<vmem>>, vector<16xi32>,
        %parallel_loop3A_201 = vector.bitcast %parallel_loop3A_200 : vector<16xi32> to vector<32xbf16>
        %parallel_loop3A_202 = arith.index_cast %parallel_loop3A_197 : i32 to index
        %parallel_loop3A_203 = arith.constant 0 : index
        %parallel_loop3A_204 = tpu.vector_load %arg12[%parallel_loop3A_202, %parallel_loop3A_203] {strides = array<i32>} : memref<80x64xi32, #tpu.memory_space<vmem>>, vector<16xi32>,
        %parallel_loop3A_205 = vector.bitcast %parallel_loop3A_204 : vector<16xi32> to vector<32xbf16>
        %parallel_loop3A_206 = tpu.unpack_subelements %parallel_loop3A_201, 0 {pack_format = #tpu.pack_format<interleaved>} : vector<32xbf16> -> vector<16xf32>
        %parallel_loop3A_207 = tpu.unpack_subelements %parallel_loop3A_201, 1 {pack_format = #tpu.pack_format<interleaved>} : vector<32xbf16> -> vector<16xf32>
        %parallel_loop3A_208 = tpu.unpack_subelements %parallel_loop3A_205, 0 {pack_format = #tpu.pack_format<interleaved>} : vector<32xbf16> -> vector<16xf32>
        %parallel_loop3A_209 = tpu.unpack_subelements %parallel_loop3A_205, 1 {pack_format = #tpu.pack_format<interleaved>} : vector<32xbf16> -> vector<16xf32>
        %parallel_loop3A_210 = arith.mulf %parallel_loop3A_206, %parallel_loop3A_208 : vector<16xf32>
        %parallel_loop3A_211 = arith.mulf %parallel_loop3A_207, %parallel_loop3A_209 : vector<16xf32>
        %parallel_loop3A_212 = arith.addf %parallel_loop3A_210, %parallel_loop3A_211 : vector<16xf32>
        %parallel_loop3A_213 = arith.index_cast %parallel_loop3A_197 : i32 to index
        %parallel_loop3A_214 = arith.constant 16 : index
        %parallel_loop3A_215 = tpu.vector_load %arg11[%parallel_loop3A_213, %parallel_loop3A_214] {strides = array<i32>} : memref<80x64xi32, #tpu.memory_space<vmem>>, vector<16xi32>,
        %parallel_loop3A_216 = vector.bitcast %parallel_loop3A_215 : vector<16xi32> to vector<32xbf16>
        %parallel_loop3A_217 = arith.index_cast %parallel_loop3A_197 : i32 to index
        %parallel_loop3A_218 = arith.constant 16 : index
        %parallel_loop3A_219 = tpu.vector_load %arg12[%parallel_loop3A_217, %parallel_loop3A_218] {strides = array<i32>} : memref<80x64xi32, #tpu.memory_space<vmem>>, vector<16xi32>,
        %parallel_loop3A_220 = vector.bitcast %parallel_loop3A_219 : vector<16xi32> to vector<32xbf16>
        %parallel_loop3A_221 = tpu.unpack_subelements %parallel_loop3A_216, 0 {pack_format = #tpu.pack_format<interleaved>} : vector<32xbf16> -> vector<16xf32>
        %parallel_loop3A_222 = tpu.unpack_subelements %parallel_loop3A_216, 1 {pack_format = #tpu.pack_format<interleaved>} : vector<32xbf16> -> vector<16xf32>
        %parallel_loop3A_223 = tpu.unpack_subelements %parallel_loop3A_220, 0 {pack_format = #tpu.pack_format<interleaved>} : vector<32xbf16> -> vector<16xf32>
        %parallel_loop3A_224 = tpu.unpack_subelements %parallel_loop3A_220, 1 {pack_format = #tpu.pack_format<interleaved>} : vector<32xbf16> -> vector<16xf32>
        %parallel_loop3A_225 = arith.mulf %parallel_loop3A_221, %parallel_loop3A_223 : vector<16xf32>
        %parallel_loop3A_226 = arith.mulf %parallel_loop3A_222, %parallel_loop3A_224 : vector<16xf32>
        %parallel_loop3A_227 = arith.addf %parallel_loop3A_225, %parallel_loop3A_226 : vector<16xf32>
        %parallel_loop3A_228 = arith.addf %parallel_loop3A_212, %parallel_loop3A_227 : vector<16xf32>
        %parallel_loop3A_229 = arith.index_cast %parallel_loop3A_197 : i32 to index
        %parallel_loop3A_230 = arith.constant 32 : index
        %parallel_loop3A_231 = tpu.vector_load %arg11[%parallel_loop3A_229, %parallel_loop3A_230] {strides = array<i32>} : memref<80x64xi32, #tpu.memory_space<vmem>>, vector<16xi32>,
        %parallel_loop3A_232 = vector.bitcast %parallel_loop3A_231 : vector<16xi32> to vector<32xbf16>
        %parallel_loop3A_233 = arith.index_cast %parallel_loop3A_197 : i32 to index
        %parallel_loop3A_234 = arith.constant 32 : index
        %parallel_loop3A_235 = tpu.vector_load %arg12[%parallel_loop3A_233, %parallel_loop3A_234] {strides = array<i32>} : memref<80x64xi32, #tpu.memory_space<vmem>>, vector<16xi32>,
        %parallel_loop3A_236 = vector.bitcast %parallel_loop3A_235 : vector<16xi32> to vector<32xbf16>
        %parallel_loop3A_237 = tpu.unpack_subelements %parallel_loop3A_232, 0 {pack_format = #tpu.pack_format<interleaved>} : vector<32xbf16> -> vector<16xf32>
        %parallel_loop3A_238 = tpu.unpack_subelements %parallel_loop3A_232, 1 {pack_format = #tpu.pack_format<interleaved>} : vector<32xbf16> -> vector<16xf32>
        %parallel_loop3A_239 = tpu.unpack_subelements %parallel_loop3A_236, 0 {pack_format = #tpu.pack_format<interleaved>} : vector<32xbf16> -> vector<16xf32>
        %parallel_loop3A_240 = tpu.unpack_subelements %parallel_loop3A_236, 1 {pack_format = #tpu.pack_format<interleaved>} : vector<32xbf16> -> vector<16xf32>
        %parallel_loop3A_241 = arith.mulf %parallel_loop3A_237, %parallel_loop3A_239 : vector<16xf32>
        %parallel_loop3A_242 = arith.mulf %parallel_loop3A_238, %parallel_loop3A_240 : vector<16xf32>
        %parallel_loop3A_243 = arith.addf %parallel_loop3A_241, %parallel_loop3A_242 : vector<16xf32>
        %parallel_loop3A_244 = arith.addf %parallel_loop3A_228, %parallel_loop3A_243 : vector<16xf32>
        %parallel_loop3A_245 = arith.index_cast %parallel_loop3A_197 : i32 to index
        %parallel_loop3A_246 = arith.constant 48 : index
        %parallel_loop3A_247 = tpu.vector_load %arg11[%parallel_loop3A_245, %parallel_loop3A_246] {strides = array<i32>} : memref<80x64xi32, #tpu.memory_space<vmem>>, vector<16xi32>,
        %parallel_loop3A_248 = vector.bitcast %parallel_loop3A_247 : vector<16xi32> to vector<32xbf16>
        %parallel_loop3A_249 = arith.index_cast %parallel_loop3A_197 : i32 to index
        %parallel_loop3A_250 = arith.constant 48 : index
        %parallel_loop3A_251 = tpu.vector_load %arg12[%parallel_loop3A_249, %parallel_loop3A_250] {strides = array<i32>} : memref<80x64xi32, #tpu.memory_space<vmem>>, vector<16xi32>,
        %parallel_loop3A_252 = vector.bitcast %parallel_loop3A_251 : vector<16xi32> to vector<32xbf16>
        %parallel_loop3A_253 = tpu.unpack_subelements %parallel_loop3A_248, 0 {pack_format = #tpu.pack_format<interleaved>} : vector<32xbf16> -> vector<16xf32>
        %parallel_loop3A_254 = tpu.unpack_subelements %parallel_loop3A_248, 1 {pack_format = #tpu.pack_format<interleaved>} : vector<32xbf16> -> vector<16xf32>
        %parallel_loop3A_255 = tpu.unpack_subelements %parallel_loop3A_252, 0 {pack_format = #tpu.pack_format<interleaved>} : vector<32xbf16> -> vector<16xf32>
        %parallel_loop3A_256 = tpu.unpack_subelements %parallel_loop3A_252, 1 {pack_format = #tpu.pack_format<interleaved>} : vector<32xbf16> -> vector<16xf32>
        %parallel_loop3A_257 = arith.mulf %parallel_loop3A_253, %parallel_loop3A_255 : vector<16xf32>
        %parallel_loop3A_258 = arith.mulf %parallel_loop3A_254, %parallel_loop3A_256 : vector<16xf32>
        %parallel_loop3A_259 = arith.addf %parallel_loop3A_257, %parallel_loop3A_258 : vector<16xf32>
        %parallel_loop3A_260 = arith.addf %parallel_loop3A_244, %parallel_loop3A_259 : vector<16xf32>
        %parallel_loop3A_261 = arith.constant 16 : i32
        %parallel_loop3A_262 = arith.muli %parallel_loop3A_197, %parallel_loop3A_261 : i32
        %parallel_loop3A_263 = tpu.assume_multiple %parallel_loop3A_262, 16 : i32
        %parallel_loop3A_264 = arith.index_cast %parallel_loop3A_263 : i32 to index
        %parallel_loop3A_265 = tpu.vector_load %arg16[%parallel_loop3A_264] {strides = array<i32>} : memref<1280xf32, #tpu.memory_space<vmem>>, vector<16xf32>,
        tpu.vector_store %arg16[%parallel_loop3A_264], %parallel_loop3A_260 {strides = array<i32>} : memref<1280xf32, #tpu.memory_space<vmem>>, vector<16xf32>,
      } {sc.loop_unroll_factor = 8 : i64, sc.parallel_access}
      %parallel_loop3A_158 = arith.constant 0 : i32
      %parallel_loop3A_159 = arith.constant 5 : i32
      %parallel_loop3A_160 = arith.constant 1 : i32
      scf.for %parallel_loop3A_197 = %parallel_loop3A_158 to %parallel_loop3A_159 step %parallel_loop3A_160  : i32 {
        %parallel_loop3A_198 = arith.constant 256 : i32
        %parallel_loop3A_199 = arith.muli %parallel_loop3A_197, %parallel_loop3A_198 : i32
        %parallel_loop3A_200 = vector.broadcast %parallel_loop3A_199 : i32 to vector<16xi32>
        %parallel_loop3A_201 = arith.addi %parallel_loop3A_200, %mul3A_4 : vector<16xi32>
        %parallel_loop3A_202 = tpu.vector_load_idx %arg16[%parallel_loop3A_201] : memref<1280xf32, #tpu.memory_space<vmem>>[vector<16xi32>], vector<16xf32>,
        %parallel_loop3A_203 = arith.constant 1 : i32
        %parallel_loop3A_204 = vector.broadcast %parallel_loop3A_203 : i32 to vector<16xi32>
        %parallel_loop3A_205 = arith.addi %parallel_loop3A_201, %parallel_loop3A_204 : vector<16xi32>
        %parallel_loop3A_206 = tpu.vector_load_idx %arg16[%parallel_loop3A_205] : memref<1280xf32, #tpu.memory_space<vmem>>[vector<16xi32>], vector<16xf32>,
        %parallel_loop3A_207 = arith.addf %parallel_loop3A_202, %parallel_loop3A_206 : vector<16xf32>
        %parallel_loop3A_208 = arith.constant 2 : i32
        %parallel_loop3A_209 = vector.broadcast %parallel_loop3A_208 : i32 to vector<16xi32>
        %parallel_loop3A_210 = arith.addi %parallel_loop3A_201, %parallel_loop3A_209 : vector<16xi32>
        %parallel_loop3A_211 = tpu.vector_load_idx %arg16[%parallel_loop3A_210] : memref<1280xf32, #tpu.memory_space<vmem>>[vector<16xi32>], vector<16xf32>,
        %parallel_loop3A_212 = arith.addf %parallel_loop3A_207, %parallel_loop3A_211 : vector<16xf32>
        %parallel_loop3A_213 = arith.constant 3 : i32
        %parallel_loop3A_214 = vector.broadcast %parallel_loop3A_213 : i32 to vector<16xi32>
        %parallel_loop3A_215 = arith.addi %parallel_loop3A_201, %parallel_loop3A_214 : vector<16xi32>
        %parallel_loop3A_216 = tpu.vector_load_idx %arg16[%parallel_loop3A_215] : memref<1280xf32, #tpu.memory_space<vmem>>[vector<16xi32>], vector<16xf32>,
        %parallel_loop3A_217 = arith.addf %parallel_loop3A_212, %parallel_loop3A_216 : vector<16xf32>
        %parallel_loop3A_218 = arith.constant 4 : i32
        %parallel_loop3A_219 = vector.broadcast %parallel_loop3A_218 : i32 to vector<16xi32>
        %parallel_loop3A_220 = arith.addi %parallel_loop3A_201, %parallel_loop3A_219 : vector<16xi32>
        %parallel_loop3A_221 = tpu.vector_load_idx %arg16[%parallel_loop3A_220] : memref<1280xf32, #tpu.memory_space<vmem>>[vector<16xi32>], vector<16xf32>,
        %parallel_loop3A_222 = arith.addf %parallel_loop3A_217, %parallel_loop3A_221 : vector<16xf32>
        %parallel_loop3A_223 = arith.constant 5 : i32
        %parallel_loop3A_224 = vector.broadcast %parallel_loop3A_223 : i32 to vector<16xi32>
        %parallel_loop3A_225 = arith.addi %parallel_loop3A_201, %parallel_loop3A_224 : vector<16xi32>
        %parallel_loop3A_226 = tpu.vector_load_idx %arg16[%parallel_loop3A_225] : memref<1280xf32, #tpu.memory_space<vmem>>[vector<16xi32>], vector<16xf32>,
        %parallel_loop3A_227 = arith.addf %parallel_loop3A_222, %parallel_loop3A_226 : vector<16xf32>
        %parallel_loop3A_228 = arith.constant 6 : i32
        %parallel_loop3A_229 = vector.broadcast %parallel_loop3A_228 : i32 to vector<16xi32>
        %parallel_loop3A_230 = arith.addi %parallel_loop3A_201, %parallel_loop3A_229 : vector<16xi32>
        %parallel_loop3A_231 = tpu.vector_load_idx %arg16[%parallel_loop3A_230] : memref<1280xf32, #tpu.memory_space<vmem>>[vector<16xi32>], vector<16xf32>,
        %parallel_loop3A_232 = arith.addf %parallel_loop3A_227, %parallel_loop3A_231 : vector<16xf32>
        %parallel_loop3A_233 = arith.constant 7 : i32
        %parallel_loop3A_234 = vector.broadcast %parallel_loop3A_233 : i32 to vector<16xi32>
        %parallel_loop3A_235 = arith.addi %parallel_loop3A_201, %parallel_loop3A_234 : vector<16xi32>
        %parallel_loop3A_236 = tpu.vector_load_idx %arg16[%parallel_loop3A_235] : memref<1280xf32, #tpu.memory_space<vmem>>[vector<16xi32>], vector<16xf32>,
        %parallel_loop3A_237 = arith.addf %parallel_loop3A_232, %parallel_loop3A_236 : vector<16xf32>
        %parallel_loop3A_238 = arith.constant 8 : i32
        %parallel_loop3A_239 = vector.broadcast %parallel_loop3A_238 : i32 to vector<16xi32>
        %parallel_loop3A_240 = arith.addi %parallel_loop3A_201, %parallel_loop3A_239 : vector<16xi32>
        %parallel_loop3A_241 = tpu.vector_load_idx %arg16[%parallel_loop3A_240] : memref<1280xf32, #tpu.memory_space<vmem>>[vector<16xi32>], vector<16xf32>,
        %parallel_loop3A_242 = arith.addf %parallel_loop3A_237, %parallel_loop3A_241 : vector<16xf32>
        %parallel_loop3A_243 = arith.constant 9 : i32
        %parallel_loop3A_244 = vector.broadcast %parallel_loop3A_243 : i32 to vector<16xi32>
        %parallel_loop3A_245 = arith.addi %parallel_loop3A_201, %parallel_loop3A_244 : vector<16xi32>
        %parallel_loop3A_246 = tpu.vector_load_idx %arg16[%parallel_loop3A_245] : memref<1280xf32, #tpu.memory_space<vmem>>[vector<16xi32>], vector<16xf32>,
        %parallel_loop3A_247 = arith.addf %parallel_loop3A_242, %parallel_loop3A_246 : vector<16xf32>
        %parallel_loop3A_248 = arith.constant 10 : i32
        %parallel_loop3A_249 = vector.broadcast %parallel_loop3A_248 : i32 to vector<16xi32>
        %parallel_loop3A_250 = arith.addi %parallel_loop3A_201, %parallel_loop3A_249 : vector<16xi32>
        %parallel_loop3A_251 = tpu.vector_load_idx %arg16[%parallel_loop3A_250] : memref<1280xf32, #tpu.memory_space<vmem>>[vector<16xi32>], vector<16xf32>,
        %parallel_loop3A_252 = arith.addf %parallel_loop3A_247, %parallel_loop3A_251 : vector<16xf32>
        %parallel_loop3A_253 = arith.constant 11 : i32
        %parallel_loop3A_254 = vector.broadcast %parallel_loop3A_253 : i32 to vector<16xi32>
        %parallel_loop3A_255 = arith.addi %parallel_loop3A_201, %parallel_loop3A_254 : vector<16xi32>
        %parallel_loop3A_256 = tpu.vector_load_idx %arg16[%parallel_loop3A_255] : memref<1280xf32, #tpu.memory_space<vmem>>[vector<16xi32>], vector<16xf32>,
        %parallel_loop3A_257 = arith.addf %parallel_loop3A_252, %parallel_loop3A_256 : vector<16xf32>
        %parallel_loop3A_258 = arith.constant 12 : i32
        %parallel_loop3A_259 = vector.broadcast %parallel_loop3A_258 : i32 to vector<16xi32>
        %parallel_loop3A_260 = arith.addi %parallel_loop3A_201, %parallel_loop3A_259 : vector<16xi32>
        %parallel_loop3A_261 = tpu.vector_load_idx %arg16[%parallel_loop3A_260] : memref<1280xf32, #tpu.memory_space<vmem>>[vector<16xi32>], vector<16xf32>,
        %parallel_loop3A_262 = arith.addf %parallel_loop3A_257, %parallel_loop3A_261 : vector<16xf32>
        %parallel_loop3A_263 = arith.constant 13 : i32
        %parallel_loop3A_264 = vector.broadcast %parallel_loop3A_263 : i32 to vector<16xi32>
        %parallel_loop3A_265 = arith.addi %parallel_loop3A_201, %parallel_loop3A_264 : vector<16xi32>
        %parallel_loop3A_266 = tpu.vector_load_idx %arg16[%parallel_loop3A_265] : memref<1280xf32, #tpu.memory_space<vmem>>[vector<16xi32>], vector<16xf32>,
        %parallel_loop3A_267 = arith.addf %parallel_loop3A_262, %parallel_loop3A_266 : vector<16xf32>
        %parallel_loop3A_268 = arith.constant 14 : i32
        %parallel_loop3A_269 = vector.broadcast %parallel_loop3A_268 : i32 to vector<16xi32>
        %parallel_loop3A_270 = arith.addi %parallel_loop3A_201, %parallel_loop3A_269 : vector<16xi32>
        %parallel_loop3A_271 = tpu.vector_load_idx %arg16[%parallel_loop3A_270] : memref<1280xf32, #tpu.memory_space<vmem>>[vector<16xi32>], vector<16xf32>,
        %parallel_loop3A_272 = arith.addf %parallel_loop3A_267, %parallel_loop3A_271 : vector<16xf32>
        %parallel_loop3A_273 = arith.constant 15 : i32
        %parallel_loop3A_274 = vector.broadcast %parallel_loop3A_273 : i32 to vector<16xi32>
        %parallel_loop3A_275 = arith.addi %parallel_loop3A_201, %parallel_loop3A_274 : vector<16xi32>
        %parallel_loop3A_276 = tpu.vector_load_idx %arg16[%parallel_loop3A_275] : memref<1280xf32, #tpu.memory_space<vmem>>[vector<16xi32>], vector<16xf32>,
        %parallel_loop3A_277 = arith.addf %parallel_loop3A_272, %parallel_loop3A_276 : vector<16xf32>
        %parallel_loop3A_278 = arith.constant 80 : i32
        %parallel_loop3A_279 = arith.muli %add3A_142, %parallel_loop3A_278 : i32
        %parallel_loop3A_280 = arith.constant 16 : i32
        %parallel_loop3A_281 = arith.muli %parallel_loop3A_197, %parallel_loop3A_280 : i32
        %parallel_loop3A_282 = arith.addi %parallel_loop3A_279, %parallel_loop3A_281 : i32
        %parallel_loop3A_283 = tpu.assume_multiple %parallel_loop3A_282, 16 : i32
        %parallel_loop3A_284 = arith.index_cast %parallel_loop3A_283 : i32 to index
        %parallel_loop3A_285 = tpu.vector_load %arg15[%parallel_loop3A_284] {strides = array<i32>} : memref<10000xf32, #tpu.memory_space<vmem>>, vector<16xf32>,
        tpu.vector_store %arg15[%parallel_loop3A_284], %parallel_loop3A_277 {strides = array<i32>} : memref<10000xf32, #tpu.memory_space<vmem>>, vector<16xf32>,
      } {sc.loop_unroll_factor = 1 : i64, sc.parallel_access}
      %add3A_161 = arith.constant 4 : i32
      %add3A_162 = arith.addi %add3A_142, %add3A_161 : i32
      %lt3A_163 = arith.constant 125 : i32
      %lt3A_164 = arith.cmpi slt, %add3A_162, %lt3A_163 : i32
      %convert_element_type3A_165 = arith.extui %lt3A_164 : i1 to i32
      %cond3A_166 = arith.constant 0 : i32
      %cond3A_167 = arith.cmpi ne, %convert_element_type3A_165, %cond3A_166 : i32
      scf.if %cond3A_167 {
        %add3A_197 = arith.constant 4 : i32
        %add3A_198 = arith.addi %add3A_142, %add3A_197 : i32
        %dma_start3A_199 = arith.constant 0 : i32
        %dma_start3A_200 = tpu.memref_slice %arg5[%add3A_198, %dma_start3A_199] : memref<125x80xi32, #tpu.memory_space<vmem>> -> memref<1x80xi32, #tpu.memory_space<vmem>>
        %dma_start3A_201 = tpu.memref_squeeze %dma_start3A_200 : memref<1x80xi32, #tpu.memory_space<vmem>> -> memref<80xi32, #tpu.memory_space<vmem>>
        %dma_start3A_202 = arith.constant 0 : i32
        %dma_start3A_203 = arith.constant 0 : i32
        %dma_start3A_204 = tpu.memref_slice %arg2[%dma_start3A_202, %dma_start3A_203] : memref<10000x64xi32, #tpu.memory_space<hbm>> -> memref<10000x64xi32, #tpu.memory_space<hbm>>
        tpu.enqueue_indirect_dma source(%dma_start3A_204 : memref<10000x64xi32, #tpu.memory_space<hbm>>) target(%arg11 : memref<80x64xi32, #tpu.memory_space<vmem>>) offsets(%dma_start3A_201 : memref<80xi32, #tpu.memory_space<vmem>>) semaphore(%arg21 : memref<!tpu.dma_semaphore, #tpu.memory_space<semaphore_mem>>)
        %dma_start3A_205 = arith.constant 0 : i32
        %dma_start3A_206 = tpu.memref_slice %arg6[%add3A_198, %dma_start3A_205] : memref<125x80xi32, #tpu.memory_space<vmem>> -> memref<1x80xi32, #tpu.memory_space<vmem>>
        %dma_start3A_207 = tpu.memref_squeeze %dma_start3A_206 : memref<1x80xi32, #tpu.memory_space<vmem>> -> memref<80xi32, #tpu.memory_space<vmem>>
        %dma_start3A_208 = arith.constant 0 : i32
        %dma_start3A_209 = arith.constant 0 : i32
        %dma_start3A_210 = tpu.memref_slice %arg2[%dma_start3A_208, %dma_start3A_209] : memref<10000x64xi32, #tpu.memory_space<hbm>> -> memref<10000x64xi32, #tpu.memory_space<hbm>>
        tpu.enqueue_indirect_dma source(%dma_start3A_210 : memref<10000x64xi32, #tpu.memory_space<hbm>>) target(%arg12 : memref<80x64xi32, #tpu.memory_space<vmem>>) offsets(%dma_start3A_207 : memref<80xi32, #tpu.memory_space<vmem>>) semaphore(%arg22 : memref<!tpu.dma_semaphore, #tpu.memory_space<semaphore_mem>>)
      } else {
      }
      %mul3A_168 = arith.constant 4 : i32
      %mul3A_169 = arith.muli %scan3A_83, %mul3A_168 : i32
      %add3A_170 = arith.constant 3 : i32
      %add3A_171 = arith.addi %mul3A_169, %add3A_170 : i32
      %dma_wait3A_172 = arith.constant 0 : i32
      %dma_wait3A_173 = tpu.memref_slice %arg5[%add3A_171, %dma_wait3A_172] : memref<125x80xi32, #tpu.memory_space<vmem>> -> memref<1x80xi32, #tpu.memory_space<vmem>>
      %dma_wait3A_174 = tpu.memref_squeeze %dma_wait3A_173 : memref<1x80xi32, #tpu.memory_space<vmem>> -> memref<80xi32, #tpu.memory_space<vmem>>
      %dma_wait3A_175 = arith.constant 0 : i32
      %dma_wait3A_176 = arith.constant 0 : i32
      %dma_wait3A_177 = tpu.memref_slice %arg2[%dma_wait3A_175, %dma_wait3A_176] : memref<10000x64xi32, #tpu.memory_space<hbm>> -> memref<10000x64xi32, #tpu.memory_space<hbm>>
      tpu.wait_indirect_dma semaphore(%arg23 : memref<!tpu.dma_semaphore, #tpu.memory_space<semaphore_mem>>) src(%dma_wait3A_177 : memref<10000x64xi32, #tpu.memory_space<hbm>>) dst(%arg13 : memref<80x64xi32, #tpu.memory_space<vmem>>)
      %dma_wait3A_178 = arith.constant 0 : i32
      %dma_wait3A_179 = tpu.memref_slice %arg6[%add3A_171, %dma_wait3A_178] : memref<125x80xi32, #tpu.memory_space<vmem>> -> memref<1x80xi32, #tpu.memory_space<vmem>>
      %dma_wait3A_180 = tpu.memref_squeeze %dma_wait3A_179 : memref<1x80xi32, #tpu.memory_space<vmem>> -> memref<80xi32, #tpu.memory_space<vmem>>
      %dma_wait3A_181 = arith.constant 0 : i32
      %dma_wait3A_182 = arith.constant 0 : i32
      %dma_wait3A_183 = tpu.memref_slice %arg2[%dma_wait3A_181, %dma_wait3A_182] : memref<10000x64xi32, #tpu.memory_space<hbm>> -> memref<10000x64xi32, #tpu.memory_space<hbm>>
      tpu.wait_indirect_dma semaphore(%arg24 : memref<!tpu.dma_semaphore, #tpu.memory_space<semaphore_mem>>) src(%dma_wait3A_183 : memref<10000x64xi32, #tpu.memory_space<hbm>>) dst(%arg14 : memref<80x64xi32, #tpu.memory_space<vmem>>)
      %parallel_loop3A_184 = arith.constant 0 : i32
      %parallel_loop3A_185 = arith.constant 80 : i32
      %parallel_loop3A_186 = arith.constant 1 : i32
      scf.for %parallel_loop3A_197 = %parallel_loop3A_184 to %parallel_loop3A_185 step %parallel_loop3A_186  : i32 {
        %parallel_loop3A_198 = arith.index_cast %parallel_loop3A_197 : i32 to index
        %parallel_loop3A_199 = arith.constant 0 : index
        %parallel_loop3A_200 = tpu.vector_load %arg13[%parallel_loop3A_198, %parallel_loop3A_199] {strides = array<i32>} : memref<80x64xi32, #tpu.memory_space<vmem>>, vector<16xi32>,
        %parallel_loop3A_201 = vector.bitcast %parallel_loop3A_200 : vector<16xi32> to vector<32xbf16>
        %parallel_loop3A_202 = arith.index_cast %parallel_loop3A_197 : i32 to index
        %parallel_loop3A_203 = arith.constant 0 : index
        %parallel_loop3A_204 = tpu.vector_load %arg14[%parallel_loop3A_202, %parallel_loop3A_203] {strides = array<i32>} : memref<80x64xi32, #tpu.memory_space<vmem>>, vector<16xi32>,
        %parallel_loop3A_205 = vector.bitcast %parallel_loop3A_204 : vector<16xi32> to vector<32xbf16>
        %parallel_loop3A_206 = tpu.unpack_subelements %parallel_loop3A_201, 0 {pack_format = #tpu.pack_format<interleaved>} : vector<32xbf16> -> vector<16xf32>
        %parallel_loop3A_207 = tpu.unpack_subelements %parallel_loop3A_201, 1 {pack_format = #tpu.pack_format<interleaved>} : vector<32xbf16> -> vector<16xf32>
        %parallel_loop3A_208 = tpu.unpack_subelements %parallel_loop3A_205, 0 {pack_format = #tpu.pack_format<interleaved>} : vector<32xbf16> -> vector<16xf32>
        %parallel_loop3A_209 = tpu.unpack_subelements %parallel_loop3A_205, 1 {pack_format = #tpu.pack_format<interleaved>} : vector<32xbf16> -> vector<16xf32>
        %parallel_loop3A_210 = arith.mulf %parallel_loop3A_206, %parallel_loop3A_208 : vector<16xf32>
        %parallel_loop3A_211 = arith.mulf %parallel_loop3A_207, %parallel_loop3A_209 : vector<16xf32>
        %parallel_loop3A_212 = arith.addf %parallel_loop3A_210, %parallel_loop3A_211 : vector<16xf32>
        %parallel_loop3A_213 = arith.index_cast %parallel_loop3A_197 : i32 to index
        %parallel_loop3A_214 = arith.constant 16 : index
        %parallel_loop3A_215 = tpu.vector_load %arg13[%parallel_loop3A_213, %parallel_loop3A_214] {strides = array<i32>} : memref<80x64xi32, #tpu.memory_space<vmem>>, vector<16xi32>,
        %parallel_loop3A_216 = vector.bitcast %parallel_loop3A_215 : vector<16xi32> to vector<32xbf16>
        %parallel_loop3A_217 = arith.index_cast %parallel_loop3A_197 : i32 to index
        %parallel_loop3A_218 = arith.constant 16 : index
        %parallel_loop3A_219 = tpu.vector_load %arg14[%parallel_loop3A_217, %parallel_loop3A_218] {strides = array<i32>} : memref<80x64xi32, #tpu.memory_space<vmem>>, vector<16xi32>,
        %parallel_loop3A_220 = vector.bitcast %parallel_loop3A_219 : vector<16xi32> to vector<32xbf16>
        %parallel_loop3A_221 = tpu.unpack_subelements %parallel_loop3A_216, 0 {pack_format = #tpu.pack_format<interleaved>} : vector<32xbf16> -> vector<16xf32>
        %parallel_loop3A_222 = tpu.unpack_subelements %parallel_loop3A_216, 1 {pack_format = #tpu.pack_format<interleaved>} : vector<32xbf16> -> vector<16xf32>
        %parallel_loop3A_223 = tpu.unpack_subelements %parallel_loop3A_220, 0 {pack_format = #tpu.pack_format<interleaved>} : vector<32xbf16> -> vector<16xf32>
        %parallel_loop3A_224 = tpu.unpack_subelements %parallel_loop3A_220, 1 {pack_format = #tpu.pack_format<interleaved>} : vector<32xbf16> -> vector<16xf32>
        %parallel_loop3A_225 = arith.mulf %parallel_loop3A_221, %parallel_loop3A_223 : vector<16xf32>
        %parallel_loop3A_226 = arith.mulf %parallel_loop3A_222, %parallel_loop3A_224 : vector<16xf32>
        %parallel_loop3A_227 = arith.addf %parallel_loop3A_225, %parallel_loop3A_226 : vector<16xf32>
        %parallel_loop3A_228 = arith.addf %parallel_loop3A_212, %parallel_loop3A_227 : vector<16xf32>
        %parallel_loop3A_229 = arith.index_cast %parallel_loop3A_197 : i32 to index
        %parallel_loop3A_230 = arith.constant 32 : index
        %parallel_loop3A_231 = tpu.vector_load %arg13[%parallel_loop3A_229, %parallel_loop3A_230] {strides = array<i32>} : memref<80x64xi32, #tpu.memory_space<vmem>>, vector<16xi32>,
        %parallel_loop3A_232 = vector.bitcast %parallel_loop3A_231 : vector<16xi32> to vector<32xbf16>
        %parallel_loop3A_233 = arith.index_cast %parallel_loop3A_197 : i32 to index
        %parallel_loop3A_234 = arith.constant 32 : index
        %parallel_loop3A_235 = tpu.vector_load %arg14[%parallel_loop3A_233, %parallel_loop3A_234] {strides = array<i32>} : memref<80x64xi32, #tpu.memory_space<vmem>>, vector<16xi32>,
        %parallel_loop3A_236 = vector.bitcast %parallel_loop3A_235 : vector<16xi32> to vector<32xbf16>
        %parallel_loop3A_237 = tpu.unpack_subelements %parallel_loop3A_232, 0 {pack_format = #tpu.pack_format<interleaved>} : vector<32xbf16> -> vector<16xf32>
        %parallel_loop3A_238 = tpu.unpack_subelements %parallel_loop3A_232, 1 {pack_format = #tpu.pack_format<interleaved>} : vector<32xbf16> -> vector<16xf32>
        %parallel_loop3A_239 = tpu.unpack_subelements %parallel_loop3A_236, 0 {pack_format = #tpu.pack_format<interleaved>} : vector<32xbf16> -> vector<16xf32>
        %parallel_loop3A_240 = tpu.unpack_subelements %parallel_loop3A_236, 1 {pack_format = #tpu.pack_format<interleaved>} : vector<32xbf16> -> vector<16xf32>
        %parallel_loop3A_241 = arith.mulf %parallel_loop3A_237, %parallel_loop3A_239 : vector<16xf32>
        %parallel_loop3A_242 = arith.mulf %parallel_loop3A_238, %parallel_loop3A_240 : vector<16xf32>
        %parallel_loop3A_243 = arith.addf %parallel_loop3A_241, %parallel_loop3A_242 : vector<16xf32>
        %parallel_loop3A_244 = arith.addf %parallel_loop3A_228, %parallel_loop3A_243 : vector<16xf32>
        %parallel_loop3A_245 = arith.index_cast %parallel_loop3A_197 : i32 to index
        %parallel_loop3A_246 = arith.constant 48 : index
        %parallel_loop3A_247 = tpu.vector_load %arg13[%parallel_loop3A_245, %parallel_loop3A_246] {strides = array<i32>} : memref<80x64xi32, #tpu.memory_space<vmem>>, vector<16xi32>,
        %parallel_loop3A_248 = vector.bitcast %parallel_loop3A_247 : vector<16xi32> to vector<32xbf16>
        %parallel_loop3A_249 = arith.index_cast %parallel_loop3A_197 : i32 to index
        %parallel_loop3A_250 = arith.constant 48 : index
        %parallel_loop3A_251 = tpu.vector_load %arg14[%parallel_loop3A_249, %parallel_loop3A_250] {strides = array<i32>} : memref<80x64xi32, #tpu.memory_space<vmem>>, vector<16xi32>,
        %parallel_loop3A_252 = vector.bitcast %parallel_loop3A_251 : vector<16xi32> to vector<32xbf16>
        %parallel_loop3A_253 = tpu.unpack_subelements %parallel_loop3A_248, 0 {pack_format = #tpu.pack_format<interleaved>} : vector<32xbf16> -> vector<16xf32>
        %parallel_loop3A_254 = tpu.unpack_subelements %parallel_loop3A_248, 1 {pack_format = #tpu.pack_format<interleaved>} : vector<32xbf16> -> vector<16xf32>
        %parallel_loop3A_255 = tpu.unpack_subelements %parallel_loop3A_252, 0 {pack_format = #tpu.pack_format<interleaved>} : vector<32xbf16> -> vector<16xf32>
        %parallel_loop3A_256 = tpu.unpack_subelements %parallel_loop3A_252, 1 {pack_format = #tpu.pack_format<interleaved>} : vector<32xbf16> -> vector<16xf32>
        %parallel_loop3A_257 = arith.mulf %parallel_loop3A_253, %parallel_loop3A_255 : vector<16xf32>
        %parallel_loop3A_258 = arith.mulf %parallel_loop3A_254, %parallel_loop3A_256 : vector<16xf32>
        %parallel_loop3A_259 = arith.addf %parallel_loop3A_257, %parallel_loop3A_258 : vector<16xf32>
        %parallel_loop3A_260 = arith.addf %parallel_loop3A_244, %parallel_loop3A_259 : vector<16xf32>
        %parallel_loop3A_261 = arith.constant 16 : i32
        %parallel_loop3A_262 = arith.muli %parallel_loop3A_197, %parallel_loop3A_261 : i32
        %parallel_loop3A_263 = tpu.assume_multiple %parallel_loop3A_262, 16 : i32
        %parallel_loop3A_264 = arith.index_cast %parallel_loop3A_263 : i32 to index
        %parallel_loop3A_265 = tpu.vector_load %arg16[%parallel_loop3A_264] {strides = array<i32>} : memref<1280xf32, #tpu.memory_space<vmem>>, vector<16xf32>,
        tpu.vector_store %arg16[%parallel_loop3A_264], %parallel_loop3A_260 {strides = array<i32>} : memref<1280xf32, #tpu.memory_space<vmem>>, vector<16xf32>,
      } {sc.loop_unroll_factor = 8 : i64, sc.parallel_access}
      %parallel_loop3A_187 = arith.constant 0 : i32
      %parallel_loop3A_188 = arith.constant 5 : i32
      %parallel_loop3A_189 = arith.constant 1 : i32
      scf.for %parallel_loop3A_197 = %parallel_loop3A_187 to %parallel_loop3A_188 step %parallel_loop3A_189  : i32 {
        %parallel_loop3A_198 = arith.constant 256 : i32
        %parallel_loop3A_199 = arith.muli %parallel_loop3A_197, %parallel_loop3A_198 : i32
        %parallel_loop3A_200 = vector.broadcast %parallel_loop3A_199 : i32 to vector<16xi32>
        %parallel_loop3A_201 = arith.addi %parallel_loop3A_200, %mul3A_4 : vector<16xi32>
        %parallel_loop3A_202 = tpu.vector_load_idx %arg16[%parallel_loop3A_201] : memref<1280xf32, #tpu.memory_space<vmem>>[vector<16xi32>], vector<16xf32>,
        %parallel_loop3A_203 = arith.constant 1 : i32
        %parallel_loop3A_204 = vector.broadcast %parallel_loop3A_203 : i32 to vector<16xi32>
        %parallel_loop3A_205 = arith.addi %parallel_loop3A_201, %parallel_loop3A_204 : vector<16xi32>
        %parallel_loop3A_206 = tpu.vector_load_idx %arg16[%parallel_loop3A_205] : memref<1280xf32, #tpu.memory_space<vmem>>[vector<16xi32>], vector<16xf32>,
        %parallel_loop3A_207 = arith.addf %parallel_loop3A_202, %parallel_loop3A_206 : vector<16xf32>
        %parallel_loop3A_208 = arith.constant 2 : i32
        %parallel_loop3A_209 = vector.broadcast %parallel_loop3A_208 : i32 to vector<16xi32>
        %parallel_loop3A_210 = arith.addi %parallel_loop3A_201, %parallel_loop3A_209 : vector<16xi32>
        %parallel_loop3A_211 = tpu.vector_load_idx %arg16[%parallel_loop3A_210] : memref<1280xf32, #tpu.memory_space<vmem>>[vector<16xi32>], vector<16xf32>,
        %parallel_loop3A_212 = arith.addf %parallel_loop3A_207, %parallel_loop3A_211 : vector<16xf32>
        %parallel_loop3A_213 = arith.constant 3 : i32
        %parallel_loop3A_214 = vector.broadcast %parallel_loop3A_213 : i32 to vector<16xi32>
        %parallel_loop3A_215 = arith.addi %parallel_loop3A_201, %parallel_loop3A_214 : vector<16xi32>
        %parallel_loop3A_216 = tpu.vector_load_idx %arg16[%parallel_loop3A_215] : memref<1280xf32, #tpu.memory_space<vmem>>[vector<16xi32>], vector<16xf32>,
        %parallel_loop3A_217 = arith.addf %parallel_loop3A_212, %parallel_loop3A_216 : vector<16xf32>
        %parallel_loop3A_218 = arith.constant 4 : i32
        %parallel_loop3A_219 = vector.broadcast %parallel_loop3A_218 : i32 to vector<16xi32>
        %parallel_loop3A_220 = arith.addi %parallel_loop3A_201, %parallel_loop3A_219 : vector<16xi32>
        %parallel_loop3A_221 = tpu.vector_load_idx %arg16[%parallel_loop3A_220] : memref<1280xf32, #tpu.memory_space<vmem>>[vector<16xi32>], vector<16xf32>,
        %parallel_loop3A_222 = arith.addf %parallel_loop3A_217, %parallel_loop3A_221 : vector<16xf32>
        %parallel_loop3A_223 = arith.constant 5 : i32
        %parallel_loop3A_224 = vector.broadcast %parallel_loop3A_223 : i32 to vector<16xi32>
        %parallel_loop3A_225 = arith.addi %parallel_loop3A_201, %parallel_loop3A_224 : vector<16xi32>
        %parallel_loop3A_226 = tpu.vector_load_idx %arg16[%parallel_loop3A_225] : memref<1280xf32, #tpu.memory_space<vmem>>[vector<16xi32>], vector<16xf32>,
        %parallel_loop3A_227 = arith.addf %parallel_loop3A_222, %parallel_loop3A_226 : vector<16xf32>
        %parallel_loop3A_228 = arith.constant 6 : i32
        %parallel_loop3A_229 = vector.broadcast %parallel_loop3A_228 : i32 to vector<16xi32>
        %parallel_loop3A_230 = arith.addi %parallel_loop3A_201, %parallel_loop3A_229 : vector<16xi32>
        %parallel_loop3A_231 = tpu.vector_load_idx %arg16[%parallel_loop3A_230] : memref<1280xf32, #tpu.memory_space<vmem>>[vector<16xi32>], vector<16xf32>,
        %parallel_loop3A_232 = arith.addf %parallel_loop3A_227, %parallel_loop3A_231 : vector<16xf32>
        %parallel_loop3A_233 = arith.constant 7 : i32
        %parallel_loop3A_234 = vector.broadcast %parallel_loop3A_233 : i32 to vector<16xi32>
        %parallel_loop3A_235 = arith.addi %parallel_loop3A_201, %parallel_loop3A_234 : vector<16xi32>
        %parallel_loop3A_236 = tpu.vector_load_idx %arg16[%parallel_loop3A_235] : memref<1280xf32, #tpu.memory_space<vmem>>[vector<16xi32>], vector<16xf32>,
        %parallel_loop3A_237 = arith.addf %parallel_loop3A_232, %parallel_loop3A_236 : vector<16xf32>
        %parallel_loop3A_238 = arith.constant 8 : i32
        %parallel_loop3A_239 = vector.broadcast %parallel_loop3A_238 : i32 to vector<16xi32>
        %parallel_loop3A_240 = arith.addi %parallel_loop3A_201, %parallel_loop3A_239 : vector<16xi32>
        %parallel_loop3A_241 = tpu.vector_load_idx %arg16[%parallel_loop3A_240] : memref<1280xf32, #tpu.memory_space<vmem>>[vector<16xi32>], vector<16xf32>,
        %parallel_loop3A_242 = arith.addf %parallel_loop3A_237, %parallel_loop3A_241 : vector<16xf32>
        %parallel_loop3A_243 = arith.constant 9 : i32
        %parallel_loop3A_244 = vector.broadcast %parallel_loop3A_243 : i32 to vector<16xi32>
        %parallel_loop3A_245 = arith.addi %parallel_loop3A_201, %parallel_loop3A_244 : vector<16xi32>
        %parallel_loop3A_246 = tpu.vector_load_idx %arg16[%parallel_loop3A_245] : memref<1280xf32, #tpu.memory_space<vmem>>[vector<16xi32>], vector<16xf32>,
        %parallel_loop3A_247 = arith.addf %parallel_loop3A_242, %parallel_loop3A_246 : vector<16xf32>
        %parallel_loop3A_248 = arith.constant 10 : i32
        %parallel_loop3A_249 = vector.broadcast %parallel_loop3A_248 : i32 to vector<16xi32>
        %parallel_loop3A_250 = arith.addi %parallel_loop3A_201, %parallel_loop3A_249 : vector<16xi32>
        %parallel_loop3A_251 = tpu.vector_load_idx %arg16[%parallel_loop3A_250] : memref<1280xf32, #tpu.memory_space<vmem>>[vector<16xi32>], vector<16xf32>,
        %parallel_loop3A_252 = arith.addf %parallel_loop3A_247, %parallel_loop3A_251 : vector<16xf32>
        %parallel_loop3A_253 = arith.constant 11 : i32
        %parallel_loop3A_254 = vector.broadcast %parallel_loop3A_253 : i32 to vector<16xi32>
        %parallel_loop3A_255 = arith.addi %parallel_loop3A_201, %parallel_loop3A_254 : vector<16xi32>
        %parallel_loop3A_256 = tpu.vector_load_idx %arg16[%parallel_loop3A_255] : memref<1280xf32, #tpu.memory_space<vmem>>[vector<16xi32>], vector<16xf32>,
        %parallel_loop3A_257 = arith.addf %parallel_loop3A_252, %parallel_loop3A_256 : vector<16xf32>
        %parallel_loop3A_258 = arith.constant 12 : i32
        %parallel_loop3A_259 = vector.broadcast %parallel_loop3A_258 : i32 to vector<16xi32>
        %parallel_loop3A_260 = arith.addi %parallel_loop3A_201, %parallel_loop3A_259 : vector<16xi32>
        %parallel_loop3A_261 = tpu.vector_load_idx %arg16[%parallel_loop3A_260] : memref<1280xf32, #tpu.memory_space<vmem>>[vector<16xi32>], vector<16xf32>,
        %parallel_loop3A_262 = arith.addf %parallel_loop3A_257, %parallel_loop3A_261 : vector<16xf32>
        %parallel_loop3A_263 = arith.constant 13 : i32
        %parallel_loop3A_264 = vector.broadcast %parallel_loop3A_263 : i32 to vector<16xi32>
        %parallel_loop3A_265 = arith.addi %parallel_loop3A_201, %parallel_loop3A_264 : vector<16xi32>
        %parallel_loop3A_266 = tpu.vector_load_idx %arg16[%parallel_loop3A_265] : memref<1280xf32, #tpu.memory_space<vmem>>[vector<16xi32>], vector<16xf32>,
        %parallel_loop3A_267 = arith.addf %parallel_loop3A_262, %parallel_loop3A_266 : vector<16xf32>
        %parallel_loop3A_268 = arith.constant 14 : i32
        %parallel_loop3A_269 = vector.broadcast %parallel_loop3A_268 : i32 to vector<16xi32>
        %parallel_loop3A_270 = arith.addi %parallel_loop3A_201, %parallel_loop3A_269 : vector<16xi32>
        %parallel_loop3A_271 = tpu.vector_load_idx %arg16[%parallel_loop3A_270] : memref<1280xf32, #tpu.memory_space<vmem>>[vector<16xi32>], vector<16xf32>,
        %parallel_loop3A_272 = arith.addf %parallel_loop3A_267, %parallel_loop3A_271 : vector<16xf32>
        %parallel_loop3A_273 = arith.constant 15 : i32
        %parallel_loop3A_274 = vector.broadcast %parallel_loop3A_273 : i32 to vector<16xi32>
        %parallel_loop3A_275 = arith.addi %parallel_loop3A_201, %parallel_loop3A_274 : vector<16xi32>
        %parallel_loop3A_276 = tpu.vector_load_idx %arg16[%parallel_loop3A_275] : memref<1280xf32, #tpu.memory_space<vmem>>[vector<16xi32>], vector<16xf32>,
        %parallel_loop3A_277 = arith.addf %parallel_loop3A_272, %parallel_loop3A_276 : vector<16xf32>
        %parallel_loop3A_278 = arith.constant 80 : i32
        %parallel_loop3A_279 = arith.muli %add3A_171, %parallel_loop3A_278 : i32
        %parallel_loop3A_280 = arith.constant 16 : i32
        %parallel_loop3A_281 = arith.muli %parallel_loop3A_197, %parallel_loop3A_280 : i32
        %parallel_loop3A_282 = arith.addi %parallel_loop3A_279, %parallel_loop3A_281 : i32
        %parallel_loop3A_283 = tpu.assume_multiple %parallel_loop3A_282, 16 : i32
        %parallel_loop3A_284 = arith.index_cast %parallel_loop3A_283 : i32 to index
        %parallel_loop3A_285 = tpu.vector_load %arg15[%parallel_loop3A_284] {strides = array<i32>} : memref<10000xf32, #tpu.memory_space<vmem>>, vector<16xf32>,
        tpu.vector_store %arg15[%parallel_loop3A_284], %parallel_loop3A_277 {strides = array<i32>} : memref<10000xf32, #tpu.memory_space<vmem>>, vector<16xf32>,
      } {sc.loop_unroll_factor = 1 : i64, sc.parallel_access}
      %add3A_190 = arith.constant 4 : i32
      %add3A_191 = arith.addi %add3A_171, %add3A_190 : i32
      %lt3A_192 = arith.constant 125 : i32
      %lt3A_193 = arith.cmpi slt, %add3A_191, %lt3A_192 : i32
      %convert_element_type3A_194 = arith.extui %lt3A_193 : i1 to i32
      %cond3A_195 = arith.constant 0 : i32
      %cond3A_196 = arith.cmpi ne, %convert_element_type3A_194, %cond3A_195 : i32
      scf.if %cond3A_196 {
        %add3A_197 = arith.constant 4 : i32
        %add3A_198 = arith.addi %add3A_171, %add3A_197 : i32
        %dma_start3A_199 = arith.constant 0 : i32
        %dma_start3A_200 = tpu.memref_slice %arg5[%add3A_198, %dma_start3A_199] : memref<125x80xi32, #tpu.memory_space<vmem>> -> memref<1x80xi32, #tpu.memory_space<vmem>>
        %dma_start3A_201 = tpu.memref_squeeze %dma_start3A_200 : memref<1x80xi32, #tpu.memory_space<vmem>> -> memref<80xi32, #tpu.memory_space<vmem>>
        %dma_start3A_202 = arith.constant 0 : i32
        %dma_start3A_203 = arith.constant 0 : i32
        %dma_start3A_204 = tpu.memref_slice %arg2[%dma_start3A_202, %dma_start3A_203] : memref<10000x64xi32, #tpu.memory_space<hbm>> -> memref<10000x64xi32, #tpu.memory_space<hbm>>
        tpu.enqueue_indirect_dma source(%dma_start3A_204 : memref<10000x64xi32, #tpu.memory_space<hbm>>) target(%arg13 : memref<80x64xi32, #tpu.memory_space<vmem>>) offsets(%dma_start3A_201 : memref<80xi32, #tpu.memory_space<vmem>>) semaphore(%arg23 : memref<!tpu.dma_semaphore, #tpu.memory_space<semaphore_mem>>)
        %dma_start3A_205 = arith.constant 0 : i32
        %dma_start3A_206 = tpu.memref_slice %arg6[%add3A_198, %dma_start3A_205] : memref<125x80xi32, #tpu.memory_space<vmem>> -> memref<1x80xi32, #tpu.memory_space<vmem>>
        %dma_start3A_207 = tpu.memref_squeeze %dma_start3A_206 : memref<1x80xi32, #tpu.memory_space<vmem>> -> memref<80xi32, #tpu.memory_space<vmem>>
        %dma_start3A_208 = arith.constant 0 : i32
        %dma_start3A_209 = arith.constant 0 : i32
        %dma_start3A_210 = tpu.memref_slice %arg2[%dma_start3A_208, %dma_start3A_209] : memref<10000x64xi32, #tpu.memory_space<hbm>> -> memref<10000x64xi32, #tpu.memory_space<hbm>>
        tpu.enqueue_indirect_dma source(%dma_start3A_210 : memref<10000x64xi32, #tpu.memory_space<hbm>>) target(%arg14 : memref<80x64xi32, #tpu.memory_space<vmem>>) offsets(%dma_start3A_207 : memref<80xi32, #tpu.memory_space<vmem>>) semaphore(%arg24 : memref<!tpu.dma_semaphore, #tpu.memory_space<semaphore_mem>>)
      } else {
      }
    }
    %scan3A_64 = arith.constant 31 : i32
    %dma_wait3A = arith.constant 124 : i32
    %dma_wait3A_65 = arith.constant 0 : i32
    %dma_wait3A_66 = tpu.memref_slice %arg5[%dma_wait3A, %dma_wait3A_65] : memref<125x80xi32, #tpu.memory_space<vmem>> -> memref<1x80xi32, #tpu.memory_space<vmem>>
    %dma_wait3A_67 = tpu.memref_squeeze %dma_wait3A_66 : memref<1x80xi32, #tpu.memory_space<vmem>> -> memref<80xi32, #tpu.memory_space<vmem>>
    %dma_wait3A_68 = arith.constant 0 : i32
    %dma_wait3A_69 = arith.constant 0 : i32
    %dma_wait3A_70 = tpu.memref_slice %arg2[%dma_wait3A_68, %dma_wait3A_69] : memref<10000x64xi32, #tpu.memory_space<hbm>> -> memref<10000x64xi32, #tpu.memory_space<hbm>>
    tpu.wait_indirect_dma semaphore(%arg17 : memref<!tpu.dma_semaphore, #tpu.memory_space<semaphore_mem>>) src(%dma_wait3A_70 : memref<10000x64xi32, #tpu.memory_space<hbm>>) dst(%arg7 : memref<80x64xi32, #tpu.memory_space<vmem>>)
    %dma_wait3A_71 = arith.constant 124 : i32
    %dma_wait3A_72 = arith.constant 0 : i32
    %dma_wait3A_73 = tpu.memref_slice %arg6[%dma_wait3A_71, %dma_wait3A_72] : memref<125x80xi32, #tpu.memory_space<vmem>> -> memref<1x80xi32, #tpu.memory_space<vmem>>
    %dma_wait3A_74 = tpu.memref_squeeze %dma_wait3A_73 : memref<1x80xi32, #tpu.memory_space<vmem>> -> memref<80xi32, #tpu.memory_space<vmem>>
    %dma_wait3A_75 = arith.constant 0 : i32
    %dma_wait3A_76 = arith.constant 0 : i32
    %dma_wait3A_77 = tpu.memref_slice %arg2[%dma_wait3A_75, %dma_wait3A_76] : memref<10000x64xi32, #tpu.memory_space<hbm>> -> memref<10000x64xi32, #tpu.memory_space<hbm>>
    tpu.wait_indirect_dma semaphore(%arg18 : memref<!tpu.dma_semaphore, #tpu.memory_space<semaphore_mem>>) src(%dma_wait3A_77 : memref<10000x64xi32, #tpu.memory_space<hbm>>) dst(%arg8 : memref<80x64xi32, #tpu.memory_space<vmem>>)
    %parallel_loop3A = arith.constant 0 : i32
    %parallel_loop3A_78 = arith.constant 80 : i32
    %parallel_loop3A_79 = arith.constant 1 : i32
    scf.for %parallel_loop3A_83 = %parallel_loop3A to %parallel_loop3A_78 step %parallel_loop3A_79  : i32 {
      %parallel_loop3A_84 = arith.index_cast %parallel_loop3A_83 : i32 to index
      %parallel_loop3A_85 = arith.constant 0 : index
      %parallel_loop3A_86 = tpu.vector_load %arg7[%parallel_loop3A_84, %parallel_loop3A_85] {strides = array<i32>} : memref<80x64xi32, #tpu.memory_space<vmem>>, vector<16xi32>,
      %parallel_loop3A_87 = vector.bitcast %parallel_loop3A_86 : vector<16xi32> to vector<32xbf16>
      %parallel_loop3A_88 = arith.index_cast %parallel_loop3A_83 : i32 to index
      %parallel_loop3A_89 = arith.constant 0 : index
      %parallel_loop3A_90 = tpu.vector_load %arg8[%parallel_loop3A_88, %parallel_loop3A_89] {strides = array<i32>} : memref<80x64xi32, #tpu.memory_space<vmem>>, vector<16xi32>,
      %parallel_loop3A_91 = vector.bitcast %parallel_loop3A_90 : vector<16xi32> to vector<32xbf16>
      %parallel_loop3A_92 = tpu.unpack_subelements %parallel_loop3A_87, 0 {pack_format = #tpu.pack_format<interleaved>} : vector<32xbf16> -> vector<16xf32>
      %parallel_loop3A_93 = tpu.unpack_subelements %parallel_loop3A_87, 1 {pack_format = #tpu.pack_format<interleaved>} : vector<32xbf16> -> vector<16xf32>
      %parallel_loop3A_94 = tpu.unpack_subelements %parallel_loop3A_91, 0 {pack_format = #tpu.pack_format<interleaved>} : vector<32xbf16> -> vector<16xf32>
      %parallel_loop3A_95 = tpu.unpack_subelements %parallel_loop3A_91, 1 {pack_format = #tpu.pack_format<interleaved>} : vector<32xbf16> -> vector<16xf32>
      %parallel_loop3A_96 = arith.mulf %parallel_loop3A_92, %parallel_loop3A_94 : vector<16xf32>
      %parallel_loop3A_97 = arith.mulf %parallel_loop3A_93, %parallel_loop3A_95 : vector<16xf32>
      %parallel_loop3A_98 = arith.addf %parallel_loop3A_96, %parallel_loop3A_97 : vector<16xf32>
      %parallel_loop3A_99 = arith.index_cast %parallel_loop3A_83 : i32 to index
      %parallel_loop3A_100 = arith.constant 16 : index
      %parallel_loop3A_101 = tpu.vector_load %arg7[%parallel_loop3A_99, %parallel_loop3A_100] {strides = array<i32>} : memref<80x64xi32, #tpu.memory_space<vmem>>, vector<16xi32>,
      %parallel_loop3A_102 = vector.bitcast %parallel_loop3A_101 : vector<16xi32> to vector<32xbf16>
      %parallel_loop3A_103 = arith.index_cast %parallel_loop3A_83 : i32 to index
      %parallel_loop3A_104 = arith.constant 16 : index
      %parallel_loop3A_105 = tpu.vector_load %arg8[%parallel_loop3A_103, %parallel_loop3A_104] {strides = array<i32>} : memref<80x64xi32, #tpu.memory_space<vmem>>, vector<16xi32>,
      %parallel_loop3A_106 = vector.bitcast %parallel_loop3A_105 : vector<16xi32> to vector<32xbf16>
      %parallel_loop3A_107 = tpu.unpack_subelements %parallel_loop3A_102, 0 {pack_format = #tpu.pack_format<interleaved>} : vector<32xbf16> -> vector<16xf32>
      %parallel_loop3A_108 = tpu.unpack_subelements %parallel_loop3A_102, 1 {pack_format = #tpu.pack_format<interleaved>} : vector<32xbf16> -> vector<16xf32>
      %parallel_loop3A_109 = tpu.unpack_subelements %parallel_loop3A_106, 0 {pack_format = #tpu.pack_format<interleaved>} : vector<32xbf16> -> vector<16xf32>
      %parallel_loop3A_110 = tpu.unpack_subelements %parallel_loop3A_106, 1 {pack_format = #tpu.pack_format<interleaved>} : vector<32xbf16> -> vector<16xf32>
      %parallel_loop3A_111 = arith.mulf %parallel_loop3A_107, %parallel_loop3A_109 : vector<16xf32>
      %parallel_loop3A_112 = arith.mulf %parallel_loop3A_108, %parallel_loop3A_110 : vector<16xf32>
      %parallel_loop3A_113 = arith.addf %parallel_loop3A_111, %parallel_loop3A_112 : vector<16xf32>
      %parallel_loop3A_114 = arith.addf %parallel_loop3A_98, %parallel_loop3A_113 : vector<16xf32>
      %parallel_loop3A_115 = arith.index_cast %parallel_loop3A_83 : i32 to index
      %parallel_loop3A_116 = arith.constant 32 : index
      %parallel_loop3A_117 = tpu.vector_load %arg7[%parallel_loop3A_115, %parallel_loop3A_116] {strides = array<i32>} : memref<80x64xi32, #tpu.memory_space<vmem>>, vector<16xi32>,
      %parallel_loop3A_118 = vector.bitcast %parallel_loop3A_117 : vector<16xi32> to vector<32xbf16>
      %parallel_loop3A_119 = arith.index_cast %parallel_loop3A_83 : i32 to index
      %parallel_loop3A_120 = arith.constant 32 : index
      %parallel_loop3A_121 = tpu.vector_load %arg8[%parallel_loop3A_119, %parallel_loop3A_120] {strides = array<i32>} : memref<80x64xi32, #tpu.memory_space<vmem>>, vector<16xi32>,
      %parallel_loop3A_122 = vector.bitcast %parallel_loop3A_121 : vector<16xi32> to vector<32xbf16>
      %parallel_loop3A_123 = tpu.unpack_subelements %parallel_loop3A_118, 0 {pack_format = #tpu.pack_format<interleaved>} : vector<32xbf16> -> vector<16xf32>
      %parallel_loop3A_124 = tpu.unpack_subelements %parallel_loop3A_118, 1 {pack_format = #tpu.pack_format<interleaved>} : vector<32xbf16> -> vector<16xf32>
      %parallel_loop3A_125 = tpu.unpack_subelements %parallel_loop3A_122, 0 {pack_format = #tpu.pack_format<interleaved>} : vector<32xbf16> -> vector<16xf32>
      %parallel_loop3A_126 = tpu.unpack_subelements %parallel_loop3A_122, 1 {pack_format = #tpu.pack_format<interleaved>} : vector<32xbf16> -> vector<16xf32>
      %parallel_loop3A_127 = arith.mulf %parallel_loop3A_123, %parallel_loop3A_125 : vector<16xf32>
      %parallel_loop3A_128 = arith.mulf %parallel_loop3A_124, %parallel_loop3A_126 : vector<16xf32>
      %parallel_loop3A_129 = arith.addf %parallel_loop3A_127, %parallel_loop3A_128 : vector<16xf32>
      %parallel_loop3A_130 = arith.addf %parallel_loop3A_114, %parallel_loop3A_129 : vector<16xf32>
      %parallel_loop3A_131 = arith.index_cast %parallel_loop3A_83 : i32 to index
      %parallel_loop3A_132 = arith.constant 48 : index
      %parallel_loop3A_133 = tpu.vector_load %arg7[%parallel_loop3A_131, %parallel_loop3A_132] {strides = array<i32>} : memref<80x64xi32, #tpu.memory_space<vmem>>, vector<16xi32>,
      %parallel_loop3A_134 = vector.bitcast %parallel_loop3A_133 : vector<16xi32> to vector<32xbf16>
      %parallel_loop3A_135 = arith.index_cast %parallel_loop3A_83 : i32 to index
      %parallel_loop3A_136 = arith.constant 48 : index
      %parallel_loop3A_137 = tpu.vector_load %arg8[%parallel_loop3A_135, %parallel_loop3A_136] {strides = array<i32>} : memref<80x64xi32, #tpu.memory_space<vmem>>, vector<16xi32>,
      %parallel_loop3A_138 = vector.bitcast %parallel_loop3A_137 : vector<16xi32> to vector<32xbf16>
      %parallel_loop3A_139 = tpu.unpack_subelements %parallel_loop3A_134, 0 {pack_format = #tpu.pack_format<interleaved>} : vector<32xbf16> -> vector<16xf32>
      %parallel_loop3A_140 = tpu.unpack_subelements %parallel_loop3A_134, 1 {pack_format = #tpu.pack_format<interleaved>} : vector<32xbf16> -> vector<16xf32>
      %parallel_loop3A_141 = tpu.unpack_subelements %parallel_loop3A_138, 0 {pack_format = #tpu.pack_format<interleaved>} : vector<32xbf16> -> vector<16xf32>
      %parallel_loop3A_142 = tpu.unpack_subelements %parallel_loop3A_138, 1 {pack_format = #tpu.pack_format<interleaved>} : vector<32xbf16> -> vector<16xf32>
      %parallel_loop3A_143 = arith.mulf %parallel_loop3A_139, %parallel_loop3A_141 : vector<16xf32>
      %parallel_loop3A_144 = arith.mulf %parallel_loop3A_140, %parallel_loop3A_142 : vector<16xf32>
      %parallel_loop3A_145 = arith.addf %parallel_loop3A_143, %parallel_loop3A_144 : vector<16xf32>
      %parallel_loop3A_146 = arith.addf %parallel_loop3A_130, %parallel_loop3A_145 : vector<16xf32>
      %parallel_loop3A_147 = arith.constant 16 : i32
      %parallel_loop3A_148 = arith.muli %parallel_loop3A_83, %parallel_loop3A_147 : i32
      %parallel_loop3A_149 = tpu.assume_multiple %parallel_loop3A_148, 16 : i32
      %parallel_loop3A_150 = arith.index_cast %parallel_loop3A_149 : i32 to index
      %parallel_loop3A_151 = tpu.vector_load %arg16[%parallel_loop3A_150] {strides = array<i32>} : memref<1280xf32, #tpu.memory_space<vmem>>, vector<16xf32>,
      tpu.vector_store %arg16[%parallel_loop3A_150], %parallel_loop3A_146 {strides = array<i32>} : memref<1280xf32, #tpu.memory_space<vmem>>, vector<16xf32>,
    } {sc.loop_unroll_factor = 8 : i64, sc.parallel_access}
    %parallel_loop3A_80 = arith.constant 0 : i32
    %parallel_loop3A_81 = arith.constant 5 : i32
    %parallel_loop3A_82 = arith.constant 1 : i32
    scf.for %parallel_loop3A_83 = %parallel_loop3A_80 to %parallel_loop3A_81 step %parallel_loop3A_82  : i32 {
      %parallel_loop3A_84 = arith.constant 256 : i32
      %parallel_loop3A_85 = arith.muli %parallel_loop3A_83, %parallel_loop3A_84 : i32
      %parallel_loop3A_86 = vector.broadcast %parallel_loop3A_85 : i32 to vector<16xi32>
      %parallel_loop3A_87 = arith.addi %parallel_loop3A_86, %mul3A_4 : vector<16xi32>
      %parallel_loop3A_88 = tpu.vector_load_idx %arg16[%parallel_loop3A_87] : memref<1280xf32, #tpu.memory_space<vmem>>[vector<16xi32>], vector<16xf32>,
      %parallel_loop3A_89 = arith.constant 1 : i32
      %parallel_loop3A_90 = vector.broadcast %parallel_loop3A_89 : i32 to vector<16xi32>
      %parallel_loop3A_91 = arith.addi %parallel_loop3A_87, %parallel_loop3A_90 : vector<16xi32>
      %parallel_loop3A_92 = tpu.vector_load_idx %arg16[%parallel_loop3A_91] : memref<1280xf32, #tpu.memory_space<vmem>>[vector<16xi32>], vector<16xf32>,
      %parallel_loop3A_93 = arith.addf %parallel_loop3A_88, %parallel_loop3A_92 : vector<16xf32>
      %parallel_loop3A_94 = arith.constant 2 : i32
      %parallel_loop3A_95 = vector.broadcast %parallel_loop3A_94 : i32 to vector<16xi32>
      %parallel_loop3A_96 = arith.addi %parallel_loop3A_87, %parallel_loop3A_95 : vector<16xi32>
      %parallel_loop3A_97 = tpu.vector_load_idx %arg16[%parallel_loop3A_96] : memref<1280xf32, #tpu.memory_space<vmem>>[vector<16xi32>], vector<16xf32>,
      %parallel_loop3A_98 = arith.addf %parallel_loop3A_93, %parallel_loop3A_97 : vector<16xf32>
      %parallel_loop3A_99 = arith.constant 3 : i32
      %parallel_loop3A_100 = vector.broadcast %parallel_loop3A_99 : i32 to vector<16xi32>
      %parallel_loop3A_101 = arith.addi %parallel_loop3A_87, %parallel_loop3A_100 : vector<16xi32>
      %parallel_loop3A_102 = tpu.vector_load_idx %arg16[%parallel_loop3A_101] : memref<1280xf32, #tpu.memory_space<vmem>>[vector<16xi32>], vector<16xf32>,
      %parallel_loop3A_103 = arith.addf %parallel_loop3A_98, %parallel_loop3A_102 : vector<16xf32>
      %parallel_loop3A_104 = arith.constant 4 : i32
      %parallel_loop3A_105 = vector.broadcast %parallel_loop3A_104 : i32 to vector<16xi32>
      %parallel_loop3A_106 = arith.addi %parallel_loop3A_87, %parallel_loop3A_105 : vector<16xi32>
      %parallel_loop3A_107 = tpu.vector_load_idx %arg16[%parallel_loop3A_106] : memref<1280xf32, #tpu.memory_space<vmem>>[vector<16xi32>], vector<16xf32>,
      %parallel_loop3A_108 = arith.addf %parallel_loop3A_103, %parallel_loop3A_107 : vector<16xf32>
      %parallel_loop3A_109 = arith.constant 5 : i32
      %parallel_loop3A_110 = vector.broadcast %parallel_loop3A_109 : i32 to vector<16xi32>
      %parallel_loop3A_111 = arith.addi %parallel_loop3A_87, %parallel_loop3A_110 : vector<16xi32>
      %parallel_loop3A_112 = tpu.vector_load_idx %arg16[%parallel_loop3A_111] : memref<1280xf32, #tpu.memory_space<vmem>>[vector<16xi32>], vector<16xf32>,
      %parallel_loop3A_113 = arith.addf %parallel_loop3A_108, %parallel_loop3A_112 : vector<16xf32>
      %parallel_loop3A_114 = arith.constant 6 : i32
      %parallel_loop3A_115 = vector.broadcast %parallel_loop3A_114 : i32 to vector<16xi32>
      %parallel_loop3A_116 = arith.addi %parallel_loop3A_87, %parallel_loop3A_115 : vector<16xi32>
      %parallel_loop3A_117 = tpu.vector_load_idx %arg16[%parallel_loop3A_116] : memref<1280xf32, #tpu.memory_space<vmem>>[vector<16xi32>], vector<16xf32>,
      %parallel_loop3A_118 = arith.addf %parallel_loop3A_113, %parallel_loop3A_117 : vector<16xf32>
      %parallel_loop3A_119 = arith.constant 7 : i32
      %parallel_loop3A_120 = vector.broadcast %parallel_loop3A_119 : i32 to vector<16xi32>
      %parallel_loop3A_121 = arith.addi %parallel_loop3A_87, %parallel_loop3A_120 : vector<16xi32>
      %parallel_loop3A_122 = tpu.vector_load_idx %arg16[%parallel_loop3A_121] : memref<1280xf32, #tpu.memory_space<vmem>>[vector<16xi32>], vector<16xf32>,
      %parallel_loop3A_123 = arith.addf %parallel_loop3A_118, %parallel_loop3A_122 : vector<16xf32>
      %parallel_loop3A_124 = arith.constant 8 : i32
      %parallel_loop3A_125 = vector.broadcast %parallel_loop3A_124 : i32 to vector<16xi32>
      %parallel_loop3A_126 = arith.addi %parallel_loop3A_87, %parallel_loop3A_125 : vector<16xi32>
      %parallel_loop3A_127 = tpu.vector_load_idx %arg16[%parallel_loop3A_126] : memref<1280xf32, #tpu.memory_space<vmem>>[vector<16xi32>], vector<16xf32>,
      %parallel_loop3A_128 = arith.addf %parallel_loop3A_123, %parallel_loop3A_127 : vector<16xf32>
      %parallel_loop3A_129 = arith.constant 9 : i32
      %parallel_loop3A_130 = vector.broadcast %parallel_loop3A_129 : i32 to vector<16xi32>
      %parallel_loop3A_131 = arith.addi %parallel_loop3A_87, %parallel_loop3A_130 : vector<16xi32>
      %parallel_loop3A_132 = tpu.vector_load_idx %arg16[%parallel_loop3A_131] : memref<1280xf32, #tpu.memory_space<vmem>>[vector<16xi32>], vector<16xf32>,
      %parallel_loop3A_133 = arith.addf %parallel_loop3A_128, %parallel_loop3A_132 : vector<16xf32>
      %parallel_loop3A_134 = arith.constant 10 : i32
      %parallel_loop3A_135 = vector.broadcast %parallel_loop3A_134 : i32 to vector<16xi32>
      %parallel_loop3A_136 = arith.addi %parallel_loop3A_87, %parallel_loop3A_135 : vector<16xi32>
      %parallel_loop3A_137 = tpu.vector_load_idx %arg16[%parallel_loop3A_136] : memref<1280xf32, #tpu.memory_space<vmem>>[vector<16xi32>], vector<16xf32>,
      %parallel_loop3A_138 = arith.addf %parallel_loop3A_133, %parallel_loop3A_137 : vector<16xf32>
      %parallel_loop3A_139 = arith.constant 11 : i32
      %parallel_loop3A_140 = vector.broadcast %parallel_loop3A_139 : i32 to vector<16xi32>
      %parallel_loop3A_141 = arith.addi %parallel_loop3A_87, %parallel_loop3A_140 : vector<16xi32>
      %parallel_loop3A_142 = tpu.vector_load_idx %arg16[%parallel_loop3A_141] : memref<1280xf32, #tpu.memory_space<vmem>>[vector<16xi32>], vector<16xf32>,
      %parallel_loop3A_143 = arith.addf %parallel_loop3A_138, %parallel_loop3A_142 : vector<16xf32>
      %parallel_loop3A_144 = arith.constant 12 : i32
      %parallel_loop3A_145 = vector.broadcast %parallel_loop3A_144 : i32 to vector<16xi32>
      %parallel_loop3A_146 = arith.addi %parallel_loop3A_87, %parallel_loop3A_145 : vector<16xi32>
      %parallel_loop3A_147 = tpu.vector_load_idx %arg16[%parallel_loop3A_146] : memref<1280xf32, #tpu.memory_space<vmem>>[vector<16xi32>], vector<16xf32>,
      %parallel_loop3A_148 = arith.addf %parallel_loop3A_143, %parallel_loop3A_147 : vector<16xf32>
      %parallel_loop3A_149 = arith.constant 13 : i32
      %parallel_loop3A_150 = vector.broadcast %parallel_loop3A_149 : i32 to vector<16xi32>
      %parallel_loop3A_151 = arith.addi %parallel_loop3A_87, %parallel_loop3A_150 : vector<16xi32>
      %parallel_loop3A_152 = tpu.vector_load_idx %arg16[%parallel_loop3A_151] : memref<1280xf32, #tpu.memory_space<vmem>>[vector<16xi32>], vector<16xf32>,
      %parallel_loop3A_153 = arith.addf %parallel_loop3A_148, %parallel_loop3A_152 : vector<16xf32>
      %parallel_loop3A_154 = arith.constant 14 : i32
      %parallel_loop3A_155 = vector.broadcast %parallel_loop3A_154 : i32 to vector<16xi32>
      %parallel_loop3A_156 = arith.addi %parallel_loop3A_87, %parallel_loop3A_155 : vector<16xi32>
      %parallel_loop3A_157 = tpu.vector_load_idx %arg16[%parallel_loop3A_156] : memref<1280xf32, #tpu.memory_space<vmem>>[vector<16xi32>], vector<16xf32>,
      %parallel_loop3A_158 = arith.addf %parallel_loop3A_153, %parallel_loop3A_157 : vector<16xf32>
      %parallel_loop3A_159 = arith.constant 15 : i32
      %parallel_loop3A_160 = vector.broadcast %parallel_loop3A_159 : i32 to vector<16xi32>
      %parallel_loop3A_161 = arith.addi %parallel_loop3A_87, %parallel_loop3A_160 : vector<16xi32>
      %parallel_loop3A_162 = tpu.vector_load_idx %arg16[%parallel_loop3A_161] : memref<1280xf32, #tpu.memory_space<vmem>>[vector<16xi32>], vector<16xf32>,
      %parallel_loop3A_163 = arith.addf %parallel_loop3A_158, %parallel_loop3A_162 : vector<16xf32>
      %parallel_loop3A_164 = arith.constant 16 : i32
      %parallel_loop3A_165 = arith.muli %parallel_loop3A_83, %parallel_loop3A_164 : i32
      %parallel_loop3A_166 = arith.constant 9920 : i32
      %parallel_loop3A_167 = arith.addi %parallel_loop3A_166, %parallel_loop3A_165 : i32
      %parallel_loop3A_168 = tpu.assume_multiple %parallel_loop3A_167, 16 : i32
      %parallel_loop3A_169 = arith.index_cast %parallel_loop3A_168 : i32 to index
      %parallel_loop3A_170 = tpu.vector_load %arg15[%parallel_loop3A_169] {strides = array<i32>} : memref<10000xf32, #tpu.memory_space<vmem>>, vector<16xf32>,
      tpu.vector_store %arg15[%parallel_loop3A_169], %parallel_loop3A_163 {strides = array<i32>} : memref<10000xf32, #tpu.memory_space<vmem>>, vector<16xf32>,
    } {sc.loop_unroll_factor = 1 : i64, sc.parallel_access}
    "tpu.region"() ({
      %run_scoped3A_83 = tpu.sem_alloc : memref<!tpu.dma_semaphore, #tpu.memory_space<semaphore_mem>>
      %dma_start3A_84 = arith.constant 0 : i32
      %dma_start3A_85 = tpu.memref_slice %arg4[%add3A, %dma_start3A_84] : memref<32x10000xf32, #tpu.memory_space<hbm>> -> memref<1x10000xf32, #tpu.memory_space<hbm>>
      %dma_start3A_86 = tpu.memref_squeeze %dma_start3A_85 : memref<1x10000xf32, #tpu.memory_space<hbm>> -> memref<10000xf32, #tpu.memory_space<hbm>>
      %dma_start3A_87 = arith.constant 0 : i32
      %dma_start3A_88 = tpu.memref_slice %arg4[%add3A, %dma_start3A_87] : memref<32x10000xf32, #tpu.memory_space<hbm>> -> memref<1x10000xf32, #tpu.memory_space<hbm>>
      %dma_start3A_89 = tpu.memref_squeeze %dma_start3A_88 : memref<1x10000xf32, #tpu.memory_space<hbm>> -> memref<10000xf32, #tpu.memory_space<hbm>>
      tpu.enqueue_dma source(%arg15 : memref<10000xf32, #tpu.memory_space<vmem>>) target(%dma_start3A_89 : memref<10000xf32, #tpu.memory_space<hbm>>) target_semaphore(%run_scoped3A_83 : memref<!tpu.dma_semaphore, #tpu.memory_space<semaphore_mem>>)
      %dma_wait3A_90 = arith.constant 0 : i32
      %dma_wait3A_91 = tpu.memref_slice %arg4[%add3A, %dma_wait3A_90] : memref<32x10000xf32, #tpu.memory_space<hbm>> -> memref<1x10000xf32, #tpu.memory_space<hbm>>
      %dma_wait3A_92 = tpu.memref_squeeze %dma_wait3A_91 : memref<1x10000xf32, #tpu.memory_space<hbm>> -> memref<10000xf32, #tpu.memory_space<hbm>>
      %dma_wait3A_93 = arith.constant 0 : i32
      %dma_wait3A_94 = tpu.memref_slice %arg4[%add3A, %dma_wait3A_93] : memref<32x10000xf32, #tpu.memory_space<hbm>> -> memref<1x10000xf32, #tpu.memory_space<hbm>>
      %dma_wait3A_95 = tpu.memref_squeeze %dma_wait3A_94 : memref<1x10000xf32, #tpu.memory_space<hbm>> -> memref<10000xf32, #tpu.memory_space<hbm>>
      tpu.wait_dma2 semaphore(%run_scoped3A_83 : memref<!tpu.dma_semaphore, #tpu.memory_space<semaphore_mem>>) src(%arg15 : memref<10000xf32, #tpu.memory_space<vmem>>) dst(%dma_wait3A_95 : memref<10000xf32, #tpu.memory_space<hbm>>)
      tpu.yield
    }) : () -> ()
    return
  }
}

</mosaic_0001>

<sc_bundles>
// kernel: _edge_dot.3.cloned.1.call-start
scs
__scs_entry_jumppad:
0x0: {  	(pc) =	sbr.rel $0x88, $3  }
0x1: {  	(tag) =	ssettag $0x0;
	lr =	simm.s32 $0x1  }
0x2: {  	[smem:$0x3F9F] =	sst lr;
	_ =	strace $0xD0000000  }
0x3: {  	_ = 	snop  }
0x4: {  	_ = 	snop  }
0x5: {  	_ = 	snop  }
0x6: {  	_ = 	snop  }
0x7: {  	_ = 	snop  }
__scs_overlays_trampoline_lowered:
0x8: {  	[smem:$0x3FAE] =	sst s0  }
0x9: {  	[smem:$0x3FAF] =	sst s1  }
0xa: {  	[smem:$0x3FB0] =	sst s2  }
0xb: {  	[smem:$0x3FB1] =	sst s3  }
0xc: {  	[smem:$0x3FB2] =	sst s4  }
0xd: {  	[smem:$0x3FB3] =	sst s5  }
0xe: {  	[smem:$0x3FB4] =	sst s6  }
0xf: {  	[smem:$0x3FB5] =	sst s7  }
0x10: {  	[smem:$0x3FB6] =	sst s8  }
0x11: {  	[smem:$0x3FB7] =	sst s9;
	s0 =	simm.s32 @!p0 $0x0  }
0x12: {  	s1 =	sld [smem:$0x3F9D];
	s0 =	simm.s32 @p0 $0x1  }
0x13: {  	[smem:$0x3FB8] =	sst s0;
	s0 =	simm.s32 @!p1 $0x0  }
0x14: {  	s2 =	sld [smem:$0x3F9C];
	s0 =	simm.s32 @p1 $0x1  }
0x15: {  	[smem:$0x3FB9] =	sst s0;
	s0 =	simm.s32 @!p2 $0x0  }
0x16: {  	s3 =	sld [smem:$0x3FDB];
	s0 =	simm.s32 @p2 $0x1  }
0x17: {  	s4 =	simm.s32 $0x1BF5;
	[smem:$0x3FBB] =	sst s0  }
0x18: {  	s0 =	sld [smem:$0x3F9E];
	_ =	swait.ge [sflag:s4], $0x0  }
0x19: {  	s7 =	sld [smem:$0x3F9F]  }
0x1a: {  	s8 =	sadd.s32 $0xFFFFE003, lr  }
0x1b: {  	s9 =	sadd.s32 $0xFFFFFEF7, lr;
	s5 =	simm.s32 $0xFFFFFFFF;
	p2 =	slt.u32 s8, $0xFFFFF086  }
0x1c: {  	p1 =	slt.u32 s9, $0xF7A;
	s5 =	simm.s32 @!p2 $0x0  }
0x1d: {  	s5 =	simm.s32 @p1 $0x1;
	p0 =	seq.s32 s7, s2  }
0x1e: {  	s7 =	smul.u32 @!p0 $0xF7A, s2;
	p2 =	seq.s32 @!p0 s5, $0x0  }
0x1f: {  	s9 =	smul.u32 $0xF7A, s1;
	s8 =	simm.s32 @!p0 $0x1BF5;
	p2 =	por !p2, p0  }
0x20: {  	[sflag:s8] =	ssyncset.s32 @!p0 $0xFFFFF086;
	s6 =	sadd.s32 @!p0 s3, s7;
	s7 =	simm.s32 @!p0 $0x108  }
0x21: {  	s3 =	sadd.s32 s3, s9;
	s6 =	sadd.s32 @!p0 $0x88, s6;
	s7 =	simm.s32 @p2 $0x1082  }
0x22: {  	[simem:s7], [sflag:s8] =	dma.local @!p0 [hbm:s6], $0xF7A  }
0x23: {  	s9 =	sor.u32 $0xD0000000, s2;
	s6 =	simm.s32 $0x108;
	_ =	swait.ge @!p0 [sflag:s8], $0x0  }
0x24: {  	s3 =	sadd.s32 $0x88, s3;
	s6 =	simm.s32 @!p1 $0x1082;
	[sflag:s4] =	ssyncset.s32 $0xFFFFF086  }
0x25: {  	[simem:s6], [sflag:s4] =	dma.local [hbm:s3], $0xF7A  }
0x26: {  	[smem:$0x3F9F] =	sst s1;
	(tag) =	ssettag s2;
	_ =	strace s9  }
0x27: {  	s1 =	sld [smem:$0x3FAF]  }
0x28: {  	s2 =	sld [smem:$0x3FB0]  }
0x29: {  	s4 =	sld [smem:$0x3FB2]  }
0x2a: {  	p0 =	seq.s32 s5, $0x0;
	s5 =	sld [smem:$0x3FB3]  }
0x2b: {  	s6 =	sld [smem:$0x3FB4]  }
0x2c: {  	s7 =	sld [smem:$0x3FB5]  }
0x2d: {  	s3 =	simm.s32 $0x108;
	s8 =	sld [smem:$0x3FB6]  }
0x2e: {  	s3 =	simm.s32 @!p0 $0x1082;
	s9 =	sld [smem:$0x3FB7]  }
0x2f: {  	lr =	sadd.s32 s0, s3;
	s0 =	sld [smem:$0x3FAE]  }
0x30: {  	s3 =	sld [smem:$0x3FB1]  }
0x31: {  	[smem:$0x3FBA] =	sst s10  }
0x32: {  	s10 =	sld [smem:$0x3FB8];
	_ =	sdelay $0x3  }
0x33: {  	p0 =	seq.s32 s10, $0x1;
	s10 =	sld [smem:$0x3FBA];
	_ =	sdelay $0x3  }
0x34: {  	[smem:$0x3FBA] =	sst s10  }
0x35: {  	s10 =	sld [smem:$0x3FB9];
	_ =	sdelay $0x3  }
0x36: {  	p1 =	seq.s32 s10, $0x1;
	s10 =	sld [smem:$0x3FBA];
	_ =	sdelay $0x3  }
0x37: {  	[smem:$0x3FBA] =	sst s10  }
0x38: {  	s10 =	sld [smem:$0x3FBB]  }
0x39: {  	_ = 	snop;
	(pc) =	sbr.ind lr, $3  }
0x3a: {  	_ = 	snop  }
0x3b: {  	_ = 	snop  }
0x3c: {  	p2 =	seq.s32 s10, $0x1;
	s10 =	sld [smem:$0x3FBA]  }
0x3d: {  	_ =	shalt  }
0x3e: {  	_ =	shalt  }
0x3f: {  	_ =	shalt  }
0x40: {  	_ =	shalt  }
0x41: {  	_ =	shalt  }
0x42: {  	_ =	shalt  }
0x43: {  	_ =	shalt  }
0x44: {  	_ =	shalt  }
0x45: {  	_ =	shalt  }
0x46: {  	_ =	shalt  }
0x47: {  	_ =	shalt  }
0x48: {  	_ =	shalt  }
0x49: {  	_ =	shalt  }
0x4a: {  	_ =	shalt  }
0x4b: {  	_ =	shalt  }
0x4c: {  	_ =	shalt  }
0x4d: {  	_ =	shalt  }
0x4e: {  	_ =	shalt  }
0x4f: {  	_ =	shalt  }
0x50: {  	_ =	shalt  }
0x51: {  	_ =	shalt  }
0x52: {  	_ =	shalt  }
0x53: {  	_ =	shalt  }
0x54: {  	_ =	shalt  }
0x55: {  	_ =	shalt  }
0x56: {  	_ =	shalt  }
0x57: {  	_ =	shalt  }
0x58: {  	_ =	shalt  }
0x59: {  	_ =	shalt  }
0x5a: {  	_ =	shalt  }
0x5b: {  	_ =	shalt  }
0x5c: {  	_ =	shalt  }
0x5d: {  	_ =	shalt  }
0x5e: {  	_ =	shalt  }
0x5f: {  	_ =	shalt  }
0x60: {  	_ =	shalt  }
0x61: {  	_ =	shalt  }
0x62: {  	_ =	shalt  }
0x63: {  	_ =	shalt  }
0x64: {  	_ =	shalt  }
0x65: {  	_ =	shalt  }
0x66: {  	_ =	shalt  }
0x67: {  	_ =	shalt  }
0x68: {  	_ =	shalt  }
0x69: {  	_ =	shalt  }
0x6a: {  	_ =	shalt  }
0x6b: {  	_ =	shalt  }
0x6c: {  	_ =	shalt  }
0x6d: {  	_ =	shalt  }
0x6e: {  	_ =	shalt  }
0x6f: {  	_ =	shalt  }
0x70: {  	_ =	shalt  }
0x71: {  	_ =	shalt  }
0x72: {  	_ =	shalt  }
0x73: {  	_ =	shalt  }
0x74: {  	_ =	shalt  }
0x75: {  	_ =	shalt  }
0x76: {  	_ =	shalt  }
0x77: {  	_ =	shalt  }
0x78: {  	_ =	shalt  }
0x79: {  	_ =	shalt  }
0x7a: {  	_ =	shalt  }
0x7b: {  	_ =	shalt  }
0x7c: {  	_ =	shalt  }
0x7d: {  	_ =	shalt  }
0x7e: {  	_ =	shalt  }
0x7f: {  	_ =	shalt  }
0x80: {  	_ =	shalt  }
0x81: {  	_ =	shalt  }
0x82: {  	_ =	shalt  }
0x83: {  	_ =	shalt  }
0x84: {  	_ =	shalt  }
0x85: {  	_ =	shalt  }
0x86: {  	_ =	shalt  }
0x87: {  	_ =	shalt  }
.Lfunc_end0:
.L_simem_size_0:
called_computation_lowered:
.L_overlay_start_0:
0x88: {  	s2 =	sld [smem:$0x3FD9]  }
0x89: {  	s3 =	sld [smem:$0x3FFE];
	_ =	sdelay $0x1  }
0x8a: {  	s1 =	srdreg.scid  }
0x8b: {  	s0 =	sand.u32 $0x1, s1  }
0x8c: {  	s16 =	sshll.u32 s0, $0xA;
	s2 =	sadd.s32 s3, s2  }
0x8d: {  	s2 =	sadd.s32 s2, s16  }
0x8e: {  	[smem:$0x3FC6] =	sst s2  }
0x8f: {  	_ = 	snop  }
0x90: {  	(tm) =	ssettm $0x1  }
0x91: {  	s17 =	sld [smem:$0x3FFB];
	_ =	sdelay $0x3  }
0x92: {  	_ =	strace s17  }
0x93: {  	s2 =	sld [smem:$0x3FFC];
	_ =	sdelay $0x3  }
0x94: {  	_ =	strace s2  }
0x95: {  	s2 =	sld [smem:$0x3FFD];
	_ =	sdelay $0x3  }
0x96: {  	_ =	strace s2  }
0x97: {  	_ =	strace $0x8FFFFFFF  }
0x98: {  	s18 =	sld [smem:$0x3FDB];
	_ =	sdelay $0x1  }
0x99: {  	s19 =	simm.s32 $_scs_section_size  }
0x9a: {  	s4 =	simm.s32 $_size__tile_overlayer_lowered;
	s5 =	simm.s32 $_tile_overlayer_lowered  }
0x9b: {  	s22 =	simm.s32 $0x1BFF;
	s21 =	sshll.u32 s5, $0x1;
	s2 =	sadd.s32 s19, s18  }
0x9c: {  	s6 =	simm.s32 $0x0;
	s20 =	sshll.u32 s4, $0x1;
	s4 =	sadd.s32 s21, s2  }
0x9d: {  	[timem:s6], [sflag:s22] =	dma.local [hbm:s4], s20  }
0x9e: {  	_ =	swait.ge [sflag:s22], s20  }
0x9f: {  	s3 =	ssub.s32 $0x0, s20;
	[sflag:s22] =	ssyncset.done $0x0  }
0xa0: {  	[sflag:s22] =	ssyncadd.s32 s3;
	_ =	sdelay $0x1  }
0xa1: {  	s23 =	simm.s32 $0x1B8B  }
0xa2: {  	_ =	swait.ge [sflag:s23], $0x1  }
0xa3: {  	[sflag:s23] =	ssyncset.done $0x0  }
0xa4: {  	s25 =	simm.s32 $0x1B8E;
	s24 =	sld [smem:$0x3FFE];
	[sflag:s23] =	ssyncadd.s32 $0xFFFFFFFF  }
0xa5: {  	s26 =	simm.s32 $execute0_lowered;
	[smem:$0x3FD2] =	sst s25  }
0xa6: {  	s4 =	sshll.u32 s26, $0x1;
	_ =	strace $0x80000046;
	[dreg:$0x1] =	wrdreg $0xFFFFFFFF  }
0xa7: {  	s28 =	simm.s32 $_size_execute0_lowered;
	s2 =	sadd.s32 s2, s4;
	[dreg:$0x0] =	wrdreg $0x0  }
0xa8: {  	s4 =	sshll.u32 s28, $0x1;
	[dreg:$0x2] =	wrdreg s2  }
0xa9: {  	[dreg:$0x3] =	wrdreg s4  }
0xaa: {  	[dreg:$0x4] =	wrdreg $0xC0  }
0xab: {  	_ =	task [dreg:s6], $0x5FFFF  }
0xac: {  	[dreg:$0x1] =	wrdreg $0xFFFFFFFF  }
0xad: {  	[dreg:$0x0] =	wrdreg $0x60  }
0xae: {  	[dreg:$0x2] =	wrdreg s24  }
0xaf: {  	[dreg:$0x3] =	wrdreg $0x9  }
0xb0: {  	_ =	task.clear_ibuf [dreg:s6], $0x4FFFF;
	_ =	strace $0x90000046  }
0xb1: {  	s29 =	simm.s32 $0x9;
	_ =	strace $0x80000048  }
0xb2: {  	_ =	swait.ge [sflag:s29], $0x1  }
0xb3: {  	[sflag:s29] =	ssyncadd.s32 $0xFFFFFFFF  }
0xb4: {  	_ =	strace $0x90000048  }
0xb5: {  	_ =	sfence  }
0xb6: {  	s30 =	sld [smem:$0x0];
	_ =	sdelay $0x2  }
0xb7: {  	s31 =	sshll.u32 s1, $0xD;
	s1 =	sshrl.u32 s1, $0x2  }
0xb8: {  	s3 =	sand.u32 $0x4000, s31;
	s1 =	sadd.s32 s1, s30  }
0xb9: {  	s0 =	sor.u32 s3, s0;
	s1 =	sshll.u32 s1, $0x11  }
0xba: {  	s0 =	sor.u32 s1, s0  }
0xbb: {  	s0 =	sadd.s32 $0x8F2B, s0  }
0xbc: {  	[sflag:s0] =	ssyncadd.remote.s32 $0x1  }
0xbd: {  	_ =	sfence.sel $0xFFFF  }
0xbe: {  	[dreg:$0x0] =	wrdreg $0xFFFFFFFF;
	(pc) =	sbr.abs _section_cstart, $3  }
0xbf: {  	[dreg:$0x1] =	wrdreg $0xFFFFFFFF  }
0xc0: {  	_ =	task.clear_ibuf [dreg:s6], $0x2FFFF;
	_ =	strace $0x9FFFFFFF  }
0xc1: {  	(tm) =	ssettm $0x7FFFFFFF  }
tec
execute0_lowered:
.L_overlay_start_1:
0x0: {  	(tag) =	ssettag $0x1  }
0x1: {  	s0 =	srdreg.scid;
	s1 =	stileid.u32  }
0x2: {  	s3 =	rddreg [dreg:$0x0];
	s2 =	simm.s32 $0x0;
	s8 =	simm.s32 $0x9  }
0x3: {  	s10 =	simm.s32 $0x50;
	s11 =	simm.s32 $0x4E20;
	s12 =	simm.s32 $0x6220  }
0x4: {  	s21 =	simm.s32 $0xC620;
	s23 =	simm.s32 $0xDA20;
	s24 =	simm.s32 $0x1  }
0x5: {  	s28 =	simm.s32 $0x3;
	s0 =	sand.u32 $0x1, s0;
	s1 =	sshll.u32 s1, $0x1  }
0x6: {  	s29 =	simm.s32 $0x4;
	s30 =	simm.s32 $0x5;
	s1 =	sor.u32 s0, s1  }
0x7: {  	s31 =	simm.s32 $0x6;
	s0 =	ssub.s32 $0x2, s0;
	s1 =	smul.u32 $0x2710, s1  }
0x8: {  	s14 =	simm.s32 $0x0;
	[smem:$0x7FF] =	sst s2;
	s4 =	sshrl.u32 s0, $0x1  }
0x9: {  	_ =	strace $0x80000047;
	s0 =	ssub.s32 s0, s4;
	s1 =	sshrl.u32 s1, $0x3  }
0xa: {  	v0 =	vlaneseq.u32;
	s7 =	smax.u32 s0, $0x1;
	s0 =	simm.s32 $0x8;
	s1 =	sadd.s32 s1, s3  }
0xb: {  	v63 =	vmul.u32 $0x10, v0;
	s3 =	sadd.s32 $0x600, s3;
	s25 =	sadd.s32 $0x14000, s1;
	s26 =	sadd.s32 $0x1DC40, s1  }
0xc: {  	s6 =	sadd.s32 $0x27A00, s1;
	s1 =	simm.s32 $0x7;
	[dreg:$0x2] =	wrdreg s25  }
0xd: {  	[tilespmem:$0x1FFF0] =	vst v63;
	[dreg:$0x3] =	wrdreg s26;
	s25 =	simm.s32 $0x2;
	s26 =	simm.s32 $0x11530  }
.LBB2_1:
0xe: {  	s4 =	rddreg [dreg:$0x2]  }
0xf: {  	[tilespmem:s2], [sflag:$0x9] =	stream.linear.gather [hbm4b:s4+s2], $0x2710, $0x38;
	[tilespmem:$0x11A30] =	vst v63  }
0x10: {  	_ =	swait.ge [sflag:s8], $0x2710  }
0x11: {  	[sflag:s8] =	ssyncset.done $0x0  }
0x12: {  	s5 =	simm.s32 $0x2710;
	s22 =	rddreg [dreg:$0x3];
	[sflag:s8] =	ssyncadd.s32 $0xFFFFD8F0  }
0x13: {  	[tilespmem:s5], [sflag:$0x9] =	stream.linear.gather [hbm4b:s22+s2], $0x2710, $0x38;
	[tilespmem:$0x11A30] =	vst v63  }
0x14: {  	_ =	swait.ge [sflag:s8], $0x2710  }
0x15: {  	[sflag:s8] =	ssyncset.done $0x0  }
0x16: {  	[sflag:s8] =	ssyncadd.s32 $0xFFFFD8F0  }
0x17: {  	[tilespmem:s11], [sflag:$0x1] =	stream.indirect.gather [hbm4b:s3+s10], $0x40, s2, s10, $0xb8;
	[tilespmem:$0x11A30] =	vst v63  }
0x18: {  	_ = 	snop  }
0x19: {  	[tilespmem:s12], [sflag:$0x2] =	stream.indirect.gather [hbm4b:s3+s10], $0x40, s5, s10, $0xb8;
	[tilespmem:$0x11A30] =	vst v63  }
0x1a: {  	s9 =	simm.s32 $0x7620  }
0x1b: {  	[tilespmem:s9], [sflag:$0x3] =	stream.indirect.gather [hbm4b:s3+s10], $0x40, s10, s10, $0xb8;
	[tilespmem:$0x11A30] =	vst v63  }
0x1c: {  	s13 =	simm.s32 $0x2760;
	s15 =	simm.s32 $0x8A20  }
0x1d: {  	[tilespmem:s15], [sflag:$0x4] =	stream.indirect.gather [hbm4b:s3+s10], $0x40, s13, s10, $0xb8;
	[tilespmem:$0x11A30] =	vst v63  }
0x1e: {  	s16 =	simm.s32 $0xA0;
	s17 =	simm.s32 $0x9E20  }
0x1f: {  	[tilespmem:s17], [sflag:$0x5] =	stream.indirect.gather [hbm4b:s3+s10], $0x40, s16, s10, $0xb8;
	[tilespmem:$0x11A30] =	vst v63  }
0x20: {  	s18 =	simm.s32 $0x27B0;
	s19 =	simm.s32 $0xB220;
	s20 =	simm.s32 $0xF0  }
0x21: {  	[tilespmem:s19], [sflag:$0x6] =	stream.indirect.gather [hbm4b:s3+s10], $0x40, s18, s10, $0xb8;
	[tilespmem:$0x11A30] =	vst v63  }
0x22: {  	s22 =	simm.s32 $0x2800;
	s15 =	simm.s32 $0xEE70;
	s16 =	simm.s32 $0xEEC0  }
0x23: {  	[tilespmem:s21], [sflag:$0x7] =	stream.indirect.gather [hbm4b:s3+s10], $0x40, s20, s10, $0xb8;
	[tilespmem:$0x11A30] =	vst v63  }
0x24: {  	s17 =	simm.s32 $0xEF10;
	s18 =	simm.s32 $0xEE20;
	s19 =	simm.s32 $0x0  }
0x25: {  	[tilespmem:s23], [sflag:$0x8] =	stream.indirect.gather [hbm4b:s3+s10], $0x40, s22, s10, $0xb8;
	[tilespmem:$0x11A30] =	vst v63  }
.LBB2_2:
0x26: {  	_ =	swait.ge [sflag:s24], $0x1400  }
0x27: {  	[sflag:s24] =	ssyncset.done $0x0  }
0x28: {  	[sflag:s24] =	ssyncadd.s32 $0xFFFFEC00  }
0x29: {  	_ =	swait.ge [sflag:s25], $0x1400  }
0x2a: {  	[sflag:s25] =	ssyncset.done $0x0  }
0x2b: {  	s4 =	simm.s32 $0x4F20;
	[sflag:s25] =	ssyncadd.s32 $0xFFFFEC00  }
0x2c: {  	s20 =	simm.s32 $0x6320;
	v1 =	vld [tilespmem:s4+$0xF0]  }
0x2d: {  	v2 =	vld [tilespmem:s20+$0xF0]  }
0x2e: {  	v3 =	vld [tilespmem:s4+$0xE0]  }
0x2f: {  	v4 =	vld [tilespmem:s4+$0xC0]  }
0x30: {  	v5 =	vld [tilespmem:s20+$0xC0]  }
0x31: {  	v6 =	vld [tilespmem:s4+$0xD0]  }
0x32: {  	v7 =	vld [tilespmem:s20+$0xD0]  }
0x33: {  	v8 =	vld [tilespmem:s20+$0xFFFFFF00]  }
0x34: {  	v9 =	vld [tilespmem:s20+$0xE0]  }
0x35: {  	v21 =	vld [tilespmem:s4+$0xFFFFFFD0]  }
0x36: {  	v22 =	vld [tilespmem:s20+$0xFFFFFFD0]  }
0x37: {  	v25 =	vld [tilespmem:s4+$0x0];
	v10 =	vunpack.i.l.bf16.f32 v1  }
0x38: {  	v27 =	vld [tilespmem:s20+$0x0];
	v12 =	vunpack.i.u.bf16.f32 v4;
	v13 =	vunpack.i.l.bf16.f32 v3;
	v14 =	vunpack.i.l.bf16.f32 v2  }
0x39: {  	v30 =	vld [tilespmem:s4+$0x10];
	v4 =	vunpack.i.l.bf16.f32 v4;
	v16 =	vunpack.i.u.bf16.f32 v5;
	v5 =	vunpack.i.l.bf16.f32 v5  }
0x3a: {  	v47 =	vld [tilespmem:s4+$0xFFFFFF00];
	v18 =	vunpack.i.u.bf16.f32 v6;
	v6 =	vunpack.i.l.bf16.f32 v6;
	v19 =	vunpack.i.u.bf16.f32 v7  }
0x3b: {  	v56 =	vld [tilespmem:s4+$0xFFFFFFE0];
	v7 =	vunpack.i.l.bf16.f32 v7;
	v3 =	vunpack.i.u.bf16.f32 v3;
	v1 =	vunpack.i.u.bf16.f32 v1  }
0x3c: {  	v59 =	vld [tilespmem:s20+$0x20];
	v2 =	vunpack.i.u.bf16.f32 v2;
	v34 =	vunpack.i.u.bf16.f32 v21;
	v21 =	vunpack.i.l.bf16.f32 v21  }
0x3d: {  	v20 =	vld [tilespmem:s20+$0xFFFFFF40];
	v36 =	vunpack.i.u.bf16.f32 v22;
	v22 =	vunpack.i.l.bf16.f32 v22;
	v38 =	vunpack.i.u.bf16.f32 v25  }
0x3e: {  	v49 =	vld [tilespmem:s20+$0xFFFFFF20];
	v25 =	vunpack.i.l.bf16.f32 v25;
	v39 =	vunpack.i.u.bf16.f32 v27;
	v27 =	vunpack.i.l.bf16.f32 v27  }
0x3f: {  	v50 =	vld [tilespmem:s4+$0xFFFFFF60];
	v41 =	vunpack.i.u.bf16.f32 v30;
	v30 =	vunpack.i.l.bf16.f32 v30;
	v52 =	vunpack.i.u.bf16.f32 v47  }
0x40: {  	v57 =	vld [tilespmem:s20+$0xFFFFFFE0];
	v47 =	vunpack.i.l.bf16.f32 v47;
	v60 =	vunpack.i.u.bf16.f32 v56;
	v4 =	vmul.f32 v5, v4  }
0x41: {  	v58 =	vld [tilespmem:s4+$0x20];
	v53 =	vunpack.i.u.bf16.f32 v59;
	v5 =	vmul.f32 v16, v12;
	v6 =	vmul.f32 v7, v6  }
0x42: {  	v7 =	vmul.f32 v19, v18;
	v16 =	vunpack.i.l.bf16.f32 v9;
	v9 =	vunpack.i.u.bf16.f32 v9  }
0x43: {  	v17 =	vld [tilespmem:s4+$0xFFFFFF40];
	v1 =	vmul.f32 v2, v1;
	v2 =	vunpack.i.u.bf16.f32 v8;
	v19 =	vunpack.i.u.bf16.f32 v20  }
0x44: {  	v21 =	vmul.f32 v22, v21;
	v22 =	vmul.f32 v36, v34;
	v36 =	vunpack.i.l.bf16.f32 v49  }
0x45: {  	v40 =	vld [tilespmem:s4+$0x50];
	v25 =	vmul.f32 v27, v25;
	v27 =	vmul.f32 v39, v38;
	v39 =	vunpack.i.u.bf16.f32 v50  }
0x46: {  	v11 =	vld [tilespmem:s4+$0xFFFFFF10];
	v34 =	vunpack.i.l.bf16.f32 v57;
	v38 =	vunpack.i.l.bf16.f32 v58;
	v13 =	vmul.f32 v16, v13  }
0x47: {  	v15 =	vld [tilespmem:s20+$0xFFFFFF10];
	v3 =	vmul.f32 v9, v3;
	v2 =	vmul.f32 v2, v52;
	v4 =	vadd.f32 v4, v5  }
0x48: {  	v18 =	vld [tilespmem:s20+$0xFFFFFF50];
	v5 =	vadd.f32 v6, v7;
	v7 =	vmul.f32 v14, v10;
	v14 =	vunpack.i.u.bf16.f32 v17  }
0x49: {  	v32 =	vld [tilespmem:s20+$0x10];
	v17 =	vunpack.i.l.bf16.f32 v17;
	v25 =	vadd.f32 v25, v27;
	v3 =	vadd.f32 v13, v3  }
0x4a: {  	v48 =	vld [tilespmem:s4+$0xFFFFFF20];
	v14 =	vmul.f32 v19, v14;
	v19 =	vunpack.i.u.bf16.f32 v40;
	v40 =	vunpack.i.l.bf16.f32 v40  }
0x4b: {  	v16 =	vld [tilespmem:s4+$0xFFFFFF80];
	v4 =	vadd.f32 v5, v4;
	v5 =	vunpack.i.l.bf16.f32 v8;
	v8 =	vunpack.i.u.bf16.f32 v11  }
0x4c: {  	v9 =	vld [tilespmem:s4+$0xFFFFFF90];
	v11 =	vunpack.i.l.bf16.f32 v11;
	v1 =	vadd.f32 v7, v1;
	v7 =	vunpack.i.l.bf16.f32 v15  }
0x4d: {  	v6 =	vld [tilespmem:s20+$0xFFFFFF80];
	v23 =	vunpack.i.u.bf16.f32 v18;
	v18 =	vunpack.i.l.bf16.f32 v18;
	v7 =	vmul.f32 v7, v11  }
0x4e: {  	v10 =	vld [tilespmem:s20+$0xFFFFFF90];
	v11 =	vunpack.i.u.bf16.f32 v32;
	v32 =	vunpack.i.l.bf16.f32 v32;
	v5 =	vmul.f32 v5, v47  }
0x4f: {  	v35 =	vld [tilespmem:s4+$0x40];
	v47 =	vunpack.i.u.bf16.f32 v48;
	v48 =	vunpack.i.l.bf16.f32 v48;
	v3 =	vadd.f32 v3, v4  }
0x50: {  	v4 =	vunpack.i.u.bf16.f32 v15;
	v24 =	vunpack.i.u.bf16.f32 v16;
	v16 =	vunpack.i.l.bf16.f32 v16  }
0x51: {  	v12 =	vld [tilespmem:s4+$0xFFFFFF50];
	v28 =	vunpack.i.u.bf16.f32 v9;
	v9 =	vunpack.i.l.bf16.f32 v9;
	v30 =	vmul.f32 v32, v30  }
0x52: {  	v13 =	vld [tilespmem:s4+$0xFFFFFFC0];
	v11 =	vmul.f32 v11, v41;
	v41 =	vunpack.i.l.bf16.f32 v50;
	v32 =	vunpack.i.l.bf16.f32 v59  }
0x53: {  	v44 =	vld [tilespmem:s20+$0x80];
	v26 =	vunpack.i.u.bf16.f32 v6;
	v6 =	vunpack.i.l.bf16.f32 v6;
	v29 =	vunpack.i.u.bf16.f32 v10  }
0x54: {  	v45 =	vld [tilespmem:s4+$0x90];
	v10 =	vunpack.i.l.bf16.f32 v10;
	v4 =	vmul.f32 v4, v8;
	v8 =	vunpack.i.u.bf16.f32 v35  }
0x55: {  	v46 =	vld [tilespmem:s20+$0x90];
	v35 =	vunpack.i.l.bf16.f32 v35;
	v5 =	vadd.f32 v5, v2;
	v32 =	vmul.f32 v32, v38  }
0x56: {  	v61 =	vld [tilespmem:s4+$0xFFFFFFA0];
	v1 =	vadd.f32 v1, v3;
	v3 =	vunpack.i.l.bf16.f32 v20;
	v20 =	vunpack.i.u.bf16.f32 v12  }
0x57: {  	v37 =	vld [tilespmem:s20+$0x40];
	v12 =	vunpack.i.l.bf16.f32 v12;
	v31 =	vunpack.i.u.bf16.f32 v13;
	v13 =	vunpack.i.l.bf16.f32 v13  }
0x58: {  	v42 =	vld [tilespmem:s20+$0x50];
	v6 =	vmul.f32 v6, v16;
	v16 =	vunpack.i.u.bf16.f32 v44;
	v44 =	vunpack.i.l.bf16.f32 v44  }
0x59: {  	v43 =	vld [tilespmem:s4+$0x80];
	v24 =	vmul.f32 v26, v24;
	v26 =	vunpack.i.u.bf16.f32 v45;
	v45 =	vunpack.i.l.bf16.f32 v45  }
0x5a: {  	v62 =	vld [tilespmem:s20+$0xFFFFFFA0];
	v9 =	vmul.f32 v10, v9;
	v10 =	vunpack.i.u.bf16.f32 v46;
	v46 =	vunpack.i.l.bf16.f32 v46  }
0x5b: {  	v28 =	vmul.f32 v29, v28;
	v29 =	vunpack.i.l.bf16.f32 v61;
	v11 =	vadd.f32 v30, v11  }
0x5c: {  	v51 =	vld [tilespmem:s20+$0xFFFFFF60];
	v3 =	vmul.f32 v3, v17;
	v17 =	vunpack.i.u.bf16.f32 v37;
	v37 =	vunpack.i.l.bf16.f32 v37  }
0x5d: {  	v12 =	vmul.f32 v18, v12;
	v18 =	vunpack.i.u.bf16.f32 v42;
	v42 =	vunpack.i.l.bf16.f32 v42  }
0x5e: {  	v20 =	vmul.f32 v23, v20;
	v23 =	vunpack.i.u.bf16.f32 v43;
	v43 =	vunpack.i.l.bf16.f32 v43  }
0x5f: {  	v15 =	vld [tilespmem:s20+$0xFFFFFFC0];
	v45 =	vmul.f32 v46, v45;
	v10 =	vmul.f32 v10, v26;
	v46 =	vunpack.i.u.bf16.f32 v62  }
0x60: {  	v4 =	vadd.f32 v7, v4;
	v35 =	vmul.f32 v37, v35;
	v8 =	vmul.f32 v17, v8  }
0x61: {  	v59 =	vld [tilespmem:s4+$0x30];
	v37 =	vunpack.i.u.bf16.f32 v51;
	v40 =	vmul.f32 v42, v40;
	v18 =	vmul.f32 v18, v19  }
0x62: {  	v42 =	vunpack.i.l.bf16.f32 v51;
	v43 =	vmul.f32 v44, v43;
	v16 =	vmul.f32 v16, v23  }
0x63: {  	v44 =	vunpack.i.u.bf16.f32 v61;
	v61 =	vunpack.i.u.bf16.f32 v57;
	v6 =	vadd.f32 v6, v24  }
0x64: {  	v9 =	vadd.f32 v9, v28;
	v11 =	vadd.f32 v11, v25;
	v33 =	vunpack.i.u.bf16.f32 v15  }
0x65: {  	v15 =	vunpack.i.l.bf16.f32 v15;
	v14 =	vadd.f32 v3, v14;
	v12 =	vadd.f32 v12, v20  }
0x66: {  	v27 =	vld [tilespmem:s20+$0xFFFFFFB0];
	v28 =	vmul.f32 v42, v41;
	v10 =	vadd.f32 v45, v10;
	v52 =	vunpack.i.u.bf16.f32 v59  }
0x67: {  	v30 =	vld [tilespmem:s4+$0xFFFFFFF0];
	v13 =	vmul.f32 v15, v13;
	v15 =	vmul.f32 v33, v31;
	v33 =	vunpack.i.u.bf16.f32 v49  }
0x68: {  	v26 =	vld [tilespmem:s20+$0xA0];
	v49 =	vunpack.i.l.bf16.f32 v62;
	v31 =	vunpack.i.l.bf16.f32 v56;
	v62 =	vunpack.i.u.bf16.f32 v58  }
0x69: {  	v7 =	vld [tilespmem:s20+$0xFFFFFF30];
	v8 =	vadd.f32 v35, v8;
	v20 =	vmul.f32 v33, v47;
	v29 =	vmul.f32 v49, v29  }
0x6a: {  	v17 =	vld [tilespmem:s4+$0x60];
	v18 =	vadd.f32 v40, v18;
	v33 =	vmul.f32 v46, v44;
	v31 =	vmul.f32 v34, v31  }
0x6b: {  	v19 =	vld [tilespmem:s20+$0x60];
	v16 =	vadd.f32 v43, v16;
	v34 =	vmul.f32 v61, v60;
	v38 =	vmul.f32 v53, v62  }
0x6c: {  	v23 =	vld [tilespmem:s4+$0xA0];
	v49 =	vunpack.i.u.bf16.f32 v27;
	v27 =	vunpack.i.l.bf16.f32 v27;
	v50 =	vunpack.i.u.bf16.f32 v30  }
0x6d: {  	v24 =	vld [tilespmem:s20+$0xFFFFFF70];
	v30 =	vunpack.i.l.bf16.f32 v30;
	v57 =	vunpack.i.u.bf16.f32 v26;
	v2 =	vunpack.i.l.bf16.f32 v26  }
0x6e: {  	v3 =	vld [tilespmem:s4+$0xFFFFFF70];
	v26 =	vmul.f32 v36, v48;
	v13 =	vadd.f32 v13, v15;
	v15 =	vadd.f32 v21, v22  }
0x6f: {  	v58 =	vld [tilespmem:s4+$0xFFFFFF30];
	v22 =	vmul.f32 v37, v39;
	v41 =	vunpack.i.u.bf16.f32 v7;
	v7 =	vunpack.i.l.bf16.f32 v7  }
0x70: {  	v35 =	vld [tilespmem:s20+$0xFFFFFFF0];
	v37 =	vunpack.i.l.bf16.f32 v59;
	v8 =	vadd.f32 v18, v8;
	v54 =	vunpack.i.u.bf16.f32 v17  }
0x71: {  	v60 =	vld [tilespmem:s20+$0x30];
	v17 =	vunpack.i.l.bf16.f32 v17;
	v55 =	vunpack.i.u.bf16.f32 v19;
	v19 =	vunpack.i.l.bf16.f32 v19  }
0x72: {  	v61 =	vld [tilespmem:s4+$0x70];
	v56 =	vunpack.i.u.bf16.f32 v23;
	v23 =	vunpack.i.l.bf16.f32 v23;
	v46 =	vunpack.i.u.bf16.f32 v24  }
0x73: {  	v62 =	vld [tilespmem:s20+$0xB0];
	v24 =	vunpack.i.l.bf16.f32 v24;
	v17 =	vmul.f32 v19, v17;
	v19 =	vmul.f32 v55, v54  }
0x74: {  	v25 =	vadd.f32 v31, v34;
	v23 =	vmul.f32 v2, v23;
	v43 =	vmul.f32 v57, v56  }
0x75: {  	v44 =	vunpack.i.u.bf16.f32 v3;
	v45 =	vunpack.i.l.bf16.f32 v3;
	v36 =	vunpack.i.u.bf16.f32 v58  }
0x76: {  	v21 =	vld [tilespmem:s4+$0xFFFFFFB0];
	v39 =	vunpack.i.l.bf16.f32 v58;
	v51 =	vunpack.i.u.bf16.f32 v35;
	v35 =	vunpack.i.l.bf16.f32 v35  }
0x77: {  	v53 =	vunpack.i.u.bf16.f32 v60;
	v40 =	vunpack.i.l.bf16.f32 v60;
	v54 =	vunpack.i.u.bf16.f32 v61  }
0x78: {  	v2 =	vld [tilespmem:s20+$0x70];
	v42 =	vunpack.i.l.bf16.f32 v61;
	v48 =	vunpack.i.l.bf16.f32 v62;
	v60 =	vadd.f32 v4, v5  }
0x79: {  	v3 =	vld [tilespmem:s4+$0xB0];
	v4 =	vmul.f32 v7, v39;
	v61 =	vadd.f32 v12, v14;
	v5 =	vmul.f32 v41, v36  }
0x7a: {  	v7 =	vmul.f32 v46, v44;
	v12 =	vadd.f32 v10, v16;
	v16 =	vadd.f32 v28, v22  }
0x7b: {  	v14 =	vmul.f32 v35, v30;
	v47 =	vunpack.i.u.bf16.f32 v21;
	v21 =	vunpack.i.l.bf16.f32 v21  }
0x7c: {  	v22 =	vadd.f32 v23, v43;
	v18 =	vmul.f32 v51, v50;
	v10 =	vmul.f32 v27, v21  }
0x7d: {  	v16 =	vadd.f32 v16, v61;
	v21 =	vmul.f32 v53, v52;
	v55 =	vunpack.i.u.bf16.f32 v2  }
0x7e: {  	v56 =	vunpack.i.l.bf16.f32 v2;
	v2 =	vunpack.i.u.bf16.f32 v3;
	v57 =	vunpack.i.l.bf16.f32 v3  }
0x7f: {  	v3 =	vunpack.i.u.bf16.f32 v62;
	v62 =	vadd.f32 v9, v6;
	v9 =	vadd.f32 v15, v13  }
0x80: {  	v6 =	vmul.f32 v24, v45;
	v15 =	vadd.f32 v26, v20;
	v20 =	vadd.f32 v29, v33  }
0x81: {  	v13 =	vmul.f32 v49, v47;
	v24 =	vadd.f32 v17, v19;
	v17 =	vmul.f32 v40, v37  }
0x82: {  	s22 =	simm.s32 $0x11570;
	v26 =	vadd.f32 v32, v38;
	v19 =	vmul.f32 v56, v42;
	v23 =	vmul.f32 v55, v54  }
0x83: {  	s13 =	simm.s32 $0x0;
	s9 =	simm.s32 $0x5120;
	[tilespmem:s22+$0x30] =	vst v1;
	v15 =	vadd.f32 v15, v60;
	v1 =	vadd.f32 v20, v62;
	v20 =	vmul.f32 v48, v57  }
.LBB2_3:
0x84: {  	v27 =	vld [tilespmem:s9+$0xF0];
	v9 =	vadd.f32 v25, v9;
	v11 =	vadd.f32 v26, v11;
	v2 =	vmul.f32 v3, v2;
	s20 =	sadd.s32 $0x200, s20  }
0x85: {  	v8 =	vadd.f32 v24, v8;
	v12 =	vadd.f32 v22, v12;
	v3 =	vld [tilespmem:s20+$0xF0]  }
0x86: {  	v4 =	vadd.f32 v4, v5;
	v5 =	vadd.f32 v6, v7;
	v22 =	vld [tilespmem:s9+$0xE0]  }
0x87: {  	v7 =	vadd.f32 v10, v13;
	v10 =	vadd.f32 v14, v18;
	v6 =	vld [tilespmem:s9+$0xC0]  }
0x88: {  	v14 =	vadd.f32 v17, v21;
	v17 =	vadd.f32 v19, v23;
	v13 =	vld [tilespmem:s20+$0xC0]  }
0x89: {  	v4 =	vadd.f32 v4, v15;
	v2 =	vadd.f32 v20, v2;
	v18 =	vld [tilespmem:s9+$0xD0]  }
0x8a: {  	v5 =	vadd.f32 v5, v16;
	v1 =	vadd.f32 v7, v1;
	v15 =	vld [tilespmem:s20+$0xD0]  }
0x8b: {  	s13 =	sadd.s32 $0x8, s13;
	v7 =	vld [tilespmem:s20+$0xFFFFFF00];
	[tilespmem:s22+$0xFFFFFFC0] =	vst v4;
	v4 =	vadd.f32 v10, v9;
	v9 =	vadd.f32 v14, v11  }
0x8c: {  	p0 =	slt.u32 s13, $0x48;
	v2 =	vadd.f32 v2, v12;
	v11 =	vunpack.i.l.bf16.f32 v27;
	v10 =	vld [tilespmem:s20+$0xE0];
	[tilespmem:s22+$0xFFFFFFD0] =	vst v5;
	v5 =	vadd.f32 v17, v8  }
0x8d: {  	v16 =	vunpack.i.l.bf16.f32 v3;
	v14 =	vunpack.i.l.bf16.f32 v22;
	v12 =	vunpack.i.u.bf16.f32 v6;
	v8 =	vld [tilespmem:s9+$0xFFFFFF10];
	[tilespmem:s22+$0xFFFFFFE0] =	vst v1  }
0x8e: {  	v6 =	vunpack.i.l.bf16.f32 v6;
	v17 =	vunpack.i.u.bf16.f32 v13;
	v13 =	vunpack.i.l.bf16.f32 v13;
	v1 =	vld [tilespmem:s20+$0xFFFFFF10];
	[tilespmem:s22+$0xFFFFFFF0] =	vst v4  }
0x8f: {  	v19 =	vunpack.i.u.bf16.f32 v18;
	v18 =	vunpack.i.l.bf16.f32 v18;
	v4 =	vld [tilespmem:s9+$0xFFFFFF40];
	v20 =	vunpack.i.u.bf16.f32 v15;
	[tilespmem:s22+$0x0] =	vst v9  }
0x90: {  	v6 =	vmul.f32 v13, v6;
	v12 =	vmul.f32 v17, v12;
	v13 =	vunpack.i.l.bf16.f32 v15;
	v9 =	vld [tilespmem:s20+$0xFFFFFF40];
	[tilespmem:s22+$0x10] =	vst v5  }
0x91: {  	v13 =	vmul.f32 v13, v18;
	v15 =	vmul.f32 v20, v19;
	v5 =	vld [tilespmem:s9+$0xFFFFFF50];
	v17 =	vunpack.i.l.bf16.f32 v10;
	[tilespmem:s22+$0x20] =	vst v2  }
0x92: {  	v18 =	vunpack.i.u.bf16.f32 v22;
	v10 =	vunpack.i.u.bf16.f32 v10;
	v2 =	vld [tilespmem:s20+$0xFFFFFF50];
	v14 =	vmul.f32 v17, v14  }
0x93: {  	v6 =	vadd.f32 v6, v12;
	v12 =	vadd.f32 v13, v15;
	v10 =	vmul.f32 v10, v18;
	v17 =	vld [tilespmem:s9+$0xFFFFFF80]  }
0x94: {  	v3 =	vunpack.i.u.bf16.f32 v3;
	v11 =	vmul.f32 v16, v11;
	v15 =	vunpack.i.u.bf16.f32 v27;
	v13 =	vld [tilespmem:s20+$0xFFFFFF80]  }
0x95: {  	v3 =	vmul.f32 v3, v15;
	v6 =	vadd.f32 v12, v6;
	v10 =	vadd.f32 v14, v10;
	v16 =	vld [tilespmem:s9+$0xFFFFFF90]  }
0x96: {  	v12 =	vunpack.i.u.bf16.f32 v7;
	v7 =	vunpack.i.l.bf16.f32 v7;
	v14 =	vunpack.i.u.bf16.f32 v8;
	v15 =	vld [tilespmem:s20+$0xFFFFFF90]  }
0x97: {  	v8 =	vunpack.i.l.bf16.f32 v8;
	v3 =	vadd.f32 v11, v3;
	v6 =	vadd.f32 v10, v6;
	v18 =	vld [tilespmem:s9+$0xFFFFFFC0]  }
0x98: {  	v11 =	vunpack.i.u.bf16.f32 v4;
	v10 =	vunpack.i.u.bf16.f32 v1;
	v1 =	vunpack.i.l.bf16.f32 v1;
	v19 =	vld [tilespmem:s20+$0xFFFFFFC0]  }
0x99: {  	v4 =	vunpack.i.l.bf16.f32 v4;
	v20 =	vunpack.i.u.bf16.f32 v9;
	v3 =	vadd.f32 v3, v6;
	v21 =	vld [tilespmem:s9+$0xFFFFFFD0]  }
0x9a: {  	s22 =	sadd.s32 $0x80, s22;
	v6 =	vunpack.i.l.bf16.f32 v9;
	v9 =	vunpack.i.u.bf16.f32 v5;
	v5 =	vunpack.i.l.bf16.f32 v5;
	v22 =	vld [tilespmem:s20+$0xFFFFFFD0]  }
0x9b: {  	s4 =	simm.s32 $0x0;
	v23 =	vunpack.i.u.bf16.f32 v2;
	v2 =	vunpack.i.l.bf16.f32 v2;
	v24 =	vunpack.i.u.bf16.f32 v17;
	v25 =	vld [tilespmem:s9+$0x0];
	[tilespmem:s22+$0x30] =	vst v3  }
0x9c: {  	v3 =	vunpack.i.l.bf16.f32 v17;
	v17 =	vunpack.i.u.bf16.f32 v13;
	v13 =	vunpack.i.l.bf16.f32 v13;
	v26 =	vld [tilespmem:s20+$0x0]  }
0x9d: {  	v27 =	vunpack.i.u.bf16.f32 v16;
	v16 =	vunpack.i.l.bf16.f32 v16;
	v28 =	vunpack.i.u.bf16.f32 v15;
	v29 =	vld [tilespmem:s9+$0x10]  }
0x9e: {  	v15 =	vunpack.i.l.bf16.f32 v15;
	v30 =	vunpack.i.u.bf16.f32 v18;
	v18 =	vunpack.i.l.bf16.f32 v18;
	v31 =	vld [tilespmem:s20+$0x10]  }
0x9f: {  	v32 =	vunpack.i.u.bf16.f32 v19;
	v19 =	vunpack.i.l.bf16.f32 v19;
	v33 =	vunpack.i.u.bf16.f32 v21;
	v34 =	vld [tilespmem:s9+$0x40]  }
0xa0: {  	v21 =	vunpack.i.l.bf16.f32 v21;
	v35 =	vunpack.i.u.bf16.f32 v22;
	v22 =	vunpack.i.l.bf16.f32 v22;
	v36 =	vld [tilespmem:s20+$0x40]  }
0xa1: {  	v37 =	vunpack.i.u.bf16.f32 v25;
	v25 =	vunpack.i.l.bf16.f32 v25;
	v38 =	vunpack.i.u.bf16.f32 v26;
	v39 =	vld [tilespmem:s9+$0x50]  }
0xa2: {  	v26 =	vunpack.i.l.bf16.f32 v26;
	v40 =	vunpack.i.u.bf16.f32 v29;
	v29 =	vunpack.i.l.bf16.f32 v29;
	v41 =	vld [tilespmem:s20+$0x50]  }
0xa3: {  	v1 =	vmul.f32 v1, v8;
	v8 =	vunpack.i.u.bf16.f32 v31;
	v31 =	vunpack.i.l.bf16.f32 v31;
	v42 =	vld [tilespmem:s9+$0x80]  }
0xa4: {  	v10 =	vmul.f32 v10, v14;
	v14 =	vunpack.i.u.bf16.f32 v34;
	v34 =	vunpack.i.l.bf16.f32 v34;
	v43 =	vld [tilespmem:s20+$0x80]  }
0xa5: {  	v4 =	vmul.f32 v6, v4;
	v6 =	vunpack.i.u.bf16.f32 v36;
	v36 =	vunpack.i.l.bf16.f32 v36;
	v44 =	vld [tilespmem:s9+$0x90]  }
0xa6: {  	v11 =	vmul.f32 v20, v11;
	v20 =	vunpack.i.u.bf16.f32 v39;
	v39 =	vunpack.i.l.bf16.f32 v39;
	v45 =	vld [tilespmem:s20+$0x90]  }
0xa7: {  	v2 =	vmul.f32 v2, v5;
	v46 =	vld [tilespmem:s9+$0xFFFFFF00];
	v5 =	vunpack.i.u.bf16.f32 v41;
	v41 =	vunpack.i.l.bf16.f32 v41  }
0xa8: {  	v9 =	vmul.f32 v23, v9;
	v47 =	vld [tilespmem:s9+$0xFFFFFF20];
	v23 =	vunpack.i.u.bf16.f32 v42;
	v42 =	vunpack.i.l.bf16.f32 v42  }
0xa9: {  	v3 =	vmul.f32 v13, v3;
	v48 =	vld [tilespmem:s20+$0xFFFFFF20];
	v13 =	vunpack.i.u.bf16.f32 v43;
	v43 =	vunpack.i.l.bf16.f32 v43  }
0xaa: {  	v17 =	vmul.f32 v17, v24;
	v49 =	vld [tilespmem:s9+$0xFFFFFF60];
	v24 =	vunpack.i.u.bf16.f32 v44;
	v44 =	vunpack.i.l.bf16.f32 v44  }
0xab: {  	v15 =	vmul.f32 v15, v16;
	v50 =	vld [tilespmem:s20+$0xFFFFFF60];
	v16 =	vunpack.i.u.bf16.f32 v45;
	v45 =	vunpack.i.l.bf16.f32 v45  }
0xac: {  	v27 =	vmul.f32 v28, v27;
	v51 =	vunpack.i.u.bf16.f32 v46;
	v46 =	vunpack.i.l.bf16.f32 v46;
	v28 =	vld [tilespmem:s9+$0xFFFFFFA0]  }
0xad: {  	v7 =	vmul.f32 v7, v46;
	v12 =	vmul.f32 v12, v51;
	v46 =	vunpack.i.u.bf16.f32 v47;
	v51 =	vld [tilespmem:s20+$0xFFFFFFA0]  }
0xae: {  	v18 =	vmul.f32 v19, v18;
	v19 =	vmul.f32 v32, v30;
	v47 =	vunpack.i.l.bf16.f32 v47;
	v30 =	vld [tilespmem:s9+$0xFFFFFFE0]  }
0xaf: {  	v21 =	vmul.f32 v22, v21;
	v22 =	vmul.f32 v35, v33;
	v32 =	vunpack.i.u.bf16.f32 v48;
	v33 =	vld [tilespmem:s20+$0xFFFFFFE0]  }
0xb0: {  	v25 =	vmul.f32 v26, v25;
	v26 =	vmul.f32 v38, v37;
	v35 =	vunpack.i.l.bf16.f32 v48;
	v37 =	vld [tilespmem:s9+$0x20]  }
0xb1: {  	v29 =	vmul.f32 v31, v29;
	v8 =	vmul.f32 v8, v40;
	v38 =	vunpack.i.u.bf16.f32 v49;
	v31 =	vld [tilespmem:s20+$0x20]  }
0xb2: {  	v34 =	vmul.f32 v36, v34;
	v6 =	vmul.f32 v6, v14;
	v40 =	vunpack.i.l.bf16.f32 v49;
	v14 =	vld [tilespmem:s9+$0x60]  }
0xb3: {  	v39 =	vmul.f32 v41, v39;
	v5 =	vmul.f32 v5, v20;
	v36 =	vunpack.i.u.bf16.f32 v50;
	v20 =	vld [tilespmem:s20+$0x60]  }
0xb4: {  	v42 =	vmul.f32 v43, v42;
	v13 =	vmul.f32 v13, v23;
	v41 =	vunpack.i.l.bf16.f32 v50;
	v23 =	vld [tilespmem:s9+$0xA0]  }
0xb5: {  	v44 =	vmul.f32 v45, v44;
	v16 =	vmul.f32 v16, v24;
	v43 =	vunpack.i.u.bf16.f32 v28;
	v24 =	vld [tilespmem:s20+$0xA0]  }
0xb6: {  	v28 =	vunpack.i.l.bf16.f32 v28;
	v48 =	vunpack.i.u.bf16.f32 v51;
	v49 =	vunpack.i.l.bf16.f32 v51;
	v45 =	vld [tilespmem:s9+$0xFFFFFF30]  }
0xb7: {  	v51 =	vunpack.i.u.bf16.f32 v30;
	v30 =	vunpack.i.l.bf16.f32 v30;
	v52 =	vunpack.i.u.bf16.f32 v33;
	v50 =	vld [tilespmem:s20+$0xFFFFFF30]  }
0xb8: {  	v33 =	vunpack.i.l.bf16.f32 v33;
	v54 =	vunpack.i.u.bf16.f32 v37;
	v37 =	vunpack.i.l.bf16.f32 v37;
	v53 =	vld [tilespmem:s9+$0xFFFFFF70]  }
0xb9: {  	v56 =	vunpack.i.u.bf16.f32 v31;
	v31 =	vunpack.i.l.bf16.f32 v31;
	v57 =	vunpack.i.u.bf16.f32 v14;
	v55 =	vld [tilespmem:s20+$0xFFFFFF70]  }
0xba: {  	v14 =	vunpack.i.l.bf16.f32 v14;
	v59 =	vunpack.i.u.bf16.f32 v20;
	v20 =	vunpack.i.l.bf16.f32 v20;
	v58 =	vld [tilespmem:s9+$0xFFFFFFB0]  }
0xbb: {  	v61 =	vunpack.i.u.bf16.f32 v23;
	v23 =	vunpack.i.l.bf16.f32 v23;
	v62 =	vunpack.i.u.bf16.f32 v24;
	v60 =	vld [tilespmem:s20+$0xFFFFFFB0]  }
0xbc: {  	v1 =	vadd.f32 v1, v10;
	v7 =	vadd.f32 v7, v12;
	v12 =	vunpack.i.l.bf16.f32 v24;
	v10 =	vld [tilespmem:s9+$0xFFFFFFF0]  }
0xbd: {  	v11 =	vadd.f32 v4, v11;
	v9 =	vadd.f32 v2, v9;
	v24 =	vmul.f32 v35, v47;
	v2 =	vld [tilespmem:s20+$0xFFFFFFF0]  }
0xbe: {  	v17 =	vadd.f32 v3, v17;
	v15 =	vadd.f32 v15, v27;
	v32 =	vmul.f32 v32, v46;
	v3 =	vld [tilespmem:s9+$0x30]  }
0xbf: {  	v18 =	vadd.f32 v18, v19;
	v19 =	vadd.f32 v21, v22;
	v27 =	vmul.f32 v41, v40;
	v4 =	vld [tilespmem:s20+$0x30]  }
0xc0: {  	v22 =	vadd.f32 v25, v26;
	v8 =	vadd.f32 v29, v8;
	v21 =	vmul.f32 v36, v38;
	v25 =	vld [tilespmem:s9+$0x70]  }
0xc1: {  	v29 =	vadd.f32 v39, v5;
	v26 =	vmul.f32 v49, v28;
	v28 =	vadd.f32 v34, v6;
	v5 =	vld [tilespmem:s20+$0x70]  }
0xc2: {  	v13 =	vadd.f32 v42, v13;
	v16 =	vadd.f32 v44, v16;
	v34 =	vmul.f32 v48, v43;
	v6 =	vld [tilespmem:s9+$0xB0]  }
0xc3: {  	v30 =	vmul.f32 v33, v30;
	v33 =	vmul.f32 v52, v51;
	v35 =	vunpack.i.u.bf16.f32 v45;
	v36 =	vld [tilespmem:s20+$0xB0]  }
0xc4: {  	v31 =	vmul.f32 v31, v37;
	v37 =	vmul.f32 v56, v54;
	v38 =	vunpack.i.l.bf16.f32 v45  }
0xc5: {  	v20 =	vmul.f32 v20, v14;
	v40 =	vmul.f32 v59, v57;
	v39 =	vunpack.i.u.bf16.f32 v50  }
0xc6: {  	v23 =	vmul.f32 v12, v23;
	v41 =	vmul.f32 v62, v61;
	v14 =	vunpack.i.l.bf16.f32 v50  }
0xc7: {  	v12 =	vunpack.i.u.bf16.f32 v53;
	v42 =	vunpack.i.l.bf16.f32 v53;
	v43 =	vunpack.i.u.bf16.f32 v55  }
0xc8: {  	v44 =	vunpack.i.l.bf16.f32 v55;
	v45 =	vunpack.i.u.bf16.f32 v58;
	v46 =	vunpack.i.l.bf16.f32 v58  }
0xc9: {  	v47 =	vunpack.i.u.bf16.f32 v60;
	v48 =	vunpack.i.l.bf16.f32 v60;
	v49 =	vunpack.i.u.bf16.f32 v10  }
0xca: {  	v50 =	vunpack.i.l.bf16.f32 v10;
	v51 =	vunpack.i.u.bf16.f32 v2;
	v52 =	vunpack.i.l.bf16.f32 v2  }
0xcb: {  	v53 =	vunpack.i.u.bf16.f32 v3;
	v54 =	vunpack.i.l.bf16.f32 v3;
	v55 =	vunpack.i.u.bf16.f32 v4  }
0xcc: {  	v56 =	vunpack.i.l.bf16.f32 v4;
	v57 =	vunpack.i.u.bf16.f32 v25;
	v58 =	vunpack.i.l.bf16.f32 v25  }
0xcd: {  	v59 =	vunpack.i.u.bf16.f32 v5;
	v60 =	vunpack.i.l.bf16.f32 v5;
	v2 =	vunpack.i.u.bf16.f32 v6  }
0xce: {  	v61 =	vunpack.i.l.bf16.f32 v6;
	v3 =	vunpack.i.u.bf16.f32 v36;
	v36 =	vunpack.i.l.bf16.f32 v36  }
0xcf: {  	v1 =	vadd.f32 v1, v7;
	v4 =	vmul.f32 v14, v38;
	v38 =	vadd.f32 v9, v11  }
0xd0: {  	v9 =	vadd.f32 v19, v18;
	v5 =	vmul.f32 v39, v35;
	v35 =	vadd.f32 v15, v17  }
0xd1: {  	v11 =	vadd.f32 v8, v22;
	v8 =	vadd.f32 v29, v28;
	v6 =	vmul.f32 v44, v42  }
0xd2: {  	v7 =	vmul.f32 v43, v12;
	v12 =	vadd.f32 v16, v13;
	v15 =	vadd.f32 v24, v32  }
0xd3: {  	v16 =	vadd.f32 v27, v21;
	v27 =	vadd.f32 v26, v34;
	v10 =	vmul.f32 v48, v46  }
.Ltmp0:
0xd4: {  	v26 =	vadd.f32 v31, v37;
	v13 =	vmul.f32 v47, v45;
	v25 =	vadd.f32 v30, v33;
	(pc) =	sbr.rel @p0 .LBB2_3-.Ltmp0, $4  }
0xd5: {  	v14 =	vmul.f32 v52, v50;
	v22 =	vadd.f32 v23, v41;
	v24 =	vadd.f32 v20, v40  }
0xd6: {  	v18 =	vmul.f32 v51, v49;
	v17 =	vmul.f32 v56, v54;
	v15 =	vadd.f32 v15, v1  }
0xd7: {  	v21 =	vmul.f32 v55, v53;
	v16 =	vadd.f32 v16, v38;
	v19 =	vmul.f32 v60, v58  }
0xd8: {  	s9 =	sadd.s32 $0x200, s9;
	v23 =	vmul.f32 v59, v57;
	v1 =	vadd.f32 v27, v35;
	v20 =	vmul.f32 v36, v61  }
0xd9: {  	v9 =	vadd.f32 v25, v9;
	v11 =	vadd.f32 v26, v11  }
0xda: {  	v8 =	vadd.f32 v24, v8;
	v4 =	vadd.f32 v4, v5  }
0xdb: {  	v5 =	vadd.f32 v22, v12;
	v6 =	vadd.f32 v6, v7  }
0xdc: {  	v7 =	vadd.f32 v10, v13;
	v4 =	vadd.f32 v4, v15  }
0xdd: {  	v10 =	vadd.f32 v14, v18;
	v2 =	vmul.f32 v3, v2;
	v6 =	vadd.f32 v6, v16  }
0xde: {  	v3 =	vadd.f32 v17, v21;
	v7 =	vadd.f32 v7, v1;
	[tilespmem:s22+$0xFFFFFFC0] =	vst v4  }
0xdf: {  	v0 =	vor.u32 $0x1, v63;
	v9 =	vadd.f32 v10, v9;
	v2 =	vadd.f32 v20, v2;
	[tilespmem:s22+$0xFFFFFFD0] =	vst v6  }
0xe0: {  	v3 =	vadd.f32 v3, v11;
	v4 =	vadd.f32 v19, v23;
	[tilespmem:s22+$0xFFFFFFE0] =	vst v7;
	v6 =	vor.u32 s4, v0  }
0xe1: {  	[tilespmem:s22+$0xFFFFFFF0] =	vst v9;
	v7 =	vor.u32 s4, v63;
	v5 =	vadd.f32 v2, v5  }
0xe2: {  	v1 =	vor.u32 $0x2, v63;
	[tilespmem:s22+$0x0] =	vst v3;
	v4 =	vadd.f32 v4, v8  }
0xe3: {  	s5 =	simm.s32 $0x100;
	v8 =	vor.u32 s4, v1;
	[tilespmem:s22+$0x20] =	vst v5  }
0xe4: {  	v2 =	vor.u32 $0x3, v63;
	v19 =	vor.u32 s5, v0;
	[tilespmem:s22+$0x10] =	vst v4  }
0xe5: {  	v9 =	vor.u32 s4, v2;
	v10 =	vld.idx.msk [tilespmem:v6+s26+$0x0], $0xffff  }
0xe6: {  	v22 =	vor.u32 s5, v63;
	v3 =	vor.u32 $0x4, v63;
	v13 =	vld.idx.msk [tilespmem:v7+s26+$0x0], $0xffff  }
0xe7: {  	v11 =	vor.u32 s4, v3;
	v4 =	vor.u32 $0x5, v63  }
0xe8: {  	v12 =	vor.u32 s4, v4;
	v6 =	vor.u32 $0x7, v63;
	v15 =	vld.idx.msk [tilespmem:v8+s26+$0x0], $0xffff  }
0xe9: {  	v7 =	vor.u32 $0x8, v63;
	v19 =	vld.idx.msk [tilespmem:v19+s26+$0x0], $0xffff;
	v16 =	vor.u32 s4, v6  }
0xea: {  	v5 =	vor.u32 $0x6, v63;
	v17 =	vld.idx.msk [tilespmem:v9+s26+$0x0], $0xffff;
	v18 =	vor.u32 s4, v7  }
0xeb: {  	v14 =	vor.u32 s4, v5;
	v22 =	vld.idx.msk [tilespmem:v22+s26+$0x0], $0xffff;
	v10 =	vadd.f32 v10, v13  }
0xec: {  	v21 =	vor.u32 s5, v1;
	v11 =	vld.idx.msk [tilespmem:v11+s26+$0x0], $0xffff  }
0xed: {  	v23 =	vor.u32 s5, v3;
	v8 =	vor.u32 $0x9, v63;
	v12 =	vld.idx.msk [tilespmem:v12+s26+$0x0], $0xffff;
	v10 =	vadd.f32 v15, v10  }
0xee: {  	v13 =	vor.u32 s4, v8;
	v15 =	vld.idx.msk [tilespmem:v16+s26+$0x0], $0xffff  }
0xef: {  	v16 =	vld.idx.msk [tilespmem:v18+s26+$0x0], $0xffff;
	v18 =	vor.u32 s5, v2;
	v17 =	vadd.f32 v17, v10  }
0xf0: {  	v25 =	vor.u32 s5, v4;
	v20 =	vld.idx.msk [tilespmem:v14+s26+$0x0], $0xffff;
	v14 =	vor.u32 $0xB, v63  }
0xf1: {  	v11 =	vadd.f32 v11, v17;
	v17 =	vld.idx.msk [tilespmem:v21+s26+$0x0], $0xffff;
	v21 =	vor.u32 s4, v14  }
0xf2: {  	v9 =	vor.u32 $0xA, v63;
	v23 =	vld.idx.msk [tilespmem:v23+s26+$0x0], $0xffff;
	v28 =	vor.u32 s5, v6  }
0xf3: {  	v24 =	vld.idx.msk [tilespmem:v13+s26+$0x0], $0xffff;
	v13 =	vor.u32 s4, v9;
	v11 =	vadd.f32 v12, v11  }
0xf4: {  	v26 =	vld.idx.msk [tilespmem:v18+s26+$0x0], $0xffff;
	v18 =	vor.u32 s5, v5;
	v12 =	vor.u32 $0xC, v63  }
0xf5: {  	v32 =	vld.idx.msk [tilespmem:v25+s26+$0x0], $0xffff;
	v27 =	vor.u32 s4, v12;
	v20 =	vadd.f32 v20, v11;
	v11 =	vor.u32 $0xD, v63  }
0xf6: {  	s9 =	simm.s32 $0x200;
	v30 =	vld.idx.msk [tilespmem:v21+s26+$0x0], $0xffff;
	v21 =	vor.u32 s4, v11  }
0xf7: {  	v31 =	vor.u32 s9, v0;
	v22 =	vadd.f32 v19, v22;
	v19 =	vld.idx.msk [tilespmem:v28+s26+$0x0], $0xffff;
	v15 =	vadd.f32 v15, v20  }
0xf8: {  	v29 =	vld.idx.msk [tilespmem:v13+s26+$0x0], $0xffff;
	v20 =	vor.u32 s5, v7  }
0xf9: {  	v34 =	vor.u32 s9, v1;
	v10 =	vor.u32 $0xF, v63;
	v18 =	vld.idx.msk [tilespmem:v18+s26+$0x0], $0xffff;
	v16 =	vadd.f32 v16, v15  }
0xfa: {  	v28 =	vor.u32 s5, v8;
	v25 =	vor.u32 s4, v10;
	v33 =	vld.idx.msk [tilespmem:v27+s26+$0x0], $0xffff  }
0xfb: {  	v22 =	vadd.f32 v17, v22;
	v15 =	vor.u32 $0xE, v63;
	v16 =	vadd.f32 v24, v16;
	v17 =	vld.idx.msk [tilespmem:v21+s26+$0x0], $0xffff  }
0xfc: {  	v35 =	vor.u32 s4, v15;
	v24 =	vld.idx.msk [tilespmem:v31+s26+$0x0], $0xffff  }
0xfd: {  	v21 =	vld.idx.msk [tilespmem:v20+s26+$0x0], $0xffff;
	v20 =	vadd.f32 v26, v22;
	v22 =	vadd.f32 v29, v16  }
0xfe: {  	v27 =	vor.u32 s9, v63;
	v26 =	vld.idx.msk [tilespmem:v34+s26+$0x0], $0xffff  }
0xff: {  	v31 =	vor.u32 s9, v2;
	v16 =	vld.idx.msk [tilespmem:v25+s26+$0x0], $0xffff;
	v23 =	vadd.f32 v23, v20;
	v22 =	vadd.f32 v30, v22  }
0x100: {  	v29 =	vor.u32 s9, v3;
	v25 =	vor.u32 s5, v14;
	v20 =	vld.idx.msk [tilespmem:v28+s26+$0x0], $0xffff;
	v28 =	vor.u32 s5, v9  }
0x101: {  	s20 =	simm.s32 $0x300;
	s13 =	smov.u32 s18;
	s4 =	smov.u32 s18;
	v30 =	vor.u32 s9, v4;
	v32 =	vadd.f32 v32, v23;
	v23 =	vadd.f32 v33, v22;
	v22 =	vld.idx.msk [tilespmem:v35+s26+$0x0], $0xffff  }
.LBB2_5:
0x102: {  	p0 =	sne.s32 s20, $0x400  }
0x103: {  	v27 =	vld.idx.msk [tilespmem:v27+s26+$0x0], $0xffff;
	s4 =	sadd.s32 $0x10, s4;
	s22 =	smov.u32 s20;
	s20 =	sadd.s32 $0x100, s20  }
0x104: {  	v33 =	vor.u32 s9, v5;
	v31 =	vld.idx.msk [tilespmem:v31+s26+$0x0], $0xffff;
	v18 =	vadd.f32 v18, v32;
	v17 =	vadd.f32 v17, v23  }
0x105: {  	v23 =	vld.idx.msk [tilespmem:v29+s26+$0x0], $0xffff;
	v29 =	vor.u32 s5, v12  }
0x106: {  	v32 =	vor.u32 s9, v6;
	v18 =	vadd.f32 v19, v18;
	v28 =	vld.idx.msk [tilespmem:v28+s26+$0x0], $0xffff  }
0x107: {  	v34 =	vor.u32 s5, v11;
	v35 =	vor.u32 s5, v10;
	v25 =	vld.idx.msk [tilespmem:v25+s26+$0x0], $0xffff  }
0x108: {  	v17 =	vadd.f32 v22, v17;
	v36 =	vld.idx.msk [tilespmem:v30+s26+$0x0], $0xffff;
	v30 =	vor.u32 s9, v7;
	v21 =	vadd.f32 v21, v18  }
0x109: {  	v19 =	vadd.f32 v24, v27;
	v18 =	vld.idx.msk [tilespmem:v33+s26+$0x0], $0xffff  }
0x10a: {  	v22 =	vor.u32 s22, v0;
	v27 =	vor.u32 s22, v63;
	v16 =	vadd.f32 v16, v17;
	v33 =	vld.idx.msk [tilespmem:v29+s26+$0x0], $0xffff  }
0x10b: {  	v24 =	vadd.f32 v26, v19;
	v26 =	vor.u32 s9, v8;
	v19 =	vld.idx.msk [tilespmem:v32+s26+$0x0], $0xffff  }
0x10c: {  	v20 =	vadd.f32 v20, v21;
	v32 =	vor.u32 s22, v1;
	v17 =	vld.idx.msk [tilespmem:v34+s26+$0x0], $0xffff;
	v34 =	vor.u32 s5, v15;
	[tilespmem:s13+$0x0] =	vst v16;
	s5 =	smov.u32 s9;
	s9 =	smov.u32 s22;
	s13 =	smov.u32 s4  }
0x10d: {  	v37 =	vadd.f32 v31, v24;
	v21 =	vld.idx.msk [tilespmem:v30+s26+$0x0], $0xffff  }
.Ltmp1:
0x10e: {  	v28 =	vadd.f32 v28, v20;
	v16 =	vld.idx.msk [tilespmem:v35+s26+$0x0], $0xffff;
	(pc) =	sbr.rel @p0 .LBB2_5-.Ltmp1, $4  }
0x10f: {  	v31 =	vor.u32 s9, v2;
	v24 =	vld.idx.msk [tilespmem:v22+s26+$0x0], $0xffff  }
0x110: {  	v29 =	vor.u32 s9, v3;
	v22 =	vadd.f32 v23, v37;
	v23 =	vadd.f32 v25, v28;
	v20 =	vld.idx.msk [tilespmem:v26+s26+$0x0], $0xffff  }
0x111: {  	v28 =	vor.u32 s5, v9;
	v25 =	vor.u32 s5, v14;
	v26 =	vld.idx.msk [tilespmem:v32+s26+$0x0], $0xffff  }
0x112: {  	v30 =	vor.u32 s9, v4;
	v32 =	vadd.f32 v36, v22;
	v23 =	vadd.f32 v33, v23;
	v22 =	vld.idx.msk [tilespmem:v34+s26+$0x0], $0xffff  }
0x113: {  	[tilespmem:$0x1FF20] =	vst v4  }
0x114: {  	[tilespmem:$0x1FF30] =	vst v3  }
0x115: {  	[tilespmem:$0x1FF40] =	vst v2  }
0x116: {  	[tilespmem:$0x1FF50] =	vst v1  }
0x117: {  	[tilespmem:$0x1FF60] =	vst v0  }
0x118: {  	v27 =	vld.idx.msk [tilespmem:v27+s26+$0x0], $0xffff;
	_ =	sdelay $0x3  }
0x119: {  	v31 =	vld.idx.msk [tilespmem:v31+s26+$0x0], $0xffff  }
0x11a: {  	v33 =	vor.u32 s9, v5;
	[tilespmem:$0x1FF70] =	vst v5;
	v24 =	vadd.f32 v24, v27  }
0x11b: {  	v27 =	vld.idx.msk [tilespmem:v29+s26+$0x0], $0xffff  }
0x11c: {  	[tilespmem:$0x1FF80] =	vst v6;
	v29 =	vor.u32 s9, v6;
	v24 =	vadd.f32 v26, v24  }
0x11d: {  	v26 =	vld.idx.msk [tilespmem:v30+s26+$0x0], $0xffff  }
0x11e: {  	[tilespmem:$0x1FF90] =	vst v7;
	v30 =	vor.u32 s9, v7;
	v24 =	vadd.f32 v31, v24  }
0x11f: {  	v31 =	vld.idx.msk [tilespmem:v33+s26+$0x0], $0xffff  }
0x120: {  	v47 =	vor.u32 s9, v8;
	[tilespmem:$0x1FFA0] =	vst v8;
	v24 =	vadd.f32 v27, v24  }
0x121: {  	v27 =	vld.idx.msk [tilespmem:v29+s26+$0x0], $0xffff  }
0x122: {  	[tilespmem:$0x1FFB0] =	vst v9;
	v29 =	vor.u32 s9, v9;
	v24 =	vadd.f32 v26, v24  }
0x123: {  	v18 =	vadd.f32 v18, v32;
	v26 =	vld.idx.msk [tilespmem:v30+s26+$0x0], $0xffff  }
0x124: {  	v30 =	vor.u32 s9, v14;
	v24 =	vadd.f32 v31, v24  }
0x125: {  	v18 =	vadd.f32 v19, v18;
	v19 =	vld.idx.msk [tilespmem:v47+s26+$0x0], $0xffff;
	v31 =	vor.u32 s5, v12  }
0x126: {  	v48 =	vor.u32 s9, v12;
	v28 =	vld.idx.msk [tilespmem:v28+s26+$0x0], $0xffff;
	[tilespmem:$0x1FFC0] =	vst v12;
	v24 =	vadd.f32 v27, v24  }
0x127: {  	v18 =	vadd.f32 v21, v18;
	v21 =	vld.idx.msk [tilespmem:v29+s26+$0x0], $0xffff;
	v27 =	vor.u32 s5, v11  }
0x128: {  	v25 =	vld.idx.msk [tilespmem:v25+s26+$0x0], $0xffff;
	[tilespmem:$0x1FFD0] =	vst v11;
	v29 =	vor.u32 s9, v11;
	v24 =	vadd.f32 v26, v24  }
0x129: {  	v18 =	vadd.f32 v20, v18;
	v20 =	vor.u32 s5, v15;
	v26 =	vld.idx.msk [tilespmem:v30+s26+$0x0], $0xffff  }
0x12a: {  	v30 =	vld.idx.msk [tilespmem:v31+s26+$0x0], $0xffff;
	v19 =	vadd.f32 v19, v24;
	v24 =	vor.u32 s9, v15  }
0x12b: {  	v18 =	vadd.f32 v28, v18;
	v28 =	vld.idx.msk [tilespmem:v48+s26+$0x0], $0xffff;
	v31 =	vor.u32 s5, v10  }
0x12c: {  	v49 =	vor.u32 s9, v10;
	v27 =	vld.idx.msk [tilespmem:v27+s26+$0x0], $0xffff;
	[tilespmem:$0x1FFE0] =	vst v10;
	v19 =	vadd.f32 v21, v19  }
0x12d: {  	v18 =	vadd.f32 v25, v18;
	v21 =	vld.idx.msk [tilespmem:v29+s26+$0x0], $0xffff  }
0x12e: {  	v20 =	vld.idx.msk [tilespmem:v20+s26+$0x0], $0xffff;
	v19 =	vadd.f32 v26, v19  }
0x12f: {  	v18 =	vadd.f32 v30, v18;
	v24 =	vld.idx.msk [tilespmem:v24+s26+$0x0], $0xffff  }
0x130: {  	v17 =	vadd.f32 v17, v23;
	v23 =	vld.idx.msk [tilespmem:v31+s26+$0x0], $0xffff;
	v19 =	vadd.f32 v28, v19  }
0x131: {  	v25 =	vld.idx.msk [tilespmem:v49+s26+$0x0], $0xffff;
	v18 =	vadd.f32 v27, v18  }
0x132: {  	v17 =	vadd.f32 v22, v17;
	v19 =	vadd.f32 v21, v19  }
0x133: {  	v18 =	vadd.f32 v20, v18  }
0x134: {  	v16 =	vadd.f32 v16, v17;
	v17 =	vadd.f32 v24, v19  }
0x135: {  	v18 =	vadd.f32 v23, v18  }
0x136: {  	s4 =	sadd.s32 $0x10, s4;
	s20 =	smul.u32 $0x140, s19;
	[tilespmem:s13+$0x0] =	vst v16;
	v16 =	vadd.f32 v25, v17  }
0x137: {  	s22 =	sadd.s32 $0x10, s4;
	[tilespmem:s4+$0x0] =	vst v18  }
0x138: {  	s5 =	sadd.s32 $0x140, s20;
	[tilespmem:s22+$0x0] =	vst v16  }
0x139: {  	[tilespmem:s11], [sflag:$0x1] =	stream.indirect.gather [hbm4b:s3+s10], $0x40, s5, s10, $0xb8;
	[tilespmem:$0x11A30] =	vst v63  }
0x13a: {  	s9 =	sadd.s32 $0x2850, s20  }
0x13b: {  	[tilespmem:s12], [sflag:$0x2] =	stream.indirect.gather [hbm4b:s3+s10], $0x40, s9, s10, $0xb8;
	[tilespmem:$0x11A30] =	vst v63  }
0x13c: {  	_ =	swait.ge [sflag:s28], $0x1400  }
0x13d: {  	[sflag:s28] =	ssyncset.done $0x0  }
0x13e: {  	[sflag:s28] =	ssyncadd.s32 $0xFFFFEC00  }
0x13f: {  	_ =	swait.ge [sflag:s29], $0x1400  }
0x140: {  	[sflag:s29] =	ssyncset.done $0x0  }
0x141: {  	s13 =	simm.s32 $0x7720;
	[sflag:s29] =	ssyncadd.s32 $0xFFFFEC00  }
0x142: {  	s22 =	simm.s32 $0x8B20;
	v16 =	vld [tilespmem:s13+$0xF0]  }
0x143: {  	v17 =	vld [tilespmem:s22+$0xF0]  }
0x144: {  	v18 =	vld [tilespmem:s13+$0xE0]  }
0x145: {  	v19 =	vld [tilespmem:s13+$0xC0]  }
0x146: {  	v20 =	vld [tilespmem:s22+$0xC0]  }
0x147: {  	v21 =	vld [tilespmem:s13+$0xD0]  }
0x148: {  	v22 =	vld [tilespmem:s22+$0xD0]  }
0x149: {  	v52 =	vld [tilespmem:s13+$0xFFFFFF50]  }
0x14a: {  	v53 =	vld [tilespmem:s22+$0xFFFFFFC0]  }
0x14b: {  	v36 =	vld [tilespmem:s13+$0xFFFFFFD0]  }
0x14c: {  	v45 =	vld [tilespmem:s22+$0x0]  }
0x14d: {  	v54 =	vld [tilespmem:s22+$0x10]  }
0x14e: {  	v55 =	vld [tilespmem:s13+$0x40];
	v24 =	vunpack.i.l.bf16.f32 v16  }
0x14f: {  	v57 =	vld [tilespmem:s22+$0x40];
	v26 =	vunpack.i.u.bf16.f32 v19;
	v27 =	vunpack.i.l.bf16.f32 v18;
	v28 =	vunpack.i.l.bf16.f32 v17  }
0x150: {  	v58 =	vld [tilespmem:s13+$0x50];
	v19 =	vunpack.i.l.bf16.f32 v19;
	v30 =	vunpack.i.u.bf16.f32 v20;
	v20 =	vunpack.i.l.bf16.f32 v20  }
0x151: {  	v62 =	vld [tilespmem:s22+$0x80];
	v50 =	vunpack.i.u.bf16.f32 v21;
	v21 =	vunpack.i.l.bf16.f32 v21;
	v51 =	vunpack.i.u.bf16.f32 v22  }
0x152: {  	v63 =	vld [tilespmem:s13+$0x90];
	v22 =	vunpack.i.l.bf16.f32 v22;
	v18 =	vunpack.i.u.bf16.f32 v18;
	v16 =	vunpack.i.u.bf16.f32 v16  }
0x153: {  	v1 =	vld [tilespmem:s22+$0x90];
	v17 =	vunpack.i.u.bf16.f32 v17;
	v37 =	vunpack.i.u.bf16.f32 v52;
	v32 =	vunpack.i.l.bf16.f32 v52  }
0x154: {  	v4 =	vld [tilespmem:s13+$0xFFFFFF20];
	v47 =	vunpack.i.u.bf16.f32 v53;
	v33 =	vunpack.i.l.bf16.f32 v53;
	v49 =	vunpack.i.u.bf16.f32 v36  }
0x155: {  	v23 =	vld [tilespmem:s22+$0xE0];
	v36 =	vunpack.i.l.bf16.f32 v36;
	v56 =	vunpack.i.u.bf16.f32 v45;
	v45 =	vunpack.i.l.bf16.f32 v45  }
0x156: {  	v39 =	vld [tilespmem:s22+$0xFFFFFFD0];
	v59 =	vunpack.i.u.bf16.f32 v54;
	v60 =	vunpack.i.u.bf16.f32 v55;
	v61 =	vunpack.i.u.bf16.f32 v57  }
0x157: {  	v7 =	vld [tilespmem:s13+$0xFFFFFF60];
	v0 =	vunpack.i.u.bf16.f32 v58;
	v6 =	vunpack.i.u.bf16.f32 v62;
	v8 =	vunpack.i.u.bf16.f32 v63  }
0x158: {  	v9 =	vunpack.i.u.bf16.f32 v1;
	v19 =	vmul.f32 v20, v19;
	v20 =	vmul.f32 v30, v26  }
0x159: {  	v25 =	vld [tilespmem:s22+$0xFFFFFF00];
	v11 =	vunpack.i.u.bf16.f32 v4;
	v21 =	vmul.f32 v22, v21;
	v22 =	vmul.f32 v51, v50  }
0x15a: {  	v29 =	vld [tilespmem:s13+$0xFFFFFF10];
	v30 =	vunpack.i.l.bf16.f32 v23;
	v23 =	vunpack.i.u.bf16.f32 v23;
	v16 =	vmul.f32 v17, v16  }
0x15b: {  	v31 =	vld [tilespmem:s22+$0xFFFFFF10];
	v50 =	vunpack.i.u.bf16.f32 v39;
	v39 =	vunpack.i.l.bf16.f32 v39;
	v27 =	vmul.f32 v30, v27  }
0x15c: {  	v34 =	vld [tilespmem:s13+$0xFFFFFF40];
	v52 =	vunpack.i.u.bf16.f32 v7;
	v18 =	vmul.f32 v23, v18;
	v36 =	vmul.f32 v39, v36  }
0x15d: {  	v26 =	vld [tilespmem:s22+$0xFFFFFF40];
	v49 =	vmul.f32 v50, v49;
	v39 =	vunpack.i.l.bf16.f32 v62;
	v50 =	vunpack.i.l.bf16.f32 v7  }
0x15e: {  	v17 =	vld [tilespmem:s13+$0xFFFFFF90];
	v19 =	vadd.f32 v19, v20;
	v20 =	vadd.f32 v21, v22;
	v22 =	vmul.f32 v28, v24  }
0x15f: {  	v41 =	vld [tilespmem:s13+$0x0];
	v24 =	vunpack.i.l.bf16.f32 v25;
	v28 =	vunpack.i.l.bf16.f32 v29;
	v18 =	vadd.f32 v27, v18  }
0x160: {  	v30 =	vld [tilespmem:s22+$0xFFFFFF50];
	v36 =	vadd.f32 v36, v49;
	v19 =	vadd.f32 v20, v19;
	v20 =	vunpack.i.u.bf16.f32 v25  }
0x161: {  	v23 =	vld [tilespmem:s22+$0xFFFFFF80];
	v25 =	vunpack.i.u.bf16.f32 v29;
	v16 =	vadd.f32 v22, v16;
	v22 =	vunpack.i.u.bf16.f32 v31  }
0x162: {  	v29 =	vunpack.i.l.bf16.f32 v31;
	v31 =	vunpack.i.u.bf16.f32 v34;
	v34 =	vunpack.i.l.bf16.f32 v34  }
0x163: {  	v35 =	vunpack.i.u.bf16.f32 v26;
	v26 =	vunpack.i.l.bf16.f32 v26;
	v43 =	vunpack.i.u.bf16.f32 v17  }
0x164: {  	v21 =	vld [tilespmem:s13+$0xFFFFFF80];
	v17 =	vunpack.i.l.bf16.f32 v17;
	v28 =	vmul.f32 v29, v28;
	v22 =	vmul.f32 v22, v25  }
0x165: {  	v25 =	vunpack.i.u.bf16.f32 v41;
	v41 =	vunpack.i.l.bf16.f32 v41;
	v18 =	vadd.f32 v18, v19  }
0x166: {  	v5 =	vld [tilespmem:s22+$0xFFFFFF20];
	v38 =	vunpack.i.u.bf16.f32 v30;
	v30 =	vunpack.i.l.bf16.f32 v30;
	v42 =	vunpack.i.u.bf16.f32 v23  }
0x167: {  	v10 =	vld [tilespmem:s13+$0xFFFFFFA0];
	v23 =	vunpack.i.l.bf16.f32 v23;
	v26 =	vmul.f32 v26, v34;
	v31 =	vmul.f32 v35, v31  }
0x168: {  	v27 =	vld [tilespmem:s22+$0xFFFFFF90];
	v34 =	vunpack.i.l.bf16.f32 v54;
	v41 =	vmul.f32 v45, v41;
	v25 =	vmul.f32 v56, v25  }
0x169: {  	v48 =	vld [tilespmem:s13+$0x10];
	v45 =	vunpack.i.l.bf16.f32 v63;
	v35 =	vunpack.i.l.bf16.f32 v1;
	v40 =	vunpack.i.u.bf16.f32 v21  }
0x16a: {  	v21 =	vunpack.i.l.bf16.f32 v21;
	v30 =	vmul.f32 v30, v32;
	v37 =	vmul.f32 v38, v37  }
0x16b: {  	v32 =	vunpack.i.l.bf16.f32 v55;
	v38 =	vunpack.i.l.bf16.f32 v57;
	v35 =	vmul.f32 v35, v45  }
0x16c: {  	v22 =	vadd.f32 v28, v22;
	v28 =	vunpack.i.u.bf16.f32 v5;
	v45 =	vunpack.i.l.bf16.f32 v10  }
0x16d: {  	v53 =	vld [tilespmem:s22+$0xFFFFFFE0];
	v44 =	vunpack.i.u.bf16.f32 v27;
	v27 =	vunpack.i.l.bf16.f32 v27;
	v21 =	vmul.f32 v23, v21  }
0x16e: {  	v29 =	vld [tilespmem:s13+$0xFFFFFF00];
	v23 =	vunpack.i.u.bf16.f32 v48;
	v48 =	vunpack.i.l.bf16.f32 v48;
	v40 =	vmul.f32 v42, v40  }
0x16f: {  	v19 =	vld [tilespmem:s13+$0xFFFFFFC0];
	v42 =	vunpack.i.l.bf16.f32 v58;
	v32 =	vmul.f32 v38, v32;
	v16 =	vadd.f32 v16, v18  }
0x170: {  	v38 =	vunpack.i.l.bf16.f32 v4;
	v26 =	vadd.f32 v26, v31;
	v28 =	vmul.f32 v28, v11  }
0x171: {  	v25 =	vadd.f32 v41, v25;
	v17 =	vmul.f32 v27, v17;
	v43 =	vmul.f32 v44, v43  }
0x172: {  	v55 =	vld [tilespmem:s13+$0x20];
	v34 =	vmul.f32 v34, v48;
	v23 =	vmul.f32 v59, v23;
	v30 =	vadd.f32 v30, v37  }
0x173: {  	v57 =	vld [tilespmem:s13+$0x60];
	v59 =	vunpack.i.u.bf16.f32 v53;
	v37 =	vunpack.i.l.bf16.f32 v53;
	v27 =	vunpack.i.l.bf16.f32 v29  }
0x174: {  	v18 =	vld [tilespmem:s22+$0xFFFFFF60];
	v29 =	vunpack.i.u.bf16.f32 v29;
	v21 =	vadd.f32 v21, v40;
	v46 =	vunpack.i.u.bf16.f32 v19  }
0x175: {  	v31 =	vld [tilespmem:s13+$0xFFFFFFE0];
	v19 =	vunpack.i.l.bf16.f32 v19;
	v24 =	vmul.f32 v24, v27;
	v20 =	vmul.f32 v20, v29  }
0x176: {  	v56 =	vld [tilespmem:s22+$0x20];
	v43 =	vadd.f32 v17, v43;
	v17 =	vunpack.i.u.bf16.f32 v10;
	v23 =	vadd.f32 v34, v23  }
0x177: {  	v63 =	vld [tilespmem:s13+$0xFFFFFF30];
	v30 =	vadd.f32 v30, v26;
	v19 =	vmul.f32 v33, v19;
	v46 =	vmul.f32 v47, v46  }
0x178: {  	v11 =	vld [tilespmem:s13+$0x30];
	v33 =	vmul.f32 v61, v60;
	v40 =	vunpack.i.l.bf16.f32 v55;
	v47 =	vunpack.i.l.bf16.f32 v57  }
0x179: {  	v27 =	vld [tilespmem:s22+$0x50];
	v20 =	vadd.f32 v24, v20;
	v54 =	vunpack.i.u.bf16.f32 v18;
	v18 =	vunpack.i.l.bf16.f32 v18  }
0x17a: {  	v29 =	vld [tilespmem:s13+$0x80];
	v58 =	vunpack.i.u.bf16.f32 v31;
	v31 =	vunpack.i.l.bf16.f32 v31;
	v43 =	vadd.f32 v43, v21  }
0x17b: {  	v1 =	vld [tilespmem:s22+$0xFFFFFF30];
	v23 =	vadd.f32 v23, v25;
	v50 =	vmul.f32 v18, v50;
	v19 =	vadd.f32 v19, v46  }
0x17c: {  	v53 =	vld [tilespmem:s13+$0x70];
	v32 =	vadd.f32 v32, v33;
	v46 =	vunpack.i.l.bf16.f32 v56;
	v31 =	vmul.f32 v37, v31  }
0x17d: {  	v60 =	vld [tilespmem:s22+$0x60];
	v41 =	vmul.f32 v59, v58;
	v58 =	vunpack.i.l.bf16.f32 v11;
	v40 =	vmul.f32 v46, v40  }
0x17e: {  	v61 =	vld [tilespmem:s13+$0xA0];
	v7 =	vadd.f32 v22, v20;
	v2 =	vunpack.i.u.bf16.f32 v27;
	v27 =	vunpack.i.l.bf16.f32 v27  }
0x17f: {  	v24 =	vld [tilespmem:s22+$0xFFFFFFA0];
	v3 =	vunpack.i.u.bf16.f32 v29;
	v29 =	vunpack.i.l.bf16.f32 v29;
	v27 =	vmul.f32 v27, v42  }
0x180: {  	v20 =	vunpack.i.u.bf16.f32 v1;
	v48 =	vmul.f32 v2, v0;
	v29 =	vmul.f32 v39, v29  }
0x181: {  	v44 =	vmul.f32 v6, v3;
	v39 =	vmul.f32 v9, v8;
	v42 =	vunpack.i.l.bf16.f32 v5  }
0x182: {  	v0 =	vunpack.i.u.bf16.f32 v57;
	v3 =	vunpack.i.u.bf16.f32 v60;
	v34 =	vunpack.i.l.bf16.f32 v60  }
0x183: {  	v33 =	vunpack.i.l.bf16.f32 v61;
	v5 =	vunpack.i.u.bf16.f32 v63;
	v57 =	vunpack.i.u.bf16.f32 v11  }
0x184: {  	v2 =	vld [tilespmem:s13+$0xFFFFFF70];
	v60 =	vunpack.i.l.bf16.f32 v53;
	v38 =	vmul.f32 v42, v38;
	v18 =	vunpack.i.u.bf16.f32 v24  }
0x185: {  	v24 =	vunpack.i.l.bf16.f32 v24;
	v42 =	vmul.f32 v54, v52;
	v34 =	vmul.f32 v34, v47;
	v52 =	vld [tilespmem:s13+$0xFFFFFFB0]  }
0x186: {  	v54 =	vld [tilespmem:s22+$0x70];
	v45 =	vmul.f32 v24, v45;
	v24 =	vunpack.i.u.bf16.f32 v55;
	v27 =	vadd.f32 v27, v48  }
0x187: {  	v62 =	vmul.f32 v18, v17;
	v17 =	vld [tilespmem:s22+$0xA0];
	v18 =	vunpack.i.u.bf16.f32 v56;
	v29 =	vadd.f32 v29, v44  }
0x188: {  	v35 =	vadd.f32 v35, v39;
	v39 =	vmul.f32 v3, v0;
	v55 =	vld [tilespmem:s13+$0xB0];
	v51 =	vmul.f32 v18, v24  }
0x189: {  	v18 =	vunpack.i.u.bf16.f32 v61;
	v28 =	vadd.f32 v38, v28;
	v42 =	vadd.f32 v50, v42  }
0x18a: {  	v24 =	vld [tilespmem:s22+$0xFFFFFF70];
	v45 =	vadd.f32 v45, v62;
	v38 =	vadd.f32 v34, v39;
	v22 =	vunpack.i.l.bf16.f32 v2  }
0x18b: {  	v21 =	vunpack.i.u.bf16.f32 v2;
	v28 =	vadd.f32 v28, v7;
	v25 =	vunpack.i.l.bf16.f32 v52  }
0x18c: {  	v9 =	vld [tilespmem:s13+$0xFFFFFFF0];
	s13 =	simm.s32 $0x11570;
	v61 =	vunpack.i.l.bf16.f32 v54;
	v62 =	vunpack.i.u.bf16.f32 v54;
	v34 =	vadd.f32 v45, v43  }
0x18d: {  	[tilespmem:s13+$0x30] =	vst v16;
	v4 =	vunpack.i.u.bf16.f32 v17;
	v17 =	vunpack.i.l.bf16.f32 v17;
	v16 =	vunpack.i.u.bf16.f32 v55  }
0x18e: {  	v26 =	vld [tilespmem:s22+$0xFFFFFFB0];
	v33 =	vmul.f32 v17, v33;
	v17 =	vunpack.i.l.bf16.f32 v63;
	v6 =	vmul.f32 v4, v18  }
0x18f: {  	v10 =	vld [tilespmem:s22+$0xFFFFFFF0];
	v18 =	vunpack.i.l.bf16.f32 v1;
	v8 =	vunpack.i.l.bf16.f32 v24;
	v24 =	vunpack.i.u.bf16.f32 v24  }
0x190: {  	v63 =	vunpack.i.l.bf16.f32 v55;
	v17 =	vmul.f32 v18, v17;
	v18 =	vmul.f32 v20, v5  }
0x191: {  	v20 =	vadd.f32 v36, v19;
	v19 =	vmul.f32 v8, v22;
	v22 =	vadd.f32 v27, v32  }
0x192: {  	v21 =	vmul.f32 v24, v21;
	v27 =	vunpack.i.u.bf16.f32 v52;
	v24 =	vadd.f32 v35, v29;
	v29 =	vld [tilespmem:s22+$0x30]  }
0x193: {  	v52 =	vunpack.i.u.bf16.f32 v26;
	v26 =	vunpack.i.l.bf16.f32 v26;
	v32 =	vadd.f32 v31, v41  }
0x194: {  	v56 =	vld [tilespmem:s22+$0xB0];
	v31 =	vunpack.i.l.bf16.f32 v10;
	v35 =	vadd.f32 v40, v51;
	v36 =	vunpack.i.u.bf16.f32 v9  }
0x195: {  	v25 =	vmul.f32 v26, v25;
	v26 =	vmul.f32 v52, v27;
	v27 =	vunpack.i.l.bf16.f32 v9  }
0x196: {  	v37 =	vadd.f32 v33, v6;
	v27 =	vmul.f32 v31, v27;
	v31 =	vunpack.i.u.bf16.f32 v10  }
0x197: {  	v33 =	vmul.f32 v31, v36;
	v59 =	vunpack.i.u.bf16.f32 v29;
	v29 =	vunpack.i.l.bf16.f32 v29  }
0x198: {  	v31 =	vmul.f32 v29, v58;
	v29 =	vadd.f32 v42, v30;
	v30 =	vunpack.i.u.bf16.f32 v53  }
0x199: {  	v36 =	vmul.f32 v61, v60;
	v41 =	vmul.f32 v62, v30;
	v30 =	vunpack.i.l.bf16.f32 v56  }
0x19a: {  	s4 =	simm.s32 $0x7920;
	s9 =	simm.s32 $0x0;
	v39 =	vmul.f32 v59, v57;
	v40 =	vmul.f32 v30, v63;
	v30 =	vunpack.i.u.bf16.f32 v56  }
.LBB2_7:
0x19b: {  	v42 =	vld [tilespmem:s4+$0xF0];
	v20 =	vadd.f32 v32, v20;
	v23 =	vadd.f32 v35, v23;
	v16 =	vmul.f32 v30, v16;
	s22 =	sadd.s32 $0x200, s22  }
0x19c: {  	v22 =	vadd.f32 v38, v22;
	v24 =	vadd.f32 v37, v24;
	v30 =	vld [tilespmem:s22+$0xF0]  }
0x19d: {  	v17 =	vadd.f32 v17, v18;
	v18 =	vadd.f32 v19, v21;
	v32 =	vld [tilespmem:s4+$0xE0]  }
0x19e: {  	v21 =	vadd.f32 v25, v26;
	v25 =	vadd.f32 v27, v33;
	v19 =	vld [tilespmem:s4+$0xC0]  }
0x19f: {  	v27 =	vadd.f32 v31, v39;
	v31 =	vadd.f32 v36, v41;
	v26 =	vld [tilespmem:s22+$0xC0]  }
0x1a0: {  	v17 =	vadd.f32 v17, v28;
	v16 =	vadd.f32 v40, v16;
	v33 =	vld [tilespmem:s4+$0xD0]  }
0x1a1: {  	v18 =	vadd.f32 v18, v29;
	v21 =	vadd.f32 v21, v34;
	v28 =	vld [tilespmem:s22+$0xD0]  }
0x1a2: {  	s9 =	sadd.s32 $0x8, s9;
	v29 =	vld [tilespmem:s22+$0xFFFFFF00];
	[tilespmem:s13+$0xFFFFFFC0] =	vst v17;
	v17 =	vadd.f32 v25, v20;
	v20 =	vadd.f32 v27, v23  }
0x1a3: {  	p0 =	slt.u32 s9, $0x48;
	v16 =	vadd.f32 v16, v24;
	v25 =	vunpack.i.l.bf16.f32 v42;
	v23 =	vld [tilespmem:s22+$0xE0];
	[tilespmem:s13+$0xFFFFFFD0] =	vst v18;
	v18 =	vadd.f32 v31, v22  }
0x1a4: {  	v27 =	vunpack.i.l.bf16.f32 v32;
	v24 =	vunpack.i.u.bf16.f32 v19;
	v31 =	vunpack.i.l.bf16.f32 v30;
	v22 =	vld [tilespmem:s4+$0xFFFFFF10];
	[tilespmem:s13+$0xFFFFFFE0] =	vst v21  }
0x1a5: {  	v19 =	vunpack.i.l.bf16.f32 v19;
	v34 =	vunpack.i.u.bf16.f32 v26;
	v26 =	vunpack.i.l.bf16.f32 v26;
	v21 =	vld [tilespmem:s22+$0xFFFFFF10];
	[tilespmem:s13+$0xFFFFFFF0] =	vst v17  }
0x1a6: {  	v35 =	vunpack.i.u.bf16.f32 v33;
	v33 =	vunpack.i.l.bf16.f32 v33;
	v17 =	vld [tilespmem:s4+$0xFFFFFF40];
	v36 =	vunpack.i.u.bf16.f32 v28;
	[tilespmem:s13+$0x0] =	vst v20  }
0x1a7: {  	v19 =	vmul.f32 v26, v19;
	v24 =	vmul.f32 v34, v24;
	v26 =	vunpack.i.l.bf16.f32 v28;
	v20 =	vld [tilespmem:s22+$0xFFFFFF40];
	[tilespmem:s13+$0x10] =	vst v18  }
0x1a8: {  	v26 =	vmul.f32 v26, v33;
	v28 =	vmul.f32 v36, v35;
	v18 =	vld [tilespmem:s4+$0xFFFFFF50];
	v33 =	vunpack.i.l.bf16.f32 v23;
	[tilespmem:s13+$0x20] =	vst v16  }
0x1a9: {  	v32 =	vunpack.i.u.bf16.f32 v32;
	v23 =	vunpack.i.u.bf16.f32 v23;
	v16 =	vld [tilespmem:s22+$0xFFFFFF50];
	v27 =	vmul.f32 v33, v27  }
0x1aa: {  	v19 =	vadd.f32 v19, v24;
	v24 =	vadd.f32 v26, v28;
	v23 =	vmul.f32 v23, v32;
	v33 =	vld [tilespmem:s4+$0xFFFFFF80]  }
0x1ab: {  	v30 =	vunpack.i.u.bf16.f32 v30;
	v25 =	vmul.f32 v31, v25;
	v28 =	vunpack.i.u.bf16.f32 v42;
	v26 =	vld [tilespmem:s22+$0xFFFFFF80]  }
0x1ac: {  	v19 =	vadd.f32 v24, v19;
	v23 =	vadd.f32 v27, v23;
	v24 =	vmul.f32 v30, v28;
	v31 =	vld [tilespmem:s4+$0xFFFFFF90]  }
0x1ad: {  	v27 =	vunpack.i.u.bf16.f32 v29;
	v28 =	vunpack.i.l.bf16.f32 v29;
	v29 =	vunpack.i.u.bf16.f32 v22;
	v30 =	vld [tilespmem:s22+$0xFFFFFF90]  }
0x1ae: {  	v22 =	vunpack.i.l.bf16.f32 v22;
	v19 =	vadd.f32 v23, v19;
	v23 =	vadd.f32 v25, v24;
	v32 =	vld [tilespmem:s4+$0xFFFFFFC0]  }
0x1af: {  	v24 =	vunpack.i.u.bf16.f32 v21;
	v21 =	vunpack.i.l.bf16.f32 v21;
	v25 =	vunpack.i.u.bf16.f32 v17;
	v34 =	vld [tilespmem:s22+$0xFFFFFFC0]  }
0x1b0: {  	v35 =	vunpack.i.u.bf16.f32 v20;
	v17 =	vunpack.i.l.bf16.f32 v17;
	v19 =	vadd.f32 v23, v19;
	v36 =	vld [tilespmem:s4+$0xFFFFFFD0]  }
0x1b1: {  	s13 =	sadd.s32 $0x80, s13;
	v20 =	vunpack.i.l.bf16.f32 v20;
	v23 =	vunpack.i.u.bf16.f32 v18;
	v18 =	vunpack.i.l.bf16.f32 v18;
	v37 =	vld [tilespmem:s22+$0xFFFFFFD0]  }
0x1b2: {  	s5 =	simm.s32 $0x0;
	v38 =	vunpack.i.u.bf16.f32 v16;
	v16 =	vunpack.i.l.bf16.f32 v16;
	v39 =	vunpack.i.u.bf16.f32 v33;
	v40 =	vld [tilespmem:s4+$0x0];
	[tilespmem:s13+$0x30] =	vst v19  }
0x1b3: {  	v19 =	vunpack.i.l.bf16.f32 v33;
	v33 =	vunpack.i.u.bf16.f32 v26;
	v26 =	vunpack.i.l.bf16.f32 v26;
	v41 =	vld [tilespmem:s22+$0x0]  }
0x1b4: {  	v42 =	vunpack.i.u.bf16.f32 v31;
	v31 =	vunpack.i.l.bf16.f32 v31;
	v43 =	vunpack.i.u.bf16.f32 v30;
	v44 =	vld [tilespmem:s4+$0x10]  }
0x1b5: {  	v30 =	vunpack.i.l.bf16.f32 v30;
	v45 =	vunpack.i.u.bf16.f32 v32;
	v32 =	vunpack.i.l.bf16.f32 v32;
	v46 =	vld [tilespmem:s22+$0x10]  }
0x1b6: {  	v47 =	vunpack.i.u.bf16.f32 v34;
	v34 =	vunpack.i.l.bf16.f32 v34;
	v48 =	vunpack.i.u.bf16.f32 v36;
	v49 =	vld [tilespmem:s4+$0x40]  }
0x1b7: {  	v36 =	vunpack.i.l.bf16.f32 v36;
	v50 =	vunpack.i.u.bf16.f32 v37;
	v37 =	vunpack.i.l.bf16.f32 v37;
	v51 =	vld [tilespmem:s22+$0x40]  }
0x1b8: {  	v52 =	vunpack.i.u.bf16.f32 v40;
	v40 =	vunpack.i.l.bf16.f32 v40;
	v53 =	vunpack.i.u.bf16.f32 v41;
	v54 =	vld [tilespmem:s4+$0x50]  }
0x1b9: {  	v41 =	vunpack.i.l.bf16.f32 v41;
	v55 =	vunpack.i.u.bf16.f32 v44;
	v44 =	vunpack.i.l.bf16.f32 v44;
	v56 =	vld [tilespmem:s22+$0x50]  }
0x1ba: {  	v21 =	vmul.f32 v21, v22;
	v22 =	vunpack.i.u.bf16.f32 v46;
	v46 =	vunpack.i.l.bf16.f32 v46;
	v57 =	vld [tilespmem:s4+$0x80]  }
0x1bb: {  	v24 =	vmul.f32 v24, v29;
	v29 =	vunpack.i.u.bf16.f32 v49;
	v49 =	vunpack.i.l.bf16.f32 v49;
	v58 =	vld [tilespmem:s22+$0x80]  }
0x1bc: {  	v17 =	vmul.f32 v20, v17;
	v20 =	vunpack.i.u.bf16.f32 v51;
	v51 =	vunpack.i.l.bf16.f32 v51;
	v59 =	vld [tilespmem:s4+$0x90]  }
0x1bd: {  	v25 =	vmul.f32 v35, v25;
	v35 =	vunpack.i.u.bf16.f32 v54;
	v54 =	vunpack.i.l.bf16.f32 v54;
	v60 =	vld [tilespmem:s22+$0x90]  }
0x1be: {  	v16 =	vmul.f32 v16, v18;
	v61 =	vld [tilespmem:s4+$0xFFFFFF00];
	v18 =	vunpack.i.u.bf16.f32 v56;
	v56 =	vunpack.i.l.bf16.f32 v56  }
0x1bf: {  	v23 =	vmul.f32 v38, v23;
	v62 =	vld [tilespmem:s4+$0xFFFFFF20];
	v38 =	vunpack.i.u.bf16.f32 v57;
	v57 =	vunpack.i.l.bf16.f32 v57  }
0x1c0: {  	v19 =	vmul.f32 v26, v19;
	v63 =	vld [tilespmem:s22+$0xFFFFFF20];
	v26 =	vunpack.i.u.bf16.f32 v58;
	v58 =	vunpack.i.l.bf16.f32 v58  }
0x1c1: {  	v33 =	vmul.f32 v33, v39;
	v0 =	vld [tilespmem:s4+$0xFFFFFF60];
	v39 =	vunpack.i.u.bf16.f32 v59;
	v59 =	vunpack.i.l.bf16.f32 v59  }
0x1c2: {  	v30 =	vmul.f32 v30, v31;
	v1 =	vld [tilespmem:s22+$0xFFFFFF60];
	v31 =	vunpack.i.u.bf16.f32 v60;
	v60 =	vunpack.i.l.bf16.f32 v60  }
0x1c3: {  	v42 =	vmul.f32 v43, v42;
	v2 =	vunpack.i.u.bf16.f32 v61;
	v61 =	vunpack.i.l.bf16.f32 v61;
	v43 =	vld [tilespmem:s4+$0xFFFFFFA0]  }
0x1c4: {  	v28 =	vmul.f32 v28, v61;
	v2 =	vmul.f32 v27, v2;
	v27 =	vunpack.i.u.bf16.f32 v62;
	v61 =	vld [tilespmem:s22+$0xFFFFFFA0]  }
0x1c5: {  	v32 =	vmul.f32 v34, v32;
	v34 =	vmul.f32 v47, v45;
	v62 =	vunpack.i.l.bf16.f32 v62;
	v45 =	vld [tilespmem:s4+$0xFFFFFFE0]  }
0x1c6: {  	v36 =	vmul.f32 v37, v36;
	v37 =	vmul.f32 v50, v48;
	v47 =	vunpack.i.u.bf16.f32 v63;
	v48 =	vld [tilespmem:s22+$0xFFFFFFE0]  }
0x1c7: {  	v40 =	vmul.f32 v41, v40;
	v41 =	vmul.f32 v53, v52;
	v50 =	vunpack.i.l.bf16.f32 v63;
	v52 =	vld [tilespmem:s4+$0x20]  }
0x1c8: {  	v44 =	vmul.f32 v46, v44;
	v22 =	vmul.f32 v22, v55;
	v53 =	vunpack.i.u.bf16.f32 v0;
	v46 =	vld [tilespmem:s22+$0x20]  }
0x1c9: {  	v49 =	vmul.f32 v51, v49;
	v20 =	vmul.f32 v20, v29;
	v0 =	vunpack.i.l.bf16.f32 v0;
	v29 =	vld [tilespmem:s4+$0x60]  }
0x1ca: {  	v54 =	vmul.f32 v56, v54;
	v18 =	vmul.f32 v18, v35;
	v51 =	vunpack.i.u.bf16.f32 v1;
	v35 =	vld [tilespmem:s22+$0x60]  }
0x1cb: {  	v55 =	vmul.f32 v58, v57;
	v26 =	vmul.f32 v26, v38;
	v1 =	vunpack.i.l.bf16.f32 v1;
	v38 =	vld [tilespmem:s4+$0xA0]  }
0x1cc: {  	v57 =	vmul.f32 v60, v59;
	v31 =	vmul.f32 v31, v39;
	v56 =	vunpack.i.u.bf16.f32 v43;
	v39 =	vld [tilespmem:s22+$0xA0]  }
0x1cd: {  	v43 =	vunpack.i.l.bf16.f32 v43;
	v59 =	vunpack.i.u.bf16.f32 v61;
	v60 =	vunpack.i.l.bf16.f32 v61;
	v58 =	vld [tilespmem:s4+$0xFFFFFF30]  }
0x1ce: {  	v63 =	vunpack.i.u.bf16.f32 v45;
	v45 =	vunpack.i.l.bf16.f32 v45;
	v3 =	vunpack.i.u.bf16.f32 v48;
	v61 =	vld [tilespmem:s22+$0xFFFFFF30]  }
0x1cf: {  	v48 =	vunpack.i.l.bf16.f32 v48;
	v5 =	vunpack.i.u.bf16.f32 v52;
	v52 =	vunpack.i.l.bf16.f32 v52;
	v4 =	vld [tilespmem:s4+$0xFFFFFF70]  }
0x1d0: {  	v7 =	vunpack.i.u.bf16.f32 v46;
	v46 =	vunpack.i.l.bf16.f32 v46;
	v8 =	vunpack.i.u.bf16.f32 v29;
	v6 =	vld [tilespmem:s22+$0xFFFFFF70]  }
0x1d1: {  	v29 =	vunpack.i.l.bf16.f32 v29;
	v10 =	vunpack.i.u.bf16.f32 v35;
	v35 =	vunpack.i.l.bf16.f32 v35;
	v9 =	vld [tilespmem:s4+$0xFFFFFFB0]  }
0x1d2: {  	v12 =	vunpack.i.u.bf16.f32 v38;
	v38 =	vunpack.i.l.bf16.f32 v38;
	v13 =	vunpack.i.u.bf16.f32 v39;
	v11 =	vld [tilespmem:s22+$0xFFFFFFB0]  }
0x1d3: {  	v21 =	vadd.f32 v21, v24;
	v2 =	vadd.f32 v28, v2;
	v28 =	vunpack.i.l.bf16.f32 v39;
	v24 =	vld [tilespmem:s4+$0xFFFFFFF0]  }
0x1d4: {  	v25 =	vadd.f32 v17, v25;
	v23 =	vadd.f32 v16, v23;
	v39 =	vmul.f32 v50, v62;
	v16 =	vld [tilespmem:s22+$0xFFFFFFF0]  }
0x1d5: {  	v19 =	vadd.f32 v19, v33;
	v33 =	vadd.f32 v30, v42;
	v27 =	vmul.f32 v47, v27;
	v17 =	vld [tilespmem:s4+$0x30]  }
0x1d6: {  	v0 =	vmul.f32 v1, v0;
	v1 =	vadd.f32 v32, v34;
	v32 =	vadd.f32 v36, v37;
	v30 =	vld [tilespmem:s22+$0x30]  }
0x1d7: {  	v22 =	vadd.f32 v44, v22;
	v34 =	vmul.f32 v51, v53;
	v36 =	vadd.f32 v40, v41;
	v37 =	vld [tilespmem:s4+$0x70]  }
0x1d8: {  	v42 =	vadd.f32 v54, v18;
	v41 =	vadd.f32 v49, v20;
	v40 =	vmul.f32 v60, v43;
	v18 =	vld [tilespmem:s22+$0x70]  }
0x1d9: {  	v26 =	vadd.f32 v55, v26;
	v31 =	vadd.f32 v57, v31;
	v43 =	vmul.f32 v59, v56;
	v20 =	vld [tilespmem:s4+$0xB0]  }
0x1da: {  	v45 =	vmul.f32 v48, v45;
	v3 =	vmul.f32 v3, v63;
	v44 =	vunpack.i.u.bf16.f32 v58;
	v47 =	vld [tilespmem:s22+$0xB0]  }
0x1db: {  	v46 =	vmul.f32 v46, v52;
	v5 =	vmul.f32 v7, v5;
	v48 =	vunpack.i.l.bf16.f32 v58  }
0x1dc: {  	v29 =	vmul.f32 v35, v29;
	v8 =	vmul.f32 v10, v8;
	v7 =	vunpack.i.u.bf16.f32 v61  }
0x1dd: {  	v28 =	vmul.f32 v28, v38;
	v12 =	vmul.f32 v13, v12;
	v10 =	vunpack.i.l.bf16.f32 v61  }
0x1de: {  	v13 =	vunpack.i.u.bf16.f32 v4;
	v4 =	vunpack.i.l.bf16.f32 v4;
	v35 =	vunpack.i.u.bf16.f32 v6  }
0x1df: {  	v6 =	vunpack.i.l.bf16.f32 v6;
	v38 =	vunpack.i.u.bf16.f32 v9;
	v9 =	vunpack.i.l.bf16.f32 v9  }
0x1e0: {  	v49 =	vunpack.i.u.bf16.f32 v11;
	v11 =	vunpack.i.l.bf16.f32 v11;
	v50 =	vunpack.i.u.bf16.f32 v24  }
0x1e1: {  	v51 =	vunpack.i.l.bf16.f32 v24;
	v52 =	vunpack.i.u.bf16.f32 v16;
	v53 =	vunpack.i.l.bf16.f32 v16  }
0x1e2: {  	v54 =	vunpack.i.u.bf16.f32 v17;
	v55 =	vunpack.i.l.bf16.f32 v17;
	v56 =	vunpack.i.u.bf16.f32 v30  }
0x1e3: {  	v57 =	vunpack.i.l.bf16.f32 v30;
	v58 =	vunpack.i.u.bf16.f32 v37;
	v59 =	vunpack.i.l.bf16.f32 v37  }
0x1e4: {  	v60 =	vunpack.i.u.bf16.f32 v18;
	v61 =	vunpack.i.l.bf16.f32 v18;
	v16 =	vunpack.i.u.bf16.f32 v20  }
0x1e5: {  	v62 =	vunpack.i.l.bf16.f32 v20;
	v30 =	vunpack.i.u.bf16.f32 v47;
	v47 =	vunpack.i.l.bf16.f32 v47  }
0x1e6: {  	v2 =	vadd.f32 v21, v2;
	v17 =	vmul.f32 v10, v48;
	v10 =	vadd.f32 v23, v25  }
0x1e7: {  	v18 =	vmul.f32 v7, v44;
	v7 =	vadd.f32 v33, v19;
	v20 =	vadd.f32 v32, v1  }
0x1e8: {  	v23 =	vadd.f32 v22, v36;
	v22 =	vadd.f32 v42, v41;
	v19 =	vmul.f32 v6, v4  }
0x1e9: {  	v21 =	vmul.f32 v35, v13;
	v24 =	vadd.f32 v31, v26;
	v1 =	vadd.f32 v39, v27  }
0x1ea: {  	v0 =	vadd.f32 v0, v34;
	v25 =	vmul.f32 v11, v9;
	v4 =	vadd.f32 v40, v43  }
.Ltmp2:
0x1eb: {  	v35 =	vadd.f32 v46, v5;
	v26 =	vmul.f32 v49, v38;
	v32 =	vadd.f32 v45, v3;
	(pc) =	sbr.rel @p0 .LBB2_7-.Ltmp2, $4  }
0x1ec: {  	v38 =	vadd.f32 v29, v8;
	v37 =	vadd.f32 v28, v12;
	v27 =	vmul.f32 v53, v51  }
0x1ed: {  	v31 =	vmul.f32 v57, v55;
	v33 =	vmul.f32 v52, v50;
	v28 =	vadd.f32 v1, v2  }
0x1ee: {  	v29 =	vadd.f32 v0, v10;
	v39 =	vmul.f32 v56, v54;
	v36 =	vmul.f32 v61, v59  }
0x1ef: {  	s4 =	sadd.s32 $0x200, s4;
	v41 =	vmul.f32 v60, v58;
	v34 =	vadd.f32 v4, v7;
	v40 =	vmul.f32 v47, v62  }
0x1f0: {  	v0 =	vadd.f32 v32, v20;
	v1 =	vadd.f32 v35, v23  }
0x1f1: {  	v2 =	vadd.f32 v38, v22;
	v3 =	vadd.f32 v17, v18  }
0x1f2: {  	v4 =	vadd.f32 v37, v24;
	v5 =	vadd.f32 v19, v21  }
0x1f3: {  	v6 =	vadd.f32 v25, v26;
	v3 =	vadd.f32 v3, v28  }
0x1f4: {  	v7 =	vadd.f32 v27, v33;
	v5 =	vadd.f32 v5, v29  }
0x1f5: {  	v8 =	vmul.f32 v30, v16;
	v9 =	vadd.f32 v31, v39;
	v6 =	vadd.f32 v6, v34;
	[tilespmem:s13+$0xFFFFFFC0] =	vst v3  }
0x1f6: {  	v55 =	vadd.f32 v36, v41;
	v0 =	vadd.f32 v7, v0;
	[tilespmem:s13+$0xFFFFFFD0] =	vst v5  }
0x1f7: {  	v56 =	vadd.f32 v40, v8;
	v1 =	vadd.f32 v9, v1;
	[tilespmem:s13+$0xFFFFFFE0] =	vst v6  }
0x1f8: {  	v2 =	vadd.f32 v55, v2;
	v33 =	vld [tilespmem:$0x1FFF0];
	[tilespmem:s13+$0xFFFFFFF0] =	vst v0  }
0x1f9: {  	v59 =	vadd.f32 v56, v4;
	v34 =	vld [tilespmem:$0x1FF60];
	[tilespmem:s13+$0x0] =	vst v1  }
0x1fa: {  	v35 =	vld [tilespmem:$0x1FF50];
	[tilespmem:s13+$0x10] =	vst v2  }
0x1fb: {  	v32 =	vor.u32 s5, v14;
	v36 =	vld [tilespmem:$0x1FF40];
	[tilespmem:s13+$0x20] =	vst v59  }
0x1fc: {  	v37 =	vld [tilespmem:$0x1FF30]  }
0x1fd: {  	s9 =	simm.s32 $0x100;
	v40 =	vld [tilespmem:$0x1FF80]  }
0x1fe: {  	v13 =	vor.u32 s9, v14;
	v39 =	vld [tilespmem:$0x1FF70]  }
0x1ff: {  	v18 =	vor.u32 s5, v15;
	v38 =	vld [tilespmem:$0x1FF20]  }
0x200: {  	v5 =	vld.idx.msk [tilespmem:v32+s26+$0x0], $0xffff;
	v57 =	vor.u32 s5, v33  }
0x201: {  	v41 =	vld [tilespmem:$0x1FF90];
	v46 =	vor.u32 s9, v33  }
0x202: {  	v42 =	vld [tilespmem:$0x1FFA0]  }
0x203: {  	s4 =	simm.s32 $0x200;
	v16 =	vld.idx.msk [tilespmem:v13+s26+$0x0], $0xffff;
	v58 =	vor.u32 s5, v34  }
0x204: {  	v25 =	vld.idx.msk [tilespmem:v18+s26+$0x0], $0xffff;
	v18 =	vor.u32 s4, v33  }
0x205: {  	v60 =	vor.u32 s5, v35;
	v63 =	vld.idx.msk [tilespmem:v57+s26+$0x0], $0xffff  }
0x206: {  	v10 =	vor.u32 s9, v34;
	v48 =	vld.idx.msk [tilespmem:v46+s26+$0x0], $0xffff  }
0x207: {  	v61 =	vor.u32 s5, v36;
	v46 =	vld [tilespmem:$0x1FFD0]  }
0x208: {  	v62 =	vor.u32 s5, v37;
	v0 =	vld.idx.msk [tilespmem:v58+s26+$0x0], $0xffff  }
0x209: {  	v43 =	vor.u32 s5, v40;
	v59 =	vld.idx.msk [tilespmem:v18+s26+$0x0], $0xffff  }
0x20a: {  	v45 =	vor.u32 s5, v38;
	v1 =	vld.idx.msk [tilespmem:v60+s26+$0x0], $0xffff  }
0x20b: {  	v10 =	vld.idx.msk [tilespmem:v10+s26+$0x0], $0xffff  }
0x20c: {  	v11 =	vor.u32 s9, v35;
	v2 =	vld.idx.msk [tilespmem:v61+s26+$0x0], $0xffff  }
0x20d: {  	v44 =	vor.u32 s5, v39;
	v3 =	vld.idx.msk [tilespmem:v62+s26+$0x0], $0xffff;
	v0 =	vadd.f32 v0, v63  }
0x20e: {  	v6 =	vld.idx.msk [tilespmem:v43+s26+$0x0], $0xffff  }
0x20f: {  	v8 =	vld.idx.msk [tilespmem:v45+s26+$0x0], $0xffff;
	v0 =	vadd.f32 v1, v0  }
0x210: {  	v12 =	vor.u32 s9, v37;
	v43 =	vld [tilespmem:$0x1FFB0]  }
0x211: {  	v49 =	vor.u32 s5, v41;
	v50 =	vld.idx.msk [tilespmem:v11+s26+$0x0], $0xffff;
	v0 =	vadd.f32 v2, v0  }
0x212: {  	v19 =	vor.u32 s4, v35;
	v7 =	vld.idx.msk [tilespmem:v44+s26+$0x0], $0xffff  }
0x213: {  	v51 =	vor.u32 s5, v42;
	v44 =	vld [tilespmem:$0x1FFE0];
	v0 =	vadd.f32 v3, v0  }
0x214: {  	v47 =	vor.u32 s9, v36;
	v45 =	vld [tilespmem:$0x1FFC0]  }
0x215: {  	v52 =	vld.idx.msk [tilespmem:v12+s26+$0x0], $0xffff;
	v12 =	vor.u32 s5, v43;
	v0 =	vadd.f32 v8, v0  }
0x216: {  	v57 =	vor.u32 s4, v36;
	v9 =	vld.idx.msk [tilespmem:v49+s26+$0x0], $0xffff  }
0x217: {  	v18 =	vor.u32 s4, v14;
	v60 =	vld.idx.msk [tilespmem:v19+s26+$0x0], $0xffff;
	v0 =	vadd.f32 v7, v0  }
0x218: {  	v11 =	vld.idx.msk [tilespmem:v51+s26+$0x0], $0xffff;
	v17 =	vor.u32 s5, v44  }
0x219: {  	v4 =	vld.idx.msk [tilespmem:v47+s26+$0x0], $0xffff;
	v13 =	vor.u32 s5, v45;
	v0 =	vadd.f32 v6, v0  }
0x21a: {  	v53 =	vor.u32 s5, v46;
	v12 =	vld.idx.msk [tilespmem:v12+s26+$0x0], $0xffff  }
0x21b: {  	v55 =	vor.u32 s9, v38;
	v20 =	vld.idx.msk [tilespmem:v57+s26+$0x0], $0xffff;
	v0 =	vadd.f32 v9, v0  }
0x21c: {  	v56 =	vor.u32 s4, v34;
	v18 =	vld.idx.msk [tilespmem:v18+s26+$0x0], $0xffff  }
0x21d: {  	v1 =	vadd.f32 v10, v48;
	v27 =	vld.idx.msk [tilespmem:v17+s26+$0x0], $0xffff;
	v17 =	vor.u32 s9, v39;
	v0 =	vadd.f32 v11, v0  }
0x21e: {  	v54 =	vor.u32 s9, v40;
	v13 =	vld.idx.msk [tilespmem:v13+s26+$0x0], $0xffff  }
0x21f: {  	v1 =	vadd.f32 v50, v1;
	v8 =	vld.idx.msk [tilespmem:v53+s26+$0x0], $0xffff;
	v0 =	vadd.f32 v12, v0;
	v12 =	vor.u32 s9, v41  }
0x220: {  	v61 =	vor.u32 s9, v42;
	v6 =	vld.idx.msk [tilespmem:v55+s26+$0x0], $0xffff  }
0x221: {  	v62 =	vor.u32 s9, v44;
	v1 =	vadd.f32 v4, v1;
	v9 =	vld.idx.msk [tilespmem:v56+s26+$0x0], $0xffff;
	v0 =	vadd.f32 v5, v0  }
0x222: {  	v58 =	vld.idx.msk [tilespmem:v17+s26+$0x0], $0xffff;
	v17 =	vor.u32 s4, v37  }
0x223: {  	v63 =	vor.u32 s9, v43;
	v1 =	vadd.f32 v52, v1;
	v7 =	vld.idx.msk [tilespmem:v54+s26+$0x0], $0xffff;
	v0 =	vadd.f32 v13, v0  }
0x224: {  	v24 =	vld.idx.msk [tilespmem:v12+s26+$0x0], $0xffff;
	v12 =	vor.u32 s9, v15  }
0x225: {  	v23 =	vld.idx.msk [tilespmem:v61+s26+$0x0], $0xffff;
	v1 =	vadd.f32 v6, v1;
	v0 =	vadd.f32 v8, v0  }
0x226: {  	v22 =	vor.u32 s9, v46;
	v21 =	vld.idx.msk [tilespmem:v62+s26+$0x0], $0xffff;
	v2 =	vadd.f32 v9, v59  }
0x227: {  	v26 =	vor.u32 s9, v45;
	v19 =	vld.idx.msk [tilespmem:v17+s26+$0x0], $0xffff;
	v1 =	vadd.f32 v58, v1;
	v0 =	vadd.f32 v25, v0  }
0x228: {  	v29 =	vor.u32 s4, v40;
	v30 =	vor.u32 s4, v39;
	v28 =	vadd.f32 v60, v2;
	v25 =	vld.idx.msk [tilespmem:v63+s26+$0x0], $0xffff  }
0x229: {  	s13 =	simm.s32 $0x300;
	v31 =	vor.u32 s4, v38;
	s5 =	smov.u32 s15;
	v32 =	vadd.f32 v7, v1;
	s9 =	smov.u32 s15;
	v17 =	vld.idx.msk [tilespmem:v12+s26+$0x0], $0xffff;
	v27 =	vadd.f32 v27, v0  }
.LBB2_9:
0x22a: {  	p0 =	sne.s32 s13, $0x400  }
0x22b: {  	v0 =	vor.u32 s13, v33;
	v1 =	vadd.f32 v24, v32;
	v2 =	vld.idx.msk [tilespmem:v22+s26+$0x0], $0xffff;
	s5 =	sadd.s32 $0x10, s5;
	s22 =	smov.u32 s13;
	s13 =	sadd.s32 $0x100, s13  }
0x22c: {  	v3 =	vor.u32 s22, v34;
	v4 =	vld.idx.msk [tilespmem:v26+s26+$0x0], $0xffff;
	[tilespmem:s9+$0x0] =	vst v27;
	s9 =	smov.u32 s5  }
0x22d: {  	v5 =	vor.u32 s22, v35;
	v6 =	vld.idx.msk [tilespmem:v29+s26+$0x0], $0xffff;
	v1 =	vadd.f32 v23, v1  }
0x22e: {  	v7 =	vor.u32 s22, v36;
	v9 =	vmov v21;
	v8 =	vld.idx.msk [tilespmem:v30+s26+$0x0], $0xffff  }
0x22f: {  	v10 =	vor.u32 s22, v37;
	v11 =	vld.idx.msk [tilespmem:v31+s26+$0x0], $0xffff;
	v1 =	vadd.f32 v25, v1  }
0x230: {  	v12 =	vor.u32 s4, v41;
	v0 =	vld.idx.msk [tilespmem:v0+s26+$0x0], $0xffff  }
0x231: {  	v13 =	vor.u32 s22, v14;
	v21 =	vadd.f32 v20, v28;
	v3 =	vld.idx.msk [tilespmem:v3+s26+$0x0], $0xffff;
	v1 =	vadd.f32 v16, v1;
	v16 =	vmovc v18  }
0x232: {  	v23 =	vor.u32 s4, v42;
	v5 =	vld.idx.msk [tilespmem:v5+s26+$0x0], $0xffff  }
0x233: {  	v20 =	vld.idx.msk [tilespmem:v7+s26+$0x0], $0xffff;
	v7 =	vadd.f32 v19, v21;
	v21 =	vor.u32 s4, v44;
	v1 =	vadd.f32 v4, v1  }
0x234: {  	v4 =	vor.u32 s4, v43;
	v19 =	vld.idx.msk [tilespmem:v10+s26+$0x0], $0xffff  }
0x235: {  	v10 =	vor.u32 s4, v15;
	v7 =	vadd.f32 v11, v7;
	v24 =	vld.idx.msk [tilespmem:v12+s26+$0x0], $0xffff;
	v1 =	vadd.f32 v2, v1  }
.Ltmp3:
0x236: {  	v22 =	vor.u32 s4, v46;
	v18 =	vld.idx.msk [tilespmem:v13+s26+$0x0], $0xffff;
	(pc) =	sbr.rel @p0 .LBB2_9-.Ltmp3, $4  }
0x237: {  	v26 =	vor.u32 s4, v45;
	s4 =	smov.u32 s22;
	v0 =	vadd.f32 v3, v0;
	v2 =	vadd.f32 v8, v7;
	v23 =	vld.idx.msk [tilespmem:v23+s26+$0x0], $0xffff  }
0x238: {  	v29 =	vor.u32 s4, v40;
	v1 =	vadd.f32 v17, v1;
	v21 =	vld.idx.msk [tilespmem:v21+s26+$0x0], $0xffff  }
0x239: {  	v30 =	vor.u32 s4, v39;
	v28 =	vadd.f32 v5, v0;
	v32 =	vadd.f32 v6, v2;
	v25 =	vld.idx.msk [tilespmem:v4+s26+$0x0], $0xffff  }
0x23a: {  	v31 =	vor.u32 s4, v38;
	v27 =	vadd.f32 v9, v1;
	v17 =	vld.idx.msk [tilespmem:v10+s26+$0x0], $0xffff  }
0x23b: {  	_ =	sdelay $0x3  }
0x23c: {  	v0 =	vld.idx.msk [tilespmem:v31+s26+$0x0], $0xffff  }
0x23d: {  	v1 =	vor.u32 s4, v41;
	v2 =	vadd.f32 v20, v28  }
0x23e: {  	v3 =	vld.idx.msk [tilespmem:v30+s26+$0x0], $0xffff  }
0x23f: {  	v4 =	vor.u32 s4, v42;
	v2 =	vadd.f32 v19, v2  }
0x240: {  	v5 =	vld.idx.msk [tilespmem:v29+s26+$0x0], $0xffff  }
0x241: {  	v6 =	vor.u32 s4, v43;
	v0 =	vadd.f32 v0, v2  }
0x242: {  	v1 =	vld.idx.msk [tilespmem:v1+s26+$0x0], $0xffff  }
0x243: {  	v0 =	vadd.f32 v3, v0  }
0x244: {  	v59 =	vld.idx.msk [tilespmem:v4+s26+$0x0], $0xffff  }
0x245: {  	v60 =	vor.u32 s4, v45;
	v0 =	vadd.f32 v5, v0  }
0x246: {  	v61 =	vadd.f32 v24, v32;
	v62 =	vld.idx.msk [tilespmem:v6+s26+$0x0], $0xffff  }
0x247: {  	v63 =	vor.u32 s4, v46;
	v0 =	vadd.f32 v1, v0  }
0x248: {  	v32 =	vadd.f32 v23, v61  }
0x249: {  	v33 =	vld.idx.msk [tilespmem:v26+s26+$0x0], $0xffff;
	v7 =	vor.u32 s4, v15;
	v0 =	vadd.f32 v59, v0  }
0x24a: {  	v34 =	vld.idx.msk [tilespmem:v60+s26+$0x0], $0xffff;
	v1 =	vadd.f32 v25, v32  }
0x24b: {  	v35 =	vld.idx.msk [tilespmem:v22+s26+$0x0], $0xffff;
	v8 =	vor.u32 s4, v44;
	v0 =	vadd.f32 v62, v0  }
0x24c: {  	v36 =	vld.idx.msk [tilespmem:v63+s26+$0x0], $0xffff;
	v1 =	vadd.f32 v16, v1  }
0x24d: {  	v0 =	vadd.f32 v18, v0  }
0x24e: {  	v37 =	vld.idx.msk [tilespmem:v7+s26+$0x0], $0xffff;
	v1 =	vadd.f32 v33, v1  }
0x24f: {  	v0 =	vadd.f32 v34, v0  }
0x250: {  	v38 =	vld.idx.msk [tilespmem:v8+s26+$0x0], $0xffff;
	v1 =	vadd.f32 v35, v1  }
0x251: {  	v0 =	vadd.f32 v36, v0  }
0x252: {  	v1 =	vadd.f32 v17, v1  }
0x253: {  	v0 =	vadd.f32 v37, v0  }
0x254: {  	v1 =	vadd.f32 v21, v1  }
0x255: {  	s22 =	sadd.s32 $0x10, s5;
	[tilespmem:s9+$0x0] =	vst v27;
	v0 =	vadd.f32 v38, v0  }
0x256: {  	p0 =	seq.s32 s19, $0x1E;
	s5 =	sadd.s32 $0x10, s22;
	[tilespmem:s22+$0x0] =	vst v1  }
0x257: {  	s4 =	sadd.s32 @!p0 $0x190, s20;
	s9 =	simm.s32 @!p0 $0x7620;
	[tilespmem:s5+$0x0] =	vst v0;
	s5 =	simm.s32 @!p0 $0x50  }
0x258: {  	[tilespmem:s9], [sflag:$0x3] =	stream.indirect.gather @!p0 [hbm4b:s3+s5], $0x40, s4, s5, $0xb8;
	[tilespmem:$0x11A30] =	vst v63  }
0x259: {  	s4 =	sadd.s32 @!p0 $0x28A0, s20;
	s9 =	simm.s32 @!p0 $0x8A20  }
0x25a: {  	[tilespmem:s9], [sflag:$0x4] =	stream.indirect.gather @!p0 [hbm4b:s3+s5], $0x40, s4, s5, $0xb8;
	[tilespmem:$0x11A30] =	vst v63  }
0x25b: {  	_ =	swait.ge [sflag:s30], $0x1400  }
0x25c: {  	[sflag:s30] =	ssyncset.done $0x0  }
0x25d: {  	[sflag:s30] =	ssyncadd.s32 $0xFFFFEC00  }
0x25e: {  	_ =	swait.ge [sflag:s31], $0x1400  }
0x25f: {  	[sflag:s31] =	ssyncset.done $0x0  }
0x260: {  	s13 =	simm.s32 $0x9F20;
	[sflag:s31] =	ssyncadd.s32 $0xFFFFEC00  }
0x261: {  	s22 =	simm.s32 $0xB320;
	v39 =	vld [tilespmem:s13+$0xF0]  }
0x262: {  	v40 =	vld [tilespmem:s22+$0xF0]  }
0x263: {  	v41 =	vld [tilespmem:s13+$0xE0]  }
0x264: {  	v42 =	vld [tilespmem:s13+$0xC0]  }
0x265: {  	v43 =	vld [tilespmem:s22+$0xC0]  }
0x266: {  	v44 =	vld [tilespmem:s13+$0xD0]  }
0x267: {  	v45 =	vld [tilespmem:s22+$0xD0]  }
0x268: {  	v46 =	vld [tilespmem:s22+$0xE0]  }
0x269: {  	v9 =	vld [tilespmem:s22+$0xFFFFFF00]  }
0x26a: {  	v13 =	vld [tilespmem:s13+$0xFFFFFF10]  }
0x26b: {  	v17 =	vld [tilespmem:s22+$0xFFFFFF10]  }
0x26c: {  	v49 =	vld [tilespmem:s22+$0xFFFFFF40]  }
0x26d: {  	v52 =	vld [tilespmem:s13+$0xFFFFFF80]  }
0x26e: {  	v54 =	vld [tilespmem:s22+$0xFFFFFF80]  }
0x26f: {  	v55 =	vld [tilespmem:s13+$0xFFFFFF90];
	v47 =	vunpack.i.l.bf16.f32 v39  }
0x270: {  	v59 =	vld [tilespmem:s22+$0xFFFFFF90];
	v10 =	vunpack.i.u.bf16.f32 v42;
	v11 =	vunpack.i.l.bf16.f32 v41;
	v12 =	vunpack.i.l.bf16.f32 v40  }
0x271: {  	v60 =	vld [tilespmem:s13+$0xFFFFFFC0];
	v3 =	vunpack.i.l.bf16.f32 v42;
	v16 =	vunpack.i.u.bf16.f32 v43;
	v4 =	vunpack.i.l.bf16.f32 v43  }
0x272: {  	v22 =	vld [tilespmem:s13+$0xFFFFFFD0];
	v18 =	vunpack.i.u.bf16.f32 v44;
	v5 =	vunpack.i.l.bf16.f32 v44;
	v19 =	vunpack.i.u.bf16.f32 v45  }
0x273: {  	v25 =	vld [tilespmem:s22+$0xFFFFFFD0];
	v6 =	vunpack.i.l.bf16.f32 v45;
	v2 =	vunpack.i.u.bf16.f32 v41;
	v7 =	vunpack.i.u.bf16.f32 v46  }
0x274: {  	v27 =	vld [tilespmem:s13+$0x0];
	v0 =	vunpack.i.u.bf16.f32 v39;
	v1 =	vunpack.i.u.bf16.f32 v40;
	v56 =	vunpack.i.u.bf16.f32 v9  }
0x275: {  	v34 =	vld [tilespmem:s13+$0x10];
	v57 =	vunpack.i.l.bf16.f32 v9;
	v58 =	vunpack.i.u.bf16.f32 v13;
	v61 =	vunpack.i.u.bf16.f32 v17  }
0x276: {  	v21 =	vunpack.i.u.bf16.f32 v49;
	v26 =	vunpack.i.u.bf16.f32 v52;
	v28 =	vunpack.i.u.bf16.f32 v54  }
0x277: {  	v29 =	vunpack.i.u.bf16.f32 v55;
	v30 =	vunpack.i.u.bf16.f32 v59;
	v62 =	vunpack.i.u.bf16.f32 v60  }
0x278: {  	v35 =	vunpack.i.u.bf16.f32 v22;
	v22 =	vunpack.i.l.bf16.f32 v22;
	v36 =	vunpack.i.u.bf16.f32 v25  }
0x279: {  	v20 =	vld [tilespmem:s13+$0xFFFFFF40];
	v25 =	vunpack.i.l.bf16.f32 v25;
	v63 =	vunpack.i.u.bf16.f32 v27;
	v27 =	vunpack.i.l.bf16.f32 v27  }
0x27a: {  	v40 =	vunpack.i.u.bf16.f32 v34;
	v3 =	vmul.f32 v4, v3;
	v48 =	vmul.f32 v16, v10  }
0x27b: {  	v34 =	vunpack.i.l.bf16.f32 v34;
	v5 =	vmul.f32 v6, v5;
	v50 =	vmul.f32 v19, v18  }
0x27c: {  	v16 =	vunpack.i.l.bf16.f32 v46;
	v2 =	vmul.f32 v7, v2;
	v53 =	vmul.f32 v12, v47  }
0x27d: {  	v31 =	vld [tilespmem:s22+$0x0];
	v0 =	vmul.f32 v1, v0;
	v12 =	vunpack.i.l.bf16.f32 v13;
	v13 =	vunpack.i.l.bf16.f32 v17  }
0x27e: {  	v17 =	vunpack.i.u.bf16.f32 v20;
	v20 =	vunpack.i.l.bf16.f32 v20;
	v6 =	vmul.f32 v61, v58  }
0x27f: {  	v10 =	vunpack.i.l.bf16.f32 v49;
	v26 =	vmul.f32 v28, v26;
	v29 =	vmul.f32 v30, v29  }
0x280: {  	v37 =	vld [tilespmem:s13+$0xFFFFFF20];
	v7 =	vunpack.i.l.bf16.f32 v54;
	v22 =	vmul.f32 v25, v22;
	v35 =	vmul.f32 v36, v35  }
0x281: {  	v42 =	vld [tilespmem:s22+$0x50];
	v1 =	vunpack.i.l.bf16.f32 v55;
	v11 =	vmul.f32 v16, v11;
	v12 =	vmul.f32 v13, v12  }
0x282: {  	v18 =	vld [tilespmem:s13+$0xFFFFFF50];
	v10 =	vmul.f32 v10, v20;
	v17 =	vmul.f32 v21, v17;
	v21 =	vunpack.i.u.bf16.f32 v31  }
0x283: {  	v19 =	vld [tilespmem:s22+$0xFFFFFFC0];
	v31 =	vunpack.i.l.bf16.f32 v31;
	v3 =	vadd.f32 v3, v48;
	v51 =	vadd.f32 v5, v50  }
0x284: {  	v28 =	vld [tilespmem:s13+$0x50];
	v0 =	vadd.f32 v53, v0;
	v5 =	vunpack.i.l.bf16.f32 v52;
	v27 =	vmul.f32 v31, v27  }
0x285: {  	v47 =	vld [tilespmem:s13+$0xFFFFFF60];
	v9 =	vmul.f32 v21, v63;
	v22 =	vadd.f32 v22, v35;
	v2 =	vadd.f32 v11, v2  }
0x286: {  	v55 =	vld [tilespmem:s22+$0x20];
	v11 =	vunpack.i.l.bf16.f32 v59;
	v5 =	vmul.f32 v7, v5;
	v6 =	vadd.f32 v12, v6  }
0x287: {  	v16 =	vld [tilespmem:s22+$0xFFFFFF50];
	v10 =	vadd.f32 v10, v17;
	v3 =	vadd.f32 v51, v3;
	v1 =	vmul.f32 v11, v1  }
0x288: {  	v13 =	vld [tilespmem:s13+$0xFFFFFF00];
	v45 =	vunpack.i.u.bf16.f32 v42;
	v11 =	vunpack.i.l.bf16.f32 v42;
	v51 =	vunpack.i.l.bf16.f32 v37  }
0x289: {  	v9 =	vadd.f32 v27, v9;
	v23 =	vunpack.i.u.bf16.f32 v18;
	v18 =	vunpack.i.l.bf16.f32 v18  }
0x28a: {  	v20 =	vld [tilespmem:s22+$0x10];
	v33 =	vunpack.i.u.bf16.f32 v19;
	v19 =	vunpack.i.l.bf16.f32 v19;
	v44 =	vunpack.i.u.bf16.f32 v28  }
0x28b: {  	v28 =	vunpack.i.l.bf16.f32 v28;
	v53 =	vunpack.i.u.bf16.f32 v47;
	v5 =	vadd.f32 v5, v26  }
0x28c: {  	v59 =	vunpack.i.u.bf16.f32 v55;
	v2 =	vadd.f32 v2, v3;
	v24 =	vunpack.i.u.bf16.f32 v16  }
0x28d: {  	v21 =	vld [tilespmem:s22+$0x90];
	v16 =	vunpack.i.l.bf16.f32 v16;
	v3 =	vunpack.i.l.bf16.f32 v60;
	v41 =	vunpack.i.l.bf16.f32 v13  }
0x28e: {  	v52 =	vld [tilespmem:s22+$0xFFFFFFA0];
	v13 =	vunpack.i.u.bf16.f32 v13;
	v32 =	vmul.f32 v33, v62;
	v11 =	vmul.f32 v11, v28  }
0x28f: {  	v17 =	vld [tilespmem:s13+$0xFFFFFFE0];
	v30 =	vunpack.i.u.bf16.f32 v20;
	v46 =	vmul.f32 v45, v44;
	v18 =	vmul.f32 v16, v18  }
0x290: {  	v25 =	vld [tilespmem:s22+$0x80];
	v20 =	vunpack.i.l.bf16.f32 v20;
	v23 =	vmul.f32 v24, v23;
	v8 =	vmul.f32 v57, v41  }
0x291: {  	v28 =	vld [tilespmem:s22+$0xFFFFFF20];
	v1 =	vadd.f32 v1, v29;
	v4 =	vmul.f32 v56, v13;
	v3 =	vmul.f32 v19, v3  }
0x292: {  	v44 =	vld [tilespmem:s13+$0xFFFFFFB0];
	v20 =	vmul.f32 v20, v34;
	v7 =	vmul.f32 v30, v40;
	v48 =	vunpack.i.u.bf16.f32 v21  }
0x293: {  	v16 =	vld [tilespmem:s13+$0x40];
	v21 =	vunpack.i.l.bf16.f32 v21;
	v34 =	vunpack.i.l.bf16.f32 v47;
	v54 =	vunpack.i.u.bf16.f32 v52  }
0x294: {  	v24 =	vld [tilespmem:s22+$0x40];
	v57 =	vunpack.i.u.bf16.f32 v17;
	v11 =	vadd.f32 v11, v46;
	v1 =	vadd.f32 v1, v5  }
0x295: {  	v13 =	vld [tilespmem:s13+$0x80];
	v17 =	vunpack.i.l.bf16.f32 v17;
	v4 =	vadd.f32 v8, v4;
	v18 =	vadd.f32 v18, v23  }
0x296: {  	v47 =	vld [tilespmem:s22+$0xFFFFFFF0];
	v3 =	vadd.f32 v3, v32;
	v8 =	vunpack.i.l.bf16.f32 v52;
	v7 =	vadd.f32 v20, v7  }
0x297: {  	v49 =	vld [tilespmem:s22+$0xFFFFFF60];
	v32 =	vunpack.i.l.bf16.f32 v55;
	v12 =	vunpack.i.u.bf16.f32 v28;
	v28 =	vunpack.i.l.bf16.f32 v28  }
0x298: {  	v46 =	vld [tilespmem:s13+$0xFFFFFFF0];
	v4 =	vadd.f32 v6, v4;
	v10 =	vadd.f32 v18, v10;
	v52 =	vunpack.i.u.bf16.f32 v44  }
0x299: {  	v31 =	vld [tilespmem:s13+$0x90];
	v6 =	vunpack.i.l.bf16.f32 v44;
	v19 =	vunpack.i.u.bf16.f32 v16;
	v16 =	vunpack.i.l.bf16.f32 v16  }
0x29a: {  	v23 =	vld [tilespmem:s22+$0xFFFFFFE0];
	v43 =	vunpack.i.u.bf16.f32 v24;
	v24 =	vunpack.i.l.bf16.f32 v24;
	v30 =	vunpack.i.u.bf16.f32 v13  }
0x29b: {  	v20 =	vld [tilespmem:s22+$0x60];
	v13 =	vunpack.i.l.bf16.f32 v13;
	v28 =	vmul.f32 v28, v51;
	v5 =	vunpack.i.u.bf16.f32 v47  }
0x29c: {  	v24 =	vmul.f32 v24, v16;
	v16 =	vunpack.i.u.bf16.f32 v25;
	v25 =	vunpack.i.l.bf16.f32 v25  }
0x29d: {  	v19 =	vmul.f32 v43, v19;
	v55 =	vunpack.i.l.bf16.f32 v46;
	v13 =	vmul.f32 v25, v13  }
0x29e: {  	v56 =	vld [tilespmem:s13+$0x60];
	v25 =	vunpack.i.u.bf16.f32 v31;
	v31 =	vunpack.i.l.bf16.f32 v31;
	v30 =	vmul.f32 v16, v30  }
0x29f: {  	v16 =	vadd.f32 v0, v2;
	v0 =	vunpack.i.l.bf16.f32 v49;
	v27 =	vunpack.i.u.bf16.f32 v23  }
0x2a0: {  	v58 =	vld [tilespmem:s22+$0xA0];
	v23 =	vunpack.i.l.bf16.f32 v23;
	v62 =	vunpack.i.u.bf16.f32 v20;
	v20 =	vunpack.i.l.bf16.f32 v20  }
0x2a1: {  	v45 =	vld [tilespmem:s22+$0xFFFFFFB0];
	v50 =	vmul.f32 v21, v31;
	v21 =	vmul.f32 v48, v25;
	v31 =	vunpack.i.u.bf16.f32 v37  }
0x2a2: {  	v40 =	vld [tilespmem:s13+$0x70];
	v0 =	vmul.f32 v0, v34;
	v24 =	vadd.f32 v24, v19;
	v60 =	vmul.f32 v23, v17  }
0x2a3: {  	v25 =	vld [tilespmem:s13+$0xFFFFFFA0];
	v23 =	vunpack.i.l.bf16.f32 v56;
	v27 =	vmul.f32 v27, v57;
	v12 =	vmul.f32 v12, v31  }
0x2a4: {  	v19 =	vld [tilespmem:s13+$0xA0];
	v31 =	vunpack.i.u.bf16.f32 v49;
	v13 =	vadd.f32 v13, v30;
	v63 =	vmul.f32 v20, v23  }
0x2a5: {  	v26 =	vld [tilespmem:s13+$0x20];
	v23 =	vunpack.i.l.bf16.f32 v58;
	v2 =	vadd.f32 v50, v21;
	v21 =	vunpack.i.u.bf16.f32 v56  }
0x2a6: {  	v31 =	vmul.f32 v31, v53;
	v38 =	vmul.f32 v62, v21;
	v21 =	vunpack.i.u.bf16.f32 v58  }
0x2a7: {  	v30 =	vld [tilespmem:s13+$0xFFFFFF30];
	v50 =	vadd.f32 v28, v12;
	v12 =	vunpack.i.u.bf16.f32 v45;
	v58 =	vunpack.i.l.bf16.f32 v40  }
0x2a8: {  	v17 =	vld [tilespmem:s22+$0xFFFFFF30];
	v0 =	vadd.f32 v0, v31;
	v29 =	vunpack.i.u.bf16.f32 v25;
	v25 =	vunpack.i.l.bf16.f32 v25  }
0x2a9: {  	v20 =	vunpack.i.u.bf16.f32 v19;
	v19 =	vunpack.i.l.bf16.f32 v19;
	v38 =	vadd.f32 v63, v38  }
0x2aa: {  	v28 =	vadd.f32 v50, v4;
	v8 =	vmul.f32 v8, v25;
	v25 =	vunpack.i.u.bf16.f32 v26  }
0x2ab: {  	v26 =	vunpack.i.l.bf16.f32 v26;
	v29 =	vmul.f32 v54, v29;
	v33 =	vmul.f32 v23, v19  }
0x2ac: {  	v53 =	vld [tilespmem:s22+$0x30];
	v19 =	vunpack.i.u.bf16.f32 v30;
	v23 =	vunpack.i.l.bf16.f32 v30;
	v30 =	vmul.f32 v21, v20  }
0x2ad: {  	v56 =	vld [tilespmem:s13+$0xB0];
	v20 =	vunpack.i.l.bf16.f32 v17;
	v21 =	vunpack.i.u.bf16.f32 v17;
	v61 =	vmul.f32 v32, v26  }
0x2ae: {  	v26 =	vld [tilespmem:s13+$0xFFFFFF70];
	v34 =	vmul.f32 v59, v25;
	v17 =	vmul.f32 v20, v23;
	v20 =	vadd.f32 v22, v3  }
0x2af: {  	v18 =	vmul.f32 v21, v19;
	v22 =	vadd.f32 v11, v24;
	v24 =	vadd.f32 v2, v13  }
0x2b0: {  	v13 =	vunpack.i.l.bf16.f32 v45;
	v32 =	vadd.f32 v60, v27;
	v3 =	vunpack.i.u.bf16.f32 v46  }
0x2b1: {  	v54 =	vld [tilespmem:s22+$0x70];
	v57 =	vunpack.i.u.bf16.f32 v53;
	v2 =	vunpack.i.l.bf16.f32 v53;
	v60 =	vunpack.i.u.bf16.f32 v40  }
0x2b2: {  	v25 =	vld [tilespmem:s22+$0xFFFFFF70];
	v62 =	vunpack.i.l.bf16.f32 v56;
	v8 =	vadd.f32 v8, v29;
	v37 =	vadd.f32 v33, v30  }
0x2b3: {  	v51 =	vld [tilespmem:s13+$0x30];
	v33 =	vmul.f32 v5, v3;
	v29 =	vadd.f32 v0, v10;
	v23 =	vunpack.i.l.bf16.f32 v26  }
0x2b4: {  	s13 =	simm.s32 $0x11570;
	v48 =	vunpack.i.u.bf16.f32 v26;
	v26 =	vmul.f32 v12, v52;
	v12 =	vunpack.i.l.bf16.f32 v47  }
0x2b5: {  	[tilespmem:s13+$0x30] =	vst v16;
	v16 =	vunpack.i.u.bf16.f32 v56;
	v35 =	vadd.f32 v61, v34;
	v27 =	vmul.f32 v12, v55;
	v12 =	vld [tilespmem:s22+$0xB0]  }
0x2b6: {  	v34 =	vadd.f32 v8, v1;
	v59 =	vunpack.i.l.bf16.f32 v54;
	v61 =	vunpack.i.u.bf16.f32 v54  }
0x2b7: {  	v19 =	vunpack.i.l.bf16.f32 v25;
	v49 =	vunpack.i.u.bf16.f32 v25;
	v25 =	vmul.f32 v13, v6  }
0x2b8: {  	v13 =	vunpack.i.u.bf16.f32 v51;
	v36 =	vmul.f32 v59, v58;
	v41 =	vmul.f32 v61, v60  }
0x2b9: {  	v19 =	vmul.f32 v19, v23;
	v23 =	vadd.f32 v7, v9;
	v21 =	vmul.f32 v49, v48  }
0x2ba: {  	v7 =	vunpack.i.l.bf16.f32 v51;
	v39 =	vmul.f32 v57, v13;
	v63 =	vunpack.i.l.bf16.f32 v12  }
0x2bb: {  	s9 =	simm.s32 $0x0;
	s4 =	simm.s32 $0xA120;
	v31 =	vmul.f32 v2, v7;
	v30 =	vunpack.i.u.bf16.f32 v12;
	v40 =	vmul.f32 v63, v62  }
.LBB2_11:
0x2bc: {  	v0 =	vld [tilespmem:s4+$0xF0];
	v1 =	vadd.f32 v32, v20;
	v2 =	vadd.f32 v35, v23;
	v3 =	vmul.f32 v30, v16;
	s22 =	sadd.s32 $0x200, s22  }
0x2bd: {  	v5 =	vadd.f32 v38, v22;
	v6 =	vadd.f32 v37, v24;
	v4 =	vld [tilespmem:s22+$0xF0]  }
0x2be: {  	v8 =	vadd.f32 v17, v18;
	v9 =	vadd.f32 v19, v21;
	v7 =	vld [tilespmem:s4+$0xE0]  }
0x2bf: {  	v11 =	vadd.f32 v25, v26;
	v12 =	vadd.f32 v27, v33;
	v10 =	vld [tilespmem:s4+$0xC0]  }
0x2c0: {  	v16 =	vadd.f32 v31, v39;
	v17 =	vadd.f32 v36, v41;
	v13 =	vld [tilespmem:s22+$0xC0]  }
0x2c1: {  	v8 =	vadd.f32 v8, v28;
	v3 =	vadd.f32 v40, v3;
	v18 =	vld [tilespmem:s4+$0xD0]  }
0x2c2: {  	v9 =	vadd.f32 v9, v29;
	v11 =	vadd.f32 v11, v34;
	v19 =	vld [tilespmem:s22+$0xD0]  }
0x2c3: {  	s9 =	sadd.s32 $0x8, s9;
	v1 =	vadd.f32 v12, v1;
	v2 =	vadd.f32 v16, v2;
	v20 =	vld [tilespmem:s22+$0xFFFFFF00];
	[tilespmem:s13+$0xFFFFFFC0] =	vst v8  }
0x2c4: {  	p1 =	slt.u32 s9, $0x48;
	v5 =	vadd.f32 v17, v5;
	v3 =	vadd.f32 v3, v6;
	v12 =	vunpack.i.l.bf16.f32 v0;
	v8 =	vld [tilespmem:s22+$0xE0];
	[tilespmem:s13+$0xFFFFFFD0] =	vst v9  }
0x2c5: {  	v17 =	vunpack.i.l.bf16.f32 v4;
	v16 =	vunpack.i.l.bf16.f32 v7;
	v9 =	vunpack.i.u.bf16.f32 v10;
	v6 =	vld [tilespmem:s4+$0xFFFFFF10];
	[tilespmem:s13+$0xFFFFFFE0] =	vst v11  }
0x2c6: {  	v10 =	vunpack.i.l.bf16.f32 v10;
	v21 =	vunpack.i.u.bf16.f32 v13;
	v13 =	vunpack.i.l.bf16.f32 v13;
	v11 =	vld [tilespmem:s22+$0xFFFFFF10];
	[tilespmem:s13+$0xFFFFFFF0] =	vst v1  }
0x2c7: {  	v22 =	vunpack.i.u.bf16.f32 v18;
	v18 =	vunpack.i.l.bf16.f32 v18;
	v1 =	vld [tilespmem:s4+$0xFFFFFF40];
	v23 =	vunpack.i.u.bf16.f32 v19;
	[tilespmem:s13+$0x0] =	vst v2  }
0x2c8: {  	v10 =	vmul.f32 v13, v10;
	v9 =	vmul.f32 v21, v9;
	v13 =	vunpack.i.l.bf16.f32 v19;
	v2 =	vld [tilespmem:s22+$0xFFFFFF40];
	[tilespmem:s13+$0x10] =	vst v5  }
0x2c9: {  	v13 =	vmul.f32 v13, v18;
	v18 =	vmul.f32 v23, v22;
	v5 =	vld [tilespmem:s4+$0xFFFFFF50];
	v19 =	vunpack.i.l.bf16.f32 v8;
	[tilespmem:s13+$0x20] =	vst v3  }
0x2ca: {  	v7 =	vunpack.i.u.bf16.f32 v7;
	v8 =	vunpack.i.u.bf16.f32 v8;
	v3 =	vld [tilespmem:s22+$0xFFFFFF50];
	v16 =	vmul.f32 v19, v16  }
0x2cb: {  	v9 =	vadd.f32 v10, v9;
	v10 =	vadd.f32 v13, v18;
	v7 =	vmul.f32 v8, v7;
	v19 =	vld [tilespmem:s4+$0xFFFFFF80]  }
0x2cc: {  	v0 =	vunpack.i.u.bf16.f32 v0;
	v4 =	vunpack.i.u.bf16.f32 v4;
	v12 =	vmul.f32 v17, v12;
	v8 =	vld [tilespmem:s22+$0xFFFFFF80]  }
0x2cd: {  	v0 =	vmul.f32 v4, v0;
	v9 =	vadd.f32 v10, v9;
	v7 =	vadd.f32 v16, v7;
	v13 =	vld [tilespmem:s4+$0xFFFFFF90]  }
0x2ce: {  	v4 =	vunpack.i.u.bf16.f32 v20;
	v10 =	vunpack.i.l.bf16.f32 v20;
	v16 =	vunpack.i.u.bf16.f32 v6;
	v17 =	vld [tilespmem:s22+$0xFFFFFF90]  }
0x2cf: {  	v0 =	vadd.f32 v12, v0;
	v6 =	vunpack.i.l.bf16.f32 v6;
	v7 =	vadd.f32 v7, v9;
	v18 =	vld [tilespmem:s4+$0xFFFFFFC0]  }
0x2d0: {  	v12 =	vunpack.i.u.bf16.f32 v1;
	v9 =	vunpack.i.u.bf16.f32 v11;
	v11 =	vunpack.i.l.bf16.f32 v11;
	v20 =	vld [tilespmem:s22+$0xFFFFFFC0]  }
0x2d1: {  	v1 =	vunpack.i.l.bf16.f32 v1;
	v21 =	vunpack.i.u.bf16.f32 v2;
	v0 =	vadd.f32 v0, v7;
	v22 =	vld [tilespmem:s4+$0xFFFFFFD0]  }
0x2d2: {  	s13 =	sadd.s32 $0x80, s13;
	v2 =	vunpack.i.l.bf16.f32 v2;
	v7 =	vunpack.i.u.bf16.f32 v5;
	v5 =	vunpack.i.l.bf16.f32 v5;
	v23 =	vld [tilespmem:s22+$0xFFFFFFD0]  }
0x2d3: {  	s5 =	simm.s32 $0x0;
	v24 =	vunpack.i.u.bf16.f32 v3;
	v3 =	vunpack.i.l.bf16.f32 v3;
	v25 =	vunpack.i.u.bf16.f32 v19;
	v26 =	vld [tilespmem:s4+$0x0];
	[tilespmem:s13+$0x30] =	vst v0  }
0x2d4: {  	v0 =	vunpack.i.l.bf16.f32 v19;
	v19 =	vunpack.i.u.bf16.f32 v8;
	v8 =	vunpack.i.l.bf16.f32 v8;
	v27 =	vld [tilespmem:s22+$0x0]  }
0x2d5: {  	v28 =	vunpack.i.u.bf16.f32 v13;
	v13 =	vunpack.i.l.bf16.f32 v13;
	v29 =	vunpack.i.u.bf16.f32 v17;
	v30 =	vld [tilespmem:s4+$0x10]  }
0x2d6: {  	v17 =	vunpack.i.l.bf16.f32 v17;
	v31 =	vunpack.i.u.bf16.f32 v18;
	v18 =	vunpack.i.l.bf16.f32 v18;
	v32 =	vld [tilespmem:s22+$0x10]  }
0x2d7: {  	v33 =	vunpack.i.u.bf16.f32 v20;
	v20 =	vunpack.i.l.bf16.f32 v20;
	v34 =	vunpack.i.u.bf16.f32 v22;
	v35 =	vld [tilespmem:s4+$0x40]  }
0x2d8: {  	v22 =	vunpack.i.l.bf16.f32 v22;
	v36 =	vunpack.i.u.bf16.f32 v23;
	v23 =	vunpack.i.l.bf16.f32 v23;
	v37 =	vld [tilespmem:s22+$0x40]  }
0x2d9: {  	v38 =	vunpack.i.u.bf16.f32 v26;
	v26 =	vunpack.i.l.bf16.f32 v26;
	v39 =	vunpack.i.u.bf16.f32 v27;
	v40 =	vld [tilespmem:s4+$0x50]  }
0x2da: {  	v27 =	vunpack.i.l.bf16.f32 v27;
	v41 =	vunpack.i.u.bf16.f32 v30;
	v30 =	vunpack.i.l.bf16.f32 v30;
	v42 =	vld [tilespmem:s22+$0x50]  }
0x2db: {  	v6 =	vmul.f32 v11, v6;
	v11 =	vunpack.i.u.bf16.f32 v32;
	v32 =	vunpack.i.l.bf16.f32 v32;
	v43 =	vld [tilespmem:s4+$0x80]  }
0x2dc: {  	v9 =	vmul.f32 v9, v16;
	v16 =	vunpack.i.u.bf16.f32 v35;
	v35 =	vunpack.i.l.bf16.f32 v35;
	v44 =	vld [tilespmem:s22+$0x80]  }
0x2dd: {  	v1 =	vmul.f32 v2, v1;
	v2 =	vunpack.i.u.bf16.f32 v37;
	v37 =	vunpack.i.l.bf16.f32 v37;
	v45 =	vld [tilespmem:s4+$0x90]  }
0x2de: {  	v12 =	vmul.f32 v21, v12;
	v21 =	vunpack.i.u.bf16.f32 v40;
	v40 =	vunpack.i.l.bf16.f32 v40;
	v46 =	vld [tilespmem:s22+$0x90]  }
0x2df: {  	v3 =	vmul.f32 v3, v5;
	v47 =	vld [tilespmem:s4+$0xFFFFFF00];
	v5 =	vunpack.i.u.bf16.f32 v42;
	v42 =	vunpack.i.l.bf16.f32 v42  }
0x2e0: {  	v7 =	vmul.f32 v24, v7;
	v48 =	vld [tilespmem:s4+$0xFFFFFF20];
	v24 =	vunpack.i.u.bf16.f32 v43;
	v43 =	vunpack.i.l.bf16.f32 v43  }
0x2e1: {  	v0 =	vmul.f32 v8, v0;
	v49 =	vld [tilespmem:s22+$0xFFFFFF20];
	v8 =	vunpack.i.u.bf16.f32 v44;
	v44 =	vunpack.i.l.bf16.f32 v44  }
0x2e2: {  	v19 =	vmul.f32 v19, v25;
	v50 =	vld [tilespmem:s4+$0xFFFFFF60];
	v25 =	vunpack.i.u.bf16.f32 v45;
	v45 =	vunpack.i.l.bf16.f32 v45  }
0x2e3: {  	v13 =	vmul.f32 v17, v13;
	v51 =	vld [tilespmem:s22+$0xFFFFFF60];
	v17 =	vunpack.i.u.bf16.f32 v46;
	v46 =	vunpack.i.l.bf16.f32 v46  }
0x2e4: {  	v28 =	vmul.f32 v29, v28;
	v52 =	vunpack.i.u.bf16.f32 v47;
	v47 =	vunpack.i.l.bf16.f32 v47;
	v29 =	vld [tilespmem:s4+$0xFFFFFFA0]  }
0x2e5: {  	v10 =	vmul.f32 v10, v47;
	v4 =	vmul.f32 v4, v52;
	v47 =	vunpack.i.u.bf16.f32 v48;
	v52 =	vld [tilespmem:s22+$0xFFFFFFA0]  }
0x2e6: {  	v18 =	vmul.f32 v20, v18;
	v20 =	vmul.f32 v33, v31;
	v48 =	vunpack.i.l.bf16.f32 v48;
	v31 =	vld [tilespmem:s4+$0xFFFFFFE0]  }
0x2e7: {  	v22 =	vmul.f32 v23, v22;
	v23 =	vmul.f32 v36, v34;
	v33 =	vunpack.i.u.bf16.f32 v49;
	v34 =	vld [tilespmem:s22+$0xFFFFFFE0]  }
0x2e8: {  	v26 =	vmul.f32 v27, v26;
	v27 =	vmul.f32 v39, v38;
	v36 =	vunpack.i.l.bf16.f32 v49;
	v38 =	vld [tilespmem:s4+$0x20]  }
0x2e9: {  	v30 =	vmul.f32 v32, v30;
	v11 =	vmul.f32 v11, v41;
	v39 =	vunpack.i.u.bf16.f32 v50;
	v32 =	vld [tilespmem:s22+$0x20]  }
0x2ea: {  	v35 =	vmul.f32 v37, v35;
	v2 =	vmul.f32 v2, v16;
	v41 =	vunpack.i.l.bf16.f32 v50;
	v16 =	vld [tilespmem:s4+$0x60]  }
0x2eb: {  	v40 =	vmul.f32 v42, v40;
	v5 =	vmul.f32 v5, v21;
	v37 =	vunpack.i.u.bf16.f32 v51;
	v21 =	vld [tilespmem:s22+$0x60]  }
0x2ec: {  	v43 =	vmul.f32 v44, v43;
	v8 =	vmul.f32 v8, v24;
	v42 =	vunpack.i.l.bf16.f32 v51;
	v24 =	vld [tilespmem:s4+$0xA0]  }
0x2ed: {  	v45 =	vmul.f32 v46, v45;
	v17 =	vmul.f32 v17, v25;
	v44 =	vunpack.i.u.bf16.f32 v29;
	v25 =	vld [tilespmem:s22+$0xA0]  }
0x2ee: {  	v29 =	vunpack.i.l.bf16.f32 v29;
	v49 =	vunpack.i.u.bf16.f32 v52;
	v50 =	vunpack.i.l.bf16.f32 v52;
	v46 =	vld [tilespmem:s4+$0xFFFFFF30]  }
0x2ef: {  	v52 =	vunpack.i.u.bf16.f32 v31;
	v31 =	vunpack.i.l.bf16.f32 v31;
	v53 =	vunpack.i.u.bf16.f32 v34;
	v51 =	vld [tilespmem:s22+$0xFFFFFF30]  }
0x2f0: {  	v34 =	vunpack.i.l.bf16.f32 v34;
	v55 =	vunpack.i.u.bf16.f32 v38;
	v38 =	vunpack.i.l.bf16.f32 v38;
	v54 =	vld [tilespmem:s4+$0xFFFFFF70]  }
0x2f1: {  	v57 =	vunpack.i.u.bf16.f32 v32;
	v32 =	vunpack.i.l.bf16.f32 v32;
	v58 =	vunpack.i.u.bf16.f32 v16;
	v56 =	vld [tilespmem:s22+$0xFFFFFF70]  }
0x2f2: {  	v16 =	vunpack.i.l.bf16.f32 v16;
	v60 =	vunpack.i.u.bf16.f32 v21;
	v21 =	vunpack.i.l.bf16.f32 v21;
	v59 =	vld [tilespmem:s4+$0xFFFFFFB0]  }
0x2f3: {  	v62 =	vunpack.i.u.bf16.f32 v24;
	v24 =	vunpack.i.l.bf16.f32 v24;
	v63 =	vunpack.i.u.bf16.f32 v25;
	v61 =	vld [tilespmem:s22+$0xFFFFFFB0]  }
0x2f4: {  	v6 =	vadd.f32 v6, v9;
	v4 =	vadd.f32 v10, v4;
	v10 =	vunpack.i.l.bf16.f32 v25;
	v9 =	vld [tilespmem:s4+$0xFFFFFFF0]  }
0x2f5: {  	v1 =	vadd.f32 v1, v12;
	v3 =	vadd.f32 v3, v7;
	v25 =	vmul.f32 v36, v48;
	v7 =	vld [tilespmem:s22+$0xFFFFFFF0]  }
0x2f6: {  	v0 =	vadd.f32 v0, v19;
	v13 =	vadd.f32 v13, v28;
	v12 =	vmul.f32 v33, v47;
	v19 =	vld [tilespmem:s4+$0x30]  }
0x2f7: {  	v20 =	vadd.f32 v18, v20;
	v22 =	vadd.f32 v22, v23;
	v28 =	vmul.f32 v42, v41;
	v18 =	vld [tilespmem:s22+$0x30]  }
0x2f8: {  	v23 =	vadd.f32 v26, v27;
	v11 =	vadd.f32 v30, v11;
	v33 =	vmul.f32 v37, v39;
	v26 =	vld [tilespmem:s4+$0x70]  }
0x2f9: {  	v2 =	vadd.f32 v35, v2;
	v5 =	vadd.f32 v40, v5;
	v27 =	vmul.f32 v50, v29;
	v29 =	vld [tilespmem:s22+$0x70]  }
0x2fa: {  	v8 =	vadd.f32 v43, v8;
	v35 =	vmul.f32 v49, v44;
	v36 =	vadd.f32 v45, v17;
	v17 =	vld [tilespmem:s4+$0xB0]  }
0x2fb: {  	v31 =	vmul.f32 v34, v31;
	v34 =	vmul.f32 v53, v52;
	v37 =	vunpack.i.u.bf16.f32 v46;
	v39 =	vld [tilespmem:s22+$0xB0]  }
0x2fc: {  	v38 =	vmul.f32 v32, v38;
	v41 =	vmul.f32 v57, v55;
	v40 =	vunpack.i.l.bf16.f32 v46  }
0x2fd: {  	v42 =	vmul.f32 v21, v16;
	v43 =	vmul.f32 v60, v58;
	v32 =	vunpack.i.u.bf16.f32 v51  }
0x2fe: {  	v10 =	vmul.f32 v10, v24;
	v44 =	vmul.f32 v63, v62;
	v21 =	vunpack.i.l.bf16.f32 v51  }
0x2ff: {  	v24 =	vunpack.i.u.bf16.f32 v54;
	v45 =	vunpack.i.l.bf16.f32 v54;
	v46 =	vunpack.i.u.bf16.f32 v56  }
0x300: {  	v47 =	vunpack.i.l.bf16.f32 v56;
	v48 =	vunpack.i.u.bf16.f32 v59;
	v49 =	vunpack.i.l.bf16.f32 v59  }
0x301: {  	v50 =	vunpack.i.u.bf16.f32 v61;
	v51 =	vunpack.i.l.bf16.f32 v61;
	v52 =	vunpack.i.u.bf16.f32 v9  }
0x302: {  	v9 =	vunpack.i.l.bf16.f32 v9;
	v53 =	vunpack.i.u.bf16.f32 v7;
	v7 =	vunpack.i.l.bf16.f32 v7  }
0x303: {  	v54 =	vunpack.i.u.bf16.f32 v19;
	v55 =	vunpack.i.l.bf16.f32 v19;
	v56 =	vunpack.i.u.bf16.f32 v18  }
0x304: {  	v57 =	vunpack.i.l.bf16.f32 v18;
	v58 =	vunpack.i.u.bf16.f32 v26;
	v59 =	vunpack.i.l.bf16.f32 v26  }
0x305: {  	v60 =	vunpack.i.u.bf16.f32 v29;
	v61 =	vunpack.i.l.bf16.f32 v29;
	v16 =	vunpack.i.u.bf16.f32 v17  }
0x306: {  	v62 =	vunpack.i.l.bf16.f32 v17;
	v30 =	vunpack.i.u.bf16.f32 v39;
	v63 =	vunpack.i.l.bf16.f32 v39  }
0x307: {  	v1 =	vadd.f32 v3, v1;
	v4 =	vadd.f32 v6, v4;
	v17 =	vmul.f32 v21, v40  }
0x308: {  	v0 =	vadd.f32 v13, v0;
	v20 =	vadd.f32 v22, v20;
	v18 =	vmul.f32 v32, v37  }
0x309: {  	v23 =	vadd.f32 v11, v23;
	v22 =	vadd.f32 v5, v2;
	v19 =	vmul.f32 v47, v45  }
0x30a: {  	v2 =	vadd.f32 v25, v12;
	v21 =	vmul.f32 v46, v24;
	v24 =	vadd.f32 v36, v8  }
0x30b: {  	v3 =	vadd.f32 v28, v33;
	v5 =	vadd.f32 v27, v35;
	v25 =	vmul.f32 v51, v49  }
.Ltmp4:
0x30c: {  	v35 =	vadd.f32 v38, v41;
	v32 =	vadd.f32 v31, v34;
	v26 =	vmul.f32 v50, v48;
	(pc) =	sbr.rel @p1 .LBB2_11-.Ltmp4, $4  }
0x30d: {  	v38 =	vadd.f32 v42, v43;
	v27 =	vmul.f32 v7, v9;
	v37 =	vadd.f32 v10, v44  }
0x30e: {  	v28 =	vadd.f32 v2, v4;
	v33 =	vmul.f32 v53, v52;
	v31 =	vmul.f32 v57, v55  }
0x30f: {  	v29 =	vadd.f32 v3, v1;
	v36 =	vmul.f32 v61, v59;
	v39 =	vmul.f32 v56, v54  }
0x310: {  	s4 =	sadd.s32 $0x200, s4;
	v34 =	vadd.f32 v5, v0;
	v41 =	vmul.f32 v60, v58;
	v40 =	vmul.f32 v63, v62  }
0x311: {  	v0 =	vadd.f32 v32, v20;
	v1 =	vadd.f32 v35, v23  }
0x312: {  	v2 =	vadd.f32 v38, v22;
	v3 =	vadd.f32 v17, v18  }
0x313: {  	v4 =	vadd.f32 v37, v24;
	v5 =	vadd.f32 v19, v21  }
0x314: {  	v6 =	vadd.f32 v25, v26;
	v3 =	vadd.f32 v3, v28  }
0x315: {  	v7 =	vadd.f32 v27, v33;
	v5 =	vadd.f32 v5, v29  }
0x316: {  	v8 =	vmul.f32 v30, v16;
	v9 =	vadd.f32 v31, v39;
	v6 =	vadd.f32 v6, v34;
	[tilespmem:s13+$0xFFFFFFC0] =	vst v3  }
0x317: {  	v55 =	vadd.f32 v36, v41;
	v0 =	vadd.f32 v7, v0;
	[tilespmem:s13+$0xFFFFFFD0] =	vst v5  }
0x318: {  	v56 =	vadd.f32 v40, v8;
	v1 =	vadd.f32 v9, v1;
	[tilespmem:s13+$0xFFFFFFE0] =	vst v6  }
0x319: {  	v2 =	vadd.f32 v55, v2;
	v33 =	vld [tilespmem:$0x1FFF0];
	[tilespmem:s13+$0xFFFFFFF0] =	vst v0  }
0x31a: {  	v59 =	vadd.f32 v56, v4;
	v34 =	vld [tilespmem:$0x1FF60];
	[tilespmem:s13+$0x0] =	vst v1  }
0x31b: {  	v35 =	vld [tilespmem:$0x1FF50];
	[tilespmem:s13+$0x10] =	vst v2  }
0x31c: {  	v32 =	vor.u32 s5, v14;
	v36 =	vld [tilespmem:$0x1FF40];
	[tilespmem:s13+$0x20] =	vst v59  }
0x31d: {  	v37 =	vld [tilespmem:$0x1FF30]  }
0x31e: {  	s9 =	simm.s32 $0x100;
	v40 =	vld [tilespmem:$0x1FF80]  }
0x31f: {  	v13 =	vor.u32 s9, v14;
	v39 =	vld [tilespmem:$0x1FF70]  }
0x320: {  	v18 =	vor.u32 s5, v15;
	v38 =	vld [tilespmem:$0x1FF20]  }
0x321: {  	v5 =	vld.idx.msk [tilespmem:v32+s26+$0x0], $0xffff;
	v57 =	vor.u32 s5, v33  }
0x322: {  	v41 =	vld [tilespmem:$0x1FF90];
	v46 =	vor.u32 s9, v33  }
0x323: {  	v42 =	vld [tilespmem:$0x1FFA0]  }
0x324: {  	s4 =	simm.s32 $0x200;
	v16 =	vld.idx.msk [tilespmem:v13+s26+$0x0], $0xffff;
	v58 =	vor.u32 s5, v34  }
0x325: {  	v25 =	vld.idx.msk [tilespmem:v18+s26+$0x0], $0xffff;
	v18 =	vor.u32 s4, v33  }
0x326: {  	v60 =	vor.u32 s5, v35;
	v63 =	vld.idx.msk [tilespmem:v57+s26+$0x0], $0xffff  }
0x327: {  	v10 =	vor.u32 s9, v34;
	v48 =	vld.idx.msk [tilespmem:v46+s26+$0x0], $0xffff  }
0x328: {  	v61 =	vor.u32 s5, v36;
	v46 =	vld [tilespmem:$0x1FFD0]  }
0x329: {  	v62 =	vor.u32 s5, v37;
	v0 =	vld.idx.msk [tilespmem:v58+s26+$0x0], $0xffff  }
0x32a: {  	v43 =	vor.u32 s5, v40;
	v59 =	vld.idx.msk [tilespmem:v18+s26+$0x0], $0xffff  }
0x32b: {  	v45 =	vor.u32 s5, v38;
	v1 =	vld.idx.msk [tilespmem:v60+s26+$0x0], $0xffff  }
0x32c: {  	v10 =	vld.idx.msk [tilespmem:v10+s26+$0x0], $0xffff  }
0x32d: {  	v11 =	vor.u32 s9, v35;
	v2 =	vld.idx.msk [tilespmem:v61+s26+$0x0], $0xffff  }
0x32e: {  	v44 =	vor.u32 s5, v39;
	v3 =	vld.idx.msk [tilespmem:v62+s26+$0x0], $0xffff;
	v0 =	vadd.f32 v0, v63  }
0x32f: {  	v6 =	vld.idx.msk [tilespmem:v43+s26+$0x0], $0xffff  }
0x330: {  	v8 =	vld.idx.msk [tilespmem:v45+s26+$0x0], $0xffff;
	v0 =	vadd.f32 v1, v0  }
0x331: {  	v12 =	vor.u32 s9, v37;
	v43 =	vld [tilespmem:$0x1FFB0]  }
0x332: {  	v49 =	vor.u32 s5, v41;
	v50 =	vld.idx.msk [tilespmem:v11+s26+$0x0], $0xffff;
	v0 =	vadd.f32 v2, v0  }
0x333: {  	v19 =	vor.u32 s4, v35;
	v7 =	vld.idx.msk [tilespmem:v44+s26+$0x0], $0xffff  }
0x334: {  	v51 =	vor.u32 s5, v42;
	v44 =	vld [tilespmem:$0x1FFE0];
	v0 =	vadd.f32 v3, v0  }
0x335: {  	v47 =	vor.u32 s9, v36;
	v45 =	vld [tilespmem:$0x1FFC0]  }
0x336: {  	v52 =	vld.idx.msk [tilespmem:v12+s26+$0x0], $0xffff;
	v12 =	vor.u32 s5, v43;
	v0 =	vadd.f32 v8, v0  }
0x337: {  	v57 =	vor.u32 s4, v36;
	v9 =	vld.idx.msk [tilespmem:v49+s26+$0x0], $0xffff  }
0x338: {  	v18 =	vor.u32 s4, v14;
	v60 =	vld.idx.msk [tilespmem:v19+s26+$0x0], $0xffff;
	v0 =	vadd.f32 v7, v0  }
0x339: {  	v11 =	vld.idx.msk [tilespmem:v51+s26+$0x0], $0xffff;
	v17 =	vor.u32 s5, v44  }
0x33a: {  	v4 =	vld.idx.msk [tilespmem:v47+s26+$0x0], $0xffff;
	v13 =	vor.u32 s5, v45;
	v0 =	vadd.f32 v6, v0  }
0x33b: {  	v53 =	vor.u32 s5, v46;
	v12 =	vld.idx.msk [tilespmem:v12+s26+$0x0], $0xffff  }
0x33c: {  	v55 =	vor.u32 s9, v38;
	v20 =	vld.idx.msk [tilespmem:v57+s26+$0x0], $0xffff;
	v0 =	vadd.f32 v9, v0  }
0x33d: {  	v56 =	vor.u32 s4, v34;
	v18 =	vld.idx.msk [tilespmem:v18+s26+$0x0], $0xffff  }
0x33e: {  	v1 =	vadd.f32 v10, v48;
	v27 =	vld.idx.msk [tilespmem:v17+s26+$0x0], $0xffff;
	v17 =	vor.u32 s9, v39;
	v0 =	vadd.f32 v11, v0  }
0x33f: {  	v54 =	vor.u32 s9, v40;
	v13 =	vld.idx.msk [tilespmem:v13+s26+$0x0], $0xffff  }
0x340: {  	v1 =	vadd.f32 v50, v1;
	v8 =	vld.idx.msk [tilespmem:v53+s26+$0x0], $0xffff;
	v0 =	vadd.f32 v12, v0;
	v12 =	vor.u32 s9, v41  }
0x341: {  	v61 =	vor.u32 s9, v42;
	v6 =	vld.idx.msk [tilespmem:v55+s26+$0x0], $0xffff  }
0x342: {  	v62 =	vor.u32 s9, v44;
	v1 =	vadd.f32 v4, v1;
	v9 =	vld.idx.msk [tilespmem:v56+s26+$0x0], $0xffff;
	v0 =	vadd.f32 v5, v0  }
0x343: {  	v58 =	vld.idx.msk [tilespmem:v17+s26+$0x0], $0xffff;
	v17 =	vor.u32 s4, v37  }
0x344: {  	v63 =	vor.u32 s9, v43;
	v1 =	vadd.f32 v52, v1;
	v7 =	vld.idx.msk [tilespmem:v54+s26+$0x0], $0xffff;
	v0 =	vadd.f32 v13, v0  }
0x345: {  	v24 =	vld.idx.msk [tilespmem:v12+s26+$0x0], $0xffff;
	v12 =	vor.u32 s9, v15  }
0x346: {  	v23 =	vld.idx.msk [tilespmem:v61+s26+$0x0], $0xffff;
	v1 =	vadd.f32 v6, v1;
	v0 =	vadd.f32 v8, v0  }
0x347: {  	v22 =	vor.u32 s9, v46;
	v21 =	vld.idx.msk [tilespmem:v62+s26+$0x0], $0xffff;
	v2 =	vadd.f32 v9, v59  }
0x348: {  	v26 =	vor.u32 s9, v45;
	v19 =	vld.idx.msk [tilespmem:v17+s26+$0x0], $0xffff;
	v1 =	vadd.f32 v58, v1;
	v0 =	vadd.f32 v25, v0  }
0x349: {  	v29 =	vor.u32 s4, v40;
	v30 =	vor.u32 s4, v39;
	v28 =	vadd.f32 v60, v2;
	v25 =	vld.idx.msk [tilespmem:v63+s26+$0x0], $0xffff  }
0x34a: {  	s13 =	simm.s32 $0x300;
	v31 =	vor.u32 s4, v38;
	s5 =	smov.u32 s16;
	v32 =	vadd.f32 v7, v1;
	s9 =	smov.u32 s16;
	v17 =	vld.idx.msk [tilespmem:v12+s26+$0x0], $0xffff;
	v27 =	vadd.f32 v27, v0  }
.LBB2_13:
0x34b: {  	p1 =	sne.s32 s13, $0x400  }
0x34c: {  	v0 =	vor.u32 s13, v33;
	v1 =	vadd.f32 v24, v32;
	v2 =	vld.idx.msk [tilespmem:v22+s26+$0x0], $0xffff;
	s5 =	sadd.s32 $0x10, s5;
	s22 =	smov.u32 s13;
	s13 =	sadd.s32 $0x100, s13  }
0x34d: {  	v3 =	vor.u32 s22, v34;
	v4 =	vld.idx.msk [tilespmem:v26+s26+$0x0], $0xffff;
	[tilespmem:s9+$0x0] =	vst v27;
	s9 =	smov.u32 s5  }
0x34e: {  	v5 =	vor.u32 s22, v35;
	v6 =	vld.idx.msk [tilespmem:v29+s26+$0x0], $0xffff;
	v1 =	vadd.f32 v23, v1  }
0x34f: {  	v7 =	vor.u32 s22, v36;
	v9 =	vmov v21;
	v8 =	vld.idx.msk [tilespmem:v30+s26+$0x0], $0xffff  }
0x350: {  	v10 =	vor.u32 s22, v37;
	v11 =	vld.idx.msk [tilespmem:v31+s26+$0x0], $0xffff;
	v1 =	vadd.f32 v25, v1  }
0x351: {  	v12 =	vor.u32 s4, v41;
	v0 =	vld.idx.msk [tilespmem:v0+s26+$0x0], $0xffff  }
0x352: {  	v13 =	vor.u32 s22, v14;
	v21 =	vadd.f32 v20, v28;
	v3 =	vld.idx.msk [tilespmem:v3+s26+$0x0], $0xffff;
	v1 =	vadd.f32 v16, v1;
	v16 =	vmovc v18  }
0x353: {  	v23 =	vor.u32 s4, v42;
	v5 =	vld.idx.msk [tilespmem:v5+s26+$0x0], $0xffff  }
0x354: {  	v20 =	vld.idx.msk [tilespmem:v7+s26+$0x0], $0xffff;
	v7 =	vadd.f32 v19, v21;
	v21 =	vor.u32 s4, v44;
	v1 =	vadd.f32 v4, v1  }
0x355: {  	v4 =	vor.u32 s4, v43;
	v19 =	vld.idx.msk [tilespmem:v10+s26+$0x0], $0xffff  }
0x356: {  	v10 =	vor.u32 s4, v15;
	v7 =	vadd.f32 v11, v7;
	v24 =	vld.idx.msk [tilespmem:v12+s26+$0x0], $0xffff;
	v1 =	vadd.f32 v2, v1  }
.Ltmp5:
0x357: {  	v22 =	vor.u32 s4, v46;
	v18 =	vld.idx.msk [tilespmem:v13+s26+$0x0], $0xffff;
	(pc) =	sbr.rel @p1 .LBB2_13-.Ltmp5, $4  }
0x358: {  	v26 =	vor.u32 s4, v45;
	s4 =	smov.u32 s22;
	v0 =	vadd.f32 v3, v0;
	v2 =	vadd.f32 v8, v7;
	v23 =	vld.idx.msk [tilespmem:v23+s26+$0x0], $0xffff  }
0x359: {  	v29 =	vor.u32 s4, v40;
	v1 =	vadd.f32 v17, v1;
	v21 =	vld.idx.msk [tilespmem:v21+s26+$0x0], $0xffff  }
0x35a: {  	v30 =	vor.u32 s4, v39;
	v28 =	vadd.f32 v5, v0;
	v32 =	vadd.f32 v6, v2;
	v25 =	vld.idx.msk [tilespmem:v4+s26+$0x0], $0xffff  }
0x35b: {  	v31 =	vor.u32 s4, v38;
	v27 =	vadd.f32 v9, v1;
	v17 =	vld.idx.msk [tilespmem:v10+s26+$0x0], $0xffff  }
0x35c: {  	_ =	sdelay $0x3  }
0x35d: {  	v0 =	vld.idx.msk [tilespmem:v31+s26+$0x0], $0xffff  }
0x35e: {  	v1 =	vor.u32 s4, v41;
	v2 =	vadd.f32 v20, v28  }
0x35f: {  	v3 =	vld.idx.msk [tilespmem:v30+s26+$0x0], $0xffff  }
0x360: {  	v4 =	vor.u32 s4, v42;
	v2 =	vadd.f32 v19, v2  }
0x361: {  	v5 =	vld.idx.msk [tilespmem:v29+s26+$0x0], $0xffff  }
0x362: {  	v6 =	vor.u32 s4, v43;
	v0 =	vadd.f32 v0, v2  }
0x363: {  	v1 =	vld.idx.msk [tilespmem:v1+s26+$0x0], $0xffff  }
0x364: {  	v0 =	vadd.f32 v3, v0  }
0x365: {  	v59 =	vld.idx.msk [tilespmem:v4+s26+$0x0], $0xffff  }
0x366: {  	v60 =	vor.u32 s4, v45;
	v0 =	vadd.f32 v5, v0  }
0x367: {  	v61 =	vadd.f32 v24, v32;
	v62 =	vld.idx.msk [tilespmem:v6+s26+$0x0], $0xffff  }
0x368: {  	v63 =	vor.u32 s4, v46;
	v0 =	vadd.f32 v1, v0  }
0x369: {  	v32 =	vadd.f32 v23, v61  }
0x36a: {  	v33 =	vld.idx.msk [tilespmem:v26+s26+$0x0], $0xffff;
	v7 =	vor.u32 s4, v15;
	v0 =	vadd.f32 v59, v0  }
0x36b: {  	v34 =	vld.idx.msk [tilespmem:v60+s26+$0x0], $0xffff;
	v1 =	vadd.f32 v25, v32  }
0x36c: {  	v35 =	vld.idx.msk [tilespmem:v22+s26+$0x0], $0xffff;
	v8 =	vor.u32 s4, v44;
	v0 =	vadd.f32 v62, v0  }
0x36d: {  	v36 =	vld.idx.msk [tilespmem:v63+s26+$0x0], $0xffff;
	v1 =	vadd.f32 v16, v1  }
0x36e: {  	v0 =	vadd.f32 v18, v0  }
0x36f: {  	v37 =	vld.idx.msk [tilespmem:v7+s26+$0x0], $0xffff;
	v1 =	vadd.f32 v33, v1  }
0x370: {  	v0 =	vadd.f32 v34, v0  }
0x371: {  	v38 =	vld.idx.msk [tilespmem:v8+s26+$0x0], $0xffff;
	v1 =	vadd.f32 v35, v1  }
0x372: {  	v0 =	vadd.f32 v36, v0  }
0x373: {  	v1 =	vadd.f32 v17, v1  }
0x374: {  	v0 =	vadd.f32 v37, v0  }
0x375: {  	v1 =	vadd.f32 v21, v1  }
0x376: {  	s22 =	sadd.s32 $0x10, s5;
	[tilespmem:s9+$0x0] =	vst v27;
	v0 =	vadd.f32 v38, v0  }
0x377: {  	s5 =	sadd.s32 $0x10, s22;
	[tilespmem:s22+$0x0] =	vst v1  }
0x378: {  	s4 =	sadd.s32 @!p0 $0x1E0, s20;
	s9 =	simm.s32 @!p0 $0x9E20;
	[tilespmem:s5+$0x0] =	vst v0;
	s5 =	simm.s32 @!p0 $0x50  }
0x379: {  	[tilespmem:s9], [sflag:$0x5] =	stream.indirect.gather @!p0 [hbm4b:s3+s5], $0x40, s4, s5, $0xb8;
	[tilespmem:$0x11A30] =	vst v63  }
0x37a: {  	s4 =	sadd.s32 @!p0 $0x28F0, s20;
	s9 =	simm.s32 @!p0 $0xB220  }
0x37b: {  	[tilespmem:s9], [sflag:$0x6] =	stream.indirect.gather @!p0 [hbm4b:s3+s5], $0x40, s4, s5, $0xb8;
	[tilespmem:$0x11A30] =	vst v63  }
0x37c: {  	_ =	swait.ge [sflag:s1], $0x1400  }
0x37d: {  	[sflag:s1] =	ssyncset.done $0x0  }
0x37e: {  	[sflag:s1] =	ssyncadd.s32 $0xFFFFEC00  }
0x37f: {  	_ =	swait.ge [sflag:s0], $0x1400  }
0x380: {  	[sflag:s0] =	ssyncset.done $0x0  }
0x381: {  	s13 =	simm.s32 $0xC720;
	[sflag:s0] =	ssyncadd.s32 $0xFFFFEC00  }
0x382: {  	s22 =	simm.s32 $0xDB20;
	v39 =	vld [tilespmem:s13+$0xF0]  }
0x383: {  	v40 =	vld [tilespmem:s22+$0xF0]  }
0x384: {  	v41 =	vld [tilespmem:s13+$0xE0]  }
0x385: {  	v42 =	vld [tilespmem:s13+$0xC0]  }
0x386: {  	v43 =	vld [tilespmem:s22+$0xC0]  }
0x387: {  	v44 =	vld [tilespmem:s13+$0xD0]  }
0x388: {  	v45 =	vld [tilespmem:s22+$0xD0]  }
0x389: {  	v46 =	vld [tilespmem:s22+$0xE0]  }
0x38a: {  	v9 =	vld [tilespmem:s22+$0xFFFFFF00]  }
0x38b: {  	v13 =	vld [tilespmem:s13+$0xFFFFFF10]  }
0x38c: {  	v17 =	vld [tilespmem:s22+$0xFFFFFF10]  }
0x38d: {  	v49 =	vld [tilespmem:s22+$0xFFFFFF40]  }
0x38e: {  	v52 =	vld [tilespmem:s13+$0xFFFFFF80]  }
0x38f: {  	v54 =	vld [tilespmem:s22+$0xFFFFFF80]  }
0x390: {  	v55 =	vld [tilespmem:s13+$0xFFFFFF90];
	v47 =	vunpack.i.l.bf16.f32 v39  }
0x391: {  	v59 =	vld [tilespmem:s22+$0xFFFFFF90];
	v10 =	vunpack.i.u.bf16.f32 v42;
	v11 =	vunpack.i.l.bf16.f32 v41;
	v12 =	vunpack.i.l.bf16.f32 v40  }
0x392: {  	v60 =	vld [tilespmem:s13+$0xFFFFFFC0];
	v3 =	vunpack.i.l.bf16.f32 v42;
	v16 =	vunpack.i.u.bf16.f32 v43;
	v4 =	vunpack.i.l.bf16.f32 v43  }
0x393: {  	v22 =	vld [tilespmem:s13+$0xFFFFFFD0];
	v18 =	vunpack.i.u.bf16.f32 v44;
	v5 =	vunpack.i.l.bf16.f32 v44;
	v19 =	vunpack.i.u.bf16.f32 v45  }
0x394: {  	v25 =	vld [tilespmem:s22+$0xFFFFFFD0];
	v6 =	vunpack.i.l.bf16.f32 v45;
	v2 =	vunpack.i.u.bf16.f32 v41;
	v7 =	vunpack.i.u.bf16.f32 v46  }
0x395: {  	v27 =	vld [tilespmem:s13+$0x0];
	v0 =	vunpack.i.u.bf16.f32 v39;
	v1 =	vunpack.i.u.bf16.f32 v40;
	v56 =	vunpack.i.u.bf16.f32 v9  }
0x396: {  	v34 =	vld [tilespmem:s13+$0x10];
	v57 =	vunpack.i.l.bf16.f32 v9;
	v58 =	vunpack.i.u.bf16.f32 v13;
	v61 =	vunpack.i.u.bf16.f32 v17  }
0x397: {  	v21 =	vunpack.i.u.bf16.f32 v49;
	v26 =	vunpack.i.u.bf16.f32 v52;
	v28 =	vunpack.i.u.bf16.f32 v54  }
0x398: {  	v29 =	vunpack.i.u.bf16.f32 v55;
	v30 =	vunpack.i.u.bf16.f32 v59;
	v62 =	vunpack.i.u.bf16.f32 v60  }
0x399: {  	v35 =	vunpack.i.u.bf16.f32 v22;
	v22 =	vunpack.i.l.bf16.f32 v22;
	v36 =	vunpack.i.u.bf16.f32 v25  }
0x39a: {  	v20 =	vld [tilespmem:s13+$0xFFFFFF40];
	v25 =	vunpack.i.l.bf16.f32 v25;
	v63 =	vunpack.i.u.bf16.f32 v27;
	v27 =	vunpack.i.l.bf16.f32 v27  }
0x39b: {  	v40 =	vunpack.i.u.bf16.f32 v34;
	v3 =	vmul.f32 v4, v3;
	v48 =	vmul.f32 v16, v10  }
0x39c: {  	v34 =	vunpack.i.l.bf16.f32 v34;
	v5 =	vmul.f32 v6, v5;
	v50 =	vmul.f32 v19, v18  }
0x39d: {  	v16 =	vunpack.i.l.bf16.f32 v46;
	v2 =	vmul.f32 v7, v2;
	v53 =	vmul.f32 v12, v47  }
0x39e: {  	v31 =	vld [tilespmem:s22+$0x0];
	v0 =	vmul.f32 v1, v0;
	v12 =	vunpack.i.l.bf16.f32 v13;
	v13 =	vunpack.i.l.bf16.f32 v17  }
0x39f: {  	v17 =	vunpack.i.u.bf16.f32 v20;
	v20 =	vunpack.i.l.bf16.f32 v20;
	v6 =	vmul.f32 v61, v58  }
0x3a0: {  	v10 =	vunpack.i.l.bf16.f32 v49;
	v26 =	vmul.f32 v28, v26;
	v29 =	vmul.f32 v30, v29  }
0x3a1: {  	v37 =	vld [tilespmem:s13+$0xFFFFFF20];
	v7 =	vunpack.i.l.bf16.f32 v54;
	v22 =	vmul.f32 v25, v22;
	v35 =	vmul.f32 v36, v35  }
0x3a2: {  	v42 =	vld [tilespmem:s22+$0x50];
	v1 =	vunpack.i.l.bf16.f32 v55;
	v11 =	vmul.f32 v16, v11;
	v12 =	vmul.f32 v13, v12  }
0x3a3: {  	v18 =	vld [tilespmem:s13+$0xFFFFFF50];
	v10 =	vmul.f32 v10, v20;
	v17 =	vmul.f32 v21, v17;
	v21 =	vunpack.i.u.bf16.f32 v31  }
0x3a4: {  	v19 =	vld [tilespmem:s22+$0xFFFFFFC0];
	v31 =	vunpack.i.l.bf16.f32 v31;
	v3 =	vadd.f32 v3, v48;
	v51 =	vadd.f32 v5, v50  }
0x3a5: {  	v28 =	vld [tilespmem:s13+$0x50];
	v0 =	vadd.f32 v53, v0;
	v5 =	vunpack.i.l.bf16.f32 v52;
	v27 =	vmul.f32 v31, v27  }
0x3a6: {  	v47 =	vld [tilespmem:s13+$0xFFFFFF60];
	v9 =	vmul.f32 v21, v63;
	v22 =	vadd.f32 v22, v35;
	v2 =	vadd.f32 v11, v2  }
0x3a7: {  	v55 =	vld [tilespmem:s22+$0x20];
	v11 =	vunpack.i.l.bf16.f32 v59;
	v5 =	vmul.f32 v7, v5;
	v6 =	vadd.f32 v12, v6  }
0x3a8: {  	v16 =	vld [tilespmem:s22+$0xFFFFFF50];
	v10 =	vadd.f32 v10, v17;
	v3 =	vadd.f32 v51, v3;
	v1 =	vmul.f32 v11, v1  }
0x3a9: {  	v13 =	vld [tilespmem:s13+$0xFFFFFF00];
	v45 =	vunpack.i.u.bf16.f32 v42;
	v11 =	vunpack.i.l.bf16.f32 v42;
	v51 =	vunpack.i.l.bf16.f32 v37  }
0x3aa: {  	v9 =	vadd.f32 v27, v9;
	v23 =	vunpack.i.u.bf16.f32 v18;
	v18 =	vunpack.i.l.bf16.f32 v18  }
0x3ab: {  	v20 =	vld [tilespmem:s22+$0x10];
	v33 =	vunpack.i.u.bf16.f32 v19;
	v19 =	vunpack.i.l.bf16.f32 v19;
	v44 =	vunpack.i.u.bf16.f32 v28  }
0x3ac: {  	v28 =	vunpack.i.l.bf16.f32 v28;
	v53 =	vunpack.i.u.bf16.f32 v47;
	v5 =	vadd.f32 v5, v26  }
0x3ad: {  	v59 =	vunpack.i.u.bf16.f32 v55;
	v2 =	vadd.f32 v2, v3;
	v24 =	vunpack.i.u.bf16.f32 v16  }
0x3ae: {  	v21 =	vld [tilespmem:s22+$0x90];
	v16 =	vunpack.i.l.bf16.f32 v16;
	v3 =	vunpack.i.l.bf16.f32 v60;
	v41 =	vunpack.i.l.bf16.f32 v13  }
0x3af: {  	v52 =	vld [tilespmem:s22+$0xFFFFFFA0];
	v13 =	vunpack.i.u.bf16.f32 v13;
	v32 =	vmul.f32 v33, v62;
	v11 =	vmul.f32 v11, v28  }
0x3b0: {  	v17 =	vld [tilespmem:s13+$0xFFFFFFE0];
	v30 =	vunpack.i.u.bf16.f32 v20;
	v46 =	vmul.f32 v45, v44;
	v18 =	vmul.f32 v16, v18  }
0x3b1: {  	v25 =	vld [tilespmem:s22+$0x80];
	v20 =	vunpack.i.l.bf16.f32 v20;
	v23 =	vmul.f32 v24, v23;
	v8 =	vmul.f32 v57, v41  }
0x3b2: {  	v28 =	vld [tilespmem:s22+$0xFFFFFF20];
	v1 =	vadd.f32 v1, v29;
	v4 =	vmul.f32 v56, v13;
	v3 =	vmul.f32 v19, v3  }
0x3b3: {  	v44 =	vld [tilespmem:s13+$0xFFFFFFB0];
	v20 =	vmul.f32 v20, v34;
	v7 =	vmul.f32 v30, v40;
	v48 =	vunpack.i.u.bf16.f32 v21  }
0x3b4: {  	v16 =	vld [tilespmem:s13+$0x40];
	v21 =	vunpack.i.l.bf16.f32 v21;
	v34 =	vunpack.i.l.bf16.f32 v47;
	v54 =	vunpack.i.u.bf16.f32 v52  }
0x3b5: {  	v24 =	vld [tilespmem:s22+$0x40];
	v57 =	vunpack.i.u.bf16.f32 v17;
	v11 =	vadd.f32 v11, v46;
	v1 =	vadd.f32 v1, v5  }
0x3b6: {  	v13 =	vld [tilespmem:s13+$0x80];
	v17 =	vunpack.i.l.bf16.f32 v17;
	v4 =	vadd.f32 v8, v4;
	v18 =	vadd.f32 v18, v23  }
0x3b7: {  	v47 =	vld [tilespmem:s22+$0xFFFFFFF0];
	v3 =	vadd.f32 v3, v32;
	v8 =	vunpack.i.l.bf16.f32 v52;
	v7 =	vadd.f32 v20, v7  }
0x3b8: {  	v49 =	vld [tilespmem:s22+$0xFFFFFF60];
	v32 =	vunpack.i.l.bf16.f32 v55;
	v12 =	vunpack.i.u.bf16.f32 v28;
	v28 =	vunpack.i.l.bf16.f32 v28  }
0x3b9: {  	v46 =	vld [tilespmem:s13+$0xFFFFFFF0];
	v4 =	vadd.f32 v6, v4;
	v10 =	vadd.f32 v18, v10;
	v52 =	vunpack.i.u.bf16.f32 v44  }
0x3ba: {  	v31 =	vld [tilespmem:s13+$0x90];
	v6 =	vunpack.i.l.bf16.f32 v44;
	v19 =	vunpack.i.u.bf16.f32 v16;
	v16 =	vunpack.i.l.bf16.f32 v16  }
0x3bb: {  	v23 =	vld [tilespmem:s22+$0xFFFFFFE0];
	v43 =	vunpack.i.u.bf16.f32 v24;
	v24 =	vunpack.i.l.bf16.f32 v24;
	v30 =	vunpack.i.u.bf16.f32 v13  }
0x3bc: {  	v20 =	vld [tilespmem:s22+$0x60];
	v13 =	vunpack.i.l.bf16.f32 v13;
	v28 =	vmul.f32 v28, v51;
	v5 =	vunpack.i.u.bf16.f32 v47  }
0x3bd: {  	v24 =	vmul.f32 v24, v16;
	v16 =	vunpack.i.u.bf16.f32 v25;
	v25 =	vunpack.i.l.bf16.f32 v25  }
0x3be: {  	v19 =	vmul.f32 v43, v19;
	v55 =	vunpack.i.l.bf16.f32 v46;
	v13 =	vmul.f32 v25, v13  }
0x3bf: {  	v56 =	vld [tilespmem:s13+$0x60];
	v25 =	vunpack.i.u.bf16.f32 v31;
	v31 =	vunpack.i.l.bf16.f32 v31;
	v30 =	vmul.f32 v16, v30  }
0x3c0: {  	v16 =	vadd.f32 v0, v2;
	v0 =	vunpack.i.l.bf16.f32 v49;
	v27 =	vunpack.i.u.bf16.f32 v23  }
0x3c1: {  	v58 =	vld [tilespmem:s22+$0xA0];
	v23 =	vunpack.i.l.bf16.f32 v23;
	v62 =	vunpack.i.u.bf16.f32 v20;
	v20 =	vunpack.i.l.bf16.f32 v20  }
0x3c2: {  	v45 =	vld [tilespmem:s22+$0xFFFFFFB0];
	v50 =	vmul.f32 v21, v31;
	v21 =	vmul.f32 v48, v25;
	v31 =	vunpack.i.u.bf16.f32 v37  }
0x3c3: {  	v40 =	vld [tilespmem:s13+$0x70];
	v0 =	vmul.f32 v0, v34;
	v24 =	vadd.f32 v24, v19;
	v60 =	vmul.f32 v23, v17  }
0x3c4: {  	v25 =	vld [tilespmem:s13+$0xFFFFFFA0];
	v23 =	vunpack.i.l.bf16.f32 v56;
	v27 =	vmul.f32 v27, v57;
	v12 =	vmul.f32 v12, v31  }
0x3c5: {  	v19 =	vld [tilespmem:s13+$0xA0];
	v31 =	vunpack.i.u.bf16.f32 v49;
	v13 =	vadd.f32 v13, v30;
	v63 =	vmul.f32 v20, v23  }
0x3c6: {  	v26 =	vld [tilespmem:s13+$0x20];
	v23 =	vunpack.i.l.bf16.f32 v58;
	v2 =	vadd.f32 v50, v21;
	v21 =	vunpack.i.u.bf16.f32 v56  }
0x3c7: {  	v31 =	vmul.f32 v31, v53;
	v38 =	vmul.f32 v62, v21;
	v21 =	vunpack.i.u.bf16.f32 v58  }
0x3c8: {  	v30 =	vld [tilespmem:s13+$0xFFFFFF30];
	v50 =	vadd.f32 v28, v12;
	v12 =	vunpack.i.u.bf16.f32 v45;
	v58 =	vunpack.i.l.bf16.f32 v40  }
0x3c9: {  	v17 =	vld [tilespmem:s22+$0xFFFFFF30];
	v0 =	vadd.f32 v0, v31;
	v29 =	vunpack.i.u.bf16.f32 v25;
	v25 =	vunpack.i.l.bf16.f32 v25  }
0x3ca: {  	v20 =	vunpack.i.u.bf16.f32 v19;
	v19 =	vunpack.i.l.bf16.f32 v19;
	v38 =	vadd.f32 v63, v38  }
0x3cb: {  	v28 =	vadd.f32 v50, v4;
	v8 =	vmul.f32 v8, v25;
	v25 =	vunpack.i.u.bf16.f32 v26  }
0x3cc: {  	v26 =	vunpack.i.l.bf16.f32 v26;
	v29 =	vmul.f32 v54, v29;
	v33 =	vmul.f32 v23, v19  }
0x3cd: {  	v53 =	vld [tilespmem:s22+$0x30];
	v19 =	vunpack.i.u.bf16.f32 v30;
	v23 =	vunpack.i.l.bf16.f32 v30;
	v30 =	vmul.f32 v21, v20  }
0x3ce: {  	v56 =	vld [tilespmem:s13+$0xB0];
	v20 =	vunpack.i.l.bf16.f32 v17;
	v21 =	vunpack.i.u.bf16.f32 v17;
	v61 =	vmul.f32 v32, v26  }
0x3cf: {  	v26 =	vld [tilespmem:s13+$0xFFFFFF70];
	v34 =	vmul.f32 v59, v25;
	v17 =	vmul.f32 v20, v23;
	v20 =	vadd.f32 v22, v3  }
0x3d0: {  	v18 =	vmul.f32 v21, v19;
	v22 =	vadd.f32 v11, v24;
	v24 =	vadd.f32 v2, v13  }
0x3d1: {  	v13 =	vunpack.i.l.bf16.f32 v45;
	v32 =	vadd.f32 v60, v27;
	v3 =	vunpack.i.u.bf16.f32 v46  }
0x3d2: {  	v54 =	vld [tilespmem:s22+$0x70];
	v57 =	vunpack.i.u.bf16.f32 v53;
	v2 =	vunpack.i.l.bf16.f32 v53;
	v60 =	vunpack.i.u.bf16.f32 v40  }
0x3d3: {  	v25 =	vld [tilespmem:s22+$0xFFFFFF70];
	v62 =	vunpack.i.l.bf16.f32 v56;
	v8 =	vadd.f32 v8, v29;
	v37 =	vadd.f32 v33, v30  }
0x3d4: {  	v51 =	vld [tilespmem:s13+$0x30];
	v33 =	vmul.f32 v5, v3;
	v29 =	vadd.f32 v0, v10;
	v23 =	vunpack.i.l.bf16.f32 v26  }
0x3d5: {  	s13 =	simm.s32 $0x11570;
	v48 =	vunpack.i.u.bf16.f32 v26;
	v26 =	vmul.f32 v12, v52;
	v12 =	vunpack.i.l.bf16.f32 v47  }
0x3d6: {  	[tilespmem:s13+$0x30] =	vst v16;
	v16 =	vunpack.i.u.bf16.f32 v56;
	v35 =	vadd.f32 v61, v34;
	v27 =	vmul.f32 v12, v55;
	v12 =	vld [tilespmem:s22+$0xB0]  }
0x3d7: {  	v34 =	vadd.f32 v8, v1;
	v59 =	vunpack.i.l.bf16.f32 v54;
	v61 =	vunpack.i.u.bf16.f32 v54  }
0x3d8: {  	v19 =	vunpack.i.l.bf16.f32 v25;
	v49 =	vunpack.i.u.bf16.f32 v25;
	v25 =	vmul.f32 v13, v6  }
0x3d9: {  	v13 =	vunpack.i.u.bf16.f32 v51;
	v36 =	vmul.f32 v59, v58;
	v41 =	vmul.f32 v61, v60  }
0x3da: {  	v19 =	vmul.f32 v19, v23;
	v23 =	vadd.f32 v7, v9;
	v21 =	vmul.f32 v49, v48  }
0x3db: {  	v7 =	vunpack.i.l.bf16.f32 v51;
	v39 =	vmul.f32 v57, v13;
	v63 =	vunpack.i.l.bf16.f32 v12  }
0x3dc: {  	s9 =	simm.s32 $0x0;
	s4 =	simm.s32 $0xC920;
	v31 =	vmul.f32 v2, v7;
	v30 =	vunpack.i.u.bf16.f32 v12;
	v40 =	vmul.f32 v63, v62  }
.LBB2_15:
0x3dd: {  	v0 =	vld [tilespmem:s4+$0xF0];
	v1 =	vadd.f32 v32, v20;
	v2 =	vadd.f32 v35, v23;
	v3 =	vmul.f32 v30, v16;
	s22 =	sadd.s32 $0x200, s22  }
0x3de: {  	v5 =	vadd.f32 v38, v22;
	v6 =	vadd.f32 v37, v24;
	v4 =	vld [tilespmem:s22+$0xF0]  }
0x3df: {  	v8 =	vadd.f32 v17, v18;
	v9 =	vadd.f32 v19, v21;
	v7 =	vld [tilespmem:s4+$0xE0]  }
0x3e0: {  	v11 =	vadd.f32 v25, v26;
	v12 =	vadd.f32 v27, v33;
	v10 =	vld [tilespmem:s4+$0xC0]  }
0x3e1: {  	v16 =	vadd.f32 v31, v39;
	v17 =	vadd.f32 v36, v41;
	v13 =	vld [tilespmem:s22+$0xC0]  }
0x3e2: {  	v8 =	vadd.f32 v8, v28;
	v3 =	vadd.f32 v40, v3;
	v18 =	vld [tilespmem:s4+$0xD0]  }
0x3e3: {  	v9 =	vadd.f32 v9, v29;
	v11 =	vadd.f32 v11, v34;
	v19 =	vld [tilespmem:s22+$0xD0]  }
0x3e4: {  	s9 =	sadd.s32 $0x8, s9;
	v1 =	vadd.f32 v12, v1;
	v2 =	vadd.f32 v16, v2;
	v20 =	vld [tilespmem:s22+$0xFFFFFF00];
	[tilespmem:s13+$0xFFFFFFC0] =	vst v8  }
0x3e5: {  	p1 =	slt.u32 s9, $0x48;
	v5 =	vadd.f32 v17, v5;
	v3 =	vadd.f32 v3, v6;
	v12 =	vunpack.i.l.bf16.f32 v0;
	v8 =	vld [tilespmem:s22+$0xE0];
	[tilespmem:s13+$0xFFFFFFD0] =	vst v9  }
0x3e6: {  	v17 =	vunpack.i.l.bf16.f32 v4;
	v16 =	vunpack.i.l.bf16.f32 v7;
	v9 =	vunpack.i.u.bf16.f32 v10;
	v6 =	vld [tilespmem:s4+$0xFFFFFF10];
	[tilespmem:s13+$0xFFFFFFE0] =	vst v11  }
0x3e7: {  	v10 =	vunpack.i.l.bf16.f32 v10;
	v21 =	vunpack.i.u.bf16.f32 v13;
	v13 =	vunpack.i.l.bf16.f32 v13;
	v11 =	vld [tilespmem:s22+$0xFFFFFF10];
	[tilespmem:s13+$0xFFFFFFF0] =	vst v1  }
0x3e8: {  	v22 =	vunpack.i.u.bf16.f32 v18;
	v18 =	vunpack.i.l.bf16.f32 v18;
	v1 =	vld [tilespmem:s4+$0xFFFFFF40];
	v23 =	vunpack.i.u.bf16.f32 v19;
	[tilespmem:s13+$0x0] =	vst v2  }
0x3e9: {  	v10 =	vmul.f32 v13, v10;
	v9 =	vmul.f32 v21, v9;
	v13 =	vunpack.i.l.bf16.f32 v19;
	v2 =	vld [tilespmem:s22+$0xFFFFFF40];
	[tilespmem:s13+$0x10] =	vst v5  }
0x3ea: {  	v13 =	vmul.f32 v13, v18;
	v18 =	vmul.f32 v23, v22;
	v5 =	vld [tilespmem:s4+$0xFFFFFF50];
	v19 =	vunpack.i.l.bf16.f32 v8;
	[tilespmem:s13+$0x20] =	vst v3  }
0x3eb: {  	v7 =	vunpack.i.u.bf16.f32 v7;
	v8 =	vunpack.i.u.bf16.f32 v8;
	v3 =	vld [tilespmem:s22+$0xFFFFFF50];
	v16 =	vmul.f32 v19, v16  }
0x3ec: {  	v9 =	vadd.f32 v10, v9;
	v10 =	vadd.f32 v13, v18;
	v7 =	vmul.f32 v8, v7;
	v19 =	vld [tilespmem:s4+$0xFFFFFF80]  }
0x3ed: {  	v0 =	vunpack.i.u.bf16.f32 v0;
	v4 =	vunpack.i.u.bf16.f32 v4;
	v12 =	vmul.f32 v17, v12;
	v8 =	vld [tilespmem:s22+$0xFFFFFF80]  }
0x3ee: {  	v0 =	vmul.f32 v4, v0;
	v9 =	vadd.f32 v10, v9;
	v7 =	vadd.f32 v16, v7;
	v13 =	vld [tilespmem:s4+$0xFFFFFF90]  }
0x3ef: {  	v4 =	vunpack.i.u.bf16.f32 v20;
	v10 =	vunpack.i.l.bf16.f32 v20;
	v16 =	vunpack.i.u.bf16.f32 v6;
	v17 =	vld [tilespmem:s22+$0xFFFFFF90]  }
0x3f0: {  	v0 =	vadd.f32 v12, v0;
	v6 =	vunpack.i.l.bf16.f32 v6;
	v7 =	vadd.f32 v7, v9;
	v18 =	vld [tilespmem:s4+$0xFFFFFFC0]  }
0x3f1: {  	v12 =	vunpack.i.u.bf16.f32 v1;
	v9 =	vunpack.i.u.bf16.f32 v11;
	v11 =	vunpack.i.l.bf16.f32 v11;
	v20 =	vld [tilespmem:s22+$0xFFFFFFC0]  }
0x3f2: {  	v1 =	vunpack.i.l.bf16.f32 v1;
	v21 =	vunpack.i.u.bf16.f32 v2;
	v0 =	vadd.f32 v0, v7;
	v22 =	vld [tilespmem:s4+$0xFFFFFFD0]  }
0x3f3: {  	s13 =	sadd.s32 $0x80, s13;
	v2 =	vunpack.i.l.bf16.f32 v2;
	v7 =	vunpack.i.u.bf16.f32 v5;
	v5 =	vunpack.i.l.bf16.f32 v5;
	v23 =	vld [tilespmem:s22+$0xFFFFFFD0]  }
0x3f4: {  	s5 =	simm.s32 $0x0;
	v24 =	vunpack.i.u.bf16.f32 v3;
	v3 =	vunpack.i.l.bf16.f32 v3;
	v25 =	vunpack.i.u.bf16.f32 v19;
	v26 =	vld [tilespmem:s4+$0x0];
	[tilespmem:s13+$0x30] =	vst v0  }
0x3f5: {  	v0 =	vunpack.i.l.bf16.f32 v19;
	v19 =	vunpack.i.u.bf16.f32 v8;
	v8 =	vunpack.i.l.bf16.f32 v8;
	v27 =	vld [tilespmem:s22+$0x0]  }
0x3f6: {  	v28 =	vunpack.i.u.bf16.f32 v13;
	v13 =	vunpack.i.l.bf16.f32 v13;
	v29 =	vunpack.i.u.bf16.f32 v17;
	v30 =	vld [tilespmem:s4+$0x10]  }
0x3f7: {  	v17 =	vunpack.i.l.bf16.f32 v17;
	v31 =	vunpack.i.u.bf16.f32 v18;
	v18 =	vunpack.i.l.bf16.f32 v18;
	v32 =	vld [tilespmem:s22+$0x10]  }
0x3f8: {  	v33 =	vunpack.i.u.bf16.f32 v20;
	v20 =	vunpack.i.l.bf16.f32 v20;
	v34 =	vunpack.i.u.bf16.f32 v22;
	v35 =	vld [tilespmem:s4+$0x40]  }
0x3f9: {  	v22 =	vunpack.i.l.bf16.f32 v22;
	v36 =	vunpack.i.u.bf16.f32 v23;
	v23 =	vunpack.i.l.bf16.f32 v23;
	v37 =	vld [tilespmem:s22+$0x40]  }
0x3fa: {  	v38 =	vunpack.i.u.bf16.f32 v26;
	v26 =	vunpack.i.l.bf16.f32 v26;
	v39 =	vunpack.i.u.bf16.f32 v27;
	v40 =	vld [tilespmem:s4+$0x50]  }
0x3fb: {  	v27 =	vunpack.i.l.bf16.f32 v27;
	v41 =	vunpack.i.u.bf16.f32 v30;
	v30 =	vunpack.i.l.bf16.f32 v30;
	v42 =	vld [tilespmem:s22+$0x50]  }
0x3fc: {  	v6 =	vmul.f32 v11, v6;
	v11 =	vunpack.i.u.bf16.f32 v32;
	v32 =	vunpack.i.l.bf16.f32 v32;
	v43 =	vld [tilespmem:s4+$0x80]  }
0x3fd: {  	v9 =	vmul.f32 v9, v16;
	v16 =	vunpack.i.u.bf16.f32 v35;
	v35 =	vunpack.i.l.bf16.f32 v35;
	v44 =	vld [tilespmem:s22+$0x80]  }
0x3fe: {  	v1 =	vmul.f32 v2, v1;
	v2 =	vunpack.i.u.bf16.f32 v37;
	v37 =	vunpack.i.l.bf16.f32 v37;
	v45 =	vld [tilespmem:s4+$0x90]  }
0x3ff: {  	v12 =	vmul.f32 v21, v12;
	v21 =	vunpack.i.u.bf16.f32 v40;
	v40 =	vunpack.i.l.bf16.f32 v40;
	v46 =	vld [tilespmem:s22+$0x90]  }
0x400: {  	v3 =	vmul.f32 v3, v5;
	v47 =	vld [tilespmem:s4+$0xFFFFFF00];
	v5 =	vunpack.i.u.bf16.f32 v42;
	v42 =	vunpack.i.l.bf16.f32 v42  }
0x401: {  	v7 =	vmul.f32 v24, v7;
	v48 =	vld [tilespmem:s4+$0xFFFFFF20];
	v24 =	vunpack.i.u.bf16.f32 v43;
	v43 =	vunpack.i.l.bf16.f32 v43  }
0x402: {  	v0 =	vmul.f32 v8, v0;
	v49 =	vld [tilespmem:s22+$0xFFFFFF20];
	v8 =	vunpack.i.u.bf16.f32 v44;
	v44 =	vunpack.i.l.bf16.f32 v44  }
0x403: {  	v19 =	vmul.f32 v19, v25;
	v50 =	vld [tilespmem:s4+$0xFFFFFF60];
	v25 =	vunpack.i.u.bf16.f32 v45;
	v45 =	vunpack.i.l.bf16.f32 v45  }
0x404: {  	v13 =	vmul.f32 v17, v13;
	v51 =	vld [tilespmem:s22+$0xFFFFFF60];
	v17 =	vunpack.i.u.bf16.f32 v46;
	v46 =	vunpack.i.l.bf16.f32 v46  }
0x405: {  	v28 =	vmul.f32 v29, v28;
	v52 =	vunpack.i.u.bf16.f32 v47;
	v47 =	vunpack.i.l.bf16.f32 v47;
	v29 =	vld [tilespmem:s4+$0xFFFFFFA0]  }
0x406: {  	v10 =	vmul.f32 v10, v47;
	v4 =	vmul.f32 v4, v52;
	v47 =	vunpack.i.u.bf16.f32 v48;
	v52 =	vld [tilespmem:s22+$0xFFFFFFA0]  }
0x407: {  	v18 =	vmul.f32 v20, v18;
	v20 =	vmul.f32 v33, v31;
	v48 =	vunpack.i.l.bf16.f32 v48;
	v31 =	vld [tilespmem:s4+$0xFFFFFFE0]  }
0x408: {  	v22 =	vmul.f32 v23, v22;
	v23 =	vmul.f32 v36, v34;
	v33 =	vunpack.i.u.bf16.f32 v49;
	v34 =	vld [tilespmem:s22+$0xFFFFFFE0]  }
0x409: {  	v26 =	vmul.f32 v27, v26;
	v27 =	vmul.f32 v39, v38;
	v36 =	vunpack.i.l.bf16.f32 v49;
	v38 =	vld [tilespmem:s4+$0x20]  }
0x40a: {  	v30 =	vmul.f32 v32, v30;
	v11 =	vmul.f32 v11, v41;
	v39 =	vunpack.i.u.bf16.f32 v50;
	v32 =	vld [tilespmem:s22+$0x20]  }
0x40b: {  	v35 =	vmul.f32 v37, v35;
	v2 =	vmul.f32 v2, v16;
	v41 =	vunpack.i.l.bf16.f32 v50;
	v16 =	vld [tilespmem:s4+$0x60]  }
0x40c: {  	v40 =	vmul.f32 v42, v40;
	v5 =	vmul.f32 v5, v21;
	v37 =	vunpack.i.u.bf16.f32 v51;
	v21 =	vld [tilespmem:s22+$0x60]  }
0x40d: {  	v43 =	vmul.f32 v44, v43;
	v8 =	vmul.f32 v8, v24;
	v42 =	vunpack.i.l.bf16.f32 v51;
	v24 =	vld [tilespmem:s4+$0xA0]  }
0x40e: {  	v45 =	vmul.f32 v46, v45;
	v17 =	vmul.f32 v17, v25;
	v44 =	vunpack.i.u.bf16.f32 v29;
	v25 =	vld [tilespmem:s22+$0xA0]  }
0x40f: {  	v29 =	vunpack.i.l.bf16.f32 v29;
	v49 =	vunpack.i.u.bf16.f32 v52;
	v50 =	vunpack.i.l.bf16.f32 v52;
	v46 =	vld [tilespmem:s4+$0xFFFFFF30]  }
0x410: {  	v52 =	vunpack.i.u.bf16.f32 v31;
	v31 =	vunpack.i.l.bf16.f32 v31;
	v53 =	vunpack.i.u.bf16.f32 v34;
	v51 =	vld [tilespmem:s22+$0xFFFFFF30]  }
0x411: {  	v34 =	vunpack.i.l.bf16.f32 v34;
	v55 =	vunpack.i.u.bf16.f32 v38;
	v38 =	vunpack.i.l.bf16.f32 v38;
	v54 =	vld [tilespmem:s4+$0xFFFFFF70]  }
0x412: {  	v57 =	vunpack.i.u.bf16.f32 v32;
	v32 =	vunpack.i.l.bf16.f32 v32;
	v58 =	vunpack.i.u.bf16.f32 v16;
	v56 =	vld [tilespmem:s22+$0xFFFFFF70]  }
0x413: {  	v16 =	vunpack.i.l.bf16.f32 v16;
	v60 =	vunpack.i.u.bf16.f32 v21;
	v21 =	vunpack.i.l.bf16.f32 v21;
	v59 =	vld [tilespmem:s4+$0xFFFFFFB0]  }
0x414: {  	v62 =	vunpack.i.u.bf16.f32 v24;
	v24 =	vunpack.i.l.bf16.f32 v24;
	v63 =	vunpack.i.u.bf16.f32 v25;
	v61 =	vld [tilespmem:s22+$0xFFFFFFB0]  }
0x415: {  	v6 =	vadd.f32 v6, v9;
	v4 =	vadd.f32 v10, v4;
	v10 =	vunpack.i.l.bf16.f32 v25;
	v9 =	vld [tilespmem:s4+$0xFFFFFFF0]  }
0x416: {  	v1 =	vadd.f32 v1, v12;
	v3 =	vadd.f32 v3, v7;
	v25 =	vmul.f32 v36, v48;
	v7 =	vld [tilespmem:s22+$0xFFFFFFF0]  }
0x417: {  	v0 =	vadd.f32 v0, v19;
	v13 =	vadd.f32 v13, v28;
	v12 =	vmul.f32 v33, v47;
	v19 =	vld [tilespmem:s4+$0x30]  }
0x418: {  	v20 =	vadd.f32 v18, v20;
	v22 =	vadd.f32 v22, v23;
	v28 =	vmul.f32 v42, v41;
	v18 =	vld [tilespmem:s22+$0x30]  }
0x419: {  	v23 =	vadd.f32 v26, v27;
	v11 =	vadd.f32 v30, v11;
	v33 =	vmul.f32 v37, v39;
	v26 =	vld [tilespmem:s4+$0x70]  }
0x41a: {  	v2 =	vadd.f32 v35, v2;
	v5 =	vadd.f32 v40, v5;
	v27 =	vmul.f32 v50, v29;
	v29 =	vld [tilespmem:s22+$0x70]  }
0x41b: {  	v8 =	vadd.f32 v43, v8;
	v35 =	vmul.f32 v49, v44;
	v36 =	vadd.f32 v45, v17;
	v17 =	vld [tilespmem:s4+$0xB0]  }
0x41c: {  	v31 =	vmul.f32 v34, v31;
	v34 =	vmul.f32 v53, v52;
	v37 =	vunpack.i.u.bf16.f32 v46;
	v39 =	vld [tilespmem:s22+$0xB0]  }
0x41d: {  	v38 =	vmul.f32 v32, v38;
	v41 =	vmul.f32 v57, v55;
	v40 =	vunpack.i.l.bf16.f32 v46  }
0x41e: {  	v42 =	vmul.f32 v21, v16;
	v43 =	vmul.f32 v60, v58;
	v32 =	vunpack.i.u.bf16.f32 v51  }
0x41f: {  	v10 =	vmul.f32 v10, v24;
	v44 =	vmul.f32 v63, v62;
	v21 =	vunpack.i.l.bf16.f32 v51  }
0x420: {  	v24 =	vunpack.i.u.bf16.f32 v54;
	v45 =	vunpack.i.l.bf16.f32 v54;
	v46 =	vunpack.i.u.bf16.f32 v56  }
0x421: {  	v47 =	vunpack.i.l.bf16.f32 v56;
	v48 =	vunpack.i.u.bf16.f32 v59;
	v49 =	vunpack.i.l.bf16.f32 v59  }
0x422: {  	v50 =	vunpack.i.u.bf16.f32 v61;
	v51 =	vunpack.i.l.bf16.f32 v61;
	v52 =	vunpack.i.u.bf16.f32 v9  }
0x423: {  	v9 =	vunpack.i.l.bf16.f32 v9;
	v53 =	vunpack.i.u.bf16.f32 v7;
	v7 =	vunpack.i.l.bf16.f32 v7  }
0x424: {  	v54 =	vunpack.i.u.bf16.f32 v19;
	v55 =	vunpack.i.l.bf16.f32 v19;
	v56 =	vunpack.i.u.bf16.f32 v18  }
0x425: {  	v57 =	vunpack.i.l.bf16.f32 v18;
	v58 =	vunpack.i.u.bf16.f32 v26;
	v59 =	vunpack.i.l.bf16.f32 v26  }
0x426: {  	v60 =	vunpack.i.u.bf16.f32 v29;
	v61 =	vunpack.i.l.bf16.f32 v29;
	v16 =	vunpack.i.u.bf16.f32 v17  }
0x427: {  	v62 =	vunpack.i.l.bf16.f32 v17;
	v30 =	vunpack.i.u.bf16.f32 v39;
	v63 =	vunpack.i.l.bf16.f32 v39  }
0x428: {  	v1 =	vadd.f32 v3, v1;
	v4 =	vadd.f32 v6, v4;
	v17 =	vmul.f32 v21, v40  }
0x429: {  	v0 =	vadd.f32 v13, v0;
	v20 =	vadd.f32 v22, v20;
	v18 =	vmul.f32 v32, v37  }
0x42a: {  	v23 =	vadd.f32 v11, v23;
	v22 =	vadd.f32 v5, v2;
	v19 =	vmul.f32 v47, v45  }
0x42b: {  	v2 =	vadd.f32 v25, v12;
	v21 =	vmul.f32 v46, v24;
	v24 =	vadd.f32 v36, v8  }
0x42c: {  	v3 =	vadd.f32 v28, v33;
	v5 =	vadd.f32 v27, v35;
	v25 =	vmul.f32 v51, v49  }
.Ltmp6:
0x42d: {  	v35 =	vadd.f32 v38, v41;
	v32 =	vadd.f32 v31, v34;
	v26 =	vmul.f32 v50, v48;
	(pc) =	sbr.rel @p1 .LBB2_15-.Ltmp6, $4  }
0x42e: {  	v38 =	vadd.f32 v42, v43;
	v27 =	vmul.f32 v7, v9;
	v37 =	vadd.f32 v10, v44  }
0x42f: {  	v28 =	vadd.f32 v2, v4;
	v33 =	vmul.f32 v53, v52;
	v31 =	vmul.f32 v57, v55  }
0x430: {  	v29 =	vadd.f32 v3, v1;
	v36 =	vmul.f32 v61, v59;
	v39 =	vmul.f32 v56, v54  }
0x431: {  	s4 =	sadd.s32 $0x200, s4;
	v34 =	vadd.f32 v5, v0;
	v41 =	vmul.f32 v60, v58;
	v40 =	vmul.f32 v63, v62  }
0x432: {  	v0 =	vadd.f32 v32, v20;
	v1 =	vadd.f32 v35, v23  }
0x433: {  	v2 =	vadd.f32 v38, v22;
	v3 =	vadd.f32 v17, v18  }
0x434: {  	v4 =	vadd.f32 v37, v24;
	v5 =	vadd.f32 v19, v21  }
0x435: {  	v6 =	vadd.f32 v25, v26;
	v3 =	vadd.f32 v3, v28  }
0x436: {  	v7 =	vadd.f32 v27, v33;
	v5 =	vadd.f32 v5, v29  }
0x437: {  	v8 =	vmul.f32 v30, v16;
	v9 =	vadd.f32 v31, v39;
	v6 =	vadd.f32 v6, v34;
	[tilespmem:s13+$0xFFFFFFC0] =	vst v3  }
0x438: {  	v48 =	vadd.f32 v36, v41;
	v0 =	vadd.f32 v7, v0;
	[tilespmem:s13+$0xFFFFFFD0] =	vst v5  }
0x439: {  	v49 =	vadd.f32 v40, v8;
	v1 =	vadd.f32 v9, v1;
	[tilespmem:s13+$0xFFFFFFE0] =	vst v6  }
0x43a: {  	v2 =	vadd.f32 v48, v2;
	v63 =	vld [tilespmem:$0x1FFF0];
	[tilespmem:s13+$0xFFFFFFF0] =	vst v0  }
0x43b: {  	v52 =	vadd.f32 v49, v4;
	v33 =	vld [tilespmem:$0x1FF60];
	[tilespmem:s13+$0x0] =	vst v1  }
0x43c: {  	v34 =	vld [tilespmem:$0x1FF50];
	[tilespmem:s13+$0x10] =	vst v2  }
0x43d: {  	v57 =	vor.u32 s5, v14;
	v35 =	vld [tilespmem:$0x1FF40];
	[tilespmem:s13+$0x20] =	vst v52  }
0x43e: {  	v36 =	vld [tilespmem:$0x1FF30]  }
0x43f: {  	v39 =	vld [tilespmem:$0x1FF80]  }
0x440: {  	v38 =	vld [tilespmem:$0x1FF70]  }
0x441: {  	s9 =	simm.s32 $0x100;
	v37 =	vld [tilespmem:$0x1FF20]  }
0x442: {  	v13 =	vor.u32 s9, v14;
	v5 =	vld.idx.msk [tilespmem:v57+s26+$0x0], $0xffff  }
0x443: {  	v40 =	vld [tilespmem:$0x1FF90]  }
0x444: {  	v41 =	vld [tilespmem:$0x1FFA0];
	v50 =	vor.u32 s5, v63  }
0x445: {  	v43 =	vld [tilespmem:$0x1FFE0];
	v51 =	vor.u32 s5, v33  }
0x446: {  	v42 =	vld [tilespmem:$0x1FFB0]  }
0x447: {  	v16 =	vld.idx.msk [tilespmem:v13+s26+$0x0], $0xffff;
	v53 =	vor.u32 s5, v34  }
0x448: {  	v18 =	vor.u32 s5, v15;
	v45 =	vld [tilespmem:$0x1FFD0]  }
0x449: {  	v54 =	vor.u32 s5, v35;
	v56 =	vld.idx.msk [tilespmem:v50+s26+$0x0], $0xffff  }
0x44a: {  	v61 =	vor.u32 s9, v63;
	v0 =	vld.idx.msk [tilespmem:v51+s26+$0x0], $0xffff  }
0x44b: {  	v44 =	vld [tilespmem:$0x1FFC0];
	v55 =	vor.u32 s5, v36  }
0x44c: {  	v10 =	vor.u32 s9, v33;
	v1 =	vld.idx.msk [tilespmem:v53+s26+$0x0], $0xffff  }
0x44d: {  	v25 =	vld.idx.msk [tilespmem:v18+s26+$0x0], $0xffff;
	v60 =	vor.u32 s5, v37  }
0x44e: {  	v11 =	vor.u32 s9, v34;
	v2 =	vld.idx.msk [tilespmem:v54+s26+$0x0], $0xffff  }
0x44f: {  	v59 =	vor.u32 s5, v38;
	v32 =	vld.idx.msk [tilespmem:v61+s26+$0x0], $0xffff;
	v0 =	vadd.f32 v0, v56  }
0x450: {  	v62 =	vor.u32 s9, v35;
	v3 =	vld.idx.msk [tilespmem:v55+s26+$0x0], $0xffff  }
0x451: {  	v58 =	vor.u32 s5, v39;
	v10 =	vld.idx.msk [tilespmem:v10+s26+$0x0], $0xffff;
	v0 =	vadd.f32 v1, v0  }
0x452: {  	v12 =	vor.u32 s9, v36;
	v8 =	vld.idx.msk [tilespmem:v60+s26+$0x0], $0xffff  }
0x453: {  	v48 =	vor.u32 s5, v40;
	v49 =	vld.idx.msk [tilespmem:v11+s26+$0x0], $0xffff;
	v0 =	vadd.f32 v2, v0  }
0x454: {  	v17 =	vor.u32 s5, v43;
	v7 =	vld.idx.msk [tilespmem:v59+s26+$0x0], $0xffff  }
0x455: {  	v50 =	vor.u32 s5, v41;
	v4 =	vld.idx.msk [tilespmem:v62+s26+$0x0], $0xffff;
	v0 =	vadd.f32 v3, v0  }
0x456: {  	v13 =	vor.u32 s5, v44;
	v6 =	vld.idx.msk [tilespmem:v58+s26+$0x0], $0xffff  }
0x457: {  	s4 =	simm.s32 $0x200;
	v51 =	vld.idx.msk [tilespmem:v12+s26+$0x0], $0xffff;
	v12 =	vor.u32 s5, v42;
	v0 =	vadd.f32 v8, v0  }
0x458: {  	v18 =	vor.u32 s4, v63;
	v9 =	vld.idx.msk [tilespmem:v48+s26+$0x0], $0xffff  }
0x459: {  	v19 =	vor.u32 s4, v34;
	v27 =	vld.idx.msk [tilespmem:v17+s26+$0x0], $0xffff;
	v0 =	vadd.f32 v7, v0  }
0x45a: {  	v61 =	vor.u32 s9, v43;
	v11 =	vld.idx.msk [tilespmem:v50+s26+$0x0], $0xffff  }
0x45b: {  	v17 =	vor.u32 s9, v38;
	v13 =	vld.idx.msk [tilespmem:v13+s26+$0x0], $0xffff;
	v0 =	vadd.f32 v6, v0  }
0x45c: {  	v52 =	vor.u32 s5, v45;
	v12 =	vld.idx.msk [tilespmem:v12+s26+$0x0], $0xffff  }
0x45d: {  	v54 =	vor.u32 s9, v37;
	v58 =	vld.idx.msk [tilespmem:v18+s26+$0x0], $0xffff;
	v0 =	vadd.f32 v9, v0  }
0x45e: {  	v55 =	vor.u32 s4, v33;
	v59 =	vld.idx.msk [tilespmem:v19+s26+$0x0], $0xffff  }
0x45f: {  	v18 =	vor.u32 s4, v14;
	v21 =	vld.idx.msk [tilespmem:v61+s26+$0x0], $0xffff;
	v1 =	vadd.f32 v10, v32;
	v0 =	vadd.f32 v11, v0  }
0x460: {  	v53 =	vor.u32 s9, v39;
	v57 =	vld.idx.msk [tilespmem:v17+s26+$0x0], $0xffff  }
0x461: {  	v1 =	vadd.f32 v49, v1;
	v8 =	vld.idx.msk [tilespmem:v52+s26+$0x0], $0xffff;
	v0 =	vadd.f32 v12, v0;
	v12 =	vor.u32 s9, v40  }
0x462: {  	v60 =	vor.u32 s9, v41;
	v6 =	vld.idx.msk [tilespmem:v54+s26+$0x0], $0xffff  }
0x463: {  	v56 =	vor.u32 s4, v35;
	v1 =	vadd.f32 v4, v1;
	v9 =	vld.idx.msk [tilespmem:v55+s26+$0x0], $0xffff;
	v0 =	vadd.f32 v5, v0  }
0x464: {  	v17 =	vor.u32 s4, v36;
	v18 =	vld.idx.msk [tilespmem:v18+s26+$0x0], $0xffff  }
0x465: {  	v62 =	vor.u32 s9, v42;
	v1 =	vadd.f32 v51, v1;
	v7 =	vld.idx.msk [tilespmem:v53+s26+$0x0], $0xffff;
	v0 =	vadd.f32 v13, v0  }
0x466: {  	v24 =	vld.idx.msk [tilespmem:v12+s26+$0x0], $0xffff;
	v12 =	vor.u32 s9, v15  }
0x467: {  	v23 =	vld.idx.msk [tilespmem:v60+s26+$0x0], $0xffff;
	v1 =	vadd.f32 v6, v1;
	v0 =	vadd.f32 v8, v0  }
0x468: {  	v22 =	vor.u32 s9, v45;
	v20 =	vld.idx.msk [tilespmem:v56+s26+$0x0], $0xffff;
	v2 =	vadd.f32 v9, v58  }
0x469: {  	v26 =	vor.u32 s9, v44;
	v19 =	vld.idx.msk [tilespmem:v17+s26+$0x0], $0xffff;
	v1 =	vadd.f32 v57, v1;
	v0 =	vadd.f32 v25, v0  }
0x46a: {  	v29 =	vor.u32 s4, v39;
	v30 =	vor.u32 s4, v38;
	v28 =	vadd.f32 v59, v2;
	v25 =	vld.idx.msk [tilespmem:v62+s26+$0x0], $0xffff  }
0x46b: {  	s13 =	simm.s32 $0x300;
	v31 =	vor.u32 s4, v37;
	s5 =	smov.u32 s17;
	v32 =	vadd.f32 v7, v1;
	s9 =	smov.u32 s17;
	v17 =	vld.idx.msk [tilespmem:v12+s26+$0x0], $0xffff;
	v27 =	vadd.f32 v27, v0  }
.LBB2_17:
0x46c: {  	p1 =	sne.s32 s13, $0x400  }
0x46d: {  	v0 =	vor.u32 s13, v63;
	v1 =	vadd.f32 v24, v32;
	v2 =	vld.idx.msk [tilespmem:v22+s26+$0x0], $0xffff;
	s5 =	sadd.s32 $0x10, s5;
	s22 =	smov.u32 s13;
	s13 =	sadd.s32 $0x100, s13  }
0x46e: {  	v3 =	vor.u32 s22, v33;
	v4 =	vld.idx.msk [tilespmem:v26+s26+$0x0], $0xffff;
	[tilespmem:s9+$0x0] =	vst v27;
	s9 =	smov.u32 s5  }
0x46f: {  	v5 =	vor.u32 s22, v34;
	v6 =	vld.idx.msk [tilespmem:v29+s26+$0x0], $0xffff;
	v1 =	vadd.f32 v23, v1  }
0x470: {  	v7 =	vor.u32 s22, v35;
	v9 =	vmov v21;
	v8 =	vld.idx.msk [tilespmem:v30+s26+$0x0], $0xffff  }
0x471: {  	v10 =	vor.u32 s22, v36;
	v11 =	vld.idx.msk [tilespmem:v31+s26+$0x0], $0xffff;
	v1 =	vadd.f32 v25, v1  }
0x472: {  	v12 =	vor.u32 s4, v40;
	v0 =	vld.idx.msk [tilespmem:v0+s26+$0x0], $0xffff  }
0x473: {  	v13 =	vor.u32 s22, v14;
	v21 =	vadd.f32 v20, v28;
	v3 =	vld.idx.msk [tilespmem:v3+s26+$0x0], $0xffff;
	v1 =	vadd.f32 v16, v1;
	v16 =	vmovc v18  }
0x474: {  	v23 =	vor.u32 s4, v41;
	v5 =	vld.idx.msk [tilespmem:v5+s26+$0x0], $0xffff  }
0x475: {  	v20 =	vld.idx.msk [tilespmem:v7+s26+$0x0], $0xffff;
	v7 =	vadd.f32 v19, v21;
	v21 =	vor.u32 s4, v43;
	v1 =	vadd.f32 v4, v1  }
0x476: {  	v4 =	vor.u32 s4, v42;
	v19 =	vld.idx.msk [tilespmem:v10+s26+$0x0], $0xffff  }
0x477: {  	v10 =	vor.u32 s4, v15;
	v7 =	vadd.f32 v11, v7;
	v24 =	vld.idx.msk [tilespmem:v12+s26+$0x0], $0xffff;
	v1 =	vadd.f32 v2, v1  }
.Ltmp7:
0x478: {  	v22 =	vor.u32 s4, v45;
	v18 =	vld.idx.msk [tilespmem:v13+s26+$0x0], $0xffff;
	(pc) =	sbr.rel @p1 .LBB2_17-.Ltmp7, $4  }
0x479: {  	v26 =	vor.u32 s4, v44;
	s4 =	smov.u32 s22;
	v0 =	vadd.f32 v3, v0;
	v2 =	vadd.f32 v8, v7;
	v23 =	vld.idx.msk [tilespmem:v23+s26+$0x0], $0xffff  }
0x47a: {  	v29 =	vor.u32 s4, v39;
	v1 =	vadd.f32 v17, v1;
	v21 =	vld.idx.msk [tilespmem:v21+s26+$0x0], $0xffff  }
0x47b: {  	v30 =	vor.u32 s4, v38;
	v28 =	vadd.f32 v5, v0;
	v32 =	vadd.f32 v6, v2;
	v25 =	vld.idx.msk [tilespmem:v4+s26+$0x0], $0xffff  }
0x47c: {  	v31 =	vor.u32 s4, v37;
	v27 =	vadd.f32 v9, v1;
	v17 =	vld.idx.msk [tilespmem:v10+s26+$0x0], $0xffff  }
0x47d: {  	_ =	sdelay $0x3  }
0x47e: {  	v0 =	vld.idx.msk [tilespmem:v31+s26+$0x0], $0xffff  }
0x47f: {  	v1 =	vadd.f32 v20, v28;
	v2 =	vor.u32 s4, v40  }
0x480: {  	v3 =	vld.idx.msk [tilespmem:v30+s26+$0x0], $0xffff  }
0x481: {  	v4 =	vor.u32 s4, v41;
	v1 =	vadd.f32 v19, v1  }
0x482: {  	v5 =	vld.idx.msk [tilespmem:v29+s26+$0x0], $0xffff  }
0x483: {  	v51 =	vor.u32 s4, v42;
	v0 =	vadd.f32 v0, v1  }
0x484: {  	v2 =	vld.idx.msk [tilespmem:v2+s26+$0x0], $0xffff  }
0x485: {  	v0 =	vadd.f32 v3, v0  }
0x486: {  	v52 =	vld.idx.msk [tilespmem:v4+s26+$0x0], $0xffff  }
0x487: {  	v53 =	vor.u32 s4, v44;
	v0 =	vadd.f32 v5, v0  }
0x488: {  	v54 =	vadd.f32 v24, v32;
	v1 =	vld.idx.msk [tilespmem:v51+s26+$0x0], $0xffff  }
0x489: {  	v6 =	vor.u32 s4, v45;
	v0 =	vadd.f32 v2, v0  }
0x48a: {  	v55 =	vadd.f32 v23, v54  }
0x48b: {  	v56 =	vld.idx.msk [tilespmem:v26+s26+$0x0], $0xffff;
	v7 =	vor.u32 s4, v15;
	v0 =	vadd.f32 v52, v0  }
0x48c: {  	v57 =	vld.idx.msk [tilespmem:v53+s26+$0x0], $0xffff;
	v2 =	vadd.f32 v25, v55  }
0x48d: {  	v58 =	vld.idx.msk [tilespmem:v22+s26+$0x0], $0xffff;
	v8 =	vor.u32 s4, v43;
	v0 =	vadd.f32 v1, v0  }
0x48e: {  	v60 =	vld.idx.msk [tilespmem:v6+s26+$0x0], $0xffff;
	v59 =	vadd.f32 v16, v2  }
0x48f: {  	v0 =	vadd.f32 v18, v0  }
0x490: {  	v61 =	vld.idx.msk [tilespmem:v7+s26+$0x0], $0xffff;
	v1 =	vadd.f32 v56, v59  }
0x491: {  	v0 =	vadd.f32 v57, v0  }
0x492: {  	v62 =	vld.idx.msk [tilespmem:v8+s26+$0x0], $0xffff;
	v1 =	vadd.f32 v58, v1  }
0x493: {  	v0 =	vadd.f32 v60, v0  }
0x494: {  	v1 =	vadd.f32 v17, v1  }
.Ltmp8:
0x495: {  	v0 =	vadd.f32 v61, v0;
	(pc) =	sbr.rel @p0 .LBB2_20-.Ltmp8, $4  }
0x496: {  	v1 =	vadd.f32 v21, v1  }
0x497: {  	s22 =	sadd.s32 $0x10, s5;
	[tilespmem:s9+$0x0] =	vst v27;
	v0 =	vadd.f32 v62, v0  }
0x498: {  	s5 =	sadd.s32 $0x10, s22;
	[tilespmem:s22+$0x0] =	vst v1  }
0x499: {  	[tilespmem:s5+$0x0] =	vst v0  }
.Ltmp9:
0x49a: {  	s4 =	sadd.s32 $0x230, s20;
	(pc) =	sbr.rel .LBB2_2-.Ltmp9, $4  }
0x49b: {  	s22 =	sadd.s32 $0x2940, s20;
	s19 =	sadd.s32 $0x1, s19;
	s18 =	sadd.s32 $0x140, s18  }
0x49c: {  	[tilespmem:s21], [sflag:$0x7] =	stream.indirect.gather [hbm4b:s3+s10], $0x40, s4, s10, $0xb8;
	[tilespmem:$0x11A30] =	vst v63  }
0x49d: {  	s15 =	sadd.s32 $0x140, s15;
	s16 =	sadd.s32 $0x140, s16;
	s17 =	sadd.s32 $0x140, s17  }
0x49e: {  	[tilespmem:s23], [sflag:$0x8] =	stream.indirect.gather [hbm4b:s3+s10], $0x40, s22, s10, $0xb8;
	[tilespmem:$0x11A30] =	vst v63  }
.LBB2_20:
0x49f: {  	_ =	swait.ge [sflag:s24], $0x1400  }
0x4a0: {  	[sflag:s24] =	ssyncset.done $0x0  }
0x4a1: {  	[sflag:s24] =	ssyncadd.s32 $0xFFFFEC00  }
0x4a2: {  	_ =	swait.ge [sflag:s25], $0x1400  }
0x4a3: {  	[sflag:s25] =	ssyncset.done $0x0  }
0x4a4: {  	s4 =	simm.s32 $0x4F20;
	[sflag:s25] =	ssyncadd.s32 $0xFFFFEC00  }
0x4a5: {  	s15 =	simm.s32 $0x6320;
	v0 =	vld [tilespmem:s4+$0xF0]  }
0x4a6: {  	v1 =	vld [tilespmem:s15+$0xF0]  }
0x4a7: {  	v2 =	vld [tilespmem:s4+$0xE0]  }
0x4a8: {  	v3 =	vld [tilespmem:s4+$0xC0]  }
0x4a9: {  	v4 =	vld [tilespmem:s15+$0xC0]  }
0x4aa: {  	v5 =	vld [tilespmem:s4+$0xD0]  }
0x4ab: {  	v6 =	vld [tilespmem:s15+$0xD0];
	_ =	sdelay $0x1  }
0x4ac: {  	v8 =	vld [tilespmem:s15+$0xE0];
	v9 =	vunpack.i.l.bf16.f32 v0  }
0x4ad: {  	v11 =	vunpack.i.u.bf16.f32 v3;
	v12 =	vunpack.i.l.bf16.f32 v2;
	v13 =	vunpack.i.l.bf16.f32 v1  }
0x4ae: {  	v7 =	vld [tilespmem:s15+$0xFFFFFF00];
	v3 =	vunpack.i.l.bf16.f32 v3;
	v17 =	vunpack.i.u.bf16.f32 v4;
	v4 =	vunpack.i.l.bf16.f32 v4  }
0x4af: {  	v10 =	vld [tilespmem:s4+$0xFFFFFF10];
	v19 =	vunpack.i.u.bf16.f32 v5;
	v5 =	vunpack.i.l.bf16.f32 v5;
	v20 =	vunpack.i.u.bf16.f32 v6  }
0x4b0: {  	v16 =	vld [tilespmem:s15+$0xFFFFFF10];
	v6 =	vunpack.i.l.bf16.f32 v6;
	v3 =	vmul.f32 v4, v3;
	v46 =	vmul.f32 v17, v11  }
0x4b1: {  	v21 =	vld [tilespmem:s15+$0xFFFFFF40];
	v5 =	vmul.f32 v6, v5;
	v48 =	vmul.f32 v20, v19;
	v17 =	vunpack.i.l.bf16.f32 v8  }
0x4b2: {  	v47 =	vld [tilespmem:s4+$0xFFFFFF50];
	v2 =	vunpack.i.u.bf16.f32 v2;
	v8 =	vunpack.i.u.bf16.f32 v8;
	v12 =	vmul.f32 v17, v12  }
0x4b3: {  	v50 =	vld [tilespmem:s15+$0xFFFFFF80];
	v2 =	vmul.f32 v8, v2;
	v3 =	vadd.f32 v3, v46;
	v49 =	vadd.f32 v5, v48  }
0x4b4: {  	v52 =	vld [tilespmem:s4+$0xFFFFFF90];
	v0 =	vunpack.i.u.bf16.f32 v0;
	v1 =	vunpack.i.u.bf16.f32 v1;
	v51 =	vmul.f32 v13, v9  }
0x4b5: {  	v54 =	vld [tilespmem:s15+$0xFFFFFF90];
	v0 =	vmul.f32 v1, v0;
	v2 =	vadd.f32 v12, v2;
	v3 =	vadd.f32 v49, v3  }
0x4b6: {  	v18 =	vld [tilespmem:s4+$0xFFFFFF40];
	v53 =	vunpack.i.u.bf16.f32 v10;
	v10 =	vunpack.i.l.bf16.f32 v10;
	v55 =	vunpack.i.u.bf16.f32 v16  }
0x4b7: {  	v23 =	vld [tilespmem:s4+$0xFFFFFFD0];
	v56 =	vunpack.i.l.bf16.f32 v16;
	v0 =	vadd.f32 v51, v0;
	v2 =	vadd.f32 v2, v3  }
0x4b8: {  	v22 =	vunpack.i.u.bf16.f32 v21;
	v57 =	vunpack.i.l.bf16.f32 v21;
	v58 =	vunpack.i.u.bf16.f32 v47;
	v19 =	vld [tilespmem:s15+$0xFFFFFF50]  }
0x4b9: {  	v27 =	vunpack.i.u.bf16.f32 v50;
	v29 =	vunpack.i.u.bf16.f32 v52;
	v20 =	vld [tilespmem:s15+$0xFFFFFFC0];
	v0 =	vadd.f32 v0, v2  }
0x4ba: {  	v30 =	vunpack.i.u.bf16.f32 v54;
	v9 =	vunpack.i.l.bf16.f32 v54;
	v17 =	vld [tilespmem:s4+$0xFFFFFF80];
	v8 =	vunpack.i.l.bf16.f32 v52  }
0x4bb: {  	v13 =	vunpack.i.u.bf16.f32 v18;
	v29 =	vmul.f32 v30, v29;
	v8 =	vmul.f32 v9, v8;
	v12 =	vld [tilespmem:s4+$0xFFFFFFC0];
	[tilespmem:$0x1FF10] =	vst v0  }
0x4bc: {  	v18 =	vunpack.i.l.bf16.f32 v18;
	v11 =	vunpack.i.l.bf16.f32 v47;
	v6 =	vmul.f32 v56, v10;
	v21 =	vld [tilespmem:s15+$0xFFFFFFD0]  }
0x4bd: {  	v60 =	vmul.f32 v22, v13;
	v5 =	vunpack.i.l.bf16.f32 v50;
	v8 =	vadd.f32 v8, v29;
	v26 =	vld [tilespmem:s4+$0x0]  }
0x4be: {  	v24 =	vunpack.i.u.bf16.f32 v19;
	v19 =	vunpack.i.l.bf16.f32 v19;
	v34 =	vunpack.i.u.bf16.f32 v20;
	v28 =	vld [tilespmem:s15+$0x0]  }
0x4bf: {  	v25 =	vunpack.i.u.bf16.f32 v17;
	v17 =	vunpack.i.l.bf16.f32 v17;
	v3 =	vmul.f32 v55, v53;
	v31 =	vld [tilespmem:s4+$0x10]  }
0x4c0: {  	v20 =	vunpack.i.l.bf16.f32 v20;
	v11 =	vmul.f32 v19, v11;
	v5 =	vmul.f32 v5, v17;
	v33 =	vld [tilespmem:s15+$0x10]  }
0x4c1: {  	v25 =	vmul.f32 v27, v25;
	v32 =	vunpack.i.u.bf16.f32 v12;
	v12 =	vunpack.i.l.bf16.f32 v12;
	v36 =	vld [tilespmem:s4+$0x40]  }
0x4c2: {  	v2 =	vmul.f32 v24, v58;
	v13 =	vadd.f32 v6, v3;
	v0 =	vmul.f32 v57, v18;
	v38 =	vld [tilespmem:s15+$0x40]  }
0x4c3: {  	v12 =	vmul.f32 v20, v12;
	v20 =	vmul.f32 v34, v32;
	v5 =	vadd.f32 v5, v25;
	v41 =	vld [tilespmem:s4+$0x50]  }
0x4c4: {  	v35 =	vunpack.i.u.bf16.f32 v23;
	v2 =	vadd.f32 v11, v2;
	v43 =	vld [tilespmem:s15+$0x50];
	v3 =	vadd.f32 v0, v60  }
0x4c5: {  	v23 =	vunpack.i.l.bf16.f32 v23;
	v1 =	vunpack.i.u.bf16.f32 v7;
	v44 =	vld [tilespmem:s4+$0x80];
	v12 =	vadd.f32 v12, v20  }
0x4c6: {  	v4 =	vunpack.i.l.bf16.f32 v7;
	v45 =	vld [tilespmem:s15+$0x80];
	v2 =	vadd.f32 v2, v3;
	v3 =	vadd.f32 v8, v5  }
0x4c7: {  	v46 =	vld [tilespmem:s4+$0x90];
	v37 =	vunpack.i.u.bf16.f32 v21;
	v21 =	vunpack.i.l.bf16.f32 v21;
	v39 =	vunpack.i.u.bf16.f32 v26  }
0x4c8: {  	v47 =	vld [tilespmem:s15+$0x90];
	v26 =	vunpack.i.l.bf16.f32 v26;
	v40 =	vunpack.i.u.bf16.f32 v28;
	v28 =	vunpack.i.l.bf16.f32 v28  }
0x4c9: {  	v48 =	vld [tilespmem:s4+$0xFFFFFF00];
	v42 =	vunpack.i.u.bf16.f32 v31;
	v31 =	vunpack.i.l.bf16.f32 v31;
	v59 =	vunpack.i.u.bf16.f32 v33  }
0x4ca: {  	v50 =	vld [tilespmem:s15+$0xFFFFFF20];
	v33 =	vunpack.i.l.bf16.f32 v33;
	v7 =	vunpack.i.u.bf16.f32 v36;
	v36 =	vunpack.i.l.bf16.f32 v36  }
0x4cb: {  	v57 =	vld [tilespmem:s15+$0xFFFFFFA0];
	v18 =	vunpack.i.u.bf16.f32 v38;
	v38 =	vunpack.i.l.bf16.f32 v38;
	v22 =	vunpack.i.u.bf16.f32 v41  }
0x4cc: {  	v61 =	vld [tilespmem:s4+$0xFFFFFFE0];
	v41 =	vunpack.i.l.bf16.f32 v41;
	v19 =	vunpack.i.u.bf16.f32 v43;
	v43 =	vunpack.i.l.bf16.f32 v43  }
0x4cd: {  	v49 =	vld [tilespmem:s4+$0xFFFFFF20];
	v24 =	vunpack.i.u.bf16.f32 v44;
	v44 =	vunpack.i.l.bf16.f32 v44;
	v17 =	vunpack.i.u.bf16.f32 v45  }
0x4ce: {  	v45 =	vunpack.i.l.bf16.f32 v45;
	v27 =	vunpack.i.u.bf16.f32 v46;
	v46 =	vunpack.i.l.bf16.f32 v46  }
0x4cf: {  	v51 =	vld [tilespmem:s4+$0xFFFFFF60];
	v56 =	vunpack.i.u.bf16.f32 v47;
	v47 =	vunpack.i.l.bf16.f32 v47;
	v53 =	vunpack.i.u.bf16.f32 v48  }
0x4d0: {  	v48 =	vunpack.i.l.bf16.f32 v48;
	v34 =	vunpack.i.u.bf16.f32 v50;
	v63 =	vunpack.i.l.bf16.f32 v50  }
0x4d1: {  	v52 =	vld [tilespmem:s15+$0xFFFFFF60];
	v50 =	vunpack.i.l.bf16.f32 v57;
	v32 =	vunpack.i.l.bf16.f32 v61;
	v4 =	vmul.f32 v4, v48  }
0x4d2: {  	v1 =	vmul.f32 v1, v53;
	v48 =	vunpack.i.u.bf16.f32 v49;
	v21 =	vmul.f32 v21, v23  }
0x4d3: {  	v30 =	vld [tilespmem:s4+$0xFFFFFFA0];
	v49 =	vunpack.i.l.bf16.f32 v49;
	v23 =	vmul.f32 v37, v35;
	v26 =	vmul.f32 v28, v26  }
0x4d4: {  	v28 =	vmul.f32 v40, v39;
	v40 =	vunpack.i.u.bf16.f32 v51;
	v31 =	vmul.f32 v33, v31  }
0x4d5: {  	v62 =	vld [tilespmem:s15+$0xFFFFFFE0];
	v10 =	vmul.f32 v59, v42;
	v42 =	vunpack.i.l.bf16.f32 v51;
	v36 =	vmul.f32 v38, v36  }
0x4d6: {  	v58 =	vld [tilespmem:s4+$0x20];
	v7 =	vmul.f32 v18, v7;
	v38 =	vunpack.i.u.bf16.f32 v52;
	v41 =	vmul.f32 v43, v41  }
0x4d7: {  	v19 =	vmul.f32 v19, v22;
	v43 =	vunpack.i.l.bf16.f32 v52;
	v44 =	vmul.f32 v45, v44  }
0x4d8: {  	v17 =	vmul.f32 v17, v24;
	v45 =	vunpack.i.u.bf16.f32 v30;
	v46 =	vmul.f32 v47, v46  }
0x4d9: {  	v59 =	vld [tilespmem:s15+$0x20];
	v9 =	vmul.f32 v56, v27;
	v30 =	vunpack.i.l.bf16.f32 v30;
	v47 =	vunpack.i.u.bf16.f32 v57  }
0x4da: {  	v18 =	vld [tilespmem:s4+$0x60];
	v51 =	vunpack.i.u.bf16.f32 v61;
	v52 =	vunpack.i.u.bf16.f32 v62;
	v35 =	vunpack.i.l.bf16.f32 v62  }
0x4db: {  	v22 =	vld [tilespmem:s15+$0x60];
	v53 =	vunpack.i.u.bf16.f32 v58;
	v39 =	vunpack.i.l.bf16.f32 v58;
	v62 =	vmul.f32 v63, v49  }
0x4dc: {  	v24 =	vld [tilespmem:s4+$0xA0];
	v29 =	vmul.f32 v43, v42;
	v32 =	vmul.f32 v35, v32;
	v16 =	vadd.f32 v4, v1  }
0x4dd: {  	v27 =	vld [tilespmem:s15+$0xA0];
	v35 =	vmul.f32 v52, v51;
	v21 =	vadd.f32 v21, v23;
	v23 =	vadd.f32 v26, v28  }
0x4de: {  	v61 =	vld [tilespmem:s15+$0xFFFFFF30];
	v10 =	vadd.f32 v31, v10;
	v28 =	vmul.f32 v50, v30;
	v7 =	vadd.f32 v36, v7  }
0x4df: {  	v30 =	vadd.f32 v41, v19;
	v54 =	vunpack.i.u.bf16.f32 v59;
	v33 =	vunpack.i.l.bf16.f32 v59;
	v59 =	vld [tilespmem:s4+$0xFFFFFF30];
	[tilespmem:$0x1FF00] =	vst v62  }
0x4e0: {  	v31 =	vmul.f32 v47, v45;
	v36 =	vadd.f32 v44, v17;
	v9 =	vadd.f32 v46, v9;
	v63 =	vld [tilespmem:s4+$0xFFFFFF70]  }
0x4e1: {  	v13 =	vadd.f32 v13, v16;
	v55 =	vunpack.i.u.bf16.f32 v18;
	v18 =	vunpack.i.l.bf16.f32 v18;
	v25 =	vld [tilespmem:s15+$0xFFFFFF70]  }
0x4e2: {  	v56 =	vunpack.i.u.bf16.f32 v22;
	v22 =	vunpack.i.l.bf16.f32 v22;
	v58 =	vunpack.i.u.bf16.f32 v27;
	v20 =	vld [tilespmem:s4+$0xFFFFFFB0]  }
0x4e3: {  	v4 =	vunpack.i.l.bf16.f32 v27;
	v27 =	vmul.f32 v34, v48;
	v34 =	vmul.f32 v38, v40;
	v26 =	vld [tilespmem:s15+$0xFFFFFFB0]  }
0x4e4: {  	v57 =	vunpack.i.u.bf16.f32 v24;
	v19 =	vld [tilespmem:s4+$0xFFFFFFF0];
	v33 =	vmul.f32 v33, v39;
	v39 =	vmul.f32 v54, v53  }
0x4e5: {  	v24 =	vunpack.i.l.bf16.f32 v24;
	v17 =	vld [tilespmem:s15+$0xFFFFFFF0];
	v43 =	vmul.f32 v22, v18;
	v44 =	vmul.f32 v56, v55  }
0x4e6: {  	v42 =	vunpack.i.u.bf16.f32 v61;
	v6 =	vunpack.i.l.bf16.f32 v61;
	v0 =	vld [tilespmem:s4+$0x30];
	v4 =	vmul.f32 v4, v24  }
0x4e7: {  	v1 =	vld [tilespmem:s15+$0x30];
	v45 =	vmul.f32 v58, v57;
	v41 =	vadd.f32 v33, v39;
	v38 =	vadd.f32 v43, v44  }
0x4e8: {  	v18 =	vld [tilespmem:s4+$0x70];
	v37 =	vunpack.i.u.bf16.f32 v59;
	v40 =	vunpack.i.l.bf16.f32 v59;
	v46 =	vunpack.i.u.bf16.f32 v63  }
0x4e9: {  	v22 =	vld [tilespmem:s15+$0x70];
	v11 =	vunpack.i.l.bf16.f32 v63;
	v47 =	vunpack.i.u.bf16.f32 v25;
	v25 =	vunpack.i.l.bf16.f32 v25  }
0x4ea: {  	v24 =	vld [tilespmem:s4+$0xB0];
	v48 =	vunpack.i.u.bf16.f32 v20;
	v49 =	vunpack.i.l.bf16.f32 v20;
	v50 =	vunpack.i.u.bf16.f32 v26  }
0x4eb: {  	v51 =	vunpack.i.l.bf16.f32 v26;
	v52 =	vunpack.i.u.bf16.f32 v19;
	v53 =	vunpack.i.l.bf16.f32 v19  }
0x4ec: {  	v20 =	vld [tilespmem:s15+$0xB0];
	v54 =	vunpack.i.u.bf16.f32 v17;
	v55 =	vunpack.i.l.bf16.f32 v17;
	v56 =	vunpack.i.u.bf16.f32 v0  }
0x4ed: {  	v57 =	vunpack.i.l.bf16.f32 v0;
	v58 =	vunpack.i.u.bf16.f32 v1;
	v59 =	vunpack.i.l.bf16.f32 v1  }
0x4ee: {  	v60 =	vunpack.i.u.bf16.f32 v18;
	v61 =	vunpack.i.l.bf16.f32 v18;
	v62 =	vunpack.i.u.bf16.f32 v22  }
0x4ef: {  	v63 =	vunpack.i.l.bf16.f32 v22;
	v17 =	vunpack.i.u.bf16.f32 v24;
	v1 =	vunpack.i.l.bf16.f32 v24  }
0x4f0: {  	v19 =	vmul.f32 v6, v40;
	v24 =	vadd.f32 v21, v12;
	v26 =	vadd.f32 v10, v23  }
0x4f1: {  	v18 =	vunpack.i.u.bf16.f32 v20;
	v0 =	vunpack.i.l.bf16.f32 v20;
	v20 =	vmul.f32 v42, v37;
	v42 =	vld [tilespmem:$0x1FF00]  }
0x4f2: {  	v23 =	vadd.f32 v30, v7;
	v21 =	vmul.f32 v25, v11;
	v22 =	vmul.f32 v47, v46  }
0x4f3: {  	v46 =	vadd.f32 v29, v34;
	v25 =	vmul.f32 v51, v49;
	v34 =	vmul.f32 v63, v61;
	v63 =	vld [tilespmem:$0x1FF10]  }
0x4f4: {  	v47 =	vadd.f32 v28, v31;
	v28 =	vmul.f32 v50, v48;
	v29 =	vmul.f32 v55, v53  }
0x4f5: {  	v40 =	vadd.f32 v32, v35;
	v33 =	vmul.f32 v54, v52;
	v32 =	vmul.f32 v59, v57  }
0x4f6: {  	v35 =	vmul.f32 v58, v56;
	v31 =	vadd.f32 v46, v2;
	v5 =	vadd.f32 v42, v27  }
0x4f7: {  	s17 =	simm.s32 $0x11570;
	v39 =	vmul.f32 v62, v60;
	v16 =	vadd.f32 v47, v3;
	v37 =	vadd.f32 v4, v45  }
0x4f8: {  	s13 =	simm.s32 $0x0;
	s16 =	simm.s32 $0x114E0;
	s4 =	simm.s32 $0x5120;
	[tilespmem:s17+$0x30] =	vst v63;
	v27 =	vadd.f32 v9, v36;
	v36 =	vmul.f32 v0, v1;
	v30 =	vadd.f32 v5, v13  }
.LBB2_21:
0x4f9: {  	v0 =	vld [tilespmem:s4+$0xF0];
	v1 =	vadd.f32 v40, v24;
	v2 =	vadd.f32 v41, v26;
	v3 =	vmul.f32 v18, v17;
	s15 =	sadd.s32 $0x200, s15  }
0x4fa: {  	v5 =	vadd.f32 v38, v23;
	v6 =	vadd.f32 v37, v27;
	v4 =	vld [tilespmem:s15+$0xF0]  }
0x4fb: {  	v8 =	vadd.f32 v19, v20;
	v9 =	vadd.f32 v21, v22;
	v7 =	vld [tilespmem:s4+$0xE0]  }
0x4fc: {  	v11 =	vadd.f32 v25, v28;
	v12 =	vadd.f32 v29, v33;
	v10 =	vld [tilespmem:s4+$0xC0]  }
0x4fd: {  	v17 =	vadd.f32 v32, v35;
	v18 =	vadd.f32 v34, v39;
	v13 =	vld [tilespmem:s15+$0xC0]  }
0x4fe: {  	v8 =	vadd.f32 v8, v30;
	v3 =	vadd.f32 v36, v3;
	v19 =	vld [tilespmem:s4+$0xD0]  }
0x4ff: {  	v9 =	vadd.f32 v9, v31;
	v11 =	vadd.f32 v11, v16;
	v20 =	vld [tilespmem:s15+$0xD0]  }
0x500: {  	s13 =	sadd.s32 $0x8, s13;
	v1 =	vadd.f32 v12, v1;
	v2 =	vadd.f32 v17, v2;
	v16 =	vld [tilespmem:s15+$0xFFFFFF00];
	[tilespmem:s17+$0xFFFFFFC0] =	vst v8  }
0x501: {  	p0 =	slt.u32 s13, $0x48;
	v5 =	vadd.f32 v18, v5;
	v3 =	vadd.f32 v3, v6;
	v12 =	vunpack.i.l.bf16.f32 v0;
	v8 =	vld [tilespmem:s15+$0xE0];
	[tilespmem:s17+$0xFFFFFFD0] =	vst v9  }
0x502: {  	v18 =	vunpack.i.l.bf16.f32 v4;
	v17 =	vunpack.i.l.bf16.f32 v7;
	v9 =	vunpack.i.u.bf16.f32 v10;
	v6 =	vld [tilespmem:s4+$0xFFFFFF10];
	[tilespmem:s17+$0xFFFFFFE0] =	vst v11  }
0x503: {  	v10 =	vunpack.i.l.bf16.f32 v10;
	v21 =	vunpack.i.u.bf16.f32 v13;
	v13 =	vunpack.i.l.bf16.f32 v13;
	v11 =	vld [tilespmem:s15+$0xFFFFFF10];
	[tilespmem:s17+$0xFFFFFFF0] =	vst v1  }
0x504: {  	v22 =	vunpack.i.u.bf16.f32 v19;
	v19 =	vunpack.i.l.bf16.f32 v19;
	v1 =	vld [tilespmem:s4+$0xFFFFFF40];
	v23 =	vunpack.i.u.bf16.f32 v20;
	[tilespmem:s17+$0x0] =	vst v2  }
0x505: {  	v10 =	vmul.f32 v13, v10;
	v9 =	vmul.f32 v21, v9;
	v13 =	vunpack.i.l.bf16.f32 v20;
	v2 =	vld [tilespmem:s15+$0xFFFFFF40];
	[tilespmem:s17+$0x10] =	vst v5  }
0x506: {  	v13 =	vmul.f32 v13, v19;
	v19 =	vmul.f32 v23, v22;
	v5 =	vld [tilespmem:s4+$0xFFFFFF50];
	v20 =	vunpack.i.l.bf16.f32 v8;
	[tilespmem:s17+$0x20] =	vst v3  }
0x507: {  	v7 =	vunpack.i.u.bf16.f32 v7;
	v8 =	vunpack.i.u.bf16.f32 v8;
	v3 =	vld [tilespmem:s15+$0xFFFFFF50];
	v17 =	vmul.f32 v20, v17  }
0x508: {  	v9 =	vadd.f32 v10, v9;
	v10 =	vadd.f32 v13, v19;
	v7 =	vmul.f32 v8, v7;
	v20 =	vld [tilespmem:s4+$0xFFFFFF80]  }
0x509: {  	v0 =	vunpack.i.u.bf16.f32 v0;
	v4 =	vunpack.i.u.bf16.f32 v4;
	v12 =	vmul.f32 v18, v12;
	v8 =	vld [tilespmem:s15+$0xFFFFFF80]  }
0x50a: {  	v0 =	vmul.f32 v4, v0;
	v9 =	vadd.f32 v10, v9;
	v7 =	vadd.f32 v17, v7;
	v13 =	vld [tilespmem:s4+$0xFFFFFF90]  }
0x50b: {  	v4 =	vunpack.i.u.bf16.f32 v16;
	v10 =	vunpack.i.l.bf16.f32 v16;
	v16 =	vunpack.i.u.bf16.f32 v6;
	v17 =	vld [tilespmem:s15+$0xFFFFFF90]  }
0x50c: {  	v0 =	vadd.f32 v12, v0;
	v6 =	vunpack.i.l.bf16.f32 v6;
	v7 =	vadd.f32 v7, v9;
	v18 =	vld [tilespmem:s4+$0xFFFFFFC0]  }
0x50d: {  	v12 =	vunpack.i.u.bf16.f32 v1;
	v9 =	vunpack.i.u.bf16.f32 v11;
	v11 =	vunpack.i.l.bf16.f32 v11;
	v19 =	vld [tilespmem:s15+$0xFFFFFFC0]  }
0x50e: {  	v1 =	vunpack.i.l.bf16.f32 v1;
	v21 =	vunpack.i.u.bf16.f32 v2;
	v0 =	vadd.f32 v0, v7;
	v22 =	vld [tilespmem:s4+$0xFFFFFFD0]  }
0x50f: {  	s17 =	sadd.s32 $0x80, s17;
	v2 =	vunpack.i.l.bf16.f32 v2;
	v7 =	vunpack.i.u.bf16.f32 v5;
	v5 =	vunpack.i.l.bf16.f32 v5;
	v23 =	vld [tilespmem:s15+$0xFFFFFFD0]  }
0x510: {  	s5 =	simm.s32 $0x0;
	v24 =	vunpack.i.u.bf16.f32 v3;
	v3 =	vunpack.i.l.bf16.f32 v3;
	v25 =	vunpack.i.u.bf16.f32 v20;
	v26 =	vld [tilespmem:s4+$0x0];
	[tilespmem:s17+$0x30] =	vst v0  }
0x511: {  	v0 =	vunpack.i.l.bf16.f32 v20;
	v20 =	vunpack.i.u.bf16.f32 v8;
	v8 =	vunpack.i.l.bf16.f32 v8;
	v27 =	vld [tilespmem:s15+$0x0]  }
0x512: {  	v28 =	vunpack.i.u.bf16.f32 v13;
	v13 =	vunpack.i.l.bf16.f32 v13;
	v29 =	vunpack.i.u.bf16.f32 v17;
	v30 =	vld [tilespmem:s4+$0x10]  }
0x513: {  	v17 =	vunpack.i.l.bf16.f32 v17;
	v31 =	vunpack.i.u.bf16.f32 v18;
	v18 =	vunpack.i.l.bf16.f32 v18;
	v32 =	vld [tilespmem:s15+$0x10]  }
0x514: {  	v33 =	vunpack.i.u.bf16.f32 v19;
	v19 =	vunpack.i.l.bf16.f32 v19;
	v34 =	vunpack.i.u.bf16.f32 v22;
	v35 =	vld [tilespmem:s4+$0x40]  }
0x515: {  	v22 =	vunpack.i.l.bf16.f32 v22;
	v36 =	vunpack.i.u.bf16.f32 v23;
	v23 =	vunpack.i.l.bf16.f32 v23;
	v37 =	vld [tilespmem:s15+$0x40]  }
0x516: {  	v38 =	vunpack.i.u.bf16.f32 v26;
	v26 =	vunpack.i.l.bf16.f32 v26;
	v39 =	vunpack.i.u.bf16.f32 v27;
	v40 =	vld [tilespmem:s4+$0x50]  }
0x517: {  	v27 =	vunpack.i.l.bf16.f32 v27;
	v41 =	vunpack.i.u.bf16.f32 v30;
	v30 =	vunpack.i.l.bf16.f32 v30;
	v42 =	vld [tilespmem:s15+$0x50]  }
0x518: {  	v6 =	vmul.f32 v11, v6;
	v11 =	vunpack.i.u.bf16.f32 v32;
	v32 =	vunpack.i.l.bf16.f32 v32;
	v43 =	vld [tilespmem:s4+$0x80]  }
0x519: {  	v9 =	vmul.f32 v9, v16;
	v16 =	vunpack.i.u.bf16.f32 v35;
	v35 =	vunpack.i.l.bf16.f32 v35;
	v44 =	vld [tilespmem:s15+$0x80]  }
0x51a: {  	v1 =	vmul.f32 v2, v1;
	v2 =	vunpack.i.u.bf16.f32 v37;
	v37 =	vunpack.i.l.bf16.f32 v37;
	v45 =	vld [tilespmem:s4+$0x90]  }
0x51b: {  	v12 =	vmul.f32 v21, v12;
	v21 =	vunpack.i.u.bf16.f32 v40;
	v40 =	vunpack.i.l.bf16.f32 v40;
	v46 =	vld [tilespmem:s15+$0x90]  }
0x51c: {  	v3 =	vmul.f32 v3, v5;
	v47 =	vld [tilespmem:s4+$0xFFFFFF00];
	v5 =	vunpack.i.u.bf16.f32 v42;
	v42 =	vunpack.i.l.bf16.f32 v42  }
0x51d: {  	v7 =	vmul.f32 v24, v7;
	v48 =	vld [tilespmem:s4+$0xFFFFFF20];
	v24 =	vunpack.i.u.bf16.f32 v43;
	v43 =	vunpack.i.l.bf16.f32 v43  }
0x51e: {  	v0 =	vmul.f32 v8, v0;
	v49 =	vld [tilespmem:s15+$0xFFFFFF20];
	v8 =	vunpack.i.u.bf16.f32 v44;
	v44 =	vunpack.i.l.bf16.f32 v44  }
0x51f: {  	v20 =	vmul.f32 v20, v25;
	v50 =	vld [tilespmem:s4+$0xFFFFFF60];
	v25 =	vunpack.i.u.bf16.f32 v45;
	v45 =	vunpack.i.l.bf16.f32 v45  }
0x520: {  	v13 =	vmul.f32 v17, v13;
	v51 =	vld [tilespmem:s15+$0xFFFFFF60];
	v17 =	vunpack.i.u.bf16.f32 v46;
	v46 =	vunpack.i.l.bf16.f32 v46  }
0x521: {  	v28 =	vmul.f32 v29, v28;
	v52 =	vunpack.i.u.bf16.f32 v47;
	v47 =	vunpack.i.l.bf16.f32 v47;
	v29 =	vld [tilespmem:s4+$0xFFFFFFA0]  }
0x522: {  	v10 =	vmul.f32 v10, v47;
	v4 =	vmul.f32 v4, v52;
	v47 =	vunpack.i.u.bf16.f32 v48;
	v52 =	vld [tilespmem:s15+$0xFFFFFFA0]  }
0x523: {  	v18 =	vmul.f32 v19, v18;
	v19 =	vmul.f32 v33, v31;
	v48 =	vunpack.i.l.bf16.f32 v48;
	v31 =	vld [tilespmem:s4+$0xFFFFFFE0]  }
0x524: {  	v22 =	vmul.f32 v23, v22;
	v23 =	vmul.f32 v36, v34;
	v33 =	vunpack.i.u.bf16.f32 v49;
	v34 =	vld [tilespmem:s15+$0xFFFFFFE0]  }
0x525: {  	v26 =	vmul.f32 v27, v26;
	v27 =	vmul.f32 v39, v38;
	v36 =	vunpack.i.l.bf16.f32 v49;
	v38 =	vld [tilespmem:s4+$0x20]  }
0x526: {  	v30 =	vmul.f32 v32, v30;
	v11 =	vmul.f32 v11, v41;
	v39 =	vunpack.i.u.bf16.f32 v50;
	v32 =	vld [tilespmem:s15+$0x20]  }
0x527: {  	v35 =	vmul.f32 v37, v35;
	v2 =	vmul.f32 v2, v16;
	v41 =	vunpack.i.l.bf16.f32 v50;
	v16 =	vld [tilespmem:s4+$0x60]  }
0x528: {  	v40 =	vmul.f32 v42, v40;
	v5 =	vmul.f32 v5, v21;
	v37 =	vunpack.i.u.bf16.f32 v51;
	v21 =	vld [tilespmem:s15+$0x60]  }
0x529: {  	v43 =	vmul.f32 v44, v43;
	v8 =	vmul.f32 v8, v24;
	v42 =	vunpack.i.l.bf16.f32 v51;
	v24 =	vld [tilespmem:s4+$0xA0]  }
0x52a: {  	v45 =	vmul.f32 v46, v45;
	v17 =	vmul.f32 v17, v25;
	v44 =	vunpack.i.u.bf16.f32 v29;
	v25 =	vld [tilespmem:s15+$0xA0]  }
0x52b: {  	v29 =	vunpack.i.l.bf16.f32 v29;
	v49 =	vunpack.i.u.bf16.f32 v52;
	v50 =	vunpack.i.l.bf16.f32 v52;
	v46 =	vld [tilespmem:s4+$0xFFFFFF30]  }
0x52c: {  	v52 =	vunpack.i.u.bf16.f32 v31;
	v31 =	vunpack.i.l.bf16.f32 v31;
	v53 =	vunpack.i.u.bf16.f32 v34;
	v51 =	vld [tilespmem:s15+$0xFFFFFF30]  }
0x52d: {  	v34 =	vunpack.i.l.bf16.f32 v34;
	v55 =	vunpack.i.u.bf16.f32 v38;
	v38 =	vunpack.i.l.bf16.f32 v38;
	v54 =	vld [tilespmem:s4+$0xFFFFFF70]  }
0x52e: {  	v57 =	vunpack.i.u.bf16.f32 v32;
	v32 =	vunpack.i.l.bf16.f32 v32;
	v58 =	vunpack.i.u.bf16.f32 v16;
	v56 =	vld [tilespmem:s15+$0xFFFFFF70]  }
0x52f: {  	v16 =	vunpack.i.l.bf16.f32 v16;
	v60 =	vunpack.i.u.bf16.f32 v21;
	v21 =	vunpack.i.l.bf16.f32 v21;
	v59 =	vld [tilespmem:s4+$0xFFFFFFB0]  }
0x530: {  	v62 =	vunpack.i.u.bf16.f32 v24;
	v24 =	vunpack.i.l.bf16.f32 v24;
	v63 =	vunpack.i.u.bf16.f32 v25;
	v61 =	vld [tilespmem:s15+$0xFFFFFFB0]  }
0x531: {  	v6 =	vadd.f32 v6, v9;
	v4 =	vadd.f32 v10, v4;
	v10 =	vunpack.i.l.bf16.f32 v25;
	v9 =	vld [tilespmem:s4+$0xFFFFFFF0]  }
0x532: {  	v1 =	vadd.f32 v1, v12;
	v3 =	vadd.f32 v3, v7;
	v25 =	vmul.f32 v36, v48;
	v7 =	vld [tilespmem:s15+$0xFFFFFFF0]  }
0x533: {  	v0 =	vadd.f32 v0, v20;
	v13 =	vadd.f32 v13, v28;
	v12 =	vmul.f32 v33, v47;
	v20 =	vld [tilespmem:s4+$0x30]  }
0x534: {  	v22 =	vadd.f32 v22, v23;
	v33 =	vadd.f32 v18, v19;
	v28 =	vmul.f32 v42, v41;
	v18 =	vld [tilespmem:s15+$0x30]  }
0x535: {  	v23 =	vadd.f32 v26, v27;
	v11 =	vadd.f32 v30, v11;
	v36 =	vmul.f32 v37, v39;
	v19 =	vld [tilespmem:s4+$0x70]  }
0x536: {  	v2 =	vadd.f32 v35, v2;
	v5 =	vadd.f32 v40, v5;
	v29 =	vmul.f32 v50, v29;
	v26 =	vld [tilespmem:s15+$0x70]  }
0x537: {  	v8 =	vadd.f32 v43, v8;
	v27 =	vadd.f32 v45, v17;
	v30 =	vmul.f32 v49, v44;
	v35 =	vld [tilespmem:s4+$0xB0]  }
0x538: {  	v31 =	vmul.f32 v34, v31;
	v34 =	vmul.f32 v53, v52;
	v37 =	vunpack.i.u.bf16.f32 v46;
	v39 =	vld [tilespmem:s15+$0xB0]  }
0x539: {  	v32 =	vmul.f32 v32, v38;
	v38 =	vmul.f32 v57, v55;
	v40 =	vunpack.i.l.bf16.f32 v46  }
0x53a: {  	v16 =	vmul.f32 v21, v16;
	v42 =	vmul.f32 v60, v58;
	v41 =	vunpack.i.u.bf16.f32 v51  }
0x53b: {  	v10 =	vmul.f32 v10, v24;
	v43 =	vmul.f32 v63, v62;
	v21 =	vunpack.i.l.bf16.f32 v51  }
0x53c: {  	v44 =	vunpack.i.u.bf16.f32 v54;
	v45 =	vunpack.i.l.bf16.f32 v54;
	v46 =	vunpack.i.u.bf16.f32 v56  }
0x53d: {  	v47 =	vunpack.i.l.bf16.f32 v56;
	v48 =	vunpack.i.u.bf16.f32 v59;
	v49 =	vunpack.i.l.bf16.f32 v59  }
0x53e: {  	v50 =	vunpack.i.u.bf16.f32 v61;
	v51 =	vunpack.i.l.bf16.f32 v61;
	v52 =	vunpack.i.u.bf16.f32 v9  }
0x53f: {  	v9 =	vunpack.i.l.bf16.f32 v9;
	v53 =	vunpack.i.u.bf16.f32 v7;
	v7 =	vunpack.i.l.bf16.f32 v7  }
0x540: {  	v54 =	vunpack.i.u.bf16.f32 v20;
	v55 =	vunpack.i.l.bf16.f32 v20;
	v56 =	vunpack.i.u.bf16.f32 v18  }
0x541: {  	v57 =	vunpack.i.l.bf16.f32 v18;
	v58 =	vunpack.i.u.bf16.f32 v19;
	v59 =	vunpack.i.l.bf16.f32 v19  }
0x542: {  	v60 =	vunpack.i.u.bf16.f32 v26;
	v61 =	vunpack.i.l.bf16.f32 v26;
	v17 =	vunpack.i.u.bf16.f32 v35  }
0x543: {  	v62 =	vunpack.i.l.bf16.f32 v35;
	v18 =	vunpack.i.u.bf16.f32 v39;
	v63 =	vunpack.i.l.bf16.f32 v39  }
0x544: {  	v1 =	vadd.f32 v3, v1;
	v4 =	vadd.f32 v6, v4;
	v19 =	vmul.f32 v21, v40  }
0x545: {  	v0 =	vadd.f32 v13, v0;
	v24 =	vadd.f32 v22, v33;
	v20 =	vmul.f32 v41, v37  }
0x546: {  	v21 =	vmul.f32 v47, v45;
	v26 =	vadd.f32 v11, v23;
	v23 =	vadd.f32 v5, v2  }
0x547: {  	v27 =	vadd.f32 v27, v8;
	v22 =	vmul.f32 v46, v44;
	v2 =	vadd.f32 v25, v12  }
0x548: {  	v3 =	vadd.f32 v28, v36;
	v5 =	vadd.f32 v29, v30;
	v25 =	vmul.f32 v51, v49  }
.Ltmp10:
0x549: {  	v28 =	vmul.f32 v50, v48;
	v41 =	vadd.f32 v32, v38;
	v40 =	vadd.f32 v31, v34;
	(pc) =	sbr.rel @p0 .LBB2_21-.Ltmp10, $4  }
0x54a: {  	v38 =	vadd.f32 v16, v42;
	v37 =	vadd.f32 v10, v43;
	v29 =	vmul.f32 v7, v9  }
0x54b: {  	v33 =	vmul.f32 v53, v52;
	v32 =	vmul.f32 v57, v55;
	v30 =	vadd.f32 v2, v4  }
0x54c: {  	v31 =	vadd.f32 v3, v1;
	v35 =	vmul.f32 v56, v54;
	v34 =	vmul.f32 v61, v59  }
0x54d: {  	s4 =	sadd.s32 $0x200, s4;
	v16 =	vadd.f32 v5, v0;
	v39 =	vmul.f32 v60, v58;
	v36 =	vmul.f32 v63, v62  }
0x54e: {  	v0 =	vadd.f32 v40, v24;
	v1 =	vadd.f32 v41, v26  }
0x54f: {  	v2 =	vadd.f32 v38, v23;
	v3 =	vadd.f32 v19, v20  }
0x550: {  	v4 =	vadd.f32 v37, v27;
	v5 =	vadd.f32 v21, v22  }
0x551: {  	v6 =	vadd.f32 v25, v28;
	v3 =	vadd.f32 v3, v30  }
0x552: {  	v7 =	vadd.f32 v29, v33;
	v5 =	vadd.f32 v5, v31  }
0x553: {  	v8 =	vmul.f32 v18, v17;
	v9 =	vadd.f32 v32, v35;
	v6 =	vadd.f32 v6, v16;
	[tilespmem:s17+$0xFFFFFFC0] =	vst v3  }
0x554: {  	v48 =	vadd.f32 v34, v39;
	v0 =	vadd.f32 v7, v0;
	[tilespmem:s17+$0xFFFFFFD0] =	vst v5  }
0x555: {  	v49 =	vadd.f32 v36, v8;
	v1 =	vadd.f32 v9, v1;
	[tilespmem:s17+$0xFFFFFFE0] =	vst v6  }
0x556: {  	v2 =	vadd.f32 v48, v2;
	v63 =	vld [tilespmem:$0x1FFF0];
	[tilespmem:s17+$0xFFFFFFF0] =	vst v0  }
0x557: {  	v52 =	vadd.f32 v49, v4;
	v33 =	vld [tilespmem:$0x1FF60];
	[tilespmem:s17+$0x0] =	vst v1  }
0x558: {  	v34 =	vld [tilespmem:$0x1FF50];
	[tilespmem:s17+$0x10] =	vst v2  }
0x559: {  	v57 =	vor.u32 s5, v14;
	v35 =	vld [tilespmem:$0x1FF40];
	[tilespmem:s17+$0x20] =	vst v52  }
0x55a: {  	v36 =	vld [tilespmem:$0x1FF30]  }
0x55b: {  	v39 =	vld [tilespmem:$0x1FF80]  }
0x55c: {  	v38 =	vld [tilespmem:$0x1FF70]  }
0x55d: {  	s9 =	simm.s32 $0x100;
	v37 =	vld [tilespmem:$0x1FF20]  }
0x55e: {  	v13 =	vor.u32 s9, v14;
	v5 =	vld.idx.msk [tilespmem:v57+s26+$0x0], $0xffff  }
0x55f: {  	v40 =	vld [tilespmem:$0x1FF90]  }
0x560: {  	v41 =	vld [tilespmem:$0x1FFA0];
	v50 =	vor.u32 s5, v63  }
0x561: {  	v43 =	vld [tilespmem:$0x1FFE0];
	v51 =	vor.u32 s5, v33  }
0x562: {  	v42 =	vld [tilespmem:$0x1FFB0]  }
0x563: {  	v16 =	vld.idx.msk [tilespmem:v13+s26+$0x0], $0xffff;
	v53 =	vor.u32 s5, v34  }
0x564: {  	v18 =	vor.u32 s5, v15;
	v45 =	vld [tilespmem:$0x1FFD0]  }
0x565: {  	v54 =	vor.u32 s5, v35;
	v56 =	vld.idx.msk [tilespmem:v50+s26+$0x0], $0xffff  }
0x566: {  	v61 =	vor.u32 s9, v63;
	v0 =	vld.idx.msk [tilespmem:v51+s26+$0x0], $0xffff  }
0x567: {  	v44 =	vld [tilespmem:$0x1FFC0];
	v55 =	vor.u32 s5, v36  }
0x568: {  	v10 =	vor.u32 s9, v33;
	v1 =	vld.idx.msk [tilespmem:v53+s26+$0x0], $0xffff  }
0x569: {  	v25 =	vld.idx.msk [tilespmem:v18+s26+$0x0], $0xffff;
	v60 =	vor.u32 s5, v37  }
0x56a: {  	v11 =	vor.u32 s9, v34;
	v2 =	vld.idx.msk [tilespmem:v54+s26+$0x0], $0xffff  }
0x56b: {  	v59 =	vor.u32 s5, v38;
	v32 =	vld.idx.msk [tilespmem:v61+s26+$0x0], $0xffff;
	v0 =	vadd.f32 v0, v56  }
0x56c: {  	v62 =	vor.u32 s9, v35;
	v3 =	vld.idx.msk [tilespmem:v55+s26+$0x0], $0xffff  }
0x56d: {  	v58 =	vor.u32 s5, v39;
	v10 =	vld.idx.msk [tilespmem:v10+s26+$0x0], $0xffff;
	v0 =	vadd.f32 v1, v0  }
0x56e: {  	v12 =	vor.u32 s9, v36;
	v8 =	vld.idx.msk [tilespmem:v60+s26+$0x0], $0xffff  }
0x56f: {  	v48 =	vor.u32 s5, v40;
	v49 =	vld.idx.msk [tilespmem:v11+s26+$0x0], $0xffff;
	v0 =	vadd.f32 v2, v0  }
0x570: {  	v17 =	vor.u32 s5, v43;
	v7 =	vld.idx.msk [tilespmem:v59+s26+$0x0], $0xffff  }
0x571: {  	v50 =	vor.u32 s5, v41;
	v4 =	vld.idx.msk [tilespmem:v62+s26+$0x0], $0xffff;
	v0 =	vadd.f32 v3, v0  }
0x572: {  	v13 =	vor.u32 s5, v44;
	v6 =	vld.idx.msk [tilespmem:v58+s26+$0x0], $0xffff  }
0x573: {  	s4 =	simm.s32 $0x200;
	v51 =	vld.idx.msk [tilespmem:v12+s26+$0x0], $0xffff;
	v12 =	vor.u32 s5, v42;
	v0 =	vadd.f32 v8, v0  }
0x574: {  	v18 =	vor.u32 s4, v63;
	v9 =	vld.idx.msk [tilespmem:v48+s26+$0x0], $0xffff  }
0x575: {  	v19 =	vor.u32 s4, v34;
	v27 =	vld.idx.msk [tilespmem:v17+s26+$0x0], $0xffff;
	v0 =	vadd.f32 v7, v0  }
0x576: {  	v61 =	vor.u32 s9, v43;
	v11 =	vld.idx.msk [tilespmem:v50+s26+$0x0], $0xffff  }
0x577: {  	v17 =	vor.u32 s9, v38;
	v13 =	vld.idx.msk [tilespmem:v13+s26+$0x0], $0xffff;
	v0 =	vadd.f32 v6, v0  }
0x578: {  	v52 =	vor.u32 s5, v45;
	v12 =	vld.idx.msk [tilespmem:v12+s26+$0x0], $0xffff  }
0x579: {  	v54 =	vor.u32 s9, v37;
	v58 =	vld.idx.msk [tilespmem:v18+s26+$0x0], $0xffff;
	v0 =	vadd.f32 v9, v0  }
0x57a: {  	v55 =	vor.u32 s4, v33;
	v59 =	vld.idx.msk [tilespmem:v19+s26+$0x0], $0xffff  }
0x57b: {  	v18 =	vor.u32 s4, v14;
	v21 =	vld.idx.msk [tilespmem:v61+s26+$0x0], $0xffff;
	v1 =	vadd.f32 v10, v32;
	v0 =	vadd.f32 v11, v0  }
0x57c: {  	v53 =	vor.u32 s9, v39;
	v57 =	vld.idx.msk [tilespmem:v17+s26+$0x0], $0xffff  }
0x57d: {  	v1 =	vadd.f32 v49, v1;
	v8 =	vld.idx.msk [tilespmem:v52+s26+$0x0], $0xffff;
	v0 =	vadd.f32 v12, v0;
	v12 =	vor.u32 s9, v40  }
0x57e: {  	v60 =	vor.u32 s9, v41;
	v6 =	vld.idx.msk [tilespmem:v54+s26+$0x0], $0xffff  }
0x57f: {  	v56 =	vor.u32 s4, v35;
	v1 =	vadd.f32 v4, v1;
	v9 =	vld.idx.msk [tilespmem:v55+s26+$0x0], $0xffff;
	v0 =	vadd.f32 v5, v0  }
0x580: {  	v17 =	vor.u32 s4, v36;
	v18 =	vld.idx.msk [tilespmem:v18+s26+$0x0], $0xffff  }
0x581: {  	v62 =	vor.u32 s9, v42;
	v1 =	vadd.f32 v51, v1;
	v7 =	vld.idx.msk [tilespmem:v53+s26+$0x0], $0xffff;
	v0 =	vadd.f32 v13, v0  }
0x582: {  	v24 =	vld.idx.msk [tilespmem:v12+s26+$0x0], $0xffff;
	v12 =	vor.u32 s9, v15  }
0x583: {  	v23 =	vld.idx.msk [tilespmem:v60+s26+$0x0], $0xffff;
	v1 =	vadd.f32 v6, v1;
	v0 =	vadd.f32 v8, v0  }
0x584: {  	v22 =	vor.u32 s9, v45;
	v20 =	vld.idx.msk [tilespmem:v56+s26+$0x0], $0xffff;
	v2 =	vadd.f32 v9, v58  }
0x585: {  	v26 =	vor.u32 s9, v44;
	v19 =	vld.idx.msk [tilespmem:v17+s26+$0x0], $0xffff;
	v1 =	vadd.f32 v57, v1;
	v0 =	vadd.f32 v25, v0  }
0x586: {  	v29 =	vor.u32 s4, v39;
	v30 =	vor.u32 s4, v38;
	v28 =	vadd.f32 v59, v2;
	v25 =	vld.idx.msk [tilespmem:v62+s26+$0x0], $0xffff  }
0x587: {  	v31 =	vor.u32 s4, v37;
	s5 =	simm.s32 $0x114E0;
	v32 =	vadd.f32 v7, v1;
	s9 =	simm.s32 $0x300;
	v17 =	vld.idx.msk [tilespmem:v12+s26+$0x0], $0xffff;
	v27 =	vadd.f32 v27, v0  }
.LBB2_23:
0x588: {  	p0 =	sne.s32 s9, $0x400  }
0x589: {  	v0 =	vor.u32 s9, v63;
	v1 =	vadd.f32 v24, v32;
	v2 =	vld.idx.msk [tilespmem:v22+s26+$0x0], $0xffff;
	s16 =	sadd.s32 $0x10, s16;
	s13 =	smov.u32 s9;
	s9 =	sadd.s32 $0x100, s9  }
0x58a: {  	v3 =	vor.u32 s13, v33;
	v4 =	vld.idx.msk [tilespmem:v26+s26+$0x0], $0xffff;
	[tilespmem:s5+$0x0] =	vst v27;
	s5 =	smov.u32 s16  }
0x58b: {  	v5 =	vor.u32 s13, v34;
	v6 =	vld.idx.msk [tilespmem:v29+s26+$0x0], $0xffff;
	v1 =	vadd.f32 v23, v1  }
0x58c: {  	v7 =	vor.u32 s13, v35;
	v9 =	vmov v21;
	v8 =	vld.idx.msk [tilespmem:v30+s26+$0x0], $0xffff  }
0x58d: {  	v10 =	vor.u32 s13, v36;
	v11 =	vld.idx.msk [tilespmem:v31+s26+$0x0], $0xffff;
	v1 =	vadd.f32 v25, v1  }
0x58e: {  	v12 =	vor.u32 s4, v40;
	v0 =	vld.idx.msk [tilespmem:v0+s26+$0x0], $0xffff  }
0x58f: {  	v13 =	vor.u32 s13, v14;
	v21 =	vadd.f32 v20, v28;
	v3 =	vld.idx.msk [tilespmem:v3+s26+$0x0], $0xffff;
	v1 =	vadd.f32 v16, v1;
	v16 =	vmovc v18  }
0x590: {  	v23 =	vor.u32 s4, v41;
	v5 =	vld.idx.msk [tilespmem:v5+s26+$0x0], $0xffff  }
0x591: {  	v20 =	vld.idx.msk [tilespmem:v7+s26+$0x0], $0xffff;
	v7 =	vadd.f32 v19, v21;
	v21 =	vor.u32 s4, v43;
	v1 =	vadd.f32 v4, v1  }
0x592: {  	v4 =	vor.u32 s4, v42;
	v19 =	vld.idx.msk [tilespmem:v10+s26+$0x0], $0xffff  }
0x593: {  	v10 =	vor.u32 s4, v15;
	v7 =	vadd.f32 v11, v7;
	v24 =	vld.idx.msk [tilespmem:v12+s26+$0x0], $0xffff;
	v1 =	vadd.f32 v2, v1  }
.Ltmp11:
0x594: {  	v22 =	vor.u32 s4, v45;
	v18 =	vld.idx.msk [tilespmem:v13+s26+$0x0], $0xffff;
	(pc) =	sbr.rel @p0 .LBB2_23-.Ltmp11, $4  }
0x595: {  	v26 =	vor.u32 s4, v44;
	s4 =	smov.u32 s13;
	v0 =	vadd.f32 v3, v0;
	v2 =	vadd.f32 v8, v7;
	v23 =	vld.idx.msk [tilespmem:v23+s26+$0x0], $0xffff  }
0x596: {  	v29 =	vor.u32 s4, v39;
	v1 =	vadd.f32 v17, v1;
	v21 =	vld.idx.msk [tilespmem:v21+s26+$0x0], $0xffff  }
0x597: {  	v30 =	vor.u32 s4, v38;
	v28 =	vadd.f32 v5, v0;
	v32 =	vadd.f32 v6, v2;
	v25 =	vld.idx.msk [tilespmem:v4+s26+$0x0], $0xffff  }
0x598: {  	v31 =	vor.u32 s4, v37;
	v27 =	vadd.f32 v9, v1;
	v17 =	vld.idx.msk [tilespmem:v10+s26+$0x0], $0xffff  }
0x599: {  	_ =	sdelay $0x3  }
0x59a: {  	v0 =	vld.idx.msk [tilespmem:v31+s26+$0x0], $0xffff  }
0x59b: {  	v1 =	vor.u32 s4, v40;
	v2 =	vadd.f32 v20, v28  }
0x59c: {  	v3 =	vld.idx.msk [tilespmem:v30+s26+$0x0], $0xffff  }
0x59d: {  	v4 =	vor.u32 s4, v41;
	v2 =	vadd.f32 v19, v2  }
0x59e: {  	v5 =	vld.idx.msk [tilespmem:v29+s26+$0x0], $0xffff  }
0x59f: {  	v6 =	vor.u32 s4, v42;
	v0 =	vadd.f32 v0, v2  }
0x5a0: {  	v1 =	vld.idx.msk [tilespmem:v1+s26+$0x0], $0xffff  }
0x5a1: {  	v0 =	vadd.f32 v3, v0  }
0x5a2: {  	v51 =	vld.idx.msk [tilespmem:v4+s26+$0x0], $0xffff  }
0x5a3: {  	v52 =	vor.u32 s4, v44;
	v0 =	vadd.f32 v5, v0  }
0x5a4: {  	v53 =	vadd.f32 v24, v32;
	v54 =	vld.idx.msk [tilespmem:v6+s26+$0x0], $0xffff  }
0x5a5: {  	v55 =	vor.u32 s4, v45;
	v0 =	vadd.f32 v1, v0  }
0x5a6: {  	v56 =	vadd.f32 v23, v53  }
0x5a7: {  	v57 =	vld.idx.msk [tilespmem:v26+s26+$0x0], $0xffff;
	v7 =	vor.u32 s4, v15;
	v0 =	vadd.f32 v51, v0  }
0x5a8: {  	v58 =	vld.idx.msk [tilespmem:v52+s26+$0x0], $0xffff;
	v1 =	vadd.f32 v25, v56  }
0x5a9: {  	v59 =	vld.idx.msk [tilespmem:v22+s26+$0x0], $0xffff;
	v8 =	vor.u32 s4, v43;
	v0 =	vadd.f32 v54, v0  }
0x5aa: {  	v60 =	vld.idx.msk [tilespmem:v55+s26+$0x0], $0xffff;
	v1 =	vadd.f32 v16, v1  }
0x5ab: {  	v0 =	vadd.f32 v18, v0  }
0x5ac: {  	v61 =	vld.idx.msk [tilespmem:v7+s26+$0x0], $0xffff;
	v1 =	vadd.f32 v57, v1  }
0x5ad: {  	v0 =	vadd.f32 v58, v0  }
0x5ae: {  	v62 =	vld.idx.msk [tilespmem:v8+s26+$0x0], $0xffff;
	v1 =	vadd.f32 v59, v1  }
0x5af: {  	v0 =	vadd.f32 v60, v0  }
0x5b0: {  	v1 =	vadd.f32 v17, v1  }
0x5b1: {  	v0 =	vadd.f32 v61, v0  }
0x5b2: {  	v1 =	vadd.f32 v21, v1  }
0x5b3: {  	s19 =	sadd.s32 $0x10, s16;
	s14 =	sadd.s32 $0x1, s14;
	[tilespmem:s5+$0x0] =	vst v27;
	v0 =	vadd.f32 v62, v0  }
0x5b4: {  	s20 =	sadd.s32 $0x10, s19;
	p0 =	sne.s32 s14, s7;
	[tilespmem:s19+$0x0] =	vst v1  }
.Ltmp12:
0x5b5: {  	s22 =	simm.s32 $0xEE20;
	[tilespmem:s20+$0x0] =	vst v0;
	(pc) =	sbr.rel @p0 .LBB2_1-.Ltmp12, $4  }
0x5b6: {  	[hbm4b:s6+s2] =	stream.linear.scatter [tilespmem:s22], [sflag:$0x9], $0x2710, $0x38;
	[tilespmem:$0x11A30] =	vst v63  }
0x5b7: {  	_ =	swait.ge [sflag:s8], $0x2710  }
0x5b8: {  	[sflag:s8] =	ssyncset.done $0x0  }
0x5b9: {  	[sflag:s8] =	ssyncadd.s32 $0xFFFFD8F0  }
0x5ba: {  	_ =	sfence.sel $0x180000  }
0x5bb: {  	[bflag:$0x0] =	sbarrier.arrive $0xFFFF  }
0x5bc: {  	_ =	strace $0x90000047  }
0x5bd: {  	s0 =	stileid.u32;
	[bflag:$0x2] =	sbarrier.arrive $0xFFFF  }
0x5be: {  	p0 =	sne.s32 s0, $0x0;
	s0 =	rddreg [dreg:$0x1]  }
0x5bf: {  	s0 =	sadd.s32 @!p0 $0x100000, s0  }
0x5c0: {  	[sflag:s0] =	ssyncadd.tile.s32 @!p0 $0x1;
	_ =	shalt  }
.Lfunc_end2:
_tile_overlayer_lowered:
.L_overlay_start_2:
0x5c1: {  	(tag) =	ssettag $0x2  }
0x5c2: {  	s0 =	rddreg [dreg:$0x0];
	s2 =	stileid.u32  }
0x5c3: {  	s1 =	rddreg [dreg:$0x1];
	p0 =	sne.s32 s2, $0x0  }
0x5c4: {  	s3 =	rddreg [dreg:$0x2];
	[bflag:$0x3] =	sbarrier.arrive $0xFFFF;
	s2 =	simm.s32 @!p0 $0x1C09  }
0x5c5: {  	[timem:s3], [sflag:s2] =	dma.local @!p0 [hbm:s0], s1  }
0x5c6: {  	s0 =	simm.s32 @!p0 $0x9  }
0x5c7: {  	_ =	swait.ge @!p0 [sflag:s0], s1  }
0x5c8: {  	s1 =	ssub.s32 @!p0 $0x0, s1;
	[sflag:s0] =	ssyncset.done @!p0 $0x0  }
0x5c9: {  	[sflag:s0] =	ssyncadd.s32 @!p0 s1  }
0x5ca: {  	[bflag:$0x3] =	sbarrier.arrive $0xFFFF  }
0x5cb: {  	_ =	shalt  }

</sc_bundles>
